<compile_context>
chip_gen: v7x
topology: tpu7x:2x2x1
jax: 0.10.2.dev20260603
libtpu: 0.0.44.dev20260713+nightly
codegen_flags: <defaults>
</compile_context>

<pallas_src>
import functools

import jax
import jax.numpy as jnp
from jax import lax
from jax.experimental import pallas as pl
from jax.experimental.pallas import tpu as pltpu
from jax.experimental.pallas import tpu_sc as plsc

NC, NS, L = 2, 16, 16
NW = NC * NS
BS, C, H, W = 16, 128, 128, 128
KP = 20
K = 19
KPAD = 32
R = 2
NG = (R * W) // L
XG = W // L
ES = 17
ACCW = KP * C * ES + L
NB_SC = 1
NB_TC = BS - NB_SC
WPB = NW // NB_SC
ROWS_PW = H // WPB
BPW = ROWS_PW // R
TY = 16
P = TY * W


def _stage1_body(feat, labs, out, fbuf0, fbuf1, lbuf, acc, partial,
                 idxv, shared, sem0, sem1, seml):
    cid = lax.axis_index("c")
    sid = lax.axis_index("s")
    wid = sid * NC + cid
    b = wid // WPB
    ybase = (wid % WPB) * ROWS_PW
    fbufs = (fbuf0, fbuf1)
    sems = (sem0, sem1)

    lab_cp = pltpu.async_copy(labs.at[b, pl.ds(ybase, ROWS_PW), :], lbuf, seml)

    zero = jnp.zeros((L,), jnp.float32)

    def _zero_acc(i, carry):
        for u in range(4):
            acc[pl.ds((i * 4 + u) * L, L)] = zero
        return carry
    lax.fori_loop(0, ACCW // (L * 4), _zero_acc, 0)

    def _start_feat(t, ph):
        y0 = ybase + t * R
        pltpu.async_copy(feat.at[b, :, pl.ds(y0, R), :], fbufs[ph], sems[ph])

    _start_feat(0, 0)
    _start_feat(1, 1)
    lab_cp.wait()

    lane_iota = lax.iota(jnp.int32, L)

    def _process(t, fb):
        y0l = t * R

        def _ss(cc, carry):
            news = []
            for g in range(NG):
                yl, xg = divmod(g, XG)
                v = fb[cc, yl, pl.ds(xg * L, L)]
                news.append(carry[g] + v * v)
            return tuple(news)
        ss = lax.fori_loop(
            0, C, _ss, tuple(jnp.zeros((L,), jnp.float32) for _ in range(NG)),
            unroll=4)

        ivs, pbs = [], []
        for g in range(NG):
            s = jnp.maximum(ss[g], 1e-24)
            si = lax.bitcast_convert_type(s, jnp.int32)
            yi = jnp.int32(0x5F3759DF) - lax.shift_right_logical(si, 1)
            y = lax.bitcast_convert_type(yi, jnp.float32)
            for _ in range(2):
                y = y * (1.5 - 0.5 * s * y * y)
            ivs.append(y)
            yl, xg = divmod(g, XG)
            labv = lbuf[y0l + yl, pl.ds(xg * L, L)]
            pbs.append(labv * (C * ES) + lane_iota)

        def _sc(cc, carry):
            cces = cc * ES
            for g in range(NG):
                yl, xg = divmod(g, XG)
                v = fb[cc, yl, pl.ds(xg * L, L)] * ivs[g]
                plsc.addupdate_scatter(acc, [pbs[g] + cces], v)
            return carry
        lax.fori_loop(0, C, _sc, 0, unroll=4)

    def _block(i, carry):
        for ph in range(2):
            t = 2 * i + ph
            pltpu.make_async_copy(
                feat.at[b, :, pl.ds(ybase, R), :], fbufs[ph], sems[ph]).wait()
            _process(t, fbufs[ph])

            @pl.when(t + 2 < BPW)
            def _():
                _start_feat(t + 2, ph)
        return carry
    lax.fori_loop(0, BPW // 2, _block, 0)

    last_lane = lane_iota == (L - 1)

    def _fold(e, carry):
        for u in range(4):
            ee = e * 4 + u
            cum = plsc.cumsum(acc[pl.ds(ee * ES, L)])
            row = jnp.broadcast_to(lax.shift_right_logical(ee, 7), (L,))
            col = jnp.broadcast_to(ee & (C - 1), (L,))
            plsc.store_scatter(partial, [row, col], cum, mask=last_lane)
        return carry
    lax.fori_loop(0, (KP * C) // 4, _fold, 0)

    def _zpad(r, carry):
        for xg in range(XG):
            partial[r, pl.ds(xg * L, L)] = zero
        return carry
    lax.fori_loop(KP, KPAD, _zpad, 0)

    idxv[pl.ds(0, L)] = lane_iota
    idxv[pl.ds(L, L)] = lane_iota + L

    @pl.when(sid == 0)
    def _():
        pltpu.sync_copy(partial, shared)
    plsc.subcore_barrier()

    @pl.when(sid != 0)
    def _():
        pltpu.sync_copy(partial, shared.at[idxv], add=True)
    plsc.subcore_barrier()

    @pl.when(sid == 0)
    def _():
        pltpu.sync_copy(shared, out.at[cid])


_stage1 = functools.partial(
    pl.kernel,
    out_type=jax.ShapeDtypeStruct((NC, KPAD, C), jnp.float32),
    mesh=plsc.VectorSubcoreMesh(core_axis_name="c", subcore_axis_name="s"),
    compiler_params=pltpu.CompilerParams(needs_layout_passes=False),
    scratch_types=[
        pltpu.VMEM((C, R, W), jnp.float32),
        pltpu.VMEM((C, R, W), jnp.float32),
        pltpu.VMEM((ROWS_PW, W), jnp.int32),
        pltpu.VMEM((ACCW,), jnp.float32),
        pltpu.VMEM((KPAD, C), jnp.float32),
        pltpu.VMEM((KPAD,), jnp.int32),
        pltpu.VMEM_SHARED((KPAD, C), jnp.float32),
        pltpu.SemaphoreType.DMA,
        pltpu.SemaphoreType.DMA,
        pltpu.SemaphoreType.DMA,
    ],
)(_stage1_body)


def _tc_body(f_ref, l_ref, o_ref):
    f = f_ref[0].reshape(C, P)
    ss = jnp.sum(f * f, axis=0, keepdims=True)
    inv = lax.rsqrt(jnp.maximum(ss, 1e-24))
    lab = l_ref[0].reshape(1, P)
    oh = (jnp.broadcast_to(lab, (KPAD, P)) ==
          lax.broadcasted_iota(jnp.int32, (KPAD, P), 0)).astype(jnp.float32)
    contrib = lax.dot_general(oh, f * inv, (((1,), (1,)), ((), ())),
                              preferred_element_type=jnp.float32)
    first = (pl.program_id(0) == 0) & (pl.program_id(1) == 0)

    @pl.when(first)
    def _():
        o_ref[...] = contrib

    @pl.when(jnp.logical_not(first))
    def _():
        o_ref[...] += contrib


def _tc_partial(feats, labs):
    return pl.pallas_call(
        _tc_body,
        grid=(NB_TC, H // TY),
        in_specs=[
            pl.BlockSpec((1, C, TY, W), lambda i, j: (i, 0, j, 0)),
            pl.BlockSpec((1, TY, W), lambda i, j: (i, j, 0)),
        ],
        out_specs=pl.BlockSpec((KPAD, C), lambda i, j: (0, 0)),
        out_shape=jax.ShapeDtypeStruct((KPAD, C), jnp.float32),
        compiler_params=pltpu.CompilerParams(
            dimension_semantics=("arbitrary", "arbitrary")),
    )(feats, labs)


def _stage2_body(p_ref, q_ref, o_ref):
    a = p_ref[0] + p_ref[1] + q_ref[...]
    ss = jnp.sum(a * a, axis=1, keepdims=True)
    scaled = a / jnp.maximum(jnp.sqrt(ss), 1e-12)
    sel = (lax.broadcasted_iota(jnp.int32, (KPAD, K), 0) ==
           lax.broadcasted_iota(jnp.int32, (KPAD, K), 1)).astype(jnp.float32)
    o_ref[...] = lax.dot_general(scaled, sel, (((0,), (0,)), ((), ())),
                                 preferred_element_type=jnp.float32)


def kernel(features, labels):
    labels = labels.astype(jnp.int32)
    parts_sc = _stage1(features[:NB_SC], labels[:NB_SC])
    part_tc = _tc_partial(features[NB_SC:], labels[NB_SC:])
    return pl.pallas_call(
        _stage2_body,
        out_shape=jax.ShapeDtypeStruct((C, K), jnp.float32),
    )(parts_sc, part_tc)

# --- scband reference (transcript-rebuilt; emitter-appended) ---
"""Pipeline reference for scband-extract-hyper-sphere-prototypes-31542239822124 (READ-ONLY COPY).

The authoritative reference and input builder live on the scoring server;
editing this copy changes nothing except your own understanding.
"""

import jax, jax.numpy as jnp
import numpy as np

NUM_KNOWN_CLASSES = 19

def setup_inputs(seed: int = 0) -> dict:
    key = jax.random.key(seed)
    k1, k2 = jax.random.split(key)
    features = jax.random.normal(k1, (16, 128, 128, 128), dtype=jnp.float32)
    labels = jax.random.randint(k2, (16, 128, 128), 0, NUM_KNOWN_CLASSES + 1, dtype=jnp.int64)
    return {"features": features, "labels": labels}

def reference(features, labels):
    bs, feature_length, h, w = features.shape
    # F.normalize(p=2, dim=1): x / max(||x||_2, eps)
    norm = jnp.linalg.norm(features, axis=1, keepdims=True)
    feats = features / jnp.maximum(norm, 1e-12)
    feats = jnp.transpose(feats, (0, 2, 3, 1)).reshape(bs * h * w, feature_length)
    lab = labels.reshape(bs * h * w)
    one_hot_labels = jax.nn.one_hot(lab, NUM_KNOWN_CLASSES + 1, dtype=jnp.float32)
    prototypes = jnp.matmul(feats.T, one_hot_labels)
    prototypes = prototypes[:, :-1]
    pnorm = jnp.linalg.norm(prototypes, axis=0, keepdims=True)
    prototypes = prototypes / jnp.maximum(pnorm, 1e-12)
    return prototypes

if __name__ == "__main__":
    import jax
    _d = setup_inputs()
    print(jax.jit(kernel)(*tuple(_d.values())))

</pallas_src>

<mosaic_0001>
#map = affine_map<(d0, d1) -> (0, 0, 0, 0)>
#map1 = affine_map<(d0, d1) -> (0, 0, 0)>
module attributes {stable_mosaic.version = 14 : i64} {
  func.func @_stage1_body(%arg0: i32, %arg1: i32, %arg2: memref<1x128x128x128xf32, #tpu.memory_space<hbm>>, %arg3: memref<1x128x128xi32, #tpu.memory_space<hbm>>, %arg4: memref<2x32x128xf32, #tpu.memory_space<hbm>>, %arg5: memref<128x2x128xf32, #tpu.memory_space<vmem>>, %arg6: memref<128x2x128xf32, #tpu.memory_space<vmem>>, %arg7: memref<4x128xi32, #tpu.memory_space<vmem>>, %arg8: memref<43536xf32, #tpu.memory_space<vmem>>, %arg9: memref<32x128xf32, #tpu.memory_space<vmem>>, %arg10: memref<32xi32, #tpu.memory_space<vmem>>, %arg11: memref<32x128xf32, #tpu.memory_space<vmem_shared>>, %arg12: memref<!tpu.dma_semaphore, #tpu.memory_space<semaphore_mem>>, %arg13: memref<!tpu.dma_semaphore, #tpu.memory_space<semaphore_mem>>, %arg14: memref<!tpu.dma_semaphore, #tpu.memory_space<semaphore_mem>>) attributes {dimension_semantics = [#tpu.dimension_semantics<core_parallel>, #tpu.dimension_semantics<subcore_parallel>], iteration_bounds = array<i64: 2, 16>, scalar_prefetch = 0 : i64, scratch_operands = 10 : i64, tpu.core_type = #tpu.core_type<sc_vector_subcore>, window_params = [{transform_indices = #map}, {transform_indices = #map1}, {transform_indices = #map1}]} {
    %mul3A = arith.constant 2 : i32
    %mul3A_0 = arith.muli %arg1, %mul3A : i32
    %add3A = arith.addi %mul3A_0, %arg0 : i32
    %jit3A = arith.constant 32 : i32
    %div3A = arith.divsi %add3A, %jit3A : i32
    %sign3A = arith.constant 0 : i32
    %sign3A_1 = arith.cmpi sgt, %add3A, %sign3A : i32
    %sign3A_2 = arith.extui %sign3A_1 : i1 to i32
    %sign3A_3 = arith.constant 0 : i32
    %sign3A_4 = arith.cmpi slt, %add3A, %sign3A_3 : i32
    %sign3A_5 = arith.extui %sign3A_4 : i1 to i32
    %sign3A_6 = arith.subi %sign3A_2, %sign3A_5 : i32
    %sign3A_7 = arith.constant 0 : i32
    %sign3A_8 = arith.cmpi sgt, %jit3A, %sign3A_7 : i32
    %sign3A_9 = arith.extui %sign3A_8 : i1 to i32
    %sign3A_10 = arith.constant 0 : i32
    %sign3A_11 = arith.cmpi slt, %jit3A, %sign3A_10 : i32
    %sign3A_12 = arith.extui %sign3A_11 : i1 to i32
    %sign3A_13 = arith.subi %sign3A_9, %sign3A_12 : i32
    %ne3A = arith.cmpi ne, %sign3A_6, %sign3A_13 : i32
    %rem3A = arith.remsi %add3A, %jit3A : i32
    %ne3A_14 = arith.constant 0 : i32
    %ne3A_15 = arith.cmpi ne, %rem3A, %ne3A_14 : i32
    %and3A = arith.andi %ne3A, %ne3A_15 : i1
    %sub3A = arith.constant 1 : i32
    %sub3A_16 = arith.subi %div3A, %sub3A : i32
    %select_n3A = arith.select %and3A, %sub3A_16, %div3A : i32
    %jit3A_17 = arith.constant 32 : i32
    %eq3A = arith.constant 0 : i32
    %eq3A_18 = arith.cmpi eq, %jit3A_17, %eq3A : i32
    %jit3A_19 = arith.constant 1 : i32
    %select_n3A_20 = arith.select %eq3A_18, %jit3A_19, %jit3A_17 : i32
    %rem3A_21 = arith.remsi %add3A, %select_n3A_20 : i32
    %ne3A_22 = arith.constant 0 : i32
    %ne3A_23 = arith.cmpi ne, %rem3A_21, %ne3A_22 : i32
    %lt3A = arith.constant 0 : i32
    %lt3A_24 = arith.cmpi slt, %rem3A_21, %lt3A : i32
    %lt3A_25 = arith.constant 0 : i32
    %lt3A_26 = arith.cmpi slt, %select_n3A_20, %lt3A_25 : i32
    %ne3A_27 = arith.xori %lt3A_24, %lt3A_26 : i1
    %and3A_28 = arith.andi %ne3A_27, %ne3A_23 : i1
    %add3A_29 = arith.addi %rem3A_21, %select_n3A_20 : i32
    %select_n3A_30 = arith.select %and3A_28, %add3A_29, %rem3A_21 : i32
    %mul3A_31 = arith.constant 4 : i32
    %mul3A_32 = arith.muli %select_n3A_30, %mul3A_31 : i32
    %dma_start3A = arith.constant 0 : i32
    %dma_start3A_33 = tpu.memref_slice %arg3[%select_n3A, %mul3A_32, %dma_start3A] : memref<1x128x128xi32, #tpu.memory_space<hbm>> -> memref<1x4x128xi32, #tpu.memory_space<hbm>>
    %dma_start3A_34 = tpu.memref_squeeze %dma_start3A_33 : memref<1x4x128xi32, #tpu.memory_space<hbm>> -> memref<4x128xi32, #tpu.memory_space<hbm>>
    %dma_start3A_35 = arith.constant 0 : i32
    %dma_start3A_36 = tpu.memref_slice %arg3[%select_n3A, %mul3A_32, %dma_start3A_35] : memref<1x128x128xi32, #tpu.memory_space<hbm>> -> memref<1x4x128xi32, #tpu.memory_space<hbm>>
    %dma_start3A_37 = tpu.memref_squeeze %dma_start3A_36 : memref<1x4x128xi32, #tpu.memory_space<hbm>> -> memref<4x128xi32, #tpu.memory_space<hbm>>
    tpu.enqueue_dma source(%dma_start3A_37 : memref<4x128xi32, #tpu.memory_space<hbm>>) target(%arg7 : memref<4x128xi32, #tpu.memory_space<vmem>>) target_semaphore(%arg14 : memref<!tpu.dma_semaphore, #tpu.memory_space<semaphore_mem>>)
    %broadcast_in_dim3A = arith.constant 0.000000e+00 : f32
    %broadcast_in_dim3A_38 = vector.broadcast %broadcast_in_dim3A : f32 to vector<16xf32>
    %scan3A = arith.constant 0 : i32
    %scan3A_39 = arith.constant 0 : i32
    %scan3A_40 = arith.constant 680 : i32
    %scan3A_41 = arith.addi %scan3A_39, %scan3A_40 : i32
    %scan3A_42 = arith.constant 1 : i32
    scf.for %scan3A_1449 = %scan3A_39 to %scan3A_41 step %scan3A_42  : i32 {
      %mul3A_1450 = arith.constant 4 : i32
      %mul3A_1451 = arith.muli %scan3A_1449, %mul3A_1450 : i32
      %add3A_1452 = arith.constant 0 : i32
      %add3A_1453 = arith.addi %mul3A_1451, %add3A_1452 : i32
      %mul3A_1454 = arith.constant 16 : i32
      %mul3A_1455 = arith.muli %add3A_1453, %mul3A_1454 : i32
      %swap3A_1456 = arith.index_cast %mul3A_1455 : i32 to index
      %swap3A_1457 = tpu.vector_load %arg8[%swap3A_1456] {strides = array<i32>} : memref<43536xf32, #tpu.memory_space<vmem>>, vector<16xf32>,
      tpu.vector_store %arg8[%swap3A_1456], %broadcast_in_dim3A_38 {strides = array<i32>} : memref<43536xf32, #tpu.memory_space<vmem>>, vector<16xf32>,
      %mul3A_1458 = arith.constant 4 : i32
      %mul3A_1459 = arith.muli %scan3A_1449, %mul3A_1458 : i32
      %add3A_1460 = arith.constant 1 : i32
      %add3A_1461 = arith.addi %mul3A_1459, %add3A_1460 : i32
      %mul3A_1462 = arith.constant 16 : i32
      %mul3A_1463 = arith.muli %add3A_1461, %mul3A_1462 : i32
      %swap3A_1464 = arith.index_cast %mul3A_1463 : i32 to index
      %swap3A_1465 = tpu.vector_load %arg8[%swap3A_1464] {strides = array<i32>} : memref<43536xf32, #tpu.memory_space<vmem>>, vector<16xf32>,
      tpu.vector_store %arg8[%swap3A_1464], %broadcast_in_dim3A_38 {strides = array<i32>} : memref<43536xf32, #tpu.memory_space<vmem>>, vector<16xf32>,
      %mul3A_1466 = arith.constant 4 : i32
      %mul3A_1467 = arith.muli %scan3A_1449, %mul3A_1466 : i32
      %add3A_1468 = arith.constant 2 : i32
      %add3A_1469 = arith.addi %mul3A_1467, %add3A_1468 : i32
      %mul3A_1470 = arith.constant 16 : i32
      %mul3A_1471 = arith.muli %add3A_1469, %mul3A_1470 : i32
      %swap3A_1472 = arith.index_cast %mul3A_1471 : i32 to index
      %swap3A_1473 = tpu.vector_load %arg8[%swap3A_1472] {strides = array<i32>} : memref<43536xf32, #tpu.memory_space<vmem>>, vector<16xf32>,
      tpu.vector_store %arg8[%swap3A_1472], %broadcast_in_dim3A_38 {strides = array<i32>} : memref<43536xf32, #tpu.memory_space<vmem>>, vector<16xf32>,
      %mul3A_1474 = arith.constant 4 : i32
      %mul3A_1475 = arith.muli %scan3A_1449, %mul3A_1474 : i32
      %add3A_1476 = arith.constant 3 : i32
      %add3A_1477 = arith.addi %mul3A_1475, %add3A_1476 : i32
      %mul3A_1478 = arith.constant 16 : i32
      %mul3A_1479 = arith.muli %add3A_1477, %mul3A_1478 : i32
      %swap3A_1480 = arith.index_cast %mul3A_1479 : i32 to index
      %swap3A_1481 = tpu.vector_load %arg8[%swap3A_1480] {strides = array<i32>} : memref<43536xf32, #tpu.memory_space<vmem>>, vector<16xf32>,
      tpu.vector_store %arg8[%swap3A_1480], %broadcast_in_dim3A_38 {strides = array<i32>} : memref<43536xf32, #tpu.memory_space<vmem>>, vector<16xf32>,
    }
    %scan3A_43 = arith.constant 680 : i32
    %add3A_44 = arith.constant 0 : i32
    %add3A_45 = arith.addi %mul3A_32, %add3A_44 : i32
    %dma_start3A_46 = arith.constant 0 : i32
    %dma_start3A_47 = arith.constant 0 : i32
    %dma_start3A_48 = tpu.memref_slice %arg2[%select_n3A, %dma_start3A_46, %add3A_45, %dma_start3A_47] : memref<1x128x128x128xf32, #tpu.memory_space<hbm>> -> memref<1x128x2x128xf32, #tpu.memory_space<hbm>>
    %dma_start3A_49 = tpu.memref_squeeze %dma_start3A_48 : memref<1x128x2x128xf32, #tpu.memory_space<hbm>> -> memref<128x2x128xf32, #tpu.memory_space<hbm>>
    %dma_start3A_50 = arith.constant 0 : i32
    %dma_start3A_51 = arith.constant 0 : i32
    %dma_start3A_52 = tpu.memref_slice %arg2[%select_n3A, %dma_start3A_50, %add3A_45, %dma_start3A_51] : memref<1x128x128x128xf32, #tpu.memory_space<hbm>> -> memref<1x128x2x128xf32, #tpu.memory_space<hbm>>
    %dma_start3A_53 = tpu.memref_squeeze %dma_start3A_52 : memref<1x128x2x128xf32, #tpu.memory_space<hbm>> -> memref<128x2x128xf32, #tpu.memory_space<hbm>>
    tpu.enqueue_dma source(%dma_start3A_53 : memref<128x2x128xf32, #tpu.memory_space<hbm>>) target(%arg5 : memref<128x2x128xf32, #tpu.memory_space<vmem>>) target_semaphore(%arg12 : memref<!tpu.dma_semaphore, #tpu.memory_space<semaphore_mem>>)
    %add3A_54 = arith.constant 2 : i32
    %add3A_55 = arith.addi %mul3A_32, %add3A_54 : i32
    %dma_start3A_56 = arith.constant 0 : i32
    %dma_start3A_57 = arith.constant 0 : i32
    %dma_start3A_58 = tpu.memref_slice %arg2[%select_n3A, %dma_start3A_56, %add3A_55, %dma_start3A_57] : memref<1x128x128x128xf32, #tpu.memory_space<hbm>> -> memref<1x128x2x128xf32, #tpu.memory_space<hbm>>
    %dma_start3A_59 = tpu.memref_squeeze %dma_start3A_58 : memref<1x128x2x128xf32, #tpu.memory_space<hbm>> -> memref<128x2x128xf32, #tpu.memory_space<hbm>>
    %dma_start3A_60 = arith.constant 0 : i32
    %dma_start3A_61 = arith.constant 0 : i32
    %dma_start3A_62 = tpu.memref_slice %arg2[%select_n3A, %dma_start3A_60, %add3A_55, %dma_start3A_61] : memref<1x128x128x128xf32, #tpu.memory_space<hbm>> -> memref<1x128x2x128xf32, #tpu.memory_space<hbm>>
    %dma_start3A_63 = tpu.memref_squeeze %dma_start3A_62 : memref<1x128x2x128xf32, #tpu.memory_space<hbm>> -> memref<128x2x128xf32, #tpu.memory_space<hbm>>
    tpu.enqueue_dma source(%dma_start3A_63 : memref<128x2x128xf32, #tpu.memory_space<hbm>>) target(%arg6 : memref<128x2x128xf32, #tpu.memory_space<vmem>>) target_semaphore(%arg13 : memref<!tpu.dma_semaphore, #tpu.memory_space<semaphore_mem>>)
    %dma_wait3A = arith.constant 0 : i32
    %dma_wait3A_64 = tpu.memref_slice %arg3[%select_n3A, %mul3A_32, %dma_wait3A] : memref<1x128x128xi32, #tpu.memory_space<hbm>> -> memref<1x4x128xi32, #tpu.memory_space<hbm>>
    %dma_wait3A_65 = tpu.memref_squeeze %dma_wait3A_64 : memref<1x4x128xi32, #tpu.memory_space<hbm>> -> memref<4x128xi32, #tpu.memory_space<hbm>>
    %dma_wait3A_66 = arith.constant 0 : i32
    %dma_wait3A_67 = tpu.memref_slice %arg3[%select_n3A, %mul3A_32, %dma_wait3A_66] : memref<1x128x128xi32, #tpu.memory_space<hbm>> -> memref<1x4x128xi32, #tpu.memory_space<hbm>>
    %dma_wait3A_68 = tpu.memref_squeeze %dma_wait3A_67 : memref<1x4x128xi32, #tpu.memory_space<hbm>> -> memref<4x128xi32, #tpu.memory_space<hbm>>
    tpu.wait_dma2 semaphore(%arg14 : memref<!tpu.dma_semaphore, #tpu.memory_space<semaphore_mem>>) src(%dma_wait3A_68 : memref<4x128xi32, #tpu.memory_space<hbm>>) dst(%arg7 : memref<4x128xi32, #tpu.memory_space<vmem>>)
    %iota3A = tpu.iota {dimensions = array<i32: 0>} : vector<16xi32>
    %scan3A_69 = arith.constant 0 : i32
    %scan3A_70 = arith.constant 0 : i32
    %mul3A_71 = arith.constant 2 : i32
    %mul3A_72 = arith.muli %mul3A_71, %scan3A_70 : i32
    %add3A_73 = arith.constant 0 : i32
    %add3A_74 = arith.addi %mul3A_72, %add3A_73 : i32
    %dma_wait3A_75 = arith.constant 0 : i32
    %dma_wait3A_76 = arith.constant 0 : i32
    %dma_wait3A_77 = tpu.memref_slice %arg2[%select_n3A, %dma_wait3A_75, %mul3A_32, %dma_wait3A_76] : memref<1x128x128x128xf32, #tpu.memory_space<hbm>> -> memref<1x128x2x128xf32, #tpu.memory_space<hbm>>
    %dma_wait3A_78 = tpu.memref_squeeze %dma_wait3A_77 : memref<1x128x2x128xf32, #tpu.memory_space<hbm>> -> memref<128x2x128xf32, #tpu.memory_space<hbm>>
    %dma_wait3A_79 = arith.constant 0 : i32
    %dma_wait3A_80 = arith.constant 0 : i32
    %dma_wait3A_81 = tpu.memref_slice %arg2[%select_n3A, %dma_wait3A_79, %mul3A_32, %dma_wait3A_80] : memref<1x128x128x128xf32, #tpu.memory_space<hbm>> -> memref<1x128x2x128xf32, #tpu.memory_space<hbm>>
    %dma_wait3A_82 = tpu.memref_squeeze %dma_wait3A_81 : memref<1x128x2x128xf32, #tpu.memory_space<hbm>> -> memref<128x2x128xf32, #tpu.memory_space<hbm>>
    tpu.wait_dma2 semaphore(%arg12 : memref<!tpu.dma_semaphore, #tpu.memory_space<semaphore_mem>>) src(%dma_wait3A_82 : memref<128x2x128xf32, #tpu.memory_space<hbm>>) dst(%arg5 : memref<128x2x128xf32, #tpu.memory_space<vmem>>)
    %mul3A_83 = arith.constant 2 : i32
    %mul3A_84 = arith.muli %add3A_74, %mul3A_83 : i32
    %broadcast_in_dim3A_85 = arith.constant 0.000000e+00 : f32
    %broadcast_in_dim3A_86 = vector.broadcast %broadcast_in_dim3A_85 : f32 to vector<16xf32>
    %broadcast_in_dim3A_87 = arith.constant 0.000000e+00 : f32
    %broadcast_in_dim3A_88 = vector.broadcast %broadcast_in_dim3A_87 : f32 to vector<16xf32>
    %broadcast_in_dim3A_89 = arith.constant 0.000000e+00 : f32
    %broadcast_in_dim3A_90 = vector.broadcast %broadcast_in_dim3A_89 : f32 to vector<16xf32>
    %broadcast_in_dim3A_91 = arith.constant 0.000000e+00 : f32
    %broadcast_in_dim3A_92 = vector.broadcast %broadcast_in_dim3A_91 : f32 to vector<16xf32>
    %broadcast_in_dim3A_93 = arith.constant 0.000000e+00 : f32
    %broadcast_in_dim3A_94 = vector.broadcast %broadcast_in_dim3A_93 : f32 to vector<16xf32>
    %broadcast_in_dim3A_95 = arith.constant 0.000000e+00 : f32
    %broadcast_in_dim3A_96 = vector.broadcast %broadcast_in_dim3A_95 : f32 to vector<16xf32>
    %broadcast_in_dim3A_97 = arith.constant 0.000000e+00 : f32
    %broadcast_in_dim3A_98 = vector.broadcast %broadcast_in_dim3A_97 : f32 to vector<16xf32>
    %broadcast_in_dim3A_99 = arith.constant 0.000000e+00 : f32
    %broadcast_in_dim3A_100 = vector.broadcast %broadcast_in_dim3A_99 : f32 to vector<16xf32>
    %broadcast_in_dim3A_101 = arith.constant 0.000000e+00 : f32
    %broadcast_in_dim3A_102 = vector.broadcast %broadcast_in_dim3A_101 : f32 to vector<16xf32>
    %broadcast_in_dim3A_103 = arith.constant 0.000000e+00 : f32
    %broadcast_in_dim3A_104 = vector.broadcast %broadcast_in_dim3A_103 : f32 to vector<16xf32>
    %broadcast_in_dim3A_105 = arith.constant 0.000000e+00 : f32
    %broadcast_in_dim3A_106 = vector.broadcast %broadcast_in_dim3A_105 : f32 to vector<16xf32>
    %broadcast_in_dim3A_107 = arith.constant 0.000000e+00 : f32
    %broadcast_in_dim3A_108 = vector.broadcast %broadcast_in_dim3A_107 : f32 to vector<16xf32>
    %broadcast_in_dim3A_109 = arith.constant 0.000000e+00 : f32
    %broadcast_in_dim3A_110 = vector.broadcast %broadcast_in_dim3A_109 : f32 to vector<16xf32>
    %broadcast_in_dim3A_111 = arith.constant 0.000000e+00 : f32
    %broadcast_in_dim3A_112 = vector.broadcast %broadcast_in_dim3A_111 : f32 to vector<16xf32>
    %broadcast_in_dim3A_113 = arith.constant 0.000000e+00 : f32
    %broadcast_in_dim3A_114 = vector.broadcast %broadcast_in_dim3A_113 : f32 to vector<16xf32>
    %broadcast_in_dim3A_115 = arith.constant 0.000000e+00 : f32
    %broadcast_in_dim3A_116 = vector.broadcast %broadcast_in_dim3A_115 : f32 to vector<16xf32>
    %scan3A_117 = arith.constant 0 : i32
    %scan3A_118 = arith.constant 128 : i32
    %scan3A_119 = arith.addi %scan3A_117, %scan3A_118 : i32
    %scan3A_120 = arith.constant 4 : i32
    %scan3A_121:16 = scf.for %scan3A_1449 = %scan3A_117 to %scan3A_119 step %scan3A_120 iter_args(%scan3A_1450 = %broadcast_in_dim3A_86, %scan3A_1451 = %broadcast_in_dim3A_88, %scan3A_1452 = %broadcast_in_dim3A_90, %scan3A_1453 = %broadcast_in_dim3A_92, %scan3A_1454 = %broadcast_in_dim3A_94, %scan3A_1455 = %broadcast_in_dim3A_96, %scan3A_1456 = %broadcast_in_dim3A_98, %scan3A_1457 = %broadcast_in_dim3A_100, %scan3A_1458 = %broadcast_in_dim3A_102, %scan3A_1459 = %broadcast_in_dim3A_104, %scan3A_1460 = %broadcast_in_dim3A_106, %scan3A_1461 = %broadcast_in_dim3A_108, %scan3A_1462 = %broadcast_in_dim3A_110, %scan3A_1463 = %broadcast_in_dim3A_112, %scan3A_1464 = %broadcast_in_dim3A_114, %scan3A_1465 = %broadcast_in_dim3A_116) -> (vector<16xf32>, vector<16xf32>, vector<16xf32>, vector<16xf32>, vector<16xf32>, vector<16xf32>, vector<16xf32>, vector<16xf32>, vector<16xf32>, vector<16xf32>, vector<16xf32>, vector<16xf32>, vector<16xf32>, vector<16xf32>, vector<16xf32>, vector<16xf32>)  : i32 {
      %get3A_1466 = arith.constant 0 : i32
      %get3A_1467 = arith.index_cast %scan3A_1449 : i32 to index
      %get3A_1468 = arith.index_cast %get3A_1466 : i32 to index
      %get3A_1469 = arith.constant 0 : index
      %get3A_1470 = tpu.vector_load %arg5[%get3A_1467, %get3A_1468, %get3A_1469] {strides = array<i32>} : memref<128x2x128xf32, #tpu.memory_space<vmem>>, vector<16xf32>,
      %mul3A_1471 = arith.mulf %get3A_1470, %get3A_1470 : vector<16xf32>
      %add3A_1472 = arith.addf %scan3A_1450, %mul3A_1471 : vector<16xf32>
      %get3A_1473 = arith.constant 0 : i32
      %get3A_1474 = arith.index_cast %scan3A_1449 : i32 to index
      %get3A_1475 = arith.index_cast %get3A_1473 : i32 to index
      %get3A_1476 = arith.constant 16 : index
      %get3A_1477 = tpu.vector_load %arg5[%get3A_1474, %get3A_1475, %get3A_1476] {strides = array<i32>} : memref<128x2x128xf32, #tpu.memory_space<vmem>>, vector<16xf32>,
      %mul3A_1478 = arith.mulf %get3A_1477, %get3A_1477 : vector<16xf32>
      %add3A_1479 = arith.addf %scan3A_1451, %mul3A_1478 : vector<16xf32>
      %get3A_1480 = arith.constant 0 : i32
      %get3A_1481 = arith.index_cast %scan3A_1449 : i32 to index
      %get3A_1482 = arith.index_cast %get3A_1480 : i32 to index
      %get3A_1483 = arith.constant 32 : index
      %get3A_1484 = tpu.vector_load %arg5[%get3A_1481, %get3A_1482, %get3A_1483] {strides = array<i32>} : memref<128x2x128xf32, #tpu.memory_space<vmem>>, vector<16xf32>,
      %mul3A_1485 = arith.mulf %get3A_1484, %get3A_1484 : vector<16xf32>
      %add3A_1486 = arith.addf %scan3A_1452, %mul3A_1485 : vector<16xf32>
      %get3A_1487 = arith.constant 0 : i32
      %get3A_1488 = arith.index_cast %scan3A_1449 : i32 to index
      %get3A_1489 = arith.index_cast %get3A_1487 : i32 to index
      %get3A_1490 = arith.constant 48 : index
      %get3A_1491 = tpu.vector_load %arg5[%get3A_1488, %get3A_1489, %get3A_1490] {strides = array<i32>} : memref<128x2x128xf32, #tpu.memory_space<vmem>>, vector<16xf32>,
      %mul3A_1492 = arith.mulf %get3A_1491, %get3A_1491 : vector<16xf32>
      %add3A_1493 = arith.addf %scan3A_1453, %mul3A_1492 : vector<16xf32>
      %get3A_1494 = arith.constant 0 : i32
      %get3A_1495 = arith.index_cast %scan3A_1449 : i32 to index
      %get3A_1496 = arith.index_cast %get3A_1494 : i32 to index
      %get3A_1497 = arith.constant 64 : index
      %get3A_1498 = tpu.vector_load %arg5[%get3A_1495, %get3A_1496, %get3A_1497] {strides = array<i32>} : memref<128x2x128xf32, #tpu.memory_space<vmem>>, vector<16xf32>,
      %mul3A_1499 = arith.mulf %get3A_1498, %get3A_1498 : vector<16xf32>
      %add3A_1500 = arith.addf %scan3A_1454, %mul3A_1499 : vector<16xf32>
      %get3A_1501 = arith.constant 0 : i32
      %get3A_1502 = arith.index_cast %scan3A_1449 : i32 to index
      %get3A_1503 = arith.index_cast %get3A_1501 : i32 to index
      %get3A_1504 = arith.constant 80 : index
      %get3A_1505 = tpu.vector_load %arg5[%get3A_1502, %get3A_1503, %get3A_1504] {strides = array<i32>} : memref<128x2x128xf32, #tpu.memory_space<vmem>>, vector<16xf32>,
      %mul3A_1506 = arith.mulf %get3A_1505, %get3A_1505 : vector<16xf32>
      %add3A_1507 = arith.addf %scan3A_1455, %mul3A_1506 : vector<16xf32>
      %get3A_1508 = arith.constant 0 : i32
      %get3A_1509 = arith.index_cast %scan3A_1449 : i32 to index
      %get3A_1510 = arith.index_cast %get3A_1508 : i32 to index
      %get3A_1511 = arith.constant 96 : index
      %get3A_1512 = tpu.vector_load %arg5[%get3A_1509, %get3A_1510, %get3A_1511] {strides = array<i32>} : memref<128x2x128xf32, #tpu.memory_space<vmem>>, vector<16xf32>,
      %mul3A_1513 = arith.mulf %get3A_1512, %get3A_1512 : vector<16xf32>
      %add3A_1514 = arith.addf %scan3A_1456, %mul3A_1513 : vector<16xf32>
      %get3A_1515 = arith.constant 0 : i32
      %get3A_1516 = arith.index_cast %scan3A_1449 : i32 to index
      %get3A_1517 = arith.index_cast %get3A_1515 : i32 to index
      %get3A_1518 = arith.constant 112 : index
      %get3A_1519 = tpu.vector_load %arg5[%get3A_1516, %get3A_1517, %get3A_1518] {strides = array<i32>} : memref<128x2x128xf32, #tpu.memory_space<vmem>>, vector<16xf32>,
      %mul3A_1520 = arith.mulf %get3A_1519, %get3A_1519 : vector<16xf32>
      %add3A_1521 = arith.addf %scan3A_1457, %mul3A_1520 : vector<16xf32>
      %get3A_1522 = arith.constant 1 : i32
      %get3A_1523 = arith.index_cast %scan3A_1449 : i32 to index
      %get3A_1524 = arith.index_cast %get3A_1522 : i32 to index
      %get3A_1525 = arith.constant 0 : index
      %get3A_1526 = tpu.vector_load %arg5[%get3A_1523, %get3A_1524, %get3A_1525] {strides = array<i32>} : memref<128x2x128xf32, #tpu.memory_space<vmem>>, vector<16xf32>,
      %mul3A_1527 = arith.mulf %get3A_1526, %get3A_1526 : vector<16xf32>
      %add3A_1528 = arith.addf %scan3A_1458, %mul3A_1527 : vector<16xf32>
      %get3A_1529 = arith.constant 1 : i32
      %get3A_1530 = arith.index_cast %scan3A_1449 : i32 to index
      %get3A_1531 = arith.index_cast %get3A_1529 : i32 to index
      %get3A_1532 = arith.constant 16 : index
      %get3A_1533 = tpu.vector_load %arg5[%get3A_1530, %get3A_1531, %get3A_1532] {strides = array<i32>} : memref<128x2x128xf32, #tpu.memory_space<vmem>>, vector<16xf32>,
      %mul3A_1534 = arith.mulf %get3A_1533, %get3A_1533 : vector<16xf32>
      %add3A_1535 = arith.addf %scan3A_1459, %mul3A_1534 : vector<16xf32>
      %get3A_1536 = arith.constant 1 : i32
      %get3A_1537 = arith.index_cast %scan3A_1449 : i32 to index
      %get3A_1538 = arith.index_cast %get3A_1536 : i32 to index
      %get3A_1539 = arith.constant 32 : index
      %get3A_1540 = tpu.vector_load %arg5[%get3A_1537, %get3A_1538, %get3A_1539] {strides = array<i32>} : memref<128x2x128xf32, #tpu.memory_space<vmem>>, vector<16xf32>,
      %mul3A_1541 = arith.mulf %get3A_1540, %get3A_1540 : vector<16xf32>
      %add3A_1542 = arith.addf %scan3A_1460, %mul3A_1541 : vector<16xf32>
      %get3A_1543 = arith.constant 1 : i32
      %get3A_1544 = arith.index_cast %scan3A_1449 : i32 to index
      %get3A_1545 = arith.index_cast %get3A_1543 : i32 to index
      %get3A_1546 = arith.constant 48 : index
      %get3A_1547 = tpu.vector_load %arg5[%get3A_1544, %get3A_1545, %get3A_1546] {strides = array<i32>} : memref<128x2x128xf32, #tpu.memory_space<vmem>>, vector<16xf32>,
      %mul3A_1548 = arith.mulf %get3A_1547, %get3A_1547 : vector<16xf32>
      %add3A_1549 = arith.addf %scan3A_1461, %mul3A_1548 : vector<16xf32>
      %get3A_1550 = arith.constant 1 : i32
      %get3A_1551 = arith.index_cast %scan3A_1449 : i32 to index
      %get3A_1552 = arith.index_cast %get3A_1550 : i32 to index
      %get3A_1553 = arith.constant 64 : index
      %get3A_1554 = tpu.vector_load %arg5[%get3A_1551, %get3A_1552, %get3A_1553] {strides = array<i32>} : memref<128x2x128xf32, #tpu.memory_space<vmem>>, vector<16xf32>,
      %mul3A_1555 = arith.mulf %get3A_1554, %get3A_1554 : vector<16xf32>
      %add3A_1556 = arith.addf %scan3A_1462, %mul3A_1555 : vector<16xf32>
      %get3A_1557 = arith.constant 1 : i32
      %get3A_1558 = arith.index_cast %scan3A_1449 : i32 to index
      %get3A_1559 = arith.index_cast %get3A_1557 : i32 to index
      %get3A_1560 = arith.constant 80 : index
      %get3A_1561 = tpu.vector_load %arg5[%get3A_1558, %get3A_1559, %get3A_1560] {strides = array<i32>} : memref<128x2x128xf32, #tpu.memory_space<vmem>>, vector<16xf32>,
      %mul3A_1562 = arith.mulf %get3A_1561, %get3A_1561 : vector<16xf32>
      %add3A_1563 = arith.addf %scan3A_1463, %mul3A_1562 : vector<16xf32>
      %get3A_1564 = arith.constant 1 : i32
      %get3A_1565 = arith.index_cast %scan3A_1449 : i32 to index
      %get3A_1566 = arith.index_cast %get3A_1564 : i32 to index
      %get3A_1567 = arith.constant 96 : index
      %get3A_1568 = tpu.vector_load %arg5[%get3A_1565, %get3A_1566, %get3A_1567] {strides = array<i32>} : memref<128x2x128xf32, #tpu.memory_space<vmem>>, vector<16xf32>,
      %mul3A_1569 = arith.mulf %get3A_1568, %get3A_1568 : vector<16xf32>
      %add3A_1570 = arith.addf %scan3A_1464, %mul3A_1569 : vector<16xf32>
      %get3A_1571 = arith.constant 1 : i32
      %get3A_1572 = arith.index_cast %scan3A_1449 : i32 to index
      %get3A_1573 = arith.index_cast %get3A_1571 : i32 to index
      %get3A_1574 = arith.constant 112 : index
      %get3A_1575 = tpu.vector_load %arg5[%get3A_1572, %get3A_1573, %get3A_1574] {strides = array<i32>} : memref<128x2x128xf32, #tpu.memory_space<vmem>>, vector<16xf32>,
      %mul3A_1576 = arith.mulf %get3A_1575, %get3A_1575 : vector<16xf32>
      %add3A_1577 = arith.addf %scan3A_1465, %mul3A_1576 : vector<16xf32>
      %scan3A_1578 = arith.constant 1 : i32
      %scan3A_1579 = arith.addi %scan3A_1449, %scan3A_1578 : i32
      %get3A_1580 = arith.constant 0 : i32
      %get3A_1581 = arith.index_cast %scan3A_1579 : i32 to index
      %get3A_1582 = arith.index_cast %get3A_1580 : i32 to index
      %get3A_1583 = arith.constant 0 : index
      %get3A_1584 = tpu.vector_load %arg5[%get3A_1581, %get3A_1582, %get3A_1583] {strides = array<i32>} : memref<128x2x128xf32, #tpu.memory_space<vmem>>, vector<16xf32>,
      %mul3A_1585 = arith.mulf %get3A_1584, %get3A_1584 : vector<16xf32>
      %add3A_1586 = arith.addf %add3A_1472, %mul3A_1585 : vector<16xf32>
      %get3A_1587 = arith.constant 0 : i32
      %get3A_1588 = arith.index_cast %scan3A_1579 : i32 to index
      %get3A_1589 = arith.index_cast %get3A_1587 : i32 to index
      %get3A_1590 = arith.constant 16 : index
      %get3A_1591 = tpu.vector_load %arg5[%get3A_1588, %get3A_1589, %get3A_1590] {strides = array<i32>} : memref<128x2x128xf32, #tpu.memory_space<vmem>>, vector<16xf32>,
      %mul3A_1592 = arith.mulf %get3A_1591, %get3A_1591 : vector<16xf32>
      %add3A_1593 = arith.addf %add3A_1479, %mul3A_1592 : vector<16xf32>
      %get3A_1594 = arith.constant 0 : i32
      %get3A_1595 = arith.index_cast %scan3A_1579 : i32 to index
      %get3A_1596 = arith.index_cast %get3A_1594 : i32 to index
      %get3A_1597 = arith.constant 32 : index
      %get3A_1598 = tpu.vector_load %arg5[%get3A_1595, %get3A_1596, %get3A_1597] {strides = array<i32>} : memref<128x2x128xf32, #tpu.memory_space<vmem>>, vector<16xf32>,
      %mul3A_1599 = arith.mulf %get3A_1598, %get3A_1598 : vector<16xf32>
      %add3A_1600 = arith.addf %add3A_1486, %mul3A_1599 : vector<16xf32>
      %get3A_1601 = arith.constant 0 : i32
      %get3A_1602 = arith.index_cast %scan3A_1579 : i32 to index
      %get3A_1603 = arith.index_cast %get3A_1601 : i32 to index
      %get3A_1604 = arith.constant 48 : index
      %get3A_1605 = tpu.vector_load %arg5[%get3A_1602, %get3A_1603, %get3A_1604] {strides = array<i32>} : memref<128x2x128xf32, #tpu.memory_space<vmem>>, vector<16xf32>,
      %mul3A_1606 = arith.mulf %get3A_1605, %get3A_1605 : vector<16xf32>
      %add3A_1607 = arith.addf %add3A_1493, %mul3A_1606 : vector<16xf32>
      %get3A_1608 = arith.constant 0 : i32
      %get3A_1609 = arith.index_cast %scan3A_1579 : i32 to index
      %get3A_1610 = arith.index_cast %get3A_1608 : i32 to index
      %get3A_1611 = arith.constant 64 : index
      %get3A_1612 = tpu.vector_load %arg5[%get3A_1609, %get3A_1610, %get3A_1611] {strides = array<i32>} : memref<128x2x128xf32, #tpu.memory_space<vmem>>, vector<16xf32>,
      %mul3A_1613 = arith.mulf %get3A_1612, %get3A_1612 : vector<16xf32>
      %add3A_1614 = arith.addf %add3A_1500, %mul3A_1613 : vector<16xf32>
      %get3A_1615 = arith.constant 0 : i32
      %get3A_1616 = arith.index_cast %scan3A_1579 : i32 to index
      %get3A_1617 = arith.index_cast %get3A_1615 : i32 to index
      %get3A_1618 = arith.constant 80 : index
      %get3A_1619 = tpu.vector_load %arg5[%get3A_1616, %get3A_1617, %get3A_1618] {strides = array<i32>} : memref<128x2x128xf32, #tpu.memory_space<vmem>>, vector<16xf32>,
      %mul3A_1620 = arith.mulf %get3A_1619, %get3A_1619 : vector<16xf32>
      %add3A_1621 = arith.addf %add3A_1507, %mul3A_1620 : vector<16xf32>
      %get3A_1622 = arith.constant 0 : i32
      %get3A_1623 = arith.index_cast %scan3A_1579 : i32 to index
      %get3A_1624 = arith.index_cast %get3A_1622 : i32 to index
      %get3A_1625 = arith.constant 96 : index
      %get3A_1626 = tpu.vector_load %arg5[%get3A_1623, %get3A_1624, %get3A_1625] {strides = array<i32>} : memref<128x2x128xf32, #tpu.memory_space<vmem>>, vector<16xf32>,
      %mul3A_1627 = arith.mulf %get3A_1626, %get3A_1626 : vector<16xf32>
      %add3A_1628 = arith.addf %add3A_1514, %mul3A_1627 : vector<16xf32>
      %get3A_1629 = arith.constant 0 : i32
      %get3A_1630 = arith.index_cast %scan3A_1579 : i32 to index
      %get3A_1631 = arith.index_cast %get3A_1629 : i32 to index
      %get3A_1632 = arith.constant 112 : index
      %get3A_1633 = tpu.vector_load %arg5[%get3A_1630, %get3A_1631, %get3A_1632] {strides = array<i32>} : memref<128x2x128xf32, #tpu.memory_space<vmem>>, vector<16xf32>,
      %mul3A_1634 = arith.mulf %get3A_1633, %get3A_1633 : vector<16xf32>
      %add3A_1635 = arith.addf %add3A_1521, %mul3A_1634 : vector<16xf32>
      %get3A_1636 = arith.constant 1 : i32
      %get3A_1637 = arith.index_cast %scan3A_1579 : i32 to index
      %get3A_1638 = arith.index_cast %get3A_1636 : i32 to index
      %get3A_1639 = arith.constant 0 : index
      %get3A_1640 = tpu.vector_load %arg5[%get3A_1637, %get3A_1638, %get3A_1639] {strides = array<i32>} : memref<128x2x128xf32, #tpu.memory_space<vmem>>, vector<16xf32>,
      %mul3A_1641 = arith.mulf %get3A_1640, %get3A_1640 : vector<16xf32>
      %add3A_1642 = arith.addf %add3A_1528, %mul3A_1641 : vector<16xf32>
      %get3A_1643 = arith.constant 1 : i32
      %get3A_1644 = arith.index_cast %scan3A_1579 : i32 to index
      %get3A_1645 = arith.index_cast %get3A_1643 : i32 to index
      %get3A_1646 = arith.constant 16 : index
      %get3A_1647 = tpu.vector_load %arg5[%get3A_1644, %get3A_1645, %get3A_1646] {strides = array<i32>} : memref<128x2x128xf32, #tpu.memory_space<vmem>>, vector<16xf32>,
      %mul3A_1648 = arith.mulf %get3A_1647, %get3A_1647 : vector<16xf32>
      %add3A_1649 = arith.addf %add3A_1535, %mul3A_1648 : vector<16xf32>
      %get3A_1650 = arith.constant 1 : i32
      %get3A_1651 = arith.index_cast %scan3A_1579 : i32 to index
      %get3A_1652 = arith.index_cast %get3A_1650 : i32 to index
      %get3A_1653 = arith.constant 32 : index
      %get3A_1654 = tpu.vector_load %arg5[%get3A_1651, %get3A_1652, %get3A_1653] {strides = array<i32>} : memref<128x2x128xf32, #tpu.memory_space<vmem>>, vector<16xf32>,
      %mul3A_1655 = arith.mulf %get3A_1654, %get3A_1654 : vector<16xf32>
      %add3A_1656 = arith.addf %add3A_1542, %mul3A_1655 : vector<16xf32>
      %get3A_1657 = arith.constant 1 : i32
      %get3A_1658 = arith.index_cast %scan3A_1579 : i32 to index
      %get3A_1659 = arith.index_cast %get3A_1657 : i32 to index
      %get3A_1660 = arith.constant 48 : index
      %get3A_1661 = tpu.vector_load %arg5[%get3A_1658, %get3A_1659, %get3A_1660] {strides = array<i32>} : memref<128x2x128xf32, #tpu.memory_space<vmem>>, vector<16xf32>,
      %mul3A_1662 = arith.mulf %get3A_1661, %get3A_1661 : vector<16xf32>
      %add3A_1663 = arith.addf %add3A_1549, %mul3A_1662 : vector<16xf32>
      %get3A_1664 = arith.constant 1 : i32
      %get3A_1665 = arith.index_cast %scan3A_1579 : i32 to index
      %get3A_1666 = arith.index_cast %get3A_1664 : i32 to index
      %get3A_1667 = arith.constant 64 : index
      %get3A_1668 = tpu.vector_load %arg5[%get3A_1665, %get3A_1666, %get3A_1667] {strides = array<i32>} : memref<128x2x128xf32, #tpu.memory_space<vmem>>, vector<16xf32>,
      %mul3A_1669 = arith.mulf %get3A_1668, %get3A_1668 : vector<16xf32>
      %add3A_1670 = arith.addf %add3A_1556, %mul3A_1669 : vector<16xf32>
      %get3A_1671 = arith.constant 1 : i32
      %get3A_1672 = arith.index_cast %scan3A_1579 : i32 to index
      %get3A_1673 = arith.index_cast %get3A_1671 : i32 to index
      %get3A_1674 = arith.constant 80 : index
      %get3A_1675 = tpu.vector_load %arg5[%get3A_1672, %get3A_1673, %get3A_1674] {strides = array<i32>} : memref<128x2x128xf32, #tpu.memory_space<vmem>>, vector<16xf32>,
      %mul3A_1676 = arith.mulf %get3A_1675, %get3A_1675 : vector<16xf32>
      %add3A_1677 = arith.addf %add3A_1563, %mul3A_1676 : vector<16xf32>
      %get3A_1678 = arith.constant 1 : i32
      %get3A_1679 = arith.index_cast %scan3A_1579 : i32 to index
      %get3A_1680 = arith.index_cast %get3A_1678 : i32 to index
      %get3A_1681 = arith.constant 96 : index
      %get3A_1682 = tpu.vector_load %arg5[%get3A_1679, %get3A_1680, %get3A_1681] {strides = array<i32>} : memref<128x2x128xf32, #tpu.memory_space<vmem>>, vector<16xf32>,
      %mul3A_1683 = arith.mulf %get3A_1682, %get3A_1682 : vector<16xf32>
      %add3A_1684 = arith.addf %add3A_1570, %mul3A_1683 : vector<16xf32>
      %get3A_1685 = arith.constant 1 : i32
      %get3A_1686 = arith.index_cast %scan3A_1579 : i32 to index
      %get3A_1687 = arith.index_cast %get3A_1685 : i32 to index
      %get3A_1688 = arith.constant 112 : index
      %get3A_1689 = tpu.vector_load %arg5[%get3A_1686, %get3A_1687, %get3A_1688] {strides = array<i32>} : memref<128x2x128xf32, #tpu.memory_space<vmem>>, vector<16xf32>,
      %mul3A_1690 = arith.mulf %get3A_1689, %get3A_1689 : vector<16xf32>
      %add3A_1691 = arith.addf %add3A_1577, %mul3A_1690 : vector<16xf32>
      %scan3A_1692 = arith.constant 2 : i32
      %scan3A_1693 = arith.addi %scan3A_1449, %scan3A_1692 : i32
      %get3A_1694 = arith.constant 0 : i32
      %get3A_1695 = arith.index_cast %scan3A_1693 : i32 to index
      %get3A_1696 = arith.index_cast %get3A_1694 : i32 to index
      %get3A_1697 = arith.constant 0 : index
      %get3A_1698 = tpu.vector_load %arg5[%get3A_1695, %get3A_1696, %get3A_1697] {strides = array<i32>} : memref<128x2x128xf32, #tpu.memory_space<vmem>>, vector<16xf32>,
      %mul3A_1699 = arith.mulf %get3A_1698, %get3A_1698 : vector<16xf32>
      %add3A_1700 = arith.addf %add3A_1586, %mul3A_1699 : vector<16xf32>
      %get3A_1701 = arith.constant 0 : i32
      %get3A_1702 = arith.index_cast %scan3A_1693 : i32 to index
      %get3A_1703 = arith.index_cast %get3A_1701 : i32 to index
      %get3A_1704 = arith.constant 16 : index
      %get3A_1705 = tpu.vector_load %arg5[%get3A_1702, %get3A_1703, %get3A_1704] {strides = array<i32>} : memref<128x2x128xf32, #tpu.memory_space<vmem>>, vector<16xf32>,
      %mul3A_1706 = arith.mulf %get3A_1705, %get3A_1705 : vector<16xf32>
      %add3A_1707 = arith.addf %add3A_1593, %mul3A_1706 : vector<16xf32>
      %get3A_1708 = arith.constant 0 : i32
      %get3A_1709 = arith.index_cast %scan3A_1693 : i32 to index
      %get3A_1710 = arith.index_cast %get3A_1708 : i32 to index
      %get3A_1711 = arith.constant 32 : index
      %get3A_1712 = tpu.vector_load %arg5[%get3A_1709, %get3A_1710, %get3A_1711] {strides = array<i32>} : memref<128x2x128xf32, #tpu.memory_space<vmem>>, vector<16xf32>,
      %mul3A_1713 = arith.mulf %get3A_1712, %get3A_1712 : vector<16xf32>
      %add3A_1714 = arith.addf %add3A_1600, %mul3A_1713 : vector<16xf32>
      %get3A_1715 = arith.constant 0 : i32
      %get3A_1716 = arith.index_cast %scan3A_1693 : i32 to index
      %get3A_1717 = arith.index_cast %get3A_1715 : i32 to index
      %get3A_1718 = arith.constant 48 : index
      %get3A_1719 = tpu.vector_load %arg5[%get3A_1716, %get3A_1717, %get3A_1718] {strides = array<i32>} : memref<128x2x128xf32, #tpu.memory_space<vmem>>, vector<16xf32>,
      %mul3A_1720 = arith.mulf %get3A_1719, %get3A_1719 : vector<16xf32>
      %add3A_1721 = arith.addf %add3A_1607, %mul3A_1720 : vector<16xf32>
      %get3A_1722 = arith.constant 0 : i32
      %get3A_1723 = arith.index_cast %scan3A_1693 : i32 to index
      %get3A_1724 = arith.index_cast %get3A_1722 : i32 to index
      %get3A_1725 = arith.constant 64 : index
      %get3A_1726 = tpu.vector_load %arg5[%get3A_1723, %get3A_1724, %get3A_1725] {strides = array<i32>} : memref<128x2x128xf32, #tpu.memory_space<vmem>>, vector<16xf32>,
      %mul3A_1727 = arith.mulf %get3A_1726, %get3A_1726 : vector<16xf32>
      %add3A_1728 = arith.addf %add3A_1614, %mul3A_1727 : vector<16xf32>
      %get3A_1729 = arith.constant 0 : i32
      %get3A_1730 = arith.index_cast %scan3A_1693 : i32 to index
      %get3A_1731 = arith.index_cast %get3A_1729 : i32 to index
      %get3A_1732 = arith.constant 80 : index
      %get3A_1733 = tpu.vector_load %arg5[%get3A_1730, %get3A_1731, %get3A_1732] {strides = array<i32>} : memref<128x2x128xf32, #tpu.memory_space<vmem>>, vector<16xf32>,
      %mul3A_1734 = arith.mulf %get3A_1733, %get3A_1733 : vector<16xf32>
      %add3A_1735 = arith.addf %add3A_1621, %mul3A_1734 : vector<16xf32>
      %get3A_1736 = arith.constant 0 : i32
      %get3A_1737 = arith.index_cast %scan3A_1693 : i32 to index
      %get3A_1738 = arith.index_cast %get3A_1736 : i32 to index
      %get3A_1739 = arith.constant 96 : index
      %get3A_1740 = tpu.vector_load %arg5[%get3A_1737, %get3A_1738, %get3A_1739] {strides = array<i32>} : memref<128x2x128xf32, #tpu.memory_space<vmem>>, vector<16xf32>,
      %mul3A_1741 = arith.mulf %get3A_1740, %get3A_1740 : vector<16xf32>
      %add3A_1742 = arith.addf %add3A_1628, %mul3A_1741 : vector<16xf32>
      %get3A_1743 = arith.constant 0 : i32
      %get3A_1744 = arith.index_cast %scan3A_1693 : i32 to index
      %get3A_1745 = arith.index_cast %get3A_1743 : i32 to index
      %get3A_1746 = arith.constant 112 : index
      %get3A_1747 = tpu.vector_load %arg5[%get3A_1744, %get3A_1745, %get3A_1746] {strides = array<i32>} : memref<128x2x128xf32, #tpu.memory_space<vmem>>, vector<16xf32>,
      %mul3A_1748 = arith.mulf %get3A_1747, %get3A_1747 : vector<16xf32>
      %add3A_1749 = arith.addf %add3A_1635, %mul3A_1748 : vector<16xf32>
      %get3A_1750 = arith.constant 1 : i32
      %get3A_1751 = arith.index_cast %scan3A_1693 : i32 to index
      %get3A_1752 = arith.index_cast %get3A_1750 : i32 to index
      %get3A_1753 = arith.constant 0 : index
      %get3A_1754 = tpu.vector_load %arg5[%get3A_1751, %get3A_1752, %get3A_1753] {strides = array<i32>} : memref<128x2x128xf32, #tpu.memory_space<vmem>>, vector<16xf32>,
      %mul3A_1755 = arith.mulf %get3A_1754, %get3A_1754 : vector<16xf32>
      %add3A_1756 = arith.addf %add3A_1642, %mul3A_1755 : vector<16xf32>
      %get3A_1757 = arith.constant 1 : i32
      %get3A_1758 = arith.index_cast %scan3A_1693 : i32 to index
      %get3A_1759 = arith.index_cast %get3A_1757 : i32 to index
      %get3A_1760 = arith.constant 16 : index
      %get3A_1761 = tpu.vector_load %arg5[%get3A_1758, %get3A_1759, %get3A_1760] {strides = array<i32>} : memref<128x2x128xf32, #tpu.memory_space<vmem>>, vector<16xf32>,
      %mul3A_1762 = arith.mulf %get3A_1761, %get3A_1761 : vector<16xf32>
      %add3A_1763 = arith.addf %add3A_1649, %mul3A_1762 : vector<16xf32>
      %get3A_1764 = arith.constant 1 : i32
      %get3A_1765 = arith.index_cast %scan3A_1693 : i32 to index
      %get3A_1766 = arith.index_cast %get3A_1764 : i32 to index
      %get3A_1767 = arith.constant 32 : index
      %get3A_1768 = tpu.vector_load %arg5[%get3A_1765, %get3A_1766, %get3A_1767] {strides = array<i32>} : memref<128x2x128xf32, #tpu.memory_space<vmem>>, vector<16xf32>,
      %mul3A_1769 = arith.mulf %get3A_1768, %get3A_1768 : vector<16xf32>
      %add3A_1770 = arith.addf %add3A_1656, %mul3A_1769 : vector<16xf32>
      %get3A_1771 = arith.constant 1 : i32
      %get3A_1772 = arith.index_cast %scan3A_1693 : i32 to index
      %get3A_1773 = arith.index_cast %get3A_1771 : i32 to index
      %get3A_1774 = arith.constant 48 : index
      %get3A_1775 = tpu.vector_load %arg5[%get3A_1772, %get3A_1773, %get3A_1774] {strides = array<i32>} : memref<128x2x128xf32, #tpu.memory_space<vmem>>, vector<16xf32>,
      %mul3A_1776 = arith.mulf %get3A_1775, %get3A_1775 : vector<16xf32>
      %add3A_1777 = arith.addf %add3A_1663, %mul3A_1776 : vector<16xf32>
      %get3A_1778 = arith.constant 1 : i32
      %get3A_1779 = arith.index_cast %scan3A_1693 : i32 to index
      %get3A_1780 = arith.index_cast %get3A_1778 : i32 to index
      %get3A_1781 = arith.constant 64 : index
      %get3A_1782 = tpu.vector_load %arg5[%get3A_1779, %get3A_1780, %get3A_1781] {strides = array<i32>} : memref<128x2x128xf32, #tpu.memory_space<vmem>>, vector<16xf32>,
      %mul3A_1783 = arith.mulf %get3A_1782, %get3A_1782 : vector<16xf32>
      %add3A_1784 = arith.addf %add3A_1670, %mul3A_1783 : vector<16xf32>
      %get3A_1785 = arith.constant 1 : i32
      %get3A_1786 = arith.index_cast %scan3A_1693 : i32 to index
      %get3A_1787 = arith.index_cast %get3A_1785 : i32 to index
      %get3A_1788 = arith.constant 80 : index
      %get3A_1789 = tpu.vector_load %arg5[%get3A_1786, %get3A_1787, %get3A_1788] {strides = array<i32>} : memref<128x2x128xf32, #tpu.memory_space<vmem>>, vector<16xf32>,
      %mul3A_1790 = arith.mulf %get3A_1789, %get3A_1789 : vector<16xf32>
      %add3A_1791 = arith.addf %add3A_1677, %mul3A_1790 : vector<16xf32>
      %get3A_1792 = arith.constant 1 : i32
      %get3A_1793 = arith.index_cast %scan3A_1693 : i32 to index
      %get3A_1794 = arith.index_cast %get3A_1792 : i32 to index
      %get3A_1795 = arith.constant 96 : index
      %get3A_1796 = tpu.vector_load %arg5[%get3A_1793, %get3A_1794, %get3A_1795] {strides = array<i32>} : memref<128x2x128xf32, #tpu.memory_space<vmem>>, vector<16xf32>,
      %mul3A_1797 = arith.mulf %get3A_1796, %get3A_1796 : vector<16xf32>
      %add3A_1798 = arith.addf %add3A_1684, %mul3A_1797 : vector<16xf32>
      %get3A_1799 = arith.constant 1 : i32
      %get3A_1800 = arith.index_cast %scan3A_1693 : i32 to index
      %get3A_1801 = arith.index_cast %get3A_1799 : i32 to index
      %get3A_1802 = arith.constant 112 : index
      %get3A_1803 = tpu.vector_load %arg5[%get3A_1800, %get3A_1801, %get3A_1802] {strides = array<i32>} : memref<128x2x128xf32, #tpu.memory_space<vmem>>, vector<16xf32>,
      %mul3A_1804 = arith.mulf %get3A_1803, %get3A_1803 : vector<16xf32>
      %add3A_1805 = arith.addf %add3A_1691, %mul3A_1804 : vector<16xf32>
      %scan3A_1806 = arith.constant 3 : i32
      %scan3A_1807 = arith.addi %scan3A_1449, %scan3A_1806 : i32
      %get3A_1808 = arith.constant 0 : i32
      %get3A_1809 = arith.index_cast %scan3A_1807 : i32 to index
      %get3A_1810 = arith.index_cast %get3A_1808 : i32 to index
      %get3A_1811 = arith.constant 0 : index
      %get3A_1812 = tpu.vector_load %arg5[%get3A_1809, %get3A_1810, %get3A_1811] {strides = array<i32>} : memref<128x2x128xf32, #tpu.memory_space<vmem>>, vector<16xf32>,
      %mul3A_1813 = arith.mulf %get3A_1812, %get3A_1812 : vector<16xf32>
      %add3A_1814 = arith.addf %add3A_1700, %mul3A_1813 : vector<16xf32>
      %get3A_1815 = arith.constant 0 : i32
      %get3A_1816 = arith.index_cast %scan3A_1807 : i32 to index
      %get3A_1817 = arith.index_cast %get3A_1815 : i32 to index
      %get3A_1818 = arith.constant 16 : index
      %get3A_1819 = tpu.vector_load %arg5[%get3A_1816, %get3A_1817, %get3A_1818] {strides = array<i32>} : memref<128x2x128xf32, #tpu.memory_space<vmem>>, vector<16xf32>,
      %mul3A_1820 = arith.mulf %get3A_1819, %get3A_1819 : vector<16xf32>
      %add3A_1821 = arith.addf %add3A_1707, %mul3A_1820 : vector<16xf32>
      %get3A_1822 = arith.constant 0 : i32
      %get3A_1823 = arith.index_cast %scan3A_1807 : i32 to index
      %get3A_1824 = arith.index_cast %get3A_1822 : i32 to index
      %get3A_1825 = arith.constant 32 : index
      %get3A_1826 = tpu.vector_load %arg5[%get3A_1823, %get3A_1824, %get3A_1825] {strides = array<i32>} : memref<128x2x128xf32, #tpu.memory_space<vmem>>, vector<16xf32>,
      %mul3A_1827 = arith.mulf %get3A_1826, %get3A_1826 : vector<16xf32>
      %add3A_1828 = arith.addf %add3A_1714, %mul3A_1827 : vector<16xf32>
      %get3A_1829 = arith.constant 0 : i32
      %get3A_1830 = arith.index_cast %scan3A_1807 : i32 to index
      %get3A_1831 = arith.index_cast %get3A_1829 : i32 to index
      %get3A_1832 = arith.constant 48 : index
      %get3A_1833 = tpu.vector_load %arg5[%get3A_1830, %get3A_1831, %get3A_1832] {strides = array<i32>} : memref<128x2x128xf32, #tpu.memory_space<vmem>>, vector<16xf32>,
      %mul3A_1834 = arith.mulf %get3A_1833, %get3A_1833 : vector<16xf32>
      %add3A_1835 = arith.addf %add3A_1721, %mul3A_1834 : vector<16xf32>
      %get3A_1836 = arith.constant 0 : i32
      %get3A_1837 = arith.index_cast %scan3A_1807 : i32 to index
      %get3A_1838 = arith.index_cast %get3A_1836 : i32 to index
      %get3A_1839 = arith.constant 64 : index
      %get3A_1840 = tpu.vector_load %arg5[%get3A_1837, %get3A_1838, %get3A_1839] {strides = array<i32>} : memref<128x2x128xf32, #tpu.memory_space<vmem>>, vector<16xf32>,
      %mul3A_1841 = arith.mulf %get3A_1840, %get3A_1840 : vector<16xf32>
      %add3A_1842 = arith.addf %add3A_1728, %mul3A_1841 : vector<16xf32>
      %get3A_1843 = arith.constant 0 : i32
      %get3A_1844 = arith.index_cast %scan3A_1807 : i32 to index
      %get3A_1845 = arith.index_cast %get3A_1843 : i32 to index
      %get3A_1846 = arith.constant 80 : index
      %get3A_1847 = tpu.vector_load %arg5[%get3A_1844, %get3A_1845, %get3A_1846] {strides = array<i32>} : memref<128x2x128xf32, #tpu.memory_space<vmem>>, vector<16xf32>,
      %mul3A_1848 = arith.mulf %get3A_1847, %get3A_1847 : vector<16xf32>
      %add3A_1849 = arith.addf %add3A_1735, %mul3A_1848 : vector<16xf32>
      %get3A_1850 = arith.constant 0 : i32
      %get3A_1851 = arith.index_cast %scan3A_1807 : i32 to index
      %get3A_1852 = arith.index_cast %get3A_1850 : i32 to index
      %get3A_1853 = arith.constant 96 : index
      %get3A_1854 = tpu.vector_load %arg5[%get3A_1851, %get3A_1852, %get3A_1853] {strides = array<i32>} : memref<128x2x128xf32, #tpu.memory_space<vmem>>, vector<16xf32>,
      %mul3A_1855 = arith.mulf %get3A_1854, %get3A_1854 : vector<16xf32>
      %add3A_1856 = arith.addf %add3A_1742, %mul3A_1855 : vector<16xf32>
      %get3A_1857 = arith.constant 0 : i32
      %get3A_1858 = arith.index_cast %scan3A_1807 : i32 to index
      %get3A_1859 = arith.index_cast %get3A_1857 : i32 to index
      %get3A_1860 = arith.constant 112 : index
      %get3A_1861 = tpu.vector_load %arg5[%get3A_1858, %get3A_1859, %get3A_1860] {strides = array<i32>} : memref<128x2x128xf32, #tpu.memory_space<vmem>>, vector<16xf32>,
      %mul3A_1862 = arith.mulf %get3A_1861, %get3A_1861 : vector<16xf32>
      %add3A_1863 = arith.addf %add3A_1749, %mul3A_1862 : vector<16xf32>
      %get3A_1864 = arith.constant 1 : i32
      %get3A_1865 = arith.index_cast %scan3A_1807 : i32 to index
      %get3A_1866 = arith.index_cast %get3A_1864 : i32 to index
      %get3A_1867 = arith.constant 0 : index
      %get3A_1868 = tpu.vector_load %arg5[%get3A_1865, %get3A_1866, %get3A_1867] {strides = array<i32>} : memref<128x2x128xf32, #tpu.memory_space<vmem>>, vector<16xf32>,
      %mul3A_1869 = arith.mulf %get3A_1868, %get3A_1868 : vector<16xf32>
      %add3A_1870 = arith.addf %add3A_1756, %mul3A_1869 : vector<16xf32>
      %get3A_1871 = arith.constant 1 : i32
      %get3A_1872 = arith.index_cast %scan3A_1807 : i32 to index
      %get3A_1873 = arith.index_cast %get3A_1871 : i32 to index
      %get3A_1874 = arith.constant 16 : index
      %get3A_1875 = tpu.vector_load %arg5[%get3A_1872, %get3A_1873, %get3A_1874] {strides = array<i32>} : memref<128x2x128xf32, #tpu.memory_space<vmem>>, vector<16xf32>,
      %mul3A_1876 = arith.mulf %get3A_1875, %get3A_1875 : vector<16xf32>
      %add3A_1877 = arith.addf %add3A_1763, %mul3A_1876 : vector<16xf32>
      %get3A_1878 = arith.constant 1 : i32
      %get3A_1879 = arith.index_cast %scan3A_1807 : i32 to index
      %get3A_1880 = arith.index_cast %get3A_1878 : i32 to index
      %get3A_1881 = arith.constant 32 : index
      %get3A_1882 = tpu.vector_load %arg5[%get3A_1879, %get3A_1880, %get3A_1881] {strides = array<i32>} : memref<128x2x128xf32, #tpu.memory_space<vmem>>, vector<16xf32>,
      %mul3A_1883 = arith.mulf %get3A_1882, %get3A_1882 : vector<16xf32>
      %add3A_1884 = arith.addf %add3A_1770, %mul3A_1883 : vector<16xf32>
      %get3A_1885 = arith.constant 1 : i32
      %get3A_1886 = arith.index_cast %scan3A_1807 : i32 to index
      %get3A_1887 = arith.index_cast %get3A_1885 : i32 to index
      %get3A_1888 = arith.constant 48 : index
      %get3A_1889 = tpu.vector_load %arg5[%get3A_1886, %get3A_1887, %get3A_1888] {strides = array<i32>} : memref<128x2x128xf32, #tpu.memory_space<vmem>>, vector<16xf32>,
      %mul3A_1890 = arith.mulf %get3A_1889, %get3A_1889 : vector<16xf32>
      %add3A_1891 = arith.addf %add3A_1777, %mul3A_1890 : vector<16xf32>
      %get3A_1892 = arith.constant 1 : i32
      %get3A_1893 = arith.index_cast %scan3A_1807 : i32 to index
      %get3A_1894 = arith.index_cast %get3A_1892 : i32 to index
      %get3A_1895 = arith.constant 64 : index
      %get3A_1896 = tpu.vector_load %arg5[%get3A_1893, %get3A_1894, %get3A_1895] {strides = array<i32>} : memref<128x2x128xf32, #tpu.memory_space<vmem>>, vector<16xf32>,
      %mul3A_1897 = arith.mulf %get3A_1896, %get3A_1896 : vector<16xf32>
      %add3A_1898 = arith.addf %add3A_1784, %mul3A_1897 : vector<16xf32>
      %get3A_1899 = arith.constant 1 : i32
      %get3A_1900 = arith.index_cast %scan3A_1807 : i32 to index
      %get3A_1901 = arith.index_cast %get3A_1899 : i32 to index
      %get3A_1902 = arith.constant 80 : index
      %get3A_1903 = tpu.vector_load %arg5[%get3A_1900, %get3A_1901, %get3A_1902] {strides = array<i32>} : memref<128x2x128xf32, #tpu.memory_space<vmem>>, vector<16xf32>,
      %mul3A_1904 = arith.mulf %get3A_1903, %get3A_1903 : vector<16xf32>
      %add3A_1905 = arith.addf %add3A_1791, %mul3A_1904 : vector<16xf32>
      %get3A_1906 = arith.constant 1 : i32
      %get3A_1907 = arith.index_cast %scan3A_1807 : i32 to index
      %get3A_1908 = arith.index_cast %get3A_1906 : i32 to index
      %get3A_1909 = arith.constant 96 : index
      %get3A_1910 = tpu.vector_load %arg5[%get3A_1907, %get3A_1908, %get3A_1909] {strides = array<i32>} : memref<128x2x128xf32, #tpu.memory_space<vmem>>, vector<16xf32>,
      %mul3A_1911 = arith.mulf %get3A_1910, %get3A_1910 : vector<16xf32>
      %add3A_1912 = arith.addf %add3A_1798, %mul3A_1911 : vector<16xf32>
      %get3A_1913 = arith.constant 1 : i32
      %get3A_1914 = arith.index_cast %scan3A_1807 : i32 to index
      %get3A_1915 = arith.index_cast %get3A_1913 : i32 to index
      %get3A_1916 = arith.constant 112 : index
      %get3A_1917 = tpu.vector_load %arg5[%get3A_1914, %get3A_1915, %get3A_1916] {strides = array<i32>} : memref<128x2x128xf32, #tpu.memory_space<vmem>>, vector<16xf32>,
      %mul3A_1918 = arith.mulf %get3A_1917, %get3A_1917 : vector<16xf32>
      %add3A_1919 = arith.addf %add3A_1805, %mul3A_1918 : vector<16xf32>
      scf.yield %add3A_1814, %add3A_1821, %add3A_1828, %add3A_1835, %add3A_1842, %add3A_1849, %add3A_1856, %add3A_1863, %add3A_1870, %add3A_1877, %add3A_1884, %add3A_1891, %add3A_1898, %add3A_1905, %add3A_1912, %add3A_1919 : vector<16xf32>, vector<16xf32>, vector<16xf32>, vector<16xf32>, vector<16xf32>, vector<16xf32>, vector<16xf32>, vector<16xf32>, vector<16xf32>, vector<16xf32>, vector<16xf32>, vector<16xf32>, vector<16xf32>, vector<16xf32>, vector<16xf32>, vector<16xf32>
    }
    %scan3A_122 = arith.constant 128 : i32
    %max3A = arith.constant 1.000000e-24 : f32
    %max3A_123 = vector.broadcast %max3A : f32 to vector<16xf32>
    %max3A_124 = arith.maximumf %scan3A_121#0, %max3A_123 : vector<16xf32>
    %bitcast_convert_type3A = tpu.bitcast %max3A_124 : vector<16xf32> -> vector<16xi32>
    %shift_right_logical3A = arith.constant 1 : i32
    %shift_right_logical3A_125 = vector.broadcast %shift_right_logical3A : i32 to vector<16xi32>
    %shift_right_logical3A_126 = arith.shrui %bitcast_convert_type3A, %shift_right_logical3A_125 : vector<16xi32>
    %sub3A_127 = arith.constant 1597463007 : i32
    %sub3A_128 = vector.broadcast %sub3A_127 : i32 to vector<16xi32>
    %sub3A_129 = arith.subi %sub3A_128, %shift_right_logical3A_126 : vector<16xi32>
    %bitcast_convert_type3A_130 = tpu.bitcast %sub3A_129 : vector<16xi32> -> vector<16xf32>
    %mul3A_131 = arith.constant 5.000000e-01 : f32
    %mul3A_132 = vector.broadcast %mul3A_131 : f32 to vector<16xf32>
    %mul3A_133 = arith.mulf %mul3A_132, %max3A_124 : vector<16xf32>
    %mul3A_134 = arith.mulf %mul3A_133, %bitcast_convert_type3A_130 : vector<16xf32>
    %mul3A_135 = arith.mulf %mul3A_134, %bitcast_convert_type3A_130 : vector<16xf32>
    %sub3A_136 = arith.constant 1.500000e+00 : f32
    %sub3A_137 = vector.broadcast %sub3A_136 : f32 to vector<16xf32>
    %sub3A_138 = arith.subf %sub3A_137, %mul3A_135 : vector<16xf32>
    %mul3A_139 = arith.mulf %bitcast_convert_type3A_130, %sub3A_138 : vector<16xf32>
    %mul3A_140 = arith.constant 5.000000e-01 : f32
    %mul3A_141 = vector.broadcast %mul3A_140 : f32 to vector<16xf32>
    %mul3A_142 = arith.mulf %mul3A_141, %max3A_124 : vector<16xf32>
    %mul3A_143 = arith.mulf %mul3A_142, %mul3A_139 : vector<16xf32>
    %mul3A_144 = arith.mulf %mul3A_143, %mul3A_139 : vector<16xf32>
    %sub3A_145 = arith.constant 1.500000e+00 : f32
    %sub3A_146 = vector.broadcast %sub3A_145 : f32 to vector<16xf32>
    %sub3A_147 = arith.subf %sub3A_146, %mul3A_144 : vector<16xf32>
    %mul3A_148 = arith.mulf %mul3A_139, %sub3A_147 : vector<16xf32>
    %add3A_149 = arith.constant 0 : i32
    %add3A_150 = arith.addi %mul3A_84, %add3A_149 : i32
    %get3A = arith.index_cast %add3A_150 : i32 to index
    %get3A_151 = arith.constant 0 : index
    %get3A_152 = tpu.vector_load %arg7[%get3A, %get3A_151] {strides = array<i32>} : memref<4x128xi32, #tpu.memory_space<vmem>>, vector<16xi32>,
    %mul3A_153 = arith.constant 2176 : i32
    %mul3A_154 = vector.broadcast %mul3A_153 : i32 to vector<16xi32>
    %mul3A_155 = arith.muli %get3A_152, %mul3A_154 : vector<16xi32>
    %add3A_156 = arith.addi %mul3A_155, %iota3A : vector<16xi32>
    %max3A_157 = arith.constant 1.000000e-24 : f32
    %max3A_158 = vector.broadcast %max3A_157 : f32 to vector<16xf32>
    %max3A_159 = arith.maximumf %scan3A_121#1, %max3A_158 : vector<16xf32>
    %bitcast_convert_type3A_160 = tpu.bitcast %max3A_159 : vector<16xf32> -> vector<16xi32>
    %shift_right_logical3A_161 = arith.constant 1 : i32
    %shift_right_logical3A_162 = vector.broadcast %shift_right_logical3A_161 : i32 to vector<16xi32>
    %shift_right_logical3A_163 = arith.shrui %bitcast_convert_type3A_160, %shift_right_logical3A_162 : vector<16xi32>
    %sub3A_164 = arith.constant 1597463007 : i32
    %sub3A_165 = vector.broadcast %sub3A_164 : i32 to vector<16xi32>
    %sub3A_166 = arith.subi %sub3A_165, %shift_right_logical3A_163 : vector<16xi32>
    %bitcast_convert_type3A_167 = tpu.bitcast %sub3A_166 : vector<16xi32> -> vector<16xf32>
    %mul3A_168 = arith.constant 5.000000e-01 : f32
    %mul3A_169 = vector.broadcast %mul3A_168 : f32 to vector<16xf32>
    %mul3A_170 = arith.mulf %mul3A_169, %max3A_159 : vector<16xf32>
    %mul3A_171 = arith.mulf %mul3A_170, %bitcast_convert_type3A_167 : vector<16xf32>
    %mul3A_172 = arith.mulf %mul3A_171, %bitcast_convert_type3A_167 : vector<16xf32>
    %sub3A_173 = arith.constant 1.500000e+00 : f32
    %sub3A_174 = vector.broadcast %sub3A_173 : f32 to vector<16xf32>
    %sub3A_175 = arith.subf %sub3A_174, %mul3A_172 : vector<16xf32>
    %mul3A_176 = arith.mulf %bitcast_convert_type3A_167, %sub3A_175 : vector<16xf32>
    %mul3A_177 = arith.constant 5.000000e-01 : f32
    %mul3A_178 = vector.broadcast %mul3A_177 : f32 to vector<16xf32>
    %mul3A_179 = arith.mulf %mul3A_178, %max3A_159 : vector<16xf32>
    %mul3A_180 = arith.mulf %mul3A_179, %mul3A_176 : vector<16xf32>
    %mul3A_181 = arith.mulf %mul3A_180, %mul3A_176 : vector<16xf32>
    %sub3A_182 = arith.constant 1.500000e+00 : f32
    %sub3A_183 = vector.broadcast %sub3A_182 : f32 to vector<16xf32>
    %sub3A_184 = arith.subf %sub3A_183, %mul3A_181 : vector<16xf32>
    %mul3A_185 = arith.mulf %mul3A_176, %sub3A_184 : vector<16xf32>
    %add3A_186 = arith.constant 0 : i32
    %add3A_187 = arith.addi %mul3A_84, %add3A_186 : i32
    %get3A_188 = arith.index_cast %add3A_187 : i32 to index
    %get3A_189 = arith.constant 16 : index
    %get3A_190 = tpu.vector_load %arg7[%get3A_188, %get3A_189] {strides = array<i32>} : memref<4x128xi32, #tpu.memory_space<vmem>>, vector<16xi32>,
    %mul3A_191 = arith.constant 2176 : i32
    %mul3A_192 = vector.broadcast %mul3A_191 : i32 to vector<16xi32>
    %mul3A_193 = arith.muli %get3A_190, %mul3A_192 : vector<16xi32>
    %add3A_194 = arith.addi %mul3A_193, %iota3A : vector<16xi32>
    %max3A_195 = arith.constant 1.000000e-24 : f32
    %max3A_196 = vector.broadcast %max3A_195 : f32 to vector<16xf32>
    %max3A_197 = arith.maximumf %scan3A_121#2, %max3A_196 : vector<16xf32>
    %bitcast_convert_type3A_198 = tpu.bitcast %max3A_197 : vector<16xf32> -> vector<16xi32>
    %shift_right_logical3A_199 = arith.constant 1 : i32
    %shift_right_logical3A_200 = vector.broadcast %shift_right_logical3A_199 : i32 to vector<16xi32>
    %shift_right_logical3A_201 = arith.shrui %bitcast_convert_type3A_198, %shift_right_logical3A_200 : vector<16xi32>
    %sub3A_202 = arith.constant 1597463007 : i32
    %sub3A_203 = vector.broadcast %sub3A_202 : i32 to vector<16xi32>
    %sub3A_204 = arith.subi %sub3A_203, %shift_right_logical3A_201 : vector<16xi32>
    %bitcast_convert_type3A_205 = tpu.bitcast %sub3A_204 : vector<16xi32> -> vector<16xf32>
    %mul3A_206 = arith.constant 5.000000e-01 : f32
    %mul3A_207 = vector.broadcast %mul3A_206 : f32 to vector<16xf32>
    %mul3A_208 = arith.mulf %mul3A_207, %max3A_197 : vector<16xf32>
    %mul3A_209 = arith.mulf %mul3A_208, %bitcast_convert_type3A_205 : vector<16xf32>
    %mul3A_210 = arith.mulf %mul3A_209, %bitcast_convert_type3A_205 : vector<16xf32>
    %sub3A_211 = arith.constant 1.500000e+00 : f32
    %sub3A_212 = vector.broadcast %sub3A_211 : f32 to vector<16xf32>
    %sub3A_213 = arith.subf %sub3A_212, %mul3A_210 : vector<16xf32>
    %mul3A_214 = arith.mulf %bitcast_convert_type3A_205, %sub3A_213 : vector<16xf32>
    %mul3A_215 = arith.constant 5.000000e-01 : f32
    %mul3A_216 = vector.broadcast %mul3A_215 : f32 to vector<16xf32>
    %mul3A_217 = arith.mulf %mul3A_216, %max3A_197 : vector<16xf32>
    %mul3A_218 = arith.mulf %mul3A_217, %mul3A_214 : vector<16xf32>
    %mul3A_219 = arith.mulf %mul3A_218, %mul3A_214 : vector<16xf32>
    %sub3A_220 = arith.constant 1.500000e+00 : f32
    %sub3A_221 = vector.broadcast %sub3A_220 : f32 to vector<16xf32>
    %sub3A_222 = arith.subf %sub3A_221, %mul3A_219 : vector<16xf32>
    %mul3A_223 = arith.mulf %mul3A_214, %sub3A_222 : vector<16xf32>
    %add3A_224 = arith.constant 0 : i32
    %add3A_225 = arith.addi %mul3A_84, %add3A_224 : i32
    %get3A_226 = arith.index_cast %add3A_225 : i32 to index
    %get3A_227 = arith.constant 32 : index
    %get3A_228 = tpu.vector_load %arg7[%get3A_226, %get3A_227] {strides = array<i32>} : memref<4x128xi32, #tpu.memory_space<vmem>>, vector<16xi32>,
    %mul3A_229 = arith.constant 2176 : i32
    %mul3A_230 = vector.broadcast %mul3A_229 : i32 to vector<16xi32>
    %mul3A_231 = arith.muli %get3A_228, %mul3A_230 : vector<16xi32>
    %add3A_232 = arith.addi %mul3A_231, %iota3A : vector<16xi32>
    %max3A_233 = arith.constant 1.000000e-24 : f32
    %max3A_234 = vector.broadcast %max3A_233 : f32 to vector<16xf32>
    %max3A_235 = arith.maximumf %scan3A_121#3, %max3A_234 : vector<16xf32>
    %bitcast_convert_type3A_236 = tpu.bitcast %max3A_235 : vector<16xf32> -> vector<16xi32>
    %shift_right_logical3A_237 = arith.constant 1 : i32
    %shift_right_logical3A_238 = vector.broadcast %shift_right_logical3A_237 : i32 to vector<16xi32>
    %shift_right_logical3A_239 = arith.shrui %bitcast_convert_type3A_236, %shift_right_logical3A_238 : vector<16xi32>
    %sub3A_240 = arith.constant 1597463007 : i32
    %sub3A_241 = vector.broadcast %sub3A_240 : i32 to vector<16xi32>
    %sub3A_242 = arith.subi %sub3A_241, %shift_right_logical3A_239 : vector<16xi32>
    %bitcast_convert_type3A_243 = tpu.bitcast %sub3A_242 : vector<16xi32> -> vector<16xf32>
    %mul3A_244 = arith.constant 5.000000e-01 : f32
    %mul3A_245 = vector.broadcast %mul3A_244 : f32 to vector<16xf32>
    %mul3A_246 = arith.mulf %mul3A_245, %max3A_235 : vector<16xf32>
    %mul3A_247 = arith.mulf %mul3A_246, %bitcast_convert_type3A_243 : vector<16xf32>
    %mul3A_248 = arith.mulf %mul3A_247, %bitcast_convert_type3A_243 : vector<16xf32>
    %sub3A_249 = arith.constant 1.500000e+00 : f32
    %sub3A_250 = vector.broadcast %sub3A_249 : f32 to vector<16xf32>
    %sub3A_251 = arith.subf %sub3A_250, %mul3A_248 : vector<16xf32>
    %mul3A_252 = arith.mulf %bitcast_convert_type3A_243, %sub3A_251 : vector<16xf32>
    %mul3A_253 = arith.constant 5.000000e-01 : f32
    %mul3A_254 = vector.broadcast %mul3A_253 : f32 to vector<16xf32>
    %mul3A_255 = arith.mulf %mul3A_254, %max3A_235 : vector<16xf32>
    %mul3A_256 = arith.mulf %mul3A_255, %mul3A_252 : vector<16xf32>
    %mul3A_257 = arith.mulf %mul3A_256, %mul3A_252 : vector<16xf32>
    %sub3A_258 = arith.constant 1.500000e+00 : f32
    %sub3A_259 = vector.broadcast %sub3A_258 : f32 to vector<16xf32>
    %sub3A_260 = arith.subf %sub3A_259, %mul3A_257 : vector<16xf32>
    %mul3A_261 = arith.mulf %mul3A_252, %sub3A_260 : vector<16xf32>
    %add3A_262 = arith.constant 0 : i32
    %add3A_263 = arith.addi %mul3A_84, %add3A_262 : i32
    %get3A_264 = arith.index_cast %add3A_263 : i32 to index
    %get3A_265 = arith.constant 48 : index
    %get3A_266 = tpu.vector_load %arg7[%get3A_264, %get3A_265] {strides = array<i32>} : memref<4x128xi32, #tpu.memory_space<vmem>>, vector<16xi32>,
    %mul3A_267 = arith.constant 2176 : i32
    %mul3A_268 = vector.broadcast %mul3A_267 : i32 to vector<16xi32>
    %mul3A_269 = arith.muli %get3A_266, %mul3A_268 : vector<16xi32>
    %add3A_270 = arith.addi %mul3A_269, %iota3A : vector<16xi32>
    %max3A_271 = arith.constant 1.000000e-24 : f32
    %max3A_272 = vector.broadcast %max3A_271 : f32 to vector<16xf32>
    %max3A_273 = arith.maximumf %scan3A_121#4, %max3A_272 : vector<16xf32>
    %bitcast_convert_type3A_274 = tpu.bitcast %max3A_273 : vector<16xf32> -> vector<16xi32>
    %shift_right_logical3A_275 = arith.constant 1 : i32
    %shift_right_logical3A_276 = vector.broadcast %shift_right_logical3A_275 : i32 to vector<16xi32>
    %shift_right_logical3A_277 = arith.shrui %bitcast_convert_type3A_274, %shift_right_logical3A_276 : vector<16xi32>
    %sub3A_278 = arith.constant 1597463007 : i32
    %sub3A_279 = vector.broadcast %sub3A_278 : i32 to vector<16xi32>
    %sub3A_280 = arith.subi %sub3A_279, %shift_right_logical3A_277 : vector<16xi32>
    %bitcast_convert_type3A_281 = tpu.bitcast %sub3A_280 : vector<16xi32> -> vector<16xf32>
    %mul3A_282 = arith.constant 5.000000e-01 : f32
    %mul3A_283 = vector.broadcast %mul3A_282 : f32 to vector<16xf32>
    %mul3A_284 = arith.mulf %mul3A_283, %max3A_273 : vector<16xf32>
    %mul3A_285 = arith.mulf %mul3A_284, %bitcast_convert_type3A_281 : vector<16xf32>
    %mul3A_286 = arith.mulf %mul3A_285, %bitcast_convert_type3A_281 : vector<16xf32>
    %sub3A_287 = arith.constant 1.500000e+00 : f32
    %sub3A_288 = vector.broadcast %sub3A_287 : f32 to vector<16xf32>
    %sub3A_289 = arith.subf %sub3A_288, %mul3A_286 : vector<16xf32>
    %mul3A_290 = arith.mulf %bitcast_convert_type3A_281, %sub3A_289 : vector<16xf32>
    %mul3A_291 = arith.constant 5.000000e-01 : f32
    %mul3A_292 = vector.broadcast %mul3A_291 : f32 to vector<16xf32>
    %mul3A_293 = arith.mulf %mul3A_292, %max3A_273 : vector<16xf32>
    %mul3A_294 = arith.mulf %mul3A_293, %mul3A_290 : vector<16xf32>
    %mul3A_295 = arith.mulf %mul3A_294, %mul3A_290 : vector<16xf32>
    %sub3A_296 = arith.constant 1.500000e+00 : f32
    %sub3A_297 = vector.broadcast %sub3A_296 : f32 to vector<16xf32>
    %sub3A_298 = arith.subf %sub3A_297, %mul3A_295 : vector<16xf32>
    %mul3A_299 = arith.mulf %mul3A_290, %sub3A_298 : vector<16xf32>
    %add3A_300 = arith.constant 0 : i32
    %add3A_301 = arith.addi %mul3A_84, %add3A_300 : i32
    %get3A_302 = arith.index_cast %add3A_301 : i32 to index
    %get3A_303 = arith.constant 64 : index
    %get3A_304 = tpu.vector_load %arg7[%get3A_302, %get3A_303] {strides = array<i32>} : memref<4x128xi32, #tpu.memory_space<vmem>>, vector<16xi32>,
    %mul3A_305 = arith.constant 2176 : i32
    %mul3A_306 = vector.broadcast %mul3A_305 : i32 to vector<16xi32>
    %mul3A_307 = arith.muli %get3A_304, %mul3A_306 : vector<16xi32>
    %add3A_308 = arith.addi %mul3A_307, %iota3A : vector<16xi32>
    %max3A_309 = arith.constant 1.000000e-24 : f32
    %max3A_310 = vector.broadcast %max3A_309 : f32 to vector<16xf32>
    %max3A_311 = arith.maximumf %scan3A_121#5, %max3A_310 : vector<16xf32>
    %bitcast_convert_type3A_312 = tpu.bitcast %max3A_311 : vector<16xf32> -> vector<16xi32>
    %shift_right_logical3A_313 = arith.constant 1 : i32
    %shift_right_logical3A_314 = vector.broadcast %shift_right_logical3A_313 : i32 to vector<16xi32>
    %shift_right_logical3A_315 = arith.shrui %bitcast_convert_type3A_312, %shift_right_logical3A_314 : vector<16xi32>
    %sub3A_316 = arith.constant 1597463007 : i32
    %sub3A_317 = vector.broadcast %sub3A_316 : i32 to vector<16xi32>
    %sub3A_318 = arith.subi %sub3A_317, %shift_right_logical3A_315 : vector<16xi32>
    %bitcast_convert_type3A_319 = tpu.bitcast %sub3A_318 : vector<16xi32> -> vector<16xf32>
    %mul3A_320 = arith.constant 5.000000e-01 : f32
    %mul3A_321 = vector.broadcast %mul3A_320 : f32 to vector<16xf32>
    %mul3A_322 = arith.mulf %mul3A_321, %max3A_311 : vector<16xf32>
    %mul3A_323 = arith.mulf %mul3A_322, %bitcast_convert_type3A_319 : vector<16xf32>
    %mul3A_324 = arith.mulf %mul3A_323, %bitcast_convert_type3A_319 : vector<16xf32>
    %sub3A_325 = arith.constant 1.500000e+00 : f32
    %sub3A_326 = vector.broadcast %sub3A_325 : f32 to vector<16xf32>
    %sub3A_327 = arith.subf %sub3A_326, %mul3A_324 : vector<16xf32>
    %mul3A_328 = arith.mulf %bitcast_convert_type3A_319, %sub3A_327 : vector<16xf32>
    %mul3A_329 = arith.constant 5.000000e-01 : f32
    %mul3A_330 = vector.broadcast %mul3A_329 : f32 to vector<16xf32>
    %mul3A_331 = arith.mulf %mul3A_330, %max3A_311 : vector<16xf32>
    %mul3A_332 = arith.mulf %mul3A_331, %mul3A_328 : vector<16xf32>
    %mul3A_333 = arith.mulf %mul3A_332, %mul3A_328 : vector<16xf32>
    %sub3A_334 = arith.constant 1.500000e+00 : f32
    %sub3A_335 = vector.broadcast %sub3A_334 : f32 to vector<16xf32>
    %sub3A_336 = arith.subf %sub3A_335, %mul3A_333 : vector<16xf32>
    %mul3A_337 = arith.mulf %mul3A_328, %sub3A_336 : vector<16xf32>
    %add3A_338 = arith.constant 0 : i32
    %add3A_339 = arith.addi %mul3A_84, %add3A_338 : i32
    %get3A_340 = arith.index_cast %add3A_339 : i32 to index
    %get3A_341 = arith.constant 80 : index
    %get3A_342 = tpu.vector_load %arg7[%get3A_340, %get3A_341] {strides = array<i32>} : memref<4x128xi32, #tpu.memory_space<vmem>>, vector<16xi32>,
    %mul3A_343 = arith.constant 2176 : i32
    %mul3A_344 = vector.broadcast %mul3A_343 : i32 to vector<16xi32>
    %mul3A_345 = arith.muli %get3A_342, %mul3A_344 : vector<16xi32>
    %add3A_346 = arith.addi %mul3A_345, %iota3A : vector<16xi32>
    %max3A_347 = arith.constant 1.000000e-24 : f32
    %max3A_348 = vector.broadcast %max3A_347 : f32 to vector<16xf32>
    %max3A_349 = arith.maximumf %scan3A_121#6, %max3A_348 : vector<16xf32>
    %bitcast_convert_type3A_350 = tpu.bitcast %max3A_349 : vector<16xf32> -> vector<16xi32>
    %shift_right_logical3A_351 = arith.constant 1 : i32
    %shift_right_logical3A_352 = vector.broadcast %shift_right_logical3A_351 : i32 to vector<16xi32>
    %shift_right_logical3A_353 = arith.shrui %bitcast_convert_type3A_350, %shift_right_logical3A_352 : vector<16xi32>
    %sub3A_354 = arith.constant 1597463007 : i32
    %sub3A_355 = vector.broadcast %sub3A_354 : i32 to vector<16xi32>
    %sub3A_356 = arith.subi %sub3A_355, %shift_right_logical3A_353 : vector<16xi32>
    %bitcast_convert_type3A_357 = tpu.bitcast %sub3A_356 : vector<16xi32> -> vector<16xf32>
    %mul3A_358 = arith.constant 5.000000e-01 : f32
    %mul3A_359 = vector.broadcast %mul3A_358 : f32 to vector<16xf32>
    %mul3A_360 = arith.mulf %mul3A_359, %max3A_349 : vector<16xf32>
    %mul3A_361 = arith.mulf %mul3A_360, %bitcast_convert_type3A_357 : vector<16xf32>
    %mul3A_362 = arith.mulf %mul3A_361, %bitcast_convert_type3A_357 : vector<16xf32>
    %sub3A_363 = arith.constant 1.500000e+00 : f32
    %sub3A_364 = vector.broadcast %sub3A_363 : f32 to vector<16xf32>
    %sub3A_365 = arith.subf %sub3A_364, %mul3A_362 : vector<16xf32>
    %mul3A_366 = arith.mulf %bitcast_convert_type3A_357, %sub3A_365 : vector<16xf32>
    %mul3A_367 = arith.constant 5.000000e-01 : f32
    %mul3A_368 = vector.broadcast %mul3A_367 : f32 to vector<16xf32>
    %mul3A_369 = arith.mulf %mul3A_368, %max3A_349 : vector<16xf32>
    %mul3A_370 = arith.mulf %mul3A_369, %mul3A_366 : vector<16xf32>
    %mul3A_371 = arith.mulf %mul3A_370, %mul3A_366 : vector<16xf32>
    %sub3A_372 = arith.constant 1.500000e+00 : f32
    %sub3A_373 = vector.broadcast %sub3A_372 : f32 to vector<16xf32>
    %sub3A_374 = arith.subf %sub3A_373, %mul3A_371 : vector<16xf32>
    %mul3A_375 = arith.mulf %mul3A_366, %sub3A_374 : vector<16xf32>
    %add3A_376 = arith.constant 0 : i32
    %add3A_377 = arith.addi %mul3A_84, %add3A_376 : i32
    %get3A_378 = arith.index_cast %add3A_377 : i32 to index
    %get3A_379 = arith.constant 96 : index
    %get3A_380 = tpu.vector_load %arg7[%get3A_378, %get3A_379] {strides = array<i32>} : memref<4x128xi32, #tpu.memory_space<vmem>>, vector<16xi32>,
    %mul3A_381 = arith.constant 2176 : i32
    %mul3A_382 = vector.broadcast %mul3A_381 : i32 to vector<16xi32>
    %mul3A_383 = arith.muli %get3A_380, %mul3A_382 : vector<16xi32>
    %add3A_384 = arith.addi %mul3A_383, %iota3A : vector<16xi32>
    %max3A_385 = arith.constant 1.000000e-24 : f32
    %max3A_386 = vector.broadcast %max3A_385 : f32 to vector<16xf32>
    %max3A_387 = arith.maximumf %scan3A_121#7, %max3A_386 : vector<16xf32>
    %bitcast_convert_type3A_388 = tpu.bitcast %max3A_387 : vector<16xf32> -> vector<16xi32>
    %shift_right_logical3A_389 = arith.constant 1 : i32
    %shift_right_logical3A_390 = vector.broadcast %shift_right_logical3A_389 : i32 to vector<16xi32>
    %shift_right_logical3A_391 = arith.shrui %bitcast_convert_type3A_388, %shift_right_logical3A_390 : vector<16xi32>
    %sub3A_392 = arith.constant 1597463007 : i32
    %sub3A_393 = vector.broadcast %sub3A_392 : i32 to vector<16xi32>
    %sub3A_394 = arith.subi %sub3A_393, %shift_right_logical3A_391 : vector<16xi32>
    %bitcast_convert_type3A_395 = tpu.bitcast %sub3A_394 : vector<16xi32> -> vector<16xf32>
    %mul3A_396 = arith.constant 5.000000e-01 : f32
    %mul3A_397 = vector.broadcast %mul3A_396 : f32 to vector<16xf32>
    %mul3A_398 = arith.mulf %mul3A_397, %max3A_387 : vector<16xf32>
    %mul3A_399 = arith.mulf %mul3A_398, %bitcast_convert_type3A_395 : vector<16xf32>
    %mul3A_400 = arith.mulf %mul3A_399, %bitcast_convert_type3A_395 : vector<16xf32>
    %sub3A_401 = arith.constant 1.500000e+00 : f32
    %sub3A_402 = vector.broadcast %sub3A_401 : f32 to vector<16xf32>
    %sub3A_403 = arith.subf %sub3A_402, %mul3A_400 : vector<16xf32>
    %mul3A_404 = arith.mulf %bitcast_convert_type3A_395, %sub3A_403 : vector<16xf32>
    %mul3A_405 = arith.constant 5.000000e-01 : f32
    %mul3A_406 = vector.broadcast %mul3A_405 : f32 to vector<16xf32>
    %mul3A_407 = arith.mulf %mul3A_406, %max3A_387 : vector<16xf32>
    %mul3A_408 = arith.mulf %mul3A_407, %mul3A_404 : vector<16xf32>
    %mul3A_409 = arith.mulf %mul3A_408, %mul3A_404 : vector<16xf32>
    %sub3A_410 = arith.constant 1.500000e+00 : f32
    %sub3A_411 = vector.broadcast %sub3A_410 : f32 to vector<16xf32>
    %sub3A_412 = arith.subf %sub3A_411, %mul3A_409 : vector<16xf32>
    %mul3A_413 = arith.mulf %mul3A_404, %sub3A_412 : vector<16xf32>
    %add3A_414 = arith.constant 0 : i32
    %add3A_415 = arith.addi %mul3A_84, %add3A_414 : i32
    %get3A_416 = arith.index_cast %add3A_415 : i32 to index
    %get3A_417 = arith.constant 112 : index
    %get3A_418 = tpu.vector_load %arg7[%get3A_416, %get3A_417] {strides = array<i32>} : memref<4x128xi32, #tpu.memory_space<vmem>>, vector<16xi32>,
    %mul3A_419 = arith.constant 2176 : i32
    %mul3A_420 = vector.broadcast %mul3A_419 : i32 to vector<16xi32>
    %mul3A_421 = arith.muli %get3A_418, %mul3A_420 : vector<16xi32>
    %add3A_422 = arith.addi %mul3A_421, %iota3A : vector<16xi32>
    %max3A_423 = arith.constant 1.000000e-24 : f32
    %max3A_424 = vector.broadcast %max3A_423 : f32 to vector<16xf32>
    %max3A_425 = arith.maximumf %scan3A_121#8, %max3A_424 : vector<16xf32>
    %bitcast_convert_type3A_426 = tpu.bitcast %max3A_425 : vector<16xf32> -> vector<16xi32>
    %shift_right_logical3A_427 = arith.constant 1 : i32
    %shift_right_logical3A_428 = vector.broadcast %shift_right_logical3A_427 : i32 to vector<16xi32>
    %shift_right_logical3A_429 = arith.shrui %bitcast_convert_type3A_426, %shift_right_logical3A_428 : vector<16xi32>
    %sub3A_430 = arith.constant 1597463007 : i32
    %sub3A_431 = vector.broadcast %sub3A_430 : i32 to vector<16xi32>
    %sub3A_432 = arith.subi %sub3A_431, %shift_right_logical3A_429 : vector<16xi32>
    %bitcast_convert_type3A_433 = tpu.bitcast %sub3A_432 : vector<16xi32> -> vector<16xf32>
    %mul3A_434 = arith.constant 5.000000e-01 : f32
    %mul3A_435 = vector.broadcast %mul3A_434 : f32 to vector<16xf32>
    %mul3A_436 = arith.mulf %mul3A_435, %max3A_425 : vector<16xf32>
    %mul3A_437 = arith.mulf %mul3A_436, %bitcast_convert_type3A_433 : vector<16xf32>
    %mul3A_438 = arith.mulf %mul3A_437, %bitcast_convert_type3A_433 : vector<16xf32>
    %sub3A_439 = arith.constant 1.500000e+00 : f32
    %sub3A_440 = vector.broadcast %sub3A_439 : f32 to vector<16xf32>
    %sub3A_441 = arith.subf %sub3A_440, %mul3A_438 : vector<16xf32>
    %mul3A_442 = arith.mulf %bitcast_convert_type3A_433, %sub3A_441 : vector<16xf32>
    %mul3A_443 = arith.constant 5.000000e-01 : f32
    %mul3A_444 = vector.broadcast %mul3A_443 : f32 to vector<16xf32>
    %mul3A_445 = arith.mulf %mul3A_444, %max3A_425 : vector<16xf32>
    %mul3A_446 = arith.mulf %mul3A_445, %mul3A_442 : vector<16xf32>
    %mul3A_447 = arith.mulf %mul3A_446, %mul3A_442 : vector<16xf32>
    %sub3A_448 = arith.constant 1.500000e+00 : f32
    %sub3A_449 = vector.broadcast %sub3A_448 : f32 to vector<16xf32>
    %sub3A_450 = arith.subf %sub3A_449, %mul3A_447 : vector<16xf32>
    %mul3A_451 = arith.mulf %mul3A_442, %sub3A_450 : vector<16xf32>
    %add3A_452 = arith.constant 1 : i32
    %add3A_453 = arith.addi %mul3A_84, %add3A_452 : i32
    %get3A_454 = arith.index_cast %add3A_453 : i32 to index
    %get3A_455 = arith.constant 0 : index
    %get3A_456 = tpu.vector_load %arg7[%get3A_454, %get3A_455] {strides = array<i32>} : memref<4x128xi32, #tpu.memory_space<vmem>>, vector<16xi32>,
    %mul3A_457 = arith.constant 2176 : i32
    %mul3A_458 = vector.broadcast %mul3A_457 : i32 to vector<16xi32>
    %mul3A_459 = arith.muli %get3A_456, %mul3A_458 : vector<16xi32>
    %add3A_460 = arith.addi %mul3A_459, %iota3A : vector<16xi32>
    %max3A_461 = arith.constant 1.000000e-24 : f32
    %max3A_462 = vector.broadcast %max3A_461 : f32 to vector<16xf32>
    %max3A_463 = arith.maximumf %scan3A_121#9, %max3A_462 : vector<16xf32>
    %bitcast_convert_type3A_464 = tpu.bitcast %max3A_463 : vector<16xf32> -> vector<16xi32>
    %shift_right_logical3A_465 = arith.constant 1 : i32
    %shift_right_logical3A_466 = vector.broadcast %shift_right_logical3A_465 : i32 to vector<16xi32>
    %shift_right_logical3A_467 = arith.shrui %bitcast_convert_type3A_464, %shift_right_logical3A_466 : vector<16xi32>
    %sub3A_468 = arith.constant 1597463007 : i32
    %sub3A_469 = vector.broadcast %sub3A_468 : i32 to vector<16xi32>
    %sub3A_470 = arith.subi %sub3A_469, %shift_right_logical3A_467 : vector<16xi32>
    %bitcast_convert_type3A_471 = tpu.bitcast %sub3A_470 : vector<16xi32> -> vector<16xf32>
    %mul3A_472 = arith.constant 5.000000e-01 : f32
    %mul3A_473 = vector.broadcast %mul3A_472 : f32 to vector<16xf32>
    %mul3A_474 = arith.mulf %mul3A_473, %max3A_463 : vector<16xf32>
    %mul3A_475 = arith.mulf %mul3A_474, %bitcast_convert_type3A_471 : vector<16xf32>
    %mul3A_476 = arith.mulf %mul3A_475, %bitcast_convert_type3A_471 : vector<16xf32>
    %sub3A_477 = arith.constant 1.500000e+00 : f32
    %sub3A_478 = vector.broadcast %sub3A_477 : f32 to vector<16xf32>
    %sub3A_479 = arith.subf %sub3A_478, %mul3A_476 : vector<16xf32>
    %mul3A_480 = arith.mulf %bitcast_convert_type3A_471, %sub3A_479 : vector<16xf32>
    %mul3A_481 = arith.constant 5.000000e-01 : f32
    %mul3A_482 = vector.broadcast %mul3A_481 : f32 to vector<16xf32>
    %mul3A_483 = arith.mulf %mul3A_482, %max3A_463 : vector<16xf32>
    %mul3A_484 = arith.mulf %mul3A_483, %mul3A_480 : vector<16xf32>
    %mul3A_485 = arith.mulf %mul3A_484, %mul3A_480 : vector<16xf32>
    %sub3A_486 = arith.constant 1.500000e+00 : f32
    %sub3A_487 = vector.broadcast %sub3A_486 : f32 to vector<16xf32>
    %sub3A_488 = arith.subf %sub3A_487, %mul3A_485 : vector<16xf32>
    %mul3A_489 = arith.mulf %mul3A_480, %sub3A_488 : vector<16xf32>
    %add3A_490 = arith.constant 1 : i32
    %add3A_491 = arith.addi %mul3A_84, %add3A_490 : i32
    %get3A_492 = arith.index_cast %add3A_491 : i32 to index
    %get3A_493 = arith.constant 16 : index
    %get3A_494 = tpu.vector_load %arg7[%get3A_492, %get3A_493] {strides = array<i32>} : memref<4x128xi32, #tpu.memory_space<vmem>>, vector<16xi32>,
    %mul3A_495 = arith.constant 2176 : i32
    %mul3A_496 = vector.broadcast %mul3A_495 : i32 to vector<16xi32>
    %mul3A_497 = arith.muli %get3A_494, %mul3A_496 : vector<16xi32>
    %add3A_498 = arith.addi %mul3A_497, %iota3A : vector<16xi32>
    %max3A_499 = arith.constant 1.000000e-24 : f32
    %max3A_500 = vector.broadcast %max3A_499 : f32 to vector<16xf32>
    %max3A_501 = arith.maximumf %scan3A_121#10, %max3A_500 : vector<16xf32>
    %bitcast_convert_type3A_502 = tpu.bitcast %max3A_501 : vector<16xf32> -> vector<16xi32>
    %shift_right_logical3A_503 = arith.constant 1 : i32
    %shift_right_logical3A_504 = vector.broadcast %shift_right_logical3A_503 : i32 to vector<16xi32>
    %shift_right_logical3A_505 = arith.shrui %bitcast_convert_type3A_502, %shift_right_logical3A_504 : vector<16xi32>
    %sub3A_506 = arith.constant 1597463007 : i32
    %sub3A_507 = vector.broadcast %sub3A_506 : i32 to vector<16xi32>
    %sub3A_508 = arith.subi %sub3A_507, %shift_right_logical3A_505 : vector<16xi32>
    %bitcast_convert_type3A_509 = tpu.bitcast %sub3A_508 : vector<16xi32> -> vector<16xf32>
    %mul3A_510 = arith.constant 5.000000e-01 : f32
    %mul3A_511 = vector.broadcast %mul3A_510 : f32 to vector<16xf32>
    %mul3A_512 = arith.mulf %mul3A_511, %max3A_501 : vector<16xf32>
    %mul3A_513 = arith.mulf %mul3A_512, %bitcast_convert_type3A_509 : vector<16xf32>
    %mul3A_514 = arith.mulf %mul3A_513, %bitcast_convert_type3A_509 : vector<16xf32>
    %sub3A_515 = arith.constant 1.500000e+00 : f32
    %sub3A_516 = vector.broadcast %sub3A_515 : f32 to vector<16xf32>
    %sub3A_517 = arith.subf %sub3A_516, %mul3A_514 : vector<16xf32>
    %mul3A_518 = arith.mulf %bitcast_convert_type3A_509, %sub3A_517 : vector<16xf32>
    %mul3A_519 = arith.constant 5.000000e-01 : f32
    %mul3A_520 = vector.broadcast %mul3A_519 : f32 to vector<16xf32>
    %mul3A_521 = arith.mulf %mul3A_520, %max3A_501 : vector<16xf32>
    %mul3A_522 = arith.mulf %mul3A_521, %mul3A_518 : vector<16xf32>
    %mul3A_523 = arith.mulf %mul3A_522, %mul3A_518 : vector<16xf32>
    %sub3A_524 = arith.constant 1.500000e+00 : f32
    %sub3A_525 = vector.broadcast %sub3A_524 : f32 to vector<16xf32>
    %sub3A_526 = arith.subf %sub3A_525, %mul3A_523 : vector<16xf32>
    %mul3A_527 = arith.mulf %mul3A_518, %sub3A_526 : vector<16xf32>
    %add3A_528 = arith.constant 1 : i32
    %add3A_529 = arith.addi %mul3A_84, %add3A_528 : i32
    %get3A_530 = arith.index_cast %add3A_529 : i32 to index
    %get3A_531 = arith.constant 32 : index
    %get3A_532 = tpu.vector_load %arg7[%get3A_530, %get3A_531] {strides = array<i32>} : memref<4x128xi32, #tpu.memory_space<vmem>>, vector<16xi32>,
    %mul3A_533 = arith.constant 2176 : i32
    %mul3A_534 = vector.broadcast %mul3A_533 : i32 to vector<16xi32>
    %mul3A_535 = arith.muli %get3A_532, %mul3A_534 : vector<16xi32>
    %add3A_536 = arith.addi %mul3A_535, %iota3A : vector<16xi32>
    %max3A_537 = arith.constant 1.000000e-24 : f32
    %max3A_538 = vector.broadcast %max3A_537 : f32 to vector<16xf32>
    %max3A_539 = arith.maximumf %scan3A_121#11, %max3A_538 : vector<16xf32>
    %bitcast_convert_type3A_540 = tpu.bitcast %max3A_539 : vector<16xf32> -> vector<16xi32>
    %shift_right_logical3A_541 = arith.constant 1 : i32
    %shift_right_logical3A_542 = vector.broadcast %shift_right_logical3A_541 : i32 to vector<16xi32>
    %shift_right_logical3A_543 = arith.shrui %bitcast_convert_type3A_540, %shift_right_logical3A_542 : vector<16xi32>
    %sub3A_544 = arith.constant 1597463007 : i32
    %sub3A_545 = vector.broadcast %sub3A_544 : i32 to vector<16xi32>
    %sub3A_546 = arith.subi %sub3A_545, %shift_right_logical3A_543 : vector<16xi32>
    %bitcast_convert_type3A_547 = tpu.bitcast %sub3A_546 : vector<16xi32> -> vector<16xf32>
    %mul3A_548 = arith.constant 5.000000e-01 : f32
    %mul3A_549 = vector.broadcast %mul3A_548 : f32 to vector<16xf32>
    %mul3A_550 = arith.mulf %mul3A_549, %max3A_539 : vector<16xf32>
    %mul3A_551 = arith.mulf %mul3A_550, %bitcast_convert_type3A_547 : vector<16xf32>
    %mul3A_552 = arith.mulf %mul3A_551, %bitcast_convert_type3A_547 : vector<16xf32>
    %sub3A_553 = arith.constant 1.500000e+00 : f32
    %sub3A_554 = vector.broadcast %sub3A_553 : f32 to vector<16xf32>
    %sub3A_555 = arith.subf %sub3A_554, %mul3A_552 : vector<16xf32>
    %mul3A_556 = arith.mulf %bitcast_convert_type3A_547, %sub3A_555 : vector<16xf32>
    %mul3A_557 = arith.constant 5.000000e-01 : f32
    %mul3A_558 = vector.broadcast %mul3A_557 : f32 to vector<16xf32>
    %mul3A_559 = arith.mulf %mul3A_558, %max3A_539 : vector<16xf32>
    %mul3A_560 = arith.mulf %mul3A_559, %mul3A_556 : vector<16xf32>
    %mul3A_561 = arith.mulf %mul3A_560, %mul3A_556 : vector<16xf32>
    %sub3A_562 = arith.constant 1.500000e+00 : f32
    %sub3A_563 = vector.broadcast %sub3A_562 : f32 to vector<16xf32>
    %sub3A_564 = arith.subf %sub3A_563, %mul3A_561 : vector<16xf32>
    %mul3A_565 = arith.mulf %mul3A_556, %sub3A_564 : vector<16xf32>
    %add3A_566 = arith.constant 1 : i32
    %add3A_567 = arith.addi %mul3A_84, %add3A_566 : i32
    %get3A_568 = arith.index_cast %add3A_567 : i32 to index
    %get3A_569 = arith.constant 48 : index
    %get3A_570 = tpu.vector_load %arg7[%get3A_568, %get3A_569] {strides = array<i32>} : memref<4x128xi32, #tpu.memory_space<vmem>>, vector<16xi32>,
    %mul3A_571 = arith.constant 2176 : i32
    %mul3A_572 = vector.broadcast %mul3A_571 : i32 to vector<16xi32>
    %mul3A_573 = arith.muli %get3A_570, %mul3A_572 : vector<16xi32>
    %add3A_574 = arith.addi %mul3A_573, %iota3A : vector<16xi32>
    %max3A_575 = arith.constant 1.000000e-24 : f32
    %max3A_576 = vector.broadcast %max3A_575 : f32 to vector<16xf32>
    %max3A_577 = arith.maximumf %scan3A_121#12, %max3A_576 : vector<16xf32>
    %bitcast_convert_type3A_578 = tpu.bitcast %max3A_577 : vector<16xf32> -> vector<16xi32>
    %shift_right_logical3A_579 = arith.constant 1 : i32
    %shift_right_logical3A_580 = vector.broadcast %shift_right_logical3A_579 : i32 to vector<16xi32>
    %shift_right_logical3A_581 = arith.shrui %bitcast_convert_type3A_578, %shift_right_logical3A_580 : vector<16xi32>
    %sub3A_582 = arith.constant 1597463007 : i32
    %sub3A_583 = vector.broadcast %sub3A_582 : i32 to vector<16xi32>
    %sub3A_584 = arith.subi %sub3A_583, %shift_right_logical3A_581 : vector<16xi32>
    %bitcast_convert_type3A_585 = tpu.bitcast %sub3A_584 : vector<16xi32> -> vector<16xf32>
    %mul3A_586 = arith.constant 5.000000e-01 : f32
    %mul3A_587 = vector.broadcast %mul3A_586 : f32 to vector<16xf32>
    %mul3A_588 = arith.mulf %mul3A_587, %max3A_577 : vector<16xf32>
    %mul3A_589 = arith.mulf %mul3A_588, %bitcast_convert_type3A_585 : vector<16xf32>
    %mul3A_590 = arith.mulf %mul3A_589, %bitcast_convert_type3A_585 : vector<16xf32>
    %sub3A_591 = arith.constant 1.500000e+00 : f32
    %sub3A_592 = vector.broadcast %sub3A_591 : f32 to vector<16xf32>
    %sub3A_593 = arith.subf %sub3A_592, %mul3A_590 : vector<16xf32>
    %mul3A_594 = arith.mulf %bitcast_convert_type3A_585, %sub3A_593 : vector<16xf32>
    %mul3A_595 = arith.constant 5.000000e-01 : f32
    %mul3A_596 = vector.broadcast %mul3A_595 : f32 to vector<16xf32>
    %mul3A_597 = arith.mulf %mul3A_596, %max3A_577 : vector<16xf32>
    %mul3A_598 = arith.mulf %mul3A_597, %mul3A_594 : vector<16xf32>
    %mul3A_599 = arith.mulf %mul3A_598, %mul3A_594 : vector<16xf32>
    %sub3A_600 = arith.constant 1.500000e+00 : f32
    %sub3A_601 = vector.broadcast %sub3A_600 : f32 to vector<16xf32>
    %sub3A_602 = arith.subf %sub3A_601, %mul3A_599 : vector<16xf32>
    %mul3A_603 = arith.mulf %mul3A_594, %sub3A_602 : vector<16xf32>
    %add3A_604 = arith.constant 1 : i32
    %add3A_605 = arith.addi %mul3A_84, %add3A_604 : i32
    %get3A_606 = arith.index_cast %add3A_605 : i32 to index
    %get3A_607 = arith.constant 64 : index
    %get3A_608 = tpu.vector_load %arg7[%get3A_606, %get3A_607] {strides = array<i32>} : memref<4x128xi32, #tpu.memory_space<vmem>>, vector<16xi32>,
    %mul3A_609 = arith.constant 2176 : i32
    %mul3A_610 = vector.broadcast %mul3A_609 : i32 to vector<16xi32>
    %mul3A_611 = arith.muli %get3A_608, %mul3A_610 : vector<16xi32>
    %add3A_612 = arith.addi %mul3A_611, %iota3A : vector<16xi32>
    %max3A_613 = arith.constant 1.000000e-24 : f32
    %max3A_614 = vector.broadcast %max3A_613 : f32 to vector<16xf32>
    %max3A_615 = arith.maximumf %scan3A_121#13, %max3A_614 : vector<16xf32>
    %bitcast_convert_type3A_616 = tpu.bitcast %max3A_615 : vector<16xf32> -> vector<16xi32>
    %shift_right_logical3A_617 = arith.constant 1 : i32
    %shift_right_logical3A_618 = vector.broadcast %shift_right_logical3A_617 : i32 to vector<16xi32>
    %shift_right_logical3A_619 = arith.shrui %bitcast_convert_type3A_616, %shift_right_logical3A_618 : vector<16xi32>
    %sub3A_620 = arith.constant 1597463007 : i32
    %sub3A_621 = vector.broadcast %sub3A_620 : i32 to vector<16xi32>
    %sub3A_622 = arith.subi %sub3A_621, %shift_right_logical3A_619 : vector<16xi32>
    %bitcast_convert_type3A_623 = tpu.bitcast %sub3A_622 : vector<16xi32> -> vector<16xf32>
    %mul3A_624 = arith.constant 5.000000e-01 : f32
    %mul3A_625 = vector.broadcast %mul3A_624 : f32 to vector<16xf32>
    %mul3A_626 = arith.mulf %mul3A_625, %max3A_615 : vector<16xf32>
    %mul3A_627 = arith.mulf %mul3A_626, %bitcast_convert_type3A_623 : vector<16xf32>
    %mul3A_628 = arith.mulf %mul3A_627, %bitcast_convert_type3A_623 : vector<16xf32>
    %sub3A_629 = arith.constant 1.500000e+00 : f32
    %sub3A_630 = vector.broadcast %sub3A_629 : f32 to vector<16xf32>
    %sub3A_631 = arith.subf %sub3A_630, %mul3A_628 : vector<16xf32>
    %mul3A_632 = arith.mulf %bitcast_convert_type3A_623, %sub3A_631 : vector<16xf32>
    %mul3A_633 = arith.constant 5.000000e-01 : f32
    %mul3A_634 = vector.broadcast %mul3A_633 : f32 to vector<16xf32>
    %mul3A_635 = arith.mulf %mul3A_634, %max3A_615 : vector<16xf32>
    %mul3A_636 = arith.mulf %mul3A_635, %mul3A_632 : vector<16xf32>
    %mul3A_637 = arith.mulf %mul3A_636, %mul3A_632 : vector<16xf32>
    %sub3A_638 = arith.constant 1.500000e+00 : f32
    %sub3A_639 = vector.broadcast %sub3A_638 : f32 to vector<16xf32>
    %sub3A_640 = arith.subf %sub3A_639, %mul3A_637 : vector<16xf32>
    %mul3A_641 = arith.mulf %mul3A_632, %sub3A_640 : vector<16xf32>
    %add3A_642 = arith.constant 1 : i32
    %add3A_643 = arith.addi %mul3A_84, %add3A_642 : i32
    %get3A_644 = arith.index_cast %add3A_643 : i32 to index
    %get3A_645 = arith.constant 80 : index
    %get3A_646 = tpu.vector_load %arg7[%get3A_644, %get3A_645] {strides = array<i32>} : memref<4x128xi32, #tpu.memory_space<vmem>>, vector<16xi32>,
    %mul3A_647 = arith.constant 2176 : i32
    %mul3A_648 = vector.broadcast %mul3A_647 : i32 to vector<16xi32>
    %mul3A_649 = arith.muli %get3A_646, %mul3A_648 : vector<16xi32>
    %add3A_650 = arith.addi %mul3A_649, %iota3A : vector<16xi32>
    %max3A_651 = arith.constant 1.000000e-24 : f32
    %max3A_652 = vector.broadcast %max3A_651 : f32 to vector<16xf32>
    %max3A_653 = arith.maximumf %scan3A_121#14, %max3A_652 : vector<16xf32>
    %bitcast_convert_type3A_654 = tpu.bitcast %max3A_653 : vector<16xf32> -> vector<16xi32>
    %shift_right_logical3A_655 = arith.constant 1 : i32
    %shift_right_logical3A_656 = vector.broadcast %shift_right_logical3A_655 : i32 to vector<16xi32>
    %shift_right_logical3A_657 = arith.shrui %bitcast_convert_type3A_654, %shift_right_logical3A_656 : vector<16xi32>
    %sub3A_658 = arith.constant 1597463007 : i32
    %sub3A_659 = vector.broadcast %sub3A_658 : i32 to vector<16xi32>
    %sub3A_660 = arith.subi %sub3A_659, %shift_right_logical3A_657 : vector<16xi32>
    %bitcast_convert_type3A_661 = tpu.bitcast %sub3A_660 : vector<16xi32> -> vector<16xf32>
    %mul3A_662 = arith.constant 5.000000e-01 : f32
    %mul3A_663 = vector.broadcast %mul3A_662 : f32 to vector<16xf32>
    %mul3A_664 = arith.mulf %mul3A_663, %max3A_653 : vector<16xf32>
    %mul3A_665 = arith.mulf %mul3A_664, %bitcast_convert_type3A_661 : vector<16xf32>
    %mul3A_666 = arith.mulf %mul3A_665, %bitcast_convert_type3A_661 : vector<16xf32>
    %sub3A_667 = arith.constant 1.500000e+00 : f32
    %sub3A_668 = vector.broadcast %sub3A_667 : f32 to vector<16xf32>
    %sub3A_669 = arith.subf %sub3A_668, %mul3A_666 : vector<16xf32>
    %mul3A_670 = arith.mulf %bitcast_convert_type3A_661, %sub3A_669 : vector<16xf32>
    %mul3A_671 = arith.constant 5.000000e-01 : f32
    %mul3A_672 = vector.broadcast %mul3A_671 : f32 to vector<16xf32>
    %mul3A_673 = arith.mulf %mul3A_672, %max3A_653 : vector<16xf32>
    %mul3A_674 = arith.mulf %mul3A_673, %mul3A_670 : vector<16xf32>
    %mul3A_675 = arith.mulf %mul3A_674, %mul3A_670 : vector<16xf32>
    %sub3A_676 = arith.constant 1.500000e+00 : f32
    %sub3A_677 = vector.broadcast %sub3A_676 : f32 to vector<16xf32>
    %sub3A_678 = arith.subf %sub3A_677, %mul3A_675 : vector<16xf32>
    %mul3A_679 = arith.mulf %mul3A_670, %sub3A_678 : vector<16xf32>
    %add3A_680 = arith.constant 1 : i32
    %add3A_681 = arith.addi %mul3A_84, %add3A_680 : i32
    %get3A_682 = arith.index_cast %add3A_681 : i32 to index
    %get3A_683 = arith.constant 96 : index
    %get3A_684 = tpu.vector_load %arg7[%get3A_682, %get3A_683] {strides = array<i32>} : memref<4x128xi32, #tpu.memory_space<vmem>>, vector<16xi32>,
    %mul3A_685 = arith.constant 2176 : i32
    %mul3A_686 = vector.broadcast %mul3A_685 : i32 to vector<16xi32>
    %mul3A_687 = arith.muli %get3A_684, %mul3A_686 : vector<16xi32>
    %add3A_688 = arith.addi %mul3A_687, %iota3A : vector<16xi32>
    %max3A_689 = arith.constant 1.000000e-24 : f32
    %max3A_690 = vector.broadcast %max3A_689 : f32 to vector<16xf32>
    %max3A_691 = arith.maximumf %scan3A_121#15, %max3A_690 : vector<16xf32>
    %bitcast_convert_type3A_692 = tpu.bitcast %max3A_691 : vector<16xf32> -> vector<16xi32>
    %shift_right_logical3A_693 = arith.constant 1 : i32
    %shift_right_logical3A_694 = vector.broadcast %shift_right_logical3A_693 : i32 to vector<16xi32>
    %shift_right_logical3A_695 = arith.shrui %bitcast_convert_type3A_692, %shift_right_logical3A_694 : vector<16xi32>
    %sub3A_696 = arith.constant 1597463007 : i32
    %sub3A_697 = vector.broadcast %sub3A_696 : i32 to vector<16xi32>
    %sub3A_698 = arith.subi %sub3A_697, %shift_right_logical3A_695 : vector<16xi32>
    %bitcast_convert_type3A_699 = tpu.bitcast %sub3A_698 : vector<16xi32> -> vector<16xf32>
    %mul3A_700 = arith.constant 5.000000e-01 : f32
    %mul3A_701 = vector.broadcast %mul3A_700 : f32 to vector<16xf32>
    %mul3A_702 = arith.mulf %mul3A_701, %max3A_691 : vector<16xf32>
    %mul3A_703 = arith.mulf %mul3A_702, %bitcast_convert_type3A_699 : vector<16xf32>
    %mul3A_704 = arith.mulf %mul3A_703, %bitcast_convert_type3A_699 : vector<16xf32>
    %sub3A_705 = arith.constant 1.500000e+00 : f32
    %sub3A_706 = vector.broadcast %sub3A_705 : f32 to vector<16xf32>
    %sub3A_707 = arith.subf %sub3A_706, %mul3A_704 : vector<16xf32>
    %mul3A_708 = arith.mulf %bitcast_convert_type3A_699, %sub3A_707 : vector<16xf32>
    %mul3A_709 = arith.constant 5.000000e-01 : f32
    %mul3A_710 = vector.broadcast %mul3A_709 : f32 to vector<16xf32>
    %mul3A_711 = arith.mulf %mul3A_710, %max3A_691 : vector<16xf32>
    %mul3A_712 = arith.mulf %mul3A_711, %mul3A_708 : vector<16xf32>
    %mul3A_713 = arith.mulf %mul3A_712, %mul3A_708 : vector<16xf32>
    %sub3A_714 = arith.constant 1.500000e+00 : f32
    %sub3A_715 = vector.broadcast %sub3A_714 : f32 to vector<16xf32>
    %sub3A_716 = arith.subf %sub3A_715, %mul3A_713 : vector<16xf32>
    %mul3A_717 = arith.mulf %mul3A_708, %sub3A_716 : vector<16xf32>
    %add3A_718 = arith.constant 1 : i32
    %add3A_719 = arith.addi %mul3A_84, %add3A_718 : i32
    %get3A_720 = arith.index_cast %add3A_719 : i32 to index
    %get3A_721 = arith.constant 112 : index
    %get3A_722 = tpu.vector_load %arg7[%get3A_720, %get3A_721] {strides = array<i32>} : memref<4x128xi32, #tpu.memory_space<vmem>>, vector<16xi32>,
    %mul3A_723 = arith.constant 2176 : i32
    %mul3A_724 = vector.broadcast %mul3A_723 : i32 to vector<16xi32>
    %mul3A_725 = arith.muli %get3A_722, %mul3A_724 : vector<16xi32>
    %add3A_726 = arith.addi %mul3A_725, %iota3A : vector<16xi32>
    %scan3A_727 = arith.constant 0 : i32
    %scan3A_728 = arith.constant 0 : i32
    %scan3A_729 = arith.constant 128 : i32
    %scan3A_730 = arith.addi %scan3A_728, %scan3A_729 : i32
    %scan3A_731 = arith.constant 4 : i32
    scf.for %scan3A_1449 = %scan3A_728 to %scan3A_730 step %scan3A_731  : i32 {
      %mul3A_1450 = arith.constant 17 : i32
      %mul3A_1451 = arith.muli %scan3A_1449, %mul3A_1450 : i32
      %get3A_1452 = arith.constant 0 : i32
      %get3A_1453 = arith.index_cast %scan3A_1449 : i32 to index
      %get3A_1454 = arith.index_cast %get3A_1452 : i32 to index
      %get3A_1455 = arith.constant 0 : index
      %get3A_1456 = tpu.vector_load %arg5[%get3A_1453, %get3A_1454, %get3A_1455] {strides = array<i32>} : memref<128x2x128xf32, #tpu.memory_space<vmem>>, vector<16xf32>,
      %mul3A_1457 = arith.mulf %get3A_1456, %mul3A_148 : vector<16xf32>
      %add3A_1458 = vector.broadcast %mul3A_1451 : i32 to vector<16xi32>
      %add3A_1459 = arith.addi %add3A_156, %add3A_1458 : vector<16xi32>
      tpu.vector_store_idx %arg8[%add3A_1459], %mul3A_1457 {add = true} : memref<43536xf32, #tpu.memory_space<vmem>>[vector<16xi32>], vector<16xf32>,
      %get3A_1460 = arith.constant 0 : i32
      %get3A_1461 = arith.index_cast %scan3A_1449 : i32 to index
      %get3A_1462 = arith.index_cast %get3A_1460 : i32 to index
      %get3A_1463 = arith.constant 16 : index
      %get3A_1464 = tpu.vector_load %arg5[%get3A_1461, %get3A_1462, %get3A_1463] {strides = array<i32>} : memref<128x2x128xf32, #tpu.memory_space<vmem>>, vector<16xf32>,
      %mul3A_1465 = arith.mulf %get3A_1464, %mul3A_185 : vector<16xf32>
      %add3A_1466 = vector.broadcast %mul3A_1451 : i32 to vector<16xi32>
      %add3A_1467 = arith.addi %add3A_194, %add3A_1466 : vector<16xi32>
      tpu.vector_store_idx %arg8[%add3A_1467], %mul3A_1465 {add = true} : memref<43536xf32, #tpu.memory_space<vmem>>[vector<16xi32>], vector<16xf32>,
      %get3A_1468 = arith.constant 0 : i32
      %get3A_1469 = arith.index_cast %scan3A_1449 : i32 to index
      %get3A_1470 = arith.index_cast %get3A_1468 : i32 to index
      %get3A_1471 = arith.constant 32 : index
      %get3A_1472 = tpu.vector_load %arg5[%get3A_1469, %get3A_1470, %get3A_1471] {strides = array<i32>} : memref<128x2x128xf32, #tpu.memory_space<vmem>>, vector<16xf32>,
      %mul3A_1473 = arith.mulf %get3A_1472, %mul3A_223 : vector<16xf32>
      %add3A_1474 = vector.broadcast %mul3A_1451 : i32 to vector<16xi32>
      %add3A_1475 = arith.addi %add3A_232, %add3A_1474 : vector<16xi32>
      tpu.vector_store_idx %arg8[%add3A_1475], %mul3A_1473 {add = true} : memref<43536xf32, #tpu.memory_space<vmem>>[vector<16xi32>], vector<16xf32>,
      %get3A_1476 = arith.constant 0 : i32
      %get3A_1477 = arith.index_cast %scan3A_1449 : i32 to index
      %get3A_1478 = arith.index_cast %get3A_1476 : i32 to index
      %get3A_1479 = arith.constant 48 : index
      %get3A_1480 = tpu.vector_load %arg5[%get3A_1477, %get3A_1478, %get3A_1479] {strides = array<i32>} : memref<128x2x128xf32, #tpu.memory_space<vmem>>, vector<16xf32>,
      %mul3A_1481 = arith.mulf %get3A_1480, %mul3A_261 : vector<16xf32>
      %add3A_1482 = vector.broadcast %mul3A_1451 : i32 to vector<16xi32>
      %add3A_1483 = arith.addi %add3A_270, %add3A_1482 : vector<16xi32>
      tpu.vector_store_idx %arg8[%add3A_1483], %mul3A_1481 {add = true} : memref<43536xf32, #tpu.memory_space<vmem>>[vector<16xi32>], vector<16xf32>,
      %get3A_1484 = arith.constant 0 : i32
      %get3A_1485 = arith.index_cast %scan3A_1449 : i32 to index
      %get3A_1486 = arith.index_cast %get3A_1484 : i32 to index
      %get3A_1487 = arith.constant 64 : index
      %get3A_1488 = tpu.vector_load %arg5[%get3A_1485, %get3A_1486, %get3A_1487] {strides = array<i32>} : memref<128x2x128xf32, #tpu.memory_space<vmem>>, vector<16xf32>,
      %mul3A_1489 = arith.mulf %get3A_1488, %mul3A_299 : vector<16xf32>
      %add3A_1490 = vector.broadcast %mul3A_1451 : i32 to vector<16xi32>
      %add3A_1491 = arith.addi %add3A_308, %add3A_1490 : vector<16xi32>
      tpu.vector_store_idx %arg8[%add3A_1491], %mul3A_1489 {add = true} : memref<43536xf32, #tpu.memory_space<vmem>>[vector<16xi32>], vector<16xf32>,
      %get3A_1492 = arith.constant 0 : i32
      %get3A_1493 = arith.index_cast %scan3A_1449 : i32 to index
      %get3A_1494 = arith.index_cast %get3A_1492 : i32 to index
      %get3A_1495 = arith.constant 80 : index
      %get3A_1496 = tpu.vector_load %arg5[%get3A_1493, %get3A_1494, %get3A_1495] {strides = array<i32>} : memref<128x2x128xf32, #tpu.memory_space<vmem>>, vector<16xf32>,
      %mul3A_1497 = arith.mulf %get3A_1496, %mul3A_337 : vector<16xf32>
      %add3A_1498 = vector.broadcast %mul3A_1451 : i32 to vector<16xi32>
      %add3A_1499 = arith.addi %add3A_346, %add3A_1498 : vector<16xi32>
      tpu.vector_store_idx %arg8[%add3A_1499], %mul3A_1497 {add = true} : memref<43536xf32, #tpu.memory_space<vmem>>[vector<16xi32>], vector<16xf32>,
      %get3A_1500 = arith.constant 0 : i32
      %get3A_1501 = arith.index_cast %scan3A_1449 : i32 to index
      %get3A_1502 = arith.index_cast %get3A_1500 : i32 to index
      %get3A_1503 = arith.constant 96 : index
      %get3A_1504 = tpu.vector_load %arg5[%get3A_1501, %get3A_1502, %get3A_1503] {strides = array<i32>} : memref<128x2x128xf32, #tpu.memory_space<vmem>>, vector<16xf32>,
      %mul3A_1505 = arith.mulf %get3A_1504, %mul3A_375 : vector<16xf32>
      %add3A_1506 = vector.broadcast %mul3A_1451 : i32 to vector<16xi32>
      %add3A_1507 = arith.addi %add3A_384, %add3A_1506 : vector<16xi32>
      tpu.vector_store_idx %arg8[%add3A_1507], %mul3A_1505 {add = true} : memref<43536xf32, #tpu.memory_space<vmem>>[vector<16xi32>], vector<16xf32>,
      %get3A_1508 = arith.constant 0 : i32
      %get3A_1509 = arith.index_cast %scan3A_1449 : i32 to index
      %get3A_1510 = arith.index_cast %get3A_1508 : i32 to index
      %get3A_1511 = arith.constant 112 : index
      %get3A_1512 = tpu.vector_load %arg5[%get3A_1509, %get3A_1510, %get3A_1511] {strides = array<i32>} : memref<128x2x128xf32, #tpu.memory_space<vmem>>, vector<16xf32>,
      %mul3A_1513 = arith.mulf %get3A_1512, %mul3A_413 : vector<16xf32>
      %add3A_1514 = vector.broadcast %mul3A_1451 : i32 to vector<16xi32>
      %add3A_1515 = arith.addi %add3A_422, %add3A_1514 : vector<16xi32>
      tpu.vector_store_idx %arg8[%add3A_1515], %mul3A_1513 {add = true} : memref<43536xf32, #tpu.memory_space<vmem>>[vector<16xi32>], vector<16xf32>,
      %get3A_1516 = arith.constant 1 : i32
      %get3A_1517 = arith.index_cast %scan3A_1449 : i32 to index
      %get3A_1518 = arith.index_cast %get3A_1516 : i32 to index
      %get3A_1519 = arith.constant 0 : index
      %get3A_1520 = tpu.vector_load %arg5[%get3A_1517, %get3A_1518, %get3A_1519] {strides = array<i32>} : memref<128x2x128xf32, #tpu.memory_space<vmem>>, vector<16xf32>,
      %mul3A_1521 = arith.mulf %get3A_1520, %mul3A_451 : vector<16xf32>
      %add3A_1522 = vector.broadcast %mul3A_1451 : i32 to vector<16xi32>
      %add3A_1523 = arith.addi %add3A_460, %add3A_1522 : vector<16xi32>
      tpu.vector_store_idx %arg8[%add3A_1523], %mul3A_1521 {add = true} : memref<43536xf32, #tpu.memory_space<vmem>>[vector<16xi32>], vector<16xf32>,
      %get3A_1524 = arith.constant 1 : i32
      %get3A_1525 = arith.index_cast %scan3A_1449 : i32 to index
      %get3A_1526 = arith.index_cast %get3A_1524 : i32 to index
      %get3A_1527 = arith.constant 16 : index
      %get3A_1528 = tpu.vector_load %arg5[%get3A_1525, %get3A_1526, %get3A_1527] {strides = array<i32>} : memref<128x2x128xf32, #tpu.memory_space<vmem>>, vector<16xf32>,
      %mul3A_1529 = arith.mulf %get3A_1528, %mul3A_489 : vector<16xf32>
      %add3A_1530 = vector.broadcast %mul3A_1451 : i32 to vector<16xi32>
      %add3A_1531 = arith.addi %add3A_498, %add3A_1530 : vector<16xi32>
      tpu.vector_store_idx %arg8[%add3A_1531], %mul3A_1529 {add = true} : memref<43536xf32, #tpu.memory_space<vmem>>[vector<16xi32>], vector<16xf32>,
      %get3A_1532 = arith.constant 1 : i32
      %get3A_1533 = arith.index_cast %scan3A_1449 : i32 to index
      %get3A_1534 = arith.index_cast %get3A_1532 : i32 to index
      %get3A_1535 = arith.constant 32 : index
      %get3A_1536 = tpu.vector_load %arg5[%get3A_1533, %get3A_1534, %get3A_1535] {strides = array<i32>} : memref<128x2x128xf32, #tpu.memory_space<vmem>>, vector<16xf32>,
      %mul3A_1537 = arith.mulf %get3A_1536, %mul3A_527 : vector<16xf32>
      %add3A_1538 = vector.broadcast %mul3A_1451 : i32 to vector<16xi32>
      %add3A_1539 = arith.addi %add3A_536, %add3A_1538 : vector<16xi32>
      tpu.vector_store_idx %arg8[%add3A_1539], %mul3A_1537 {add = true} : memref<43536xf32, #tpu.memory_space<vmem>>[vector<16xi32>], vector<16xf32>,
      %get3A_1540 = arith.constant 1 : i32
      %get3A_1541 = arith.index_cast %scan3A_1449 : i32 to index
      %get3A_1542 = arith.index_cast %get3A_1540 : i32 to index
      %get3A_1543 = arith.constant 48 : index
      %get3A_1544 = tpu.vector_load %arg5[%get3A_1541, %get3A_1542, %get3A_1543] {strides = array<i32>} : memref<128x2x128xf32, #tpu.memory_space<vmem>>, vector<16xf32>,
      %mul3A_1545 = arith.mulf %get3A_1544, %mul3A_565 : vector<16xf32>
      %add3A_1546 = vector.broadcast %mul3A_1451 : i32 to vector<16xi32>
      %add3A_1547 = arith.addi %add3A_574, %add3A_1546 : vector<16xi32>
      tpu.vector_store_idx %arg8[%add3A_1547], %mul3A_1545 {add = true} : memref<43536xf32, #tpu.memory_space<vmem>>[vector<16xi32>], vector<16xf32>,
      %get3A_1548 = arith.constant 1 : i32
      %get3A_1549 = arith.index_cast %scan3A_1449 : i32 to index
      %get3A_1550 = arith.index_cast %get3A_1548 : i32 to index
      %get3A_1551 = arith.constant 64 : index
      %get3A_1552 = tpu.vector_load %arg5[%get3A_1549, %get3A_1550, %get3A_1551] {strides = array<i32>} : memref<128x2x128xf32, #tpu.memory_space<vmem>>, vector<16xf32>,
      %mul3A_1553 = arith.mulf %get3A_1552, %mul3A_603 : vector<16xf32>
      %add3A_1554 = vector.broadcast %mul3A_1451 : i32 to vector<16xi32>
      %add3A_1555 = arith.addi %add3A_612, %add3A_1554 : vector<16xi32>
      tpu.vector_store_idx %arg8[%add3A_1555], %mul3A_1553 {add = true} : memref<43536xf32, #tpu.memory_space<vmem>>[vector<16xi32>], vector<16xf32>,
      %get3A_1556 = arith.constant 1 : i32
      %get3A_1557 = arith.index_cast %scan3A_1449 : i32 to index
      %get3A_1558 = arith.index_cast %get3A_1556 : i32 to index
      %get3A_1559 = arith.constant 80 : index
      %get3A_1560 = tpu.vector_load %arg5[%get3A_1557, %get3A_1558, %get3A_1559] {strides = array<i32>} : memref<128x2x128xf32, #tpu.memory_space<vmem>>, vector<16xf32>,
      %mul3A_1561 = arith.mulf %get3A_1560, %mul3A_641 : vector<16xf32>
      %add3A_1562 = vector.broadcast %mul3A_1451 : i32 to vector<16xi32>
      %add3A_1563 = arith.addi %add3A_650, %add3A_1562 : vector<16xi32>
      tpu.vector_store_idx %arg8[%add3A_1563], %mul3A_1561 {add = true} : memref<43536xf32, #tpu.memory_space<vmem>>[vector<16xi32>], vector<16xf32>,
      %get3A_1564 = arith.constant 1 : i32
      %get3A_1565 = arith.index_cast %scan3A_1449 : i32 to index
      %get3A_1566 = arith.index_cast %get3A_1564 : i32 to index
      %get3A_1567 = arith.constant 96 : index
      %get3A_1568 = tpu.vector_load %arg5[%get3A_1565, %get3A_1566, %get3A_1567] {strides = array<i32>} : memref<128x2x128xf32, #tpu.memory_space<vmem>>, vector<16xf32>,
      %mul3A_1569 = arith.mulf %get3A_1568, %mul3A_679 : vector<16xf32>
      %add3A_1570 = vector.broadcast %mul3A_1451 : i32 to vector<16xi32>
      %add3A_1571 = arith.addi %add3A_688, %add3A_1570 : vector<16xi32>
      tpu.vector_store_idx %arg8[%add3A_1571], %mul3A_1569 {add = true} : memref<43536xf32, #tpu.memory_space<vmem>>[vector<16xi32>], vector<16xf32>,
      %get3A_1572 = arith.constant 1 : i32
      %get3A_1573 = arith.index_cast %scan3A_1449 : i32 to index
      %get3A_1574 = arith.index_cast %get3A_1572 : i32 to index
      %get3A_1575 = arith.constant 112 : index
      %get3A_1576 = tpu.vector_load %arg5[%get3A_1573, %get3A_1574, %get3A_1575] {strides = array<i32>} : memref<128x2x128xf32, #tpu.memory_space<vmem>>, vector<16xf32>,
      %mul3A_1577 = arith.mulf %get3A_1576, %mul3A_717 : vector<16xf32>
      %add3A_1578 = vector.broadcast %mul3A_1451 : i32 to vector<16xi32>
      %add3A_1579 = arith.addi %add3A_726, %add3A_1578 : vector<16xi32>
      tpu.vector_store_idx %arg8[%add3A_1579], %mul3A_1577 {add = true} : memref<43536xf32, #tpu.memory_space<vmem>>[vector<16xi32>], vector<16xf32>,
      %scan3A_1580 = arith.constant 1 : i32
      %scan3A_1581 = arith.addi %scan3A_1449, %scan3A_1580 : i32
      %mul3A_1582 = arith.constant 17 : i32
      %mul3A_1583 = arith.muli %scan3A_1581, %mul3A_1582 : i32
      %get3A_1584 = arith.constant 0 : i32
      %get3A_1585 = arith.index_cast %scan3A_1581 : i32 to index
      %get3A_1586 = arith.index_cast %get3A_1584 : i32 to index
      %get3A_1587 = arith.constant 0 : index
      %get3A_1588 = tpu.vector_load %arg5[%get3A_1585, %get3A_1586, %get3A_1587] {strides = array<i32>} : memref<128x2x128xf32, #tpu.memory_space<vmem>>, vector<16xf32>,
      %mul3A_1589 = arith.mulf %get3A_1588, %mul3A_148 : vector<16xf32>
      %add3A_1590 = vector.broadcast %mul3A_1583 : i32 to vector<16xi32>
      %add3A_1591 = arith.addi %add3A_156, %add3A_1590 : vector<16xi32>
      tpu.vector_store_idx %arg8[%add3A_1591], %mul3A_1589 {add = true} : memref<43536xf32, #tpu.memory_space<vmem>>[vector<16xi32>], vector<16xf32>,
      %get3A_1592 = arith.constant 0 : i32
      %get3A_1593 = arith.index_cast %scan3A_1581 : i32 to index
      %get3A_1594 = arith.index_cast %get3A_1592 : i32 to index
      %get3A_1595 = arith.constant 16 : index
      %get3A_1596 = tpu.vector_load %arg5[%get3A_1593, %get3A_1594, %get3A_1595] {strides = array<i32>} : memref<128x2x128xf32, #tpu.memory_space<vmem>>, vector<16xf32>,
      %mul3A_1597 = arith.mulf %get3A_1596, %mul3A_185 : vector<16xf32>
      %add3A_1598 = vector.broadcast %mul3A_1583 : i32 to vector<16xi32>
      %add3A_1599 = arith.addi %add3A_194, %add3A_1598 : vector<16xi32>
      tpu.vector_store_idx %arg8[%add3A_1599], %mul3A_1597 {add = true} : memref<43536xf32, #tpu.memory_space<vmem>>[vector<16xi32>], vector<16xf32>,
      %get3A_1600 = arith.constant 0 : i32
      %get3A_1601 = arith.index_cast %scan3A_1581 : i32 to index
      %get3A_1602 = arith.index_cast %get3A_1600 : i32 to index
      %get3A_1603 = arith.constant 32 : index
      %get3A_1604 = tpu.vector_load %arg5[%get3A_1601, %get3A_1602, %get3A_1603] {strides = array<i32>} : memref<128x2x128xf32, #tpu.memory_space<vmem>>, vector<16xf32>,
      %mul3A_1605 = arith.mulf %get3A_1604, %mul3A_223 : vector<16xf32>
      %add3A_1606 = vector.broadcast %mul3A_1583 : i32 to vector<16xi32>
      %add3A_1607 = arith.addi %add3A_232, %add3A_1606 : vector<16xi32>
      tpu.vector_store_idx %arg8[%add3A_1607], %mul3A_1605 {add = true} : memref<43536xf32, #tpu.memory_space<vmem>>[vector<16xi32>], vector<16xf32>,
      %get3A_1608 = arith.constant 0 : i32
      %get3A_1609 = arith.index_cast %scan3A_1581 : i32 to index
      %get3A_1610 = arith.index_cast %get3A_1608 : i32 to index
      %get3A_1611 = arith.constant 48 : index
      %get3A_1612 = tpu.vector_load %arg5[%get3A_1609, %get3A_1610, %get3A_1611] {strides = array<i32>} : memref<128x2x128xf32, #tpu.memory_space<vmem>>, vector<16xf32>,
      %mul3A_1613 = arith.mulf %get3A_1612, %mul3A_261 : vector<16xf32>
      %add3A_1614 = vector.broadcast %mul3A_1583 : i32 to vector<16xi32>
      %add3A_1615 = arith.addi %add3A_270, %add3A_1614 : vector<16xi32>
      tpu.vector_store_idx %arg8[%add3A_1615], %mul3A_1613 {add = true} : memref<43536xf32, #tpu.memory_space<vmem>>[vector<16xi32>], vector<16xf32>,
      %get3A_1616 = arith.constant 0 : i32
      %get3A_1617 = arith.index_cast %scan3A_1581 : i32 to index
      %get3A_1618 = arith.index_cast %get3A_1616 : i32 to index
      %get3A_1619 = arith.constant 64 : index
      %get3A_1620 = tpu.vector_load %arg5[%get3A_1617, %get3A_1618, %get3A_1619] {strides = array<i32>} : memref<128x2x128xf32, #tpu.memory_space<vmem>>, vector<16xf32>,
      %mul3A_1621 = arith.mulf %get3A_1620, %mul3A_299 : vector<16xf32>
      %add3A_1622 = vector.broadcast %mul3A_1583 : i32 to vector<16xi32>
      %add3A_1623 = arith.addi %add3A_308, %add3A_1622 : vector<16xi32>
      tpu.vector_store_idx %arg8[%add3A_1623], %mul3A_1621 {add = true} : memref<43536xf32, #tpu.memory_space<vmem>>[vector<16xi32>], vector<16xf32>,
      %get3A_1624 = arith.constant 0 : i32
      %get3A_1625 = arith.index_cast %scan3A_1581 : i32 to index
      %get3A_1626 = arith.index_cast %get3A_1624 : i32 to index
      %get3A_1627 = arith.constant 80 : index
      %get3A_1628 = tpu.vector_load %arg5[%get3A_1625, %get3A_1626, %get3A_1627] {strides = array<i32>} : memref<128x2x128xf32, #tpu.memory_space<vmem>>, vector<16xf32>,
      %mul3A_1629 = arith.mulf %get3A_1628, %mul3A_337 : vector<16xf32>
      %add3A_1630 = vector.broadcast %mul3A_1583 : i32 to vector<16xi32>
      %add3A_1631 = arith.addi %add3A_346, %add3A_1630 : vector<16xi32>
      tpu.vector_store_idx %arg8[%add3A_1631], %mul3A_1629 {add = true} : memref<43536xf32, #tpu.memory_space<vmem>>[vector<16xi32>], vector<16xf32>,
      %get3A_1632 = arith.constant 0 : i32
      %get3A_1633 = arith.index_cast %scan3A_1581 : i32 to index
      %get3A_1634 = arith.index_cast %get3A_1632 : i32 to index
      %get3A_1635 = arith.constant 96 : index
      %get3A_1636 = tpu.vector_load %arg5[%get3A_1633, %get3A_1634, %get3A_1635] {strides = array<i32>} : memref<128x2x128xf32, #tpu.memory_space<vmem>>, vector<16xf32>,
      %mul3A_1637 = arith.mulf %get3A_1636, %mul3A_375 : vector<16xf32>
      %add3A_1638 = vector.broadcast %mul3A_1583 : i32 to vector<16xi32>
      %add3A_1639 = arith.addi %add3A_384, %add3A_1638 : vector<16xi32>
      tpu.vector_store_idx %arg8[%add3A_1639], %mul3A_1637 {add = true} : memref<43536xf32, #tpu.memory_space<vmem>>[vector<16xi32>], vector<16xf32>,
      %get3A_1640 = arith.constant 0 : i32
      %get3A_1641 = arith.index_cast %scan3A_1581 : i32 to index
      %get3A_1642 = arith.index_cast %get3A_1640 : i32 to index
      %get3A_1643 = arith.constant 112 : index
      %get3A_1644 = tpu.vector_load %arg5[%get3A_1641, %get3A_1642, %get3A_1643] {strides = array<i32>} : memref<128x2x128xf32, #tpu.memory_space<vmem>>, vector<16xf32>,
      %mul3A_1645 = arith.mulf %get3A_1644, %mul3A_413 : vector<16xf32>
      %add3A_1646 = vector.broadcast %mul3A_1583 : i32 to vector<16xi32>
      %add3A_1647 = arith.addi %add3A_422, %add3A_1646 : vector<16xi32>
      tpu.vector_store_idx %arg8[%add3A_1647], %mul3A_1645 {add = true} : memref<43536xf32, #tpu.memory_space<vmem>>[vector<16xi32>], vector<16xf32>,
      %get3A_1648 = arith.constant 1 : i32
      %get3A_1649 = arith.index_cast %scan3A_1581 : i32 to index
      %get3A_1650 = arith.index_cast %get3A_1648 : i32 to index
      %get3A_1651 = arith.constant 0 : index
      %get3A_1652 = tpu.vector_load %arg5[%get3A_1649, %get3A_1650, %get3A_1651] {strides = array<i32>} : memref<128x2x128xf32, #tpu.memory_space<vmem>>, vector<16xf32>,
      %mul3A_1653 = arith.mulf %get3A_1652, %mul3A_451 : vector<16xf32>
      %add3A_1654 = vector.broadcast %mul3A_1583 : i32 to vector<16xi32>
      %add3A_1655 = arith.addi %add3A_460, %add3A_1654 : vector<16xi32>
      tpu.vector_store_idx %arg8[%add3A_1655], %mul3A_1653 {add = true} : memref<43536xf32, #tpu.memory_space<vmem>>[vector<16xi32>], vector<16xf32>,
      %get3A_1656 = arith.constant 1 : i32
      %get3A_1657 = arith.index_cast %scan3A_1581 : i32 to index
      %get3A_1658 = arith.index_cast %get3A_1656 : i32 to index
      %get3A_1659 = arith.constant 16 : index
      %get3A_1660 = tpu.vector_load %arg5[%get3A_1657, %get3A_1658, %get3A_1659] {strides = array<i32>} : memref<128x2x128xf32, #tpu.memory_space<vmem>>, vector<16xf32>,
      %mul3A_1661 = arith.mulf %get3A_1660, %mul3A_489 : vector<16xf32>
      %add3A_1662 = vector.broadcast %mul3A_1583 : i32 to vector<16xi32>
      %add3A_1663 = arith.addi %add3A_498, %add3A_1662 : vector<16xi32>
      tpu.vector_store_idx %arg8[%add3A_1663], %mul3A_1661 {add = true} : memref<43536xf32, #tpu.memory_space<vmem>>[vector<16xi32>], vector<16xf32>,
      %get3A_1664 = arith.constant 1 : i32
      %get3A_1665 = arith.index_cast %scan3A_1581 : i32 to index
      %get3A_1666 = arith.index_cast %get3A_1664 : i32 to index
      %get3A_1667 = arith.constant 32 : index
      %get3A_1668 = tpu.vector_load %arg5[%get3A_1665, %get3A_1666, %get3A_1667] {strides = array<i32>} : memref<128x2x128xf32, #tpu.memory_space<vmem>>, vector<16xf32>,
      %mul3A_1669 = arith.mulf %get3A_1668, %mul3A_527 : vector<16xf32>
      %add3A_1670 = vector.broadcast %mul3A_1583 : i32 to vector<16xi32>
      %add3A_1671 = arith.addi %add3A_536, %add3A_1670 : vector<16xi32>
      tpu.vector_store_idx %arg8[%add3A_1671], %mul3A_1669 {add = true} : memref<43536xf32, #tpu.memory_space<vmem>>[vector<16xi32>], vector<16xf32>,
      %get3A_1672 = arith.constant 1 : i32
      %get3A_1673 = arith.index_cast %scan3A_1581 : i32 to index
      %get3A_1674 = arith.index_cast %get3A_1672 : i32 to index
      %get3A_1675 = arith.constant 48 : index
      %get3A_1676 = tpu.vector_load %arg5[%get3A_1673, %get3A_1674, %get3A_1675] {strides = array<i32>} : memref<128x2x128xf32, #tpu.memory_space<vmem>>, vector<16xf32>,
      %mul3A_1677 = arith.mulf %get3A_1676, %mul3A_565 : vector<16xf32>
      %add3A_1678 = vector.broadcast %mul3A_1583 : i32 to vector<16xi32>
      %add3A_1679 = arith.addi %add3A_574, %add3A_1678 : vector<16xi32>
      tpu.vector_store_idx %arg8[%add3A_1679], %mul3A_1677 {add = true} : memref<43536xf32, #tpu.memory_space<vmem>>[vector<16xi32>], vector<16xf32>,
      %get3A_1680 = arith.constant 1 : i32
      %get3A_1681 = arith.index_cast %scan3A_1581 : i32 to index
      %get3A_1682 = arith.index_cast %get3A_1680 : i32 to index
      %get3A_1683 = arith.constant 64 : index
      %get3A_1684 = tpu.vector_load %arg5[%get3A_1681, %get3A_1682, %get3A_1683] {strides = array<i32>} : memref<128x2x128xf32, #tpu.memory_space<vmem>>, vector<16xf32>,
      %mul3A_1685 = arith.mulf %get3A_1684, %mul3A_603 : vector<16xf32>
      %add3A_1686 = vector.broadcast %mul3A_1583 : i32 to vector<16xi32>
      %add3A_1687 = arith.addi %add3A_612, %add3A_1686 : vector<16xi32>
      tpu.vector_store_idx %arg8[%add3A_1687], %mul3A_1685 {add = true} : memref<43536xf32, #tpu.memory_space<vmem>>[vector<16xi32>], vector<16xf32>,
      %get3A_1688 = arith.constant 1 : i32
      %get3A_1689 = arith.index_cast %scan3A_1581 : i32 to index
      %get3A_1690 = arith.index_cast %get3A_1688 : i32 to index
      %get3A_1691 = arith.constant 80 : index
      %get3A_1692 = tpu.vector_load %arg5[%get3A_1689, %get3A_1690, %get3A_1691] {strides = array<i32>} : memref<128x2x128xf32, #tpu.memory_space<vmem>>, vector<16xf32>,
      %mul3A_1693 = arith.mulf %get3A_1692, %mul3A_641 : vector<16xf32>
      %add3A_1694 = vector.broadcast %mul3A_1583 : i32 to vector<16xi32>
      %add3A_1695 = arith.addi %add3A_650, %add3A_1694 : vector<16xi32>
      tpu.vector_store_idx %arg8[%add3A_1695], %mul3A_1693 {add = true} : memref<43536xf32, #tpu.memory_space<vmem>>[vector<16xi32>], vector<16xf32>,
      %get3A_1696 = arith.constant 1 : i32
      %get3A_1697 = arith.index_cast %scan3A_1581 : i32 to index
      %get3A_1698 = arith.index_cast %get3A_1696 : i32 to index
      %get3A_1699 = arith.constant 96 : index
      %get3A_1700 = tpu.vector_load %arg5[%get3A_1697, %get3A_1698, %get3A_1699] {strides = array<i32>} : memref<128x2x128xf32, #tpu.memory_space<vmem>>, vector<16xf32>,
      %mul3A_1701 = arith.mulf %get3A_1700, %mul3A_679 : vector<16xf32>
      %add3A_1702 = vector.broadcast %mul3A_1583 : i32 to vector<16xi32>
      %add3A_1703 = arith.addi %add3A_688, %add3A_1702 : vector<16xi32>
      tpu.vector_store_idx %arg8[%add3A_1703], %mul3A_1701 {add = true} : memref<43536xf32, #tpu.memory_space<vmem>>[vector<16xi32>], vector<16xf32>,
      %get3A_1704 = arith.constant 1 : i32
      %get3A_1705 = arith.index_cast %scan3A_1581 : i32 to index
      %get3A_1706 = arith.index_cast %get3A_1704 : i32 to index
      %get3A_1707 = arith.constant 112 : index
      %get3A_1708 = tpu.vector_load %arg5[%get3A_1705, %get3A_1706, %get3A_1707] {strides = array<i32>} : memref<128x2x128xf32, #tpu.memory_space<vmem>>, vector<16xf32>,
      %mul3A_1709 = arith.mulf %get3A_1708, %mul3A_717 : vector<16xf32>
      %add3A_1710 = vector.broadcast %mul3A_1583 : i32 to vector<16xi32>
      %add3A_1711 = arith.addi %add3A_726, %add3A_1710 : vector<16xi32>
      tpu.vector_store_idx %arg8[%add3A_1711], %mul3A_1709 {add = true} : memref<43536xf32, #tpu.memory_space<vmem>>[vector<16xi32>], vector<16xf32>,
      %scan3A_1712 = arith.constant 2 : i32
      %scan3A_1713 = arith.addi %scan3A_1449, %scan3A_1712 : i32
      %mul3A_1714 = arith.constant 17 : i32
      %mul3A_1715 = arith.muli %scan3A_1713, %mul3A_1714 : i32
      %get3A_1716 = arith.constant 0 : i32
      %get3A_1717 = arith.index_cast %scan3A_1713 : i32 to index
      %get3A_1718 = arith.index_cast %get3A_1716 : i32 to index
      %get3A_1719 = arith.constant 0 : index
      %get3A_1720 = tpu.vector_load %arg5[%get3A_1717, %get3A_1718, %get3A_1719] {strides = array<i32>} : memref<128x2x128xf32, #tpu.memory_space<vmem>>, vector<16xf32>,
      %mul3A_1721 = arith.mulf %get3A_1720, %mul3A_148 : vector<16xf32>
      %add3A_1722 = vector.broadcast %mul3A_1715 : i32 to vector<16xi32>
      %add3A_1723 = arith.addi %add3A_156, %add3A_1722 : vector<16xi32>
      tpu.vector_store_idx %arg8[%add3A_1723], %mul3A_1721 {add = true} : memref<43536xf32, #tpu.memory_space<vmem>>[vector<16xi32>], vector<16xf32>,
      %get3A_1724 = arith.constant 0 : i32
      %get3A_1725 = arith.index_cast %scan3A_1713 : i32 to index
      %get3A_1726 = arith.index_cast %get3A_1724 : i32 to index
      %get3A_1727 = arith.constant 16 : index
      %get3A_1728 = tpu.vector_load %arg5[%get3A_1725, %get3A_1726, %get3A_1727] {strides = array<i32>} : memref<128x2x128xf32, #tpu.memory_space<vmem>>, vector<16xf32>,
      %mul3A_1729 = arith.mulf %get3A_1728, %mul3A_185 : vector<16xf32>
      %add3A_1730 = vector.broadcast %mul3A_1715 : i32 to vector<16xi32>
      %add3A_1731 = arith.addi %add3A_194, %add3A_1730 : vector<16xi32>
      tpu.vector_store_idx %arg8[%add3A_1731], %mul3A_1729 {add = true} : memref<43536xf32, #tpu.memory_space<vmem>>[vector<16xi32>], vector<16xf32>,
      %get3A_1732 = arith.constant 0 : i32
      %get3A_1733 = arith.index_cast %scan3A_1713 : i32 to index
      %get3A_1734 = arith.index_cast %get3A_1732 : i32 to index
      %get3A_1735 = arith.constant 32 : index
      %get3A_1736 = tpu.vector_load %arg5[%get3A_1733, %get3A_1734, %get3A_1735] {strides = array<i32>} : memref<128x2x128xf32, #tpu.memory_space<vmem>>, vector<16xf32>,
      %mul3A_1737 = arith.mulf %get3A_1736, %mul3A_223 : vector<16xf32>
      %add3A_1738 = vector.broadcast %mul3A_1715 : i32 to vector<16xi32>
      %add3A_1739 = arith.addi %add3A_232, %add3A_1738 : vector<16xi32>
      tpu.vector_store_idx %arg8[%add3A_1739], %mul3A_1737 {add = true} : memref<43536xf32, #tpu.memory_space<vmem>>[vector<16xi32>], vector<16xf32>,
      %get3A_1740 = arith.constant 0 : i32
      %get3A_1741 = arith.index_cast %scan3A_1713 : i32 to index
      %get3A_1742 = arith.index_cast %get3A_1740 : i32 to index
      %get3A_1743 = arith.constant 48 : index
      %get3A_1744 = tpu.vector_load %arg5[%get3A_1741, %get3A_1742, %get3A_1743] {strides = array<i32>} : memref<128x2x128xf32, #tpu.memory_space<vmem>>, vector<16xf32>,
      %mul3A_1745 = arith.mulf %get3A_1744, %mul3A_261 : vector<16xf32>
      %add3A_1746 = vector.broadcast %mul3A_1715 : i32 to vector<16xi32>
      %add3A_1747 = arith.addi %add3A_270, %add3A_1746 : vector<16xi32>
      tpu.vector_store_idx %arg8[%add3A_1747], %mul3A_1745 {add = true} : memref<43536xf32, #tpu.memory_space<vmem>>[vector<16xi32>], vector<16xf32>,
      %get3A_1748 = arith.constant 0 : i32
      %get3A_1749 = arith.index_cast %scan3A_1713 : i32 to index
      %get3A_1750 = arith.index_cast %get3A_1748 : i32 to index
      %get3A_1751 = arith.constant 64 : index
      %get3A_1752 = tpu.vector_load %arg5[%get3A_1749, %get3A_1750, %get3A_1751] {strides = array<i32>} : memref<128x2x128xf32, #tpu.memory_space<vmem>>, vector<16xf32>,
      %mul3A_1753 = arith.mulf %get3A_1752, %mul3A_299 : vector<16xf32>
      %add3A_1754 = vector.broadcast %mul3A_1715 : i32 to vector<16xi32>
      %add3A_1755 = arith.addi %add3A_308, %add3A_1754 : vector<16xi32>
      tpu.vector_store_idx %arg8[%add3A_1755], %mul3A_1753 {add = true} : memref<43536xf32, #tpu.memory_space<vmem>>[vector<16xi32>], vector<16xf32>,
      %get3A_1756 = arith.constant 0 : i32
      %get3A_1757 = arith.index_cast %scan3A_1713 : i32 to index
      %get3A_1758 = arith.index_cast %get3A_1756 : i32 to index
      %get3A_1759 = arith.constant 80 : index
      %get3A_1760 = tpu.vector_load %arg5[%get3A_1757, %get3A_1758, %get3A_1759] {strides = array<i32>} : memref<128x2x128xf32, #tpu.memory_space<vmem>>, vector<16xf32>,
      %mul3A_1761 = arith.mulf %get3A_1760, %mul3A_337 : vector<16xf32>
      %add3A_1762 = vector.broadcast %mul3A_1715 : i32 to vector<16xi32>
      %add3A_1763 = arith.addi %add3A_346, %add3A_1762 : vector<16xi32>
      tpu.vector_store_idx %arg8[%add3A_1763], %mul3A_1761 {add = true} : memref<43536xf32, #tpu.memory_space<vmem>>[vector<16xi32>], vector<16xf32>,
      %get3A_1764 = arith.constant 0 : i32
      %get3A_1765 = arith.index_cast %scan3A_1713 : i32 to index
      %get3A_1766 = arith.index_cast %get3A_1764 : i32 to index
      %get3A_1767 = arith.constant 96 : index
      %get3A_1768 = tpu.vector_load %arg5[%get3A_1765, %get3A_1766, %get3A_1767] {strides = array<i32>} : memref<128x2x128xf32, #tpu.memory_space<vmem>>, vector<16xf32>,
      %mul3A_1769 = arith.mulf %get3A_1768, %mul3A_375 : vector<16xf32>
      %add3A_1770 = vector.broadcast %mul3A_1715 : i32 to vector<16xi32>
      %add3A_1771 = arith.addi %add3A_384, %add3A_1770 : vector<16xi32>
      tpu.vector_store_idx %arg8[%add3A_1771], %mul3A_1769 {add = true} : memref<43536xf32, #tpu.memory_space<vmem>>[vector<16xi32>], vector<16xf32>,
      %get3A_1772 = arith.constant 0 : i32
      %get3A_1773 = arith.index_cast %scan3A_1713 : i32 to index
      %get3A_1774 = arith.index_cast %get3A_1772 : i32 to index
      %get3A_1775 = arith.constant 112 : index
      %get3A_1776 = tpu.vector_load %arg5[%get3A_1773, %get3A_1774, %get3A_1775] {strides = array<i32>} : memref<128x2x128xf32, #tpu.memory_space<vmem>>, vector<16xf32>,
      %mul3A_1777 = arith.mulf %get3A_1776, %mul3A_413 : vector<16xf32>
      %add3A_1778 = vector.broadcast %mul3A_1715 : i32 to vector<16xi32>
      %add3A_1779 = arith.addi %add3A_422, %add3A_1778 : vector<16xi32>
      tpu.vector_store_idx %arg8[%add3A_1779], %mul3A_1777 {add = true} : memref<43536xf32, #tpu.memory_space<vmem>>[vector<16xi32>], vector<16xf32>,
      %get3A_1780 = arith.constant 1 : i32
      %get3A_1781 = arith.index_cast %scan3A_1713 : i32 to index
      %get3A_1782 = arith.index_cast %get3A_1780 : i32 to index
      %get3A_1783 = arith.constant 0 : index
      %get3A_1784 = tpu.vector_load %arg5[%get3A_1781, %get3A_1782, %get3A_1783] {strides = array<i32>} : memref<128x2x128xf32, #tpu.memory_space<vmem>>, vector<16xf32>,
      %mul3A_1785 = arith.mulf %get3A_1784, %mul3A_451 : vector<16xf32>
      %add3A_1786 = vector.broadcast %mul3A_1715 : i32 to vector<16xi32>
      %add3A_1787 = arith.addi %add3A_460, %add3A_1786 : vector<16xi32>
      tpu.vector_store_idx %arg8[%add3A_1787], %mul3A_1785 {add = true} : memref<43536xf32, #tpu.memory_space<vmem>>[vector<16xi32>], vector<16xf32>,
      %get3A_1788 = arith.constant 1 : i32
      %get3A_1789 = arith.index_cast %scan3A_1713 : i32 to index
      %get3A_1790 = arith.index_cast %get3A_1788 : i32 to index
      %get3A_1791 = arith.constant 16 : index
      %get3A_1792 = tpu.vector_load %arg5[%get3A_1789, %get3A_1790, %get3A_1791] {strides = array<i32>} : memref<128x2x128xf32, #tpu.memory_space<vmem>>, vector<16xf32>,
      %mul3A_1793 = arith.mulf %get3A_1792, %mul3A_489 : vector<16xf32>
      %add3A_1794 = vector.broadcast %mul3A_1715 : i32 to vector<16xi32>
      %add3A_1795 = arith.addi %add3A_498, %add3A_1794 : vector<16xi32>
      tpu.vector_store_idx %arg8[%add3A_1795], %mul3A_1793 {add = true} : memref<43536xf32, #tpu.memory_space<vmem>>[vector<16xi32>], vector<16xf32>,
      %get3A_1796 = arith.constant 1 : i32
      %get3A_1797 = arith.index_cast %scan3A_1713 : i32 to index
      %get3A_1798 = arith.index_cast %get3A_1796 : i32 to index
      %get3A_1799 = arith.constant 32 : index
      %get3A_1800 = tpu.vector_load %arg5[%get3A_1797, %get3A_1798, %get3A_1799] {strides = array<i32>} : memref<128x2x128xf32, #tpu.memory_space<vmem>>, vector<16xf32>,
      %mul3A_1801 = arith.mulf %get3A_1800, %mul3A_527 : vector<16xf32>
      %add3A_1802 = vector.broadcast %mul3A_1715 : i32 to vector<16xi32>
      %add3A_1803 = arith.addi %add3A_536, %add3A_1802 : vector<16xi32>
      tpu.vector_store_idx %arg8[%add3A_1803], %mul3A_1801 {add = true} : memref<43536xf32, #tpu.memory_space<vmem>>[vector<16xi32>], vector<16xf32>,
      %get3A_1804 = arith.constant 1 : i32
      %get3A_1805 = arith.index_cast %scan3A_1713 : i32 to index
      %get3A_1806 = arith.index_cast %get3A_1804 : i32 to index
      %get3A_1807 = arith.constant 48 : index
      %get3A_1808 = tpu.vector_load %arg5[%get3A_1805, %get3A_1806, %get3A_1807] {strides = array<i32>} : memref<128x2x128xf32, #tpu.memory_space<vmem>>, vector<16xf32>,
      %mul3A_1809 = arith.mulf %get3A_1808, %mul3A_565 : vector<16xf32>
      %add3A_1810 = vector.broadcast %mul3A_1715 : i32 to vector<16xi32>
      %add3A_1811 = arith.addi %add3A_574, %add3A_1810 : vector<16xi32>
      tpu.vector_store_idx %arg8[%add3A_1811], %mul3A_1809 {add = true} : memref<43536xf32, #tpu.memory_space<vmem>>[vector<16xi32>], vector<16xf32>,
      %get3A_1812 = arith.constant 1 : i32
      %get3A_1813 = arith.index_cast %scan3A_1713 : i32 to index
      %get3A_1814 = arith.index_cast %get3A_1812 : i32 to index
      %get3A_1815 = arith.constant 64 : index
      %get3A_1816 = tpu.vector_load %arg5[%get3A_1813, %get3A_1814, %get3A_1815] {strides = array<i32>} : memref<128x2x128xf32, #tpu.memory_space<vmem>>, vector<16xf32>,
      %mul3A_1817 = arith.mulf %get3A_1816, %mul3A_603 : vector<16xf32>
      %add3A_1818 = vector.broadcast %mul3A_1715 : i32 to vector<16xi32>
      %add3A_1819 = arith.addi %add3A_612, %add3A_1818 : vector<16xi32>
      tpu.vector_store_idx %arg8[%add3A_1819], %mul3A_1817 {add = true} : memref<43536xf32, #tpu.memory_space<vmem>>[vector<16xi32>], vector<16xf32>,
      %get3A_1820 = arith.constant 1 : i32
      %get3A_1821 = arith.index_cast %scan3A_1713 : i32 to index
      %get3A_1822 = arith.index_cast %get3A_1820 : i32 to index
      %get3A_1823 = arith.constant 80 : index
      %get3A_1824 = tpu.vector_load %arg5[%get3A_1821, %get3A_1822, %get3A_1823] {strides = array<i32>} : memref<128x2x128xf32, #tpu.memory_space<vmem>>, vector<16xf32>,
      %mul3A_1825 = arith.mulf %get3A_1824, %mul3A_641 : vector<16xf32>
      %add3A_1826 = vector.broadcast %mul3A_1715 : i32 to vector<16xi32>
      %add3A_1827 = arith.addi %add3A_650, %add3A_1826 : vector<16xi32>
      tpu.vector_store_idx %arg8[%add3A_1827], %mul3A_1825 {add = true} : memref<43536xf32, #tpu.memory_space<vmem>>[vector<16xi32>], vector<16xf32>,
      %get3A_1828 = arith.constant 1 : i32
      %get3A_1829 = arith.index_cast %scan3A_1713 : i32 to index
      %get3A_1830 = arith.index_cast %get3A_1828 : i32 to index
      %get3A_1831 = arith.constant 96 : index
      %get3A_1832 = tpu.vector_load %arg5[%get3A_1829, %get3A_1830, %get3A_1831] {strides = array<i32>} : memref<128x2x128xf32, #tpu.memory_space<vmem>>, vector<16xf32>,
      %mul3A_1833 = arith.mulf %get3A_1832, %mul3A_679 : vector<16xf32>
      %add3A_1834 = vector.broadcast %mul3A_1715 : i32 to vector<16xi32>
      %add3A_1835 = arith.addi %add3A_688, %add3A_1834 : vector<16xi32>
      tpu.vector_store_idx %arg8[%add3A_1835], %mul3A_1833 {add = true} : memref<43536xf32, #tpu.memory_space<vmem>>[vector<16xi32>], vector<16xf32>,
      %get3A_1836 = arith.constant 1 : i32
      %get3A_1837 = arith.index_cast %scan3A_1713 : i32 to index
      %get3A_1838 = arith.index_cast %get3A_1836 : i32 to index
      %get3A_1839 = arith.constant 112 : index
      %get3A_1840 = tpu.vector_load %arg5[%get3A_1837, %get3A_1838, %get3A_1839] {strides = array<i32>} : memref<128x2x128xf32, #tpu.memory_space<vmem>>, vector<16xf32>,
      %mul3A_1841 = arith.mulf %get3A_1840, %mul3A_717 : vector<16xf32>
      %add3A_1842 = vector.broadcast %mul3A_1715 : i32 to vector<16xi32>
      %add3A_1843 = arith.addi %add3A_726, %add3A_1842 : vector<16xi32>
      tpu.vector_store_idx %arg8[%add3A_1843], %mul3A_1841 {add = true} : memref<43536xf32, #tpu.memory_space<vmem>>[vector<16xi32>], vector<16xf32>,
      %scan3A_1844 = arith.constant 3 : i32
      %scan3A_1845 = arith.addi %scan3A_1449, %scan3A_1844 : i32
      %mul3A_1846 = arith.constant 17 : i32
      %mul3A_1847 = arith.muli %scan3A_1845, %mul3A_1846 : i32
      %get3A_1848 = arith.constant 0 : i32
      %get3A_1849 = arith.index_cast %scan3A_1845 : i32 to index
      %get3A_1850 = arith.index_cast %get3A_1848 : i32 to index
      %get3A_1851 = arith.constant 0 : index
      %get3A_1852 = tpu.vector_load %arg5[%get3A_1849, %get3A_1850, %get3A_1851] {strides = array<i32>} : memref<128x2x128xf32, #tpu.memory_space<vmem>>, vector<16xf32>,
      %mul3A_1853 = arith.mulf %get3A_1852, %mul3A_148 : vector<16xf32>
      %add3A_1854 = vector.broadcast %mul3A_1847 : i32 to vector<16xi32>
      %add3A_1855 = arith.addi %add3A_156, %add3A_1854 : vector<16xi32>
      tpu.vector_store_idx %arg8[%add3A_1855], %mul3A_1853 {add = true} : memref<43536xf32, #tpu.memory_space<vmem>>[vector<16xi32>], vector<16xf32>,
      %get3A_1856 = arith.constant 0 : i32
      %get3A_1857 = arith.index_cast %scan3A_1845 : i32 to index
      %get3A_1858 = arith.index_cast %get3A_1856 : i32 to index
      %get3A_1859 = arith.constant 16 : index
      %get3A_1860 = tpu.vector_load %arg5[%get3A_1857, %get3A_1858, %get3A_1859] {strides = array<i32>} : memref<128x2x128xf32, #tpu.memory_space<vmem>>, vector<16xf32>,
      %mul3A_1861 = arith.mulf %get3A_1860, %mul3A_185 : vector<16xf32>
      %add3A_1862 = vector.broadcast %mul3A_1847 : i32 to vector<16xi32>
      %add3A_1863 = arith.addi %add3A_194, %add3A_1862 : vector<16xi32>
      tpu.vector_store_idx %arg8[%add3A_1863], %mul3A_1861 {add = true} : memref<43536xf32, #tpu.memory_space<vmem>>[vector<16xi32>], vector<16xf32>,
      %get3A_1864 = arith.constant 0 : i32
      %get3A_1865 = arith.index_cast %scan3A_1845 : i32 to index
      %get3A_1866 = arith.index_cast %get3A_1864 : i32 to index
      %get3A_1867 = arith.constant 32 : index
      %get3A_1868 = tpu.vector_load %arg5[%get3A_1865, %get3A_1866, %get3A_1867] {strides = array<i32>} : memref<128x2x128xf32, #tpu.memory_space<vmem>>, vector<16xf32>,
      %mul3A_1869 = arith.mulf %get3A_1868, %mul3A_223 : vector<16xf32>
      %add3A_1870 = vector.broadcast %mul3A_1847 : i32 to vector<16xi32>
      %add3A_1871 = arith.addi %add3A_232, %add3A_1870 : vector<16xi32>
      tpu.vector_store_idx %arg8[%add3A_1871], %mul3A_1869 {add = true} : memref<43536xf32, #tpu.memory_space<vmem>>[vector<16xi32>], vector<16xf32>,
      %get3A_1872 = arith.constant 0 : i32
      %get3A_1873 = arith.index_cast %scan3A_1845 : i32 to index
      %get3A_1874 = arith.index_cast %get3A_1872 : i32 to index
      %get3A_1875 = arith.constant 48 : index
      %get3A_1876 = tpu.vector_load %arg5[%get3A_1873, %get3A_1874, %get3A_1875] {strides = array<i32>} : memref<128x2x128xf32, #tpu.memory_space<vmem>>, vector<16xf32>,
      %mul3A_1877 = arith.mulf %get3A_1876, %mul3A_261 : vector<16xf32>
      %add3A_1878 = vector.broadcast %mul3A_1847 : i32 to vector<16xi32>
      %add3A_1879 = arith.addi %add3A_270, %add3A_1878 : vector<16xi32>
      tpu.vector_store_idx %arg8[%add3A_1879], %mul3A_1877 {add = true} : memref<43536xf32, #tpu.memory_space<vmem>>[vector<16xi32>], vector<16xf32>,
      %get3A_1880 = arith.constant 0 : i32
      %get3A_1881 = arith.index_cast %scan3A_1845 : i32 to index
      %get3A_1882 = arith.index_cast %get3A_1880 : i32 to index
      %get3A_1883 = arith.constant 64 : index
      %get3A_1884 = tpu.vector_load %arg5[%get3A_1881, %get3A_1882, %get3A_1883] {strides = array<i32>} : memref<128x2x128xf32, #tpu.memory_space<vmem>>, vector<16xf32>,
      %mul3A_1885 = arith.mulf %get3A_1884, %mul3A_299 : vector<16xf32>
      %add3A_1886 = vector.broadcast %mul3A_1847 : i32 to vector<16xi32>
      %add3A_1887 = arith.addi %add3A_308, %add3A_1886 : vector<16xi32>
      tpu.vector_store_idx %arg8[%add3A_1887], %mul3A_1885 {add = true} : memref<43536xf32, #tpu.memory_space<vmem>>[vector<16xi32>], vector<16xf32>,
      %get3A_1888 = arith.constant 0 : i32
      %get3A_1889 = arith.index_cast %scan3A_1845 : i32 to index
      %get3A_1890 = arith.index_cast %get3A_1888 : i32 to index
      %get3A_1891 = arith.constant 80 : index
      %get3A_1892 = tpu.vector_load %arg5[%get3A_1889, %get3A_1890, %get3A_1891] {strides = array<i32>} : memref<128x2x128xf32, #tpu.memory_space<vmem>>, vector<16xf32>,
      %mul3A_1893 = arith.mulf %get3A_1892, %mul3A_337 : vector<16xf32>
      %add3A_1894 = vector.broadcast %mul3A_1847 : i32 to vector<16xi32>
      %add3A_1895 = arith.addi %add3A_346, %add3A_1894 : vector<16xi32>
      tpu.vector_store_idx %arg8[%add3A_1895], %mul3A_1893 {add = true} : memref<43536xf32, #tpu.memory_space<vmem>>[vector<16xi32>], vector<16xf32>,
      %get3A_1896 = arith.constant 0 : i32
      %get3A_1897 = arith.index_cast %scan3A_1845 : i32 to index
      %get3A_1898 = arith.index_cast %get3A_1896 : i32 to index
      %get3A_1899 = arith.constant 96 : index
      %get3A_1900 = tpu.vector_load %arg5[%get3A_1897, %get3A_1898, %get3A_1899] {strides = array<i32>} : memref<128x2x128xf32, #tpu.memory_space<vmem>>, vector<16xf32>,
      %mul3A_1901 = arith.mulf %get3A_1900, %mul3A_375 : vector<16xf32>
      %add3A_1902 = vector.broadcast %mul3A_1847 : i32 to vector<16xi32>
      %add3A_1903 = arith.addi %add3A_384, %add3A_1902 : vector<16xi32>
      tpu.vector_store_idx %arg8[%add3A_1903], %mul3A_1901 {add = true} : memref<43536xf32, #tpu.memory_space<vmem>>[vector<16xi32>], vector<16xf32>,
      %get3A_1904 = arith.constant 0 : i32
      %get3A_1905 = arith.index_cast %scan3A_1845 : i32 to index
      %get3A_1906 = arith.index_cast %get3A_1904 : i32 to index
      %get3A_1907 = arith.constant 112 : index
      %get3A_1908 = tpu.vector_load %arg5[%get3A_1905, %get3A_1906, %get3A_1907] {strides = array<i32>} : memref<128x2x128xf32, #tpu.memory_space<vmem>>, vector<16xf32>,
      %mul3A_1909 = arith.mulf %get3A_1908, %mul3A_413 : vector<16xf32>
      %add3A_1910 = vector.broadcast %mul3A_1847 : i32 to vector<16xi32>
      %add3A_1911 = arith.addi %add3A_422, %add3A_1910 : vector<16xi32>
      tpu.vector_store_idx %arg8[%add3A_1911], %mul3A_1909 {add = true} : memref<43536xf32, #tpu.memory_space<vmem>>[vector<16xi32>], vector<16xf32>,
      %get3A_1912 = arith.constant 1 : i32
      %get3A_1913 = arith.index_cast %scan3A_1845 : i32 to index
      %get3A_1914 = arith.index_cast %get3A_1912 : i32 to index
      %get3A_1915 = arith.constant 0 : index
      %get3A_1916 = tpu.vector_load %arg5[%get3A_1913, %get3A_1914, %get3A_1915] {strides = array<i32>} : memref<128x2x128xf32, #tpu.memory_space<vmem>>, vector<16xf32>,
      %mul3A_1917 = arith.mulf %get3A_1916, %mul3A_451 : vector<16xf32>
      %add3A_1918 = vector.broadcast %mul3A_1847 : i32 to vector<16xi32>
      %add3A_1919 = arith.addi %add3A_460, %add3A_1918 : vector<16xi32>
      tpu.vector_store_idx %arg8[%add3A_1919], %mul3A_1917 {add = true} : memref<43536xf32, #tpu.memory_space<vmem>>[vector<16xi32>], vector<16xf32>,
      %get3A_1920 = arith.constant 1 : i32
      %get3A_1921 = arith.index_cast %scan3A_1845 : i32 to index
      %get3A_1922 = arith.index_cast %get3A_1920 : i32 to index
      %get3A_1923 = arith.constant 16 : index
      %get3A_1924 = tpu.vector_load %arg5[%get3A_1921, %get3A_1922, %get3A_1923] {strides = array<i32>} : memref<128x2x128xf32, #tpu.memory_space<vmem>>, vector<16xf32>,
      %mul3A_1925 = arith.mulf %get3A_1924, %mul3A_489 : vector<16xf32>
      %add3A_1926 = vector.broadcast %mul3A_1847 : i32 to vector<16xi32>
      %add3A_1927 = arith.addi %add3A_498, %add3A_1926 : vector<16xi32>
      tpu.vector_store_idx %arg8[%add3A_1927], %mul3A_1925 {add = true} : memref<43536xf32, #tpu.memory_space<vmem>>[vector<16xi32>], vector<16xf32>,
      %get3A_1928 = arith.constant 1 : i32
      %get3A_1929 = arith.index_cast %scan3A_1845 : i32 to index
      %get3A_1930 = arith.index_cast %get3A_1928 : i32 to index
      %get3A_1931 = arith.constant 32 : index
      %get3A_1932 = tpu.vector_load %arg5[%get3A_1929, %get3A_1930, %get3A_1931] {strides = array<i32>} : memref<128x2x128xf32, #tpu.memory_space<vmem>>, vector<16xf32>,
      %mul3A_1933 = arith.mulf %get3A_1932, %mul3A_527 : vector<16xf32>
      %add3A_1934 = vector.broadcast %mul3A_1847 : i32 to vector<16xi32>
      %add3A_1935 = arith.addi %add3A_536, %add3A_1934 : vector<16xi32>
      tpu.vector_store_idx %arg8[%add3A_1935], %mul3A_1933 {add = true} : memref<43536xf32, #tpu.memory_space<vmem>>[vector<16xi32>], vector<16xf32>,
      %get3A_1936 = arith.constant 1 : i32
      %get3A_1937 = arith.index_cast %scan3A_1845 : i32 to index
      %get3A_1938 = arith.index_cast %get3A_1936 : i32 to index
      %get3A_1939 = arith.constant 48 : index
      %get3A_1940 = tpu.vector_load %arg5[%get3A_1937, %get3A_1938, %get3A_1939] {strides = array<i32>} : memref<128x2x128xf32, #tpu.memory_space<vmem>>, vector<16xf32>,
      %mul3A_1941 = arith.mulf %get3A_1940, %mul3A_565 : vector<16xf32>
      %add3A_1942 = vector.broadcast %mul3A_1847 : i32 to vector<16xi32>
      %add3A_1943 = arith.addi %add3A_574, %add3A_1942 : vector<16xi32>
      tpu.vector_store_idx %arg8[%add3A_1943], %mul3A_1941 {add = true} : memref<43536xf32, #tpu.memory_space<vmem>>[vector<16xi32>], vector<16xf32>,
      %get3A_1944 = arith.constant 1 : i32
      %get3A_1945 = arith.index_cast %scan3A_1845 : i32 to index
      %get3A_1946 = arith.index_cast %get3A_1944 : i32 to index
      %get3A_1947 = arith.constant 64 : index
      %get3A_1948 = tpu.vector_load %arg5[%get3A_1945, %get3A_1946, %get3A_1947] {strides = array<i32>} : memref<128x2x128xf32, #tpu.memory_space<vmem>>, vector<16xf32>,
      %mul3A_1949 = arith.mulf %get3A_1948, %mul3A_603 : vector<16xf32>
      %add3A_1950 = vector.broadcast %mul3A_1847 : i32 to vector<16xi32>
      %add3A_1951 = arith.addi %add3A_612, %add3A_1950 : vector<16xi32>
      tpu.vector_store_idx %arg8[%add3A_1951], %mul3A_1949 {add = true} : memref<43536xf32, #tpu.memory_space<vmem>>[vector<16xi32>], vector<16xf32>,
      %get3A_1952 = arith.constant 1 : i32
      %get3A_1953 = arith.index_cast %scan3A_1845 : i32 to index
      %get3A_1954 = arith.index_cast %get3A_1952 : i32 to index
      %get3A_1955 = arith.constant 80 : index
      %get3A_1956 = tpu.vector_load %arg5[%get3A_1953, %get3A_1954, %get3A_1955] {strides = array<i32>} : memref<128x2x128xf32, #tpu.memory_space<vmem>>, vector<16xf32>,
      %mul3A_1957 = arith.mulf %get3A_1956, %mul3A_641 : vector<16xf32>
      %add3A_1958 = vector.broadcast %mul3A_1847 : i32 to vector<16xi32>
      %add3A_1959 = arith.addi %add3A_650, %add3A_1958 : vector<16xi32>
      tpu.vector_store_idx %arg8[%add3A_1959], %mul3A_1957 {add = true} : memref<43536xf32, #tpu.memory_space<vmem>>[vector<16xi32>], vector<16xf32>,
      %get3A_1960 = arith.constant 1 : i32
      %get3A_1961 = arith.index_cast %scan3A_1845 : i32 to index
      %get3A_1962 = arith.index_cast %get3A_1960 : i32 to index
      %get3A_1963 = arith.constant 96 : index
      %get3A_1964 = tpu.vector_load %arg5[%get3A_1961, %get3A_1962, %get3A_1963] {strides = array<i32>} : memref<128x2x128xf32, #tpu.memory_space<vmem>>, vector<16xf32>,
      %mul3A_1965 = arith.mulf %get3A_1964, %mul3A_679 : vector<16xf32>
      %add3A_1966 = vector.broadcast %mul3A_1847 : i32 to vector<16xi32>
      %add3A_1967 = arith.addi %add3A_688, %add3A_1966 : vector<16xi32>
      tpu.vector_store_idx %arg8[%add3A_1967], %mul3A_1965 {add = true} : memref<43536xf32, #tpu.memory_space<vmem>>[vector<16xi32>], vector<16xf32>,
      %get3A_1968 = arith.constant 1 : i32
      %get3A_1969 = arith.index_cast %scan3A_1845 : i32 to index
      %get3A_1970 = arith.index_cast %get3A_1968 : i32 to index
      %get3A_1971 = arith.constant 112 : index
      %get3A_1972 = tpu.vector_load %arg5[%get3A_1969, %get3A_1970, %get3A_1971] {strides = array<i32>} : memref<128x2x128xf32, #tpu.memory_space<vmem>>, vector<16xf32>,
      %mul3A_1973 = arith.mulf %get3A_1972, %mul3A_717 : vector<16xf32>
      %add3A_1974 = vector.broadcast %mul3A_1847 : i32 to vector<16xi32>
      %add3A_1975 = arith.addi %add3A_726, %add3A_1974 : vector<16xi32>
      tpu.vector_store_idx %arg8[%add3A_1975], %mul3A_1973 {add = true} : memref<43536xf32, #tpu.memory_space<vmem>>[vector<16xi32>], vector<16xf32>,
    }
    %scan3A_732 = arith.constant 128 : i32
    %add3A_733 = arith.constant 2 : i32
    %add3A_734 = arith.addi %add3A_74, %add3A_733 : i32
    %lt3A_735 = arith.constant 2 : i32
    %lt3A_736 = arith.cmpi slt, %add3A_734, %lt3A_735 : i32
    %convert_element_type3A = arith.extui %lt3A_736 : i1 to i32
    %cond3A = arith.constant 0 : i32
    %cond3A_737 = arith.cmpi ne, %convert_element_type3A, %cond3A : i32
    scf.if %cond3A_737 {
      %add3A_1449 = arith.constant 2 : i32
      %add3A_1450 = arith.addi %add3A_74, %add3A_1449 : i32
      %mul3A_1451 = arith.constant 2 : i32
      %mul3A_1452 = arith.muli %add3A_1450, %mul3A_1451 : i32
      %add3A_1453 = arith.addi %mul3A_32, %mul3A_1452 : i32
      %dma_start3A_1454 = arith.constant 0 : i32
      %dma_start3A_1455 = arith.constant 0 : i32
      %dma_start3A_1456 = tpu.memref_slice %arg2[%select_n3A, %dma_start3A_1454, %add3A_1453, %dma_start3A_1455] : memref<1x128x128x128xf32, #tpu.memory_space<hbm>> -> memref<1x128x2x128xf32, #tpu.memory_space<hbm>>
      %dma_start3A_1457 = tpu.memref_squeeze %dma_start3A_1456 : memref<1x128x2x128xf32, #tpu.memory_space<hbm>> -> memref<128x2x128xf32, #tpu.memory_space<hbm>>
      %dma_start3A_1458 = arith.constant 0 : i32
      %dma_start3A_1459 = arith.constant 0 : i32
      %dma_start3A_1460 = tpu.memref_slice %arg2[%select_n3A, %dma_start3A_1458, %add3A_1453, %dma_start3A_1459] : memref<1x128x128x128xf32, #tpu.memory_space<hbm>> -> memref<1x128x2x128xf32, #tpu.memory_space<hbm>>
      %dma_start3A_1461 = tpu.memref_squeeze %dma_start3A_1460 : memref<1x128x2x128xf32, #tpu.memory_space<hbm>> -> memref<128x2x128xf32, #tpu.memory_space<hbm>>
      tpu.enqueue_dma source(%dma_start3A_1461 : memref<128x2x128xf32, #tpu.memory_space<hbm>>) target(%arg5 : memref<128x2x128xf32, #tpu.memory_space<vmem>>) target_semaphore(%arg12 : memref<!tpu.dma_semaphore, #tpu.memory_space<semaphore_mem>>)
    } else {
    }
    %mul3A_738 = arith.constant 2 : i32
    %mul3A_739 = arith.muli %mul3A_738, %scan3A_70 : i32
    %add3A_740 = arith.constant 1 : i32
    %add3A_741 = arith.addi %mul3A_739, %add3A_740 : i32
    %dma_wait3A_742 = arith.constant 0 : i32
    %dma_wait3A_743 = arith.constant 0 : i32
    %dma_wait3A_744 = tpu.memref_slice %arg2[%select_n3A, %dma_wait3A_742, %mul3A_32, %dma_wait3A_743] : memref<1x128x128x128xf32, #tpu.memory_space<hbm>> -> memref<1x128x2x128xf32, #tpu.memory_space<hbm>>
    %dma_wait3A_745 = tpu.memref_squeeze %dma_wait3A_744 : memref<1x128x2x128xf32, #tpu.memory_space<hbm>> -> memref<128x2x128xf32, #tpu.memory_space<hbm>>
    %dma_wait3A_746 = arith.constant 0 : i32
    %dma_wait3A_747 = arith.constant 0 : i32
    %dma_wait3A_748 = tpu.memref_slice %arg2[%select_n3A, %dma_wait3A_746, %mul3A_32, %dma_wait3A_747] : memref<1x128x128x128xf32, #tpu.memory_space<hbm>> -> memref<1x128x2x128xf32, #tpu.memory_space<hbm>>
    %dma_wait3A_749 = tpu.memref_squeeze %dma_wait3A_748 : memref<1x128x2x128xf32, #tpu.memory_space<hbm>> -> memref<128x2x128xf32, #tpu.memory_space<hbm>>
    tpu.wait_dma2 semaphore(%arg13 : memref<!tpu.dma_semaphore, #tpu.memory_space<semaphore_mem>>) src(%dma_wait3A_749 : memref<128x2x128xf32, #tpu.memory_space<hbm>>) dst(%arg6 : memref<128x2x128xf32, #tpu.memory_space<vmem>>)
    %mul3A_750 = arith.constant 2 : i32
    %mul3A_751 = arith.muli %add3A_741, %mul3A_750 : i32
    %broadcast_in_dim3A_752 = arith.constant 0.000000e+00 : f32
    %broadcast_in_dim3A_753 = vector.broadcast %broadcast_in_dim3A_752 : f32 to vector<16xf32>
    %broadcast_in_dim3A_754 = arith.constant 0.000000e+00 : f32
    %broadcast_in_dim3A_755 = vector.broadcast %broadcast_in_dim3A_754 : f32 to vector<16xf32>
    %broadcast_in_dim3A_756 = arith.constant 0.000000e+00 : f32
    %broadcast_in_dim3A_757 = vector.broadcast %broadcast_in_dim3A_756 : f32 to vector<16xf32>
    %broadcast_in_dim3A_758 = arith.constant 0.000000e+00 : f32
    %broadcast_in_dim3A_759 = vector.broadcast %broadcast_in_dim3A_758 : f32 to vector<16xf32>
    %broadcast_in_dim3A_760 = arith.constant 0.000000e+00 : f32
    %broadcast_in_dim3A_761 = vector.broadcast %broadcast_in_dim3A_760 : f32 to vector<16xf32>
    %broadcast_in_dim3A_762 = arith.constant 0.000000e+00 : f32
    %broadcast_in_dim3A_763 = vector.broadcast %broadcast_in_dim3A_762 : f32 to vector<16xf32>
    %broadcast_in_dim3A_764 = arith.constant 0.000000e+00 : f32
    %broadcast_in_dim3A_765 = vector.broadcast %broadcast_in_dim3A_764 : f32 to vector<16xf32>
    %broadcast_in_dim3A_766 = arith.constant 0.000000e+00 : f32
    %broadcast_in_dim3A_767 = vector.broadcast %broadcast_in_dim3A_766 : f32 to vector<16xf32>
    %broadcast_in_dim3A_768 = arith.constant 0.000000e+00 : f32
    %broadcast_in_dim3A_769 = vector.broadcast %broadcast_in_dim3A_768 : f32 to vector<16xf32>
    %broadcast_in_dim3A_770 = arith.constant 0.000000e+00 : f32
    %broadcast_in_dim3A_771 = vector.broadcast %broadcast_in_dim3A_770 : f32 to vector<16xf32>
    %broadcast_in_dim3A_772 = arith.constant 0.000000e+00 : f32
    %broadcast_in_dim3A_773 = vector.broadcast %broadcast_in_dim3A_772 : f32 to vector<16xf32>
    %broadcast_in_dim3A_774 = arith.constant 0.000000e+00 : f32
    %broadcast_in_dim3A_775 = vector.broadcast %broadcast_in_dim3A_774 : f32 to vector<16xf32>
    %broadcast_in_dim3A_776 = arith.constant 0.000000e+00 : f32
    %broadcast_in_dim3A_777 = vector.broadcast %broadcast_in_dim3A_776 : f32 to vector<16xf32>
    %broadcast_in_dim3A_778 = arith.constant 0.000000e+00 : f32
    %broadcast_in_dim3A_779 = vector.broadcast %broadcast_in_dim3A_778 : f32 to vector<16xf32>
    %broadcast_in_dim3A_780 = arith.constant 0.000000e+00 : f32
    %broadcast_in_dim3A_781 = vector.broadcast %broadcast_in_dim3A_780 : f32 to vector<16xf32>
    %broadcast_in_dim3A_782 = arith.constant 0.000000e+00 : f32
    %broadcast_in_dim3A_783 = vector.broadcast %broadcast_in_dim3A_782 : f32 to vector<16xf32>
    %scan3A_784 = arith.constant 0 : i32
    %scan3A_785 = arith.constant 128 : i32
    %scan3A_786 = arith.addi %scan3A_784, %scan3A_785 : i32
    %scan3A_787 = arith.constant 4 : i32
    %scan3A_788:16 = scf.for %scan3A_1449 = %scan3A_784 to %scan3A_786 step %scan3A_787 iter_args(%scan3A_1450 = %broadcast_in_dim3A_753, %scan3A_1451 = %broadcast_in_dim3A_755, %scan3A_1452 = %broadcast_in_dim3A_757, %scan3A_1453 = %broadcast_in_dim3A_759, %scan3A_1454 = %broadcast_in_dim3A_761, %scan3A_1455 = %broadcast_in_dim3A_763, %scan3A_1456 = %broadcast_in_dim3A_765, %scan3A_1457 = %broadcast_in_dim3A_767, %scan3A_1458 = %broadcast_in_dim3A_769, %scan3A_1459 = %broadcast_in_dim3A_771, %scan3A_1460 = %broadcast_in_dim3A_773, %scan3A_1461 = %broadcast_in_dim3A_775, %scan3A_1462 = %broadcast_in_dim3A_777, %scan3A_1463 = %broadcast_in_dim3A_779, %scan3A_1464 = %broadcast_in_dim3A_781, %scan3A_1465 = %broadcast_in_dim3A_783) -> (vector<16xf32>, vector<16xf32>, vector<16xf32>, vector<16xf32>, vector<16xf32>, vector<16xf32>, vector<16xf32>, vector<16xf32>, vector<16xf32>, vector<16xf32>, vector<16xf32>, vector<16xf32>, vector<16xf32>, vector<16xf32>, vector<16xf32>, vector<16xf32>)  : i32 {
      %get3A_1466 = arith.constant 0 : i32
      %get3A_1467 = arith.index_cast %scan3A_1449 : i32 to index
      %get3A_1468 = arith.index_cast %get3A_1466 : i32 to index
      %get3A_1469 = arith.constant 0 : index
      %get3A_1470 = tpu.vector_load %arg6[%get3A_1467, %get3A_1468, %get3A_1469] {strides = array<i32>} : memref<128x2x128xf32, #tpu.memory_space<vmem>>, vector<16xf32>,
      %mul3A_1471 = arith.mulf %get3A_1470, %get3A_1470 : vector<16xf32>
      %add3A_1472 = arith.addf %scan3A_1450, %mul3A_1471 : vector<16xf32>
      %get3A_1473 = arith.constant 0 : i32
      %get3A_1474 = arith.index_cast %scan3A_1449 : i32 to index
      %get3A_1475 = arith.index_cast %get3A_1473 : i32 to index
      %get3A_1476 = arith.constant 16 : index
      %get3A_1477 = tpu.vector_load %arg6[%get3A_1474, %get3A_1475, %get3A_1476] {strides = array<i32>} : memref<128x2x128xf32, #tpu.memory_space<vmem>>, vector<16xf32>,
      %mul3A_1478 = arith.mulf %get3A_1477, %get3A_1477 : vector<16xf32>
      %add3A_1479 = arith.addf %scan3A_1451, %mul3A_1478 : vector<16xf32>
      %get3A_1480 = arith.constant 0 : i32
      %get3A_1481 = arith.index_cast %scan3A_1449 : i32 to index
      %get3A_1482 = arith.index_cast %get3A_1480 : i32 to index
      %get3A_1483 = arith.constant 32 : index
      %get3A_1484 = tpu.vector_load %arg6[%get3A_1481, %get3A_1482, %get3A_1483] {strides = array<i32>} : memref<128x2x128xf32, #tpu.memory_space<vmem>>, vector<16xf32>,
      %mul3A_1485 = arith.mulf %get3A_1484, %get3A_1484 : vector<16xf32>
      %add3A_1486 = arith.addf %scan3A_1452, %mul3A_1485 : vector<16xf32>
      %get3A_1487 = arith.constant 0 : i32
      %get3A_1488 = arith.index_cast %scan3A_1449 : i32 to index
      %get3A_1489 = arith.index_cast %get3A_1487 : i32 to index
      %get3A_1490 = arith.constant 48 : index
      %get3A_1491 = tpu.vector_load %arg6[%get3A_1488, %get3A_1489, %get3A_1490] {strides = array<i32>} : memref<128x2x128xf32, #tpu.memory_space<vmem>>, vector<16xf32>,
      %mul3A_1492 = arith.mulf %get3A_1491, %get3A_1491 : vector<16xf32>
      %add3A_1493 = arith.addf %scan3A_1453, %mul3A_1492 : vector<16xf32>
      %get3A_1494 = arith.constant 0 : i32
      %get3A_1495 = arith.index_cast %scan3A_1449 : i32 to index
      %get3A_1496 = arith.index_cast %get3A_1494 : i32 to index
      %get3A_1497 = arith.constant 64 : index
      %get3A_1498 = tpu.vector_load %arg6[%get3A_1495, %get3A_1496, %get3A_1497] {strides = array<i32>} : memref<128x2x128xf32, #tpu.memory_space<vmem>>, vector<16xf32>,
      %mul3A_1499 = arith.mulf %get3A_1498, %get3A_1498 : vector<16xf32>
      %add3A_1500 = arith.addf %scan3A_1454, %mul3A_1499 : vector<16xf32>
      %get3A_1501 = arith.constant 0 : i32
      %get3A_1502 = arith.index_cast %scan3A_1449 : i32 to index
      %get3A_1503 = arith.index_cast %get3A_1501 : i32 to index
      %get3A_1504 = arith.constant 80 : index
      %get3A_1505 = tpu.vector_load %arg6[%get3A_1502, %get3A_1503, %get3A_1504] {strides = array<i32>} : memref<128x2x128xf32, #tpu.memory_space<vmem>>, vector<16xf32>,
      %mul3A_1506 = arith.mulf %get3A_1505, %get3A_1505 : vector<16xf32>
      %add3A_1507 = arith.addf %scan3A_1455, %mul3A_1506 : vector<16xf32>
      %get3A_1508 = arith.constant 0 : i32
      %get3A_1509 = arith.index_cast %scan3A_1449 : i32 to index
      %get3A_1510 = arith.index_cast %get3A_1508 : i32 to index
      %get3A_1511 = arith.constant 96 : index
      %get3A_1512 = tpu.vector_load %arg6[%get3A_1509, %get3A_1510, %get3A_1511] {strides = array<i32>} : memref<128x2x128xf32, #tpu.memory_space<vmem>>, vector<16xf32>,
      %mul3A_1513 = arith.mulf %get3A_1512, %get3A_1512 : vector<16xf32>
      %add3A_1514 = arith.addf %scan3A_1456, %mul3A_1513 : vector<16xf32>
      %get3A_1515 = arith.constant 0 : i32
      %get3A_1516 = arith.index_cast %scan3A_1449 : i32 to index
      %get3A_1517 = arith.index_cast %get3A_1515 : i32 to index
      %get3A_1518 = arith.constant 112 : index
      %get3A_1519 = tpu.vector_load %arg6[%get3A_1516, %get3A_1517, %get3A_1518] {strides = array<i32>} : memref<128x2x128xf32, #tpu.memory_space<vmem>>, vector<16xf32>,
      %mul3A_1520 = arith.mulf %get3A_1519, %get3A_1519 : vector<16xf32>
      %add3A_1521 = arith.addf %scan3A_1457, %mul3A_1520 : vector<16xf32>
      %get3A_1522 = arith.constant 1 : i32
      %get3A_1523 = arith.index_cast %scan3A_1449 : i32 to index
      %get3A_1524 = arith.index_cast %get3A_1522 : i32 to index
      %get3A_1525 = arith.constant 0 : index
      %get3A_1526 = tpu.vector_load %arg6[%get3A_1523, %get3A_1524, %get3A_1525] {strides = array<i32>} : memref<128x2x128xf32, #tpu.memory_space<vmem>>, vector<16xf32>,
      %mul3A_1527 = arith.mulf %get3A_1526, %get3A_1526 : vector<16xf32>
      %add3A_1528 = arith.addf %scan3A_1458, %mul3A_1527 : vector<16xf32>
      %get3A_1529 = arith.constant 1 : i32
      %get3A_1530 = arith.index_cast %scan3A_1449 : i32 to index
      %get3A_1531 = arith.index_cast %get3A_1529 : i32 to index
      %get3A_1532 = arith.constant 16 : index
      %get3A_1533 = tpu.vector_load %arg6[%get3A_1530, %get3A_1531, %get3A_1532] {strides = array<i32>} : memref<128x2x128xf32, #tpu.memory_space<vmem>>, vector<16xf32>,
      %mul3A_1534 = arith.mulf %get3A_1533, %get3A_1533 : vector<16xf32>
      %add3A_1535 = arith.addf %scan3A_1459, %mul3A_1534 : vector<16xf32>
      %get3A_1536 = arith.constant 1 : i32
      %get3A_1537 = arith.index_cast %scan3A_1449 : i32 to index
      %get3A_1538 = arith.index_cast %get3A_1536 : i32 to index
      %get3A_1539 = arith.constant 32 : index
      %get3A_1540 = tpu.vector_load %arg6[%get3A_1537, %get3A_1538, %get3A_1539] {strides = array<i32>} : memref<128x2x128xf32, #tpu.memory_space<vmem>>, vector<16xf32>,
      %mul3A_1541 = arith.mulf %get3A_1540, %get3A_1540 : vector<16xf32>
      %add3A_1542 = arith.addf %scan3A_1460, %mul3A_1541 : vector<16xf32>
      %get3A_1543 = arith.constant 1 : i32
      %get3A_1544 = arith.index_cast %scan3A_1449 : i32 to index
      %get3A_1545 = arith.index_cast %get3A_1543 : i32 to index
      %get3A_1546 = arith.constant 48 : index
      %get3A_1547 = tpu.vector_load %arg6[%get3A_1544, %get3A_1545, %get3A_1546] {strides = array<i32>} : memref<128x2x128xf32, #tpu.memory_space<vmem>>, vector<16xf32>,
      %mul3A_1548 = arith.mulf %get3A_1547, %get3A_1547 : vector<16xf32>
      %add3A_1549 = arith.addf %scan3A_1461, %mul3A_1548 : vector<16xf32>
      %get3A_1550 = arith.constant 1 : i32
      %get3A_1551 = arith.index_cast %scan3A_1449 : i32 to index
      %get3A_1552 = arith.index_cast %get3A_1550 : i32 to index
      %get3A_1553 = arith.constant 64 : index
      %get3A_1554 = tpu.vector_load %arg6[%get3A_1551, %get3A_1552, %get3A_1553] {strides = array<i32>} : memref<128x2x128xf32, #tpu.memory_space<vmem>>, vector<16xf32>,
      %mul3A_1555 = arith.mulf %get3A_1554, %get3A_1554 : vector<16xf32>
      %add3A_1556 = arith.addf %scan3A_1462, %mul3A_1555 : vector<16xf32>
      %get3A_1557 = arith.constant 1 : i32
      %get3A_1558 = arith.index_cast %scan3A_1449 : i32 to index
      %get3A_1559 = arith.index_cast %get3A_1557 : i32 to index
      %get3A_1560 = arith.constant 80 : index
      %get3A_1561 = tpu.vector_load %arg6[%get3A_1558, %get3A_1559, %get3A_1560] {strides = array<i32>} : memref<128x2x128xf32, #tpu.memory_space<vmem>>, vector<16xf32>,
      %mul3A_1562 = arith.mulf %get3A_1561, %get3A_1561 : vector<16xf32>
      %add3A_1563 = arith.addf %scan3A_1463, %mul3A_1562 : vector<16xf32>
      %get3A_1564 = arith.constant 1 : i32
      %get3A_1565 = arith.index_cast %scan3A_1449 : i32 to index
      %get3A_1566 = arith.index_cast %get3A_1564 : i32 to index
      %get3A_1567 = arith.constant 96 : index
      %get3A_1568 = tpu.vector_load %arg6[%get3A_1565, %get3A_1566, %get3A_1567] {strides = array<i32>} : memref<128x2x128xf32, #tpu.memory_space<vmem>>, vector<16xf32>,
      %mul3A_1569 = arith.mulf %get3A_1568, %get3A_1568 : vector<16xf32>
      %add3A_1570 = arith.addf %scan3A_1464, %mul3A_1569 : vector<16xf32>
      %get3A_1571 = arith.constant 1 : i32
      %get3A_1572 = arith.index_cast %scan3A_1449 : i32 to index
      %get3A_1573 = arith.index_cast %get3A_1571 : i32 to index
      %get3A_1574 = arith.constant 112 : index
      %get3A_1575 = tpu.vector_load %arg6[%get3A_1572, %get3A_1573, %get3A_1574] {strides = array<i32>} : memref<128x2x128xf32, #tpu.memory_space<vmem>>, vector<16xf32>,
      %mul3A_1576 = arith.mulf %get3A_1575, %get3A_1575 : vector<16xf32>
      %add3A_1577 = arith.addf %scan3A_1465, %mul3A_1576 : vector<16xf32>
      %scan3A_1578 = arith.constant 1 : i32
      %scan3A_1579 = arith.addi %scan3A_1449, %scan3A_1578 : i32
      %get3A_1580 = arith.constant 0 : i32
      %get3A_1581 = arith.index_cast %scan3A_1579 : i32 to index
      %get3A_1582 = arith.index_cast %get3A_1580 : i32 to index
      %get3A_1583 = arith.constant 0 : index
      %get3A_1584 = tpu.vector_load %arg6[%get3A_1581, %get3A_1582, %get3A_1583] {strides = array<i32>} : memref<128x2x128xf32, #tpu.memory_space<vmem>>, vector<16xf32>,
      %mul3A_1585 = arith.mulf %get3A_1584, %get3A_1584 : vector<16xf32>
      %add3A_1586 = arith.addf %add3A_1472, %mul3A_1585 : vector<16xf32>
      %get3A_1587 = arith.constant 0 : i32
      %get3A_1588 = arith.index_cast %scan3A_1579 : i32 to index
      %get3A_1589 = arith.index_cast %get3A_1587 : i32 to index
      %get3A_1590 = arith.constant 16 : index
      %get3A_1591 = tpu.vector_load %arg6[%get3A_1588, %get3A_1589, %get3A_1590] {strides = array<i32>} : memref<128x2x128xf32, #tpu.memory_space<vmem>>, vector<16xf32>,
      %mul3A_1592 = arith.mulf %get3A_1591, %get3A_1591 : vector<16xf32>
      %add3A_1593 = arith.addf %add3A_1479, %mul3A_1592 : vector<16xf32>
      %get3A_1594 = arith.constant 0 : i32
      %get3A_1595 = arith.index_cast %scan3A_1579 : i32 to index
      %get3A_1596 = arith.index_cast %get3A_1594 : i32 to index
      %get3A_1597 = arith.constant 32 : index
      %get3A_1598 = tpu.vector_load %arg6[%get3A_1595, %get3A_1596, %get3A_1597] {strides = array<i32>} : memref<128x2x128xf32, #tpu.memory_space<vmem>>, vector<16xf32>,
      %mul3A_1599 = arith.mulf %get3A_1598, %get3A_1598 : vector<16xf32>
      %add3A_1600 = arith.addf %add3A_1486, %mul3A_1599 : vector<16xf32>
      %get3A_1601 = arith.constant 0 : i32
      %get3A_1602 = arith.index_cast %scan3A_1579 : i32 to index
      %get3A_1603 = arith.index_cast %get3A_1601 : i32 to index
      %get3A_1604 = arith.constant 48 : index
      %get3A_1605 = tpu.vector_load %arg6[%get3A_1602, %get3A_1603, %get3A_1604] {strides = array<i32>} : memref<128x2x128xf32, #tpu.memory_space<vmem>>, vector<16xf32>,
      %mul3A_1606 = arith.mulf %get3A_1605, %get3A_1605 : vector<16xf32>
      %add3A_1607 = arith.addf %add3A_1493, %mul3A_1606 : vector<16xf32>
      %get3A_1608 = arith.constant 0 : i32
      %get3A_1609 = arith.index_cast %scan3A_1579 : i32 to index
      %get3A_1610 = arith.index_cast %get3A_1608 : i32 to index
      %get3A_1611 = arith.constant 64 : index
      %get3A_1612 = tpu.vector_load %arg6[%get3A_1609, %get3A_1610, %get3A_1611] {strides = array<i32>} : memref<128x2x128xf32, #tpu.memory_space<vmem>>, vector<16xf32>,
      %mul3A_1613 = arith.mulf %get3A_1612, %get3A_1612 : vector<16xf32>
      %add3A_1614 = arith.addf %add3A_1500, %mul3A_1613 : vector<16xf32>
      %get3A_1615 = arith.constant 0 : i32
      %get3A_1616 = arith.index_cast %scan3A_1579 : i32 to index
      %get3A_1617 = arith.index_cast %get3A_1615 : i32 to index
      %get3A_1618 = arith.constant 80 : index
      %get3A_1619 = tpu.vector_load %arg6[%get3A_1616, %get3A_1617, %get3A_1618] {strides = array<i32>} : memref<128x2x128xf32, #tpu.memory_space<vmem>>, vector<16xf32>,
      %mul3A_1620 = arith.mulf %get3A_1619, %get3A_1619 : vector<16xf32>
      %add3A_1621 = arith.addf %add3A_1507, %mul3A_1620 : vector<16xf32>
      %get3A_1622 = arith.constant 0 : i32
      %get3A_1623 = arith.index_cast %scan3A_1579 : i32 to index
      %get3A_1624 = arith.index_cast %get3A_1622 : i32 to index
      %get3A_1625 = arith.constant 96 : index
      %get3A_1626 = tpu.vector_load %arg6[%get3A_1623, %get3A_1624, %get3A_1625] {strides = array<i32>} : memref<128x2x128xf32, #tpu.memory_space<vmem>>, vector<16xf32>,
      %mul3A_1627 = arith.mulf %get3A_1626, %get3A_1626 : vector<16xf32>
      %add3A_1628 = arith.addf %add3A_1514, %mul3A_1627 : vector<16xf32>
      %get3A_1629 = arith.constant 0 : i32
      %get3A_1630 = arith.index_cast %scan3A_1579 : i32 to index
      %get3A_1631 = arith.index_cast %get3A_1629 : i32 to index
      %get3A_1632 = arith.constant 112 : index
      %get3A_1633 = tpu.vector_load %arg6[%get3A_1630, %get3A_1631, %get3A_1632] {strides = array<i32>} : memref<128x2x128xf32, #tpu.memory_space<vmem>>, vector<16xf32>,
      %mul3A_1634 = arith.mulf %get3A_1633, %get3A_1633 : vector<16xf32>
      %add3A_1635 = arith.addf %add3A_1521, %mul3A_1634 : vector<16xf32>
      %get3A_1636 = arith.constant 1 : i32
      %get3A_1637 = arith.index_cast %scan3A_1579 : i32 to index
      %get3A_1638 = arith.index_cast %get3A_1636 : i32 to index
      %get3A_1639 = arith.constant 0 : index
      %get3A_1640 = tpu.vector_load %arg6[%get3A_1637, %get3A_1638, %get3A_1639] {strides = array<i32>} : memref<128x2x128xf32, #tpu.memory_space<vmem>>, vector<16xf32>,
      %mul3A_1641 = arith.mulf %get3A_1640, %get3A_1640 : vector<16xf32>
      %add3A_1642 = arith.addf %add3A_1528, %mul3A_1641 : vector<16xf32>
      %get3A_1643 = arith.constant 1 : i32
      %get3A_1644 = arith.index_cast %scan3A_1579 : i32 to index
      %get3A_1645 = arith.index_cast %get3A_1643 : i32 to index
      %get3A_1646 = arith.constant 16 : index
      %get3A_1647 = tpu.vector_load %arg6[%get3A_1644, %get3A_1645, %get3A_1646] {strides = array<i32>} : memref<128x2x128xf32, #tpu.memory_space<vmem>>, vector<16xf32>,
      %mul3A_1648 = arith.mulf %get3A_1647, %get3A_1647 : vector<16xf32>
      %add3A_1649 = arith.addf %add3A_1535, %mul3A_1648 : vector<16xf32>
      %get3A_1650 = arith.constant 1 : i32
      %get3A_1651 = arith.index_cast %scan3A_1579 : i32 to index
      %get3A_1652 = arith.index_cast %get3A_1650 : i32 to index
      %get3A_1653 = arith.constant 32 : index
      %get3A_1654 = tpu.vector_load %arg6[%get3A_1651, %get3A_1652, %get3A_1653] {strides = array<i32>} : memref<128x2x128xf32, #tpu.memory_space<vmem>>, vector<16xf32>,
      %mul3A_1655 = arith.mulf %get3A_1654, %get3A_1654 : vector<16xf32>
      %add3A_1656 = arith.addf %add3A_1542, %mul3A_1655 : vector<16xf32>
      %get3A_1657 = arith.constant 1 : i32
      %get3A_1658 = arith.index_cast %scan3A_1579 : i32 to index
      %get3A_1659 = arith.index_cast %get3A_1657 : i32 to index
      %get3A_1660 = arith.constant 48 : index
      %get3A_1661 = tpu.vector_load %arg6[%get3A_1658, %get3A_1659, %get3A_1660] {strides = array<i32>} : memref<128x2x128xf32, #tpu.memory_space<vmem>>, vector<16xf32>,
      %mul3A_1662 = arith.mulf %get3A_1661, %get3A_1661 : vector<16xf32>
      %add3A_1663 = arith.addf %add3A_1549, %mul3A_1662 : vector<16xf32>
      %get3A_1664 = arith.constant 1 : i32
      %get3A_1665 = arith.index_cast %scan3A_1579 : i32 to index
      %get3A_1666 = arith.index_cast %get3A_1664 : i32 to index
      %get3A_1667 = arith.constant 64 : index
      %get3A_1668 = tpu.vector_load %arg6[%get3A_1665, %get3A_1666, %get3A_1667] {strides = array<i32>} : memref<128x2x128xf32, #tpu.memory_space<vmem>>, vector<16xf32>,
      %mul3A_1669 = arith.mulf %get3A_1668, %get3A_1668 : vector<16xf32>
      %add3A_1670 = arith.addf %add3A_1556, %mul3A_1669 : vector<16xf32>
      %get3A_1671 = arith.constant 1 : i32
      %get3A_1672 = arith.index_cast %scan3A_1579 : i32 to index
      %get3A_1673 = arith.index_cast %get3A_1671 : i32 to index
      %get3A_1674 = arith.constant 80 : index
      %get3A_1675 = tpu.vector_load %arg6[%get3A_1672, %get3A_1673, %get3A_1674] {strides = array<i32>} : memref<128x2x128xf32, #tpu.memory_space<vmem>>, vector<16xf32>,
      %mul3A_1676 = arith.mulf %get3A_1675, %get3A_1675 : vector<16xf32>
      %add3A_1677 = arith.addf %add3A_1563, %mul3A_1676 : vector<16xf32>
      %get3A_1678 = arith.constant 1 : i32
      %get3A_1679 = arith.index_cast %scan3A_1579 : i32 to index
      %get3A_1680 = arith.index_cast %get3A_1678 : i32 to index
      %get3A_1681 = arith.constant 96 : index
      %get3A_1682 = tpu.vector_load %arg6[%get3A_1679, %get3A_1680, %get3A_1681] {strides = array<i32>} : memref<128x2x128xf32, #tpu.memory_space<vmem>>, vector<16xf32>,
      %mul3A_1683 = arith.mulf %get3A_1682, %get3A_1682 : vector<16xf32>
      %add3A_1684 = arith.addf %add3A_1570, %mul3A_1683 : vector<16xf32>
      %get3A_1685 = arith.constant 1 : i32
      %get3A_1686 = arith.index_cast %scan3A_1579 : i32 to index
      %get3A_1687 = arith.index_cast %get3A_1685 : i32 to index
      %get3A_1688 = arith.constant 112 : index
      %get3A_1689 = tpu.vector_load %arg6[%get3A_1686, %get3A_1687, %get3A_1688] {strides = array<i32>} : memref<128x2x128xf32, #tpu.memory_space<vmem>>, vector<16xf32>,
      %mul3A_1690 = arith.mulf %get3A_1689, %get3A_1689 : vector<16xf32>
      %add3A_1691 = arith.addf %add3A_1577, %mul3A_1690 : vector<16xf32>
      %scan3A_1692 = arith.constant 2 : i32
      %scan3A_1693 = arith.addi %scan3A_1449, %scan3A_1692 : i32
      %get3A_1694 = arith.constant 0 : i32
      %get3A_1695 = arith.index_cast %scan3A_1693 : i32 to index
      %get3A_1696 = arith.index_cast %get3A_1694 : i32 to index
      %get3A_1697 = arith.constant 0 : index
      %get3A_1698 = tpu.vector_load %arg6[%get3A_1695, %get3A_1696, %get3A_1697] {strides = array<i32>} : memref<128x2x128xf32, #tpu.memory_space<vmem>>, vector<16xf32>,
      %mul3A_1699 = arith.mulf %get3A_1698, %get3A_1698 : vector<16xf32>
      %add3A_1700 = arith.addf %add3A_1586, %mul3A_1699 : vector<16xf32>
      %get3A_1701 = arith.constant 0 : i32
      %get3A_1702 = arith.index_cast %scan3A_1693 : i32 to index
      %get3A_1703 = arith.index_cast %get3A_1701 : i32 to index
      %get3A_1704 = arith.constant 16 : index
      %get3A_1705 = tpu.vector_load %arg6[%get3A_1702, %get3A_1703, %get3A_1704] {strides = array<i32>} : memref<128x2x128xf32, #tpu.memory_space<vmem>>, vector<16xf32>,
      %mul3A_1706 = arith.mulf %get3A_1705, %get3A_1705 : vector<16xf32>
      %add3A_1707 = arith.addf %add3A_1593, %mul3A_1706 : vector<16xf32>
      %get3A_1708 = arith.constant 0 : i32
      %get3A_1709 = arith.index_cast %scan3A_1693 : i32 to index
      %get3A_1710 = arith.index_cast %get3A_1708 : i32 to index
      %get3A_1711 = arith.constant 32 : index
      %get3A_1712 = tpu.vector_load %arg6[%get3A_1709, %get3A_1710, %get3A_1711] {strides = array<i32>} : memref<128x2x128xf32, #tpu.memory_space<vmem>>, vector<16xf32>,
      %mul3A_1713 = arith.mulf %get3A_1712, %get3A_1712 : vector<16xf32>
      %add3A_1714 = arith.addf %add3A_1600, %mul3A_1713 : vector<16xf32>
      %get3A_1715 = arith.constant 0 : i32
      %get3A_1716 = arith.index_cast %scan3A_1693 : i32 to index
      %get3A_1717 = arith.index_cast %get3A_1715 : i32 to index
      %get3A_1718 = arith.constant 48 : index
      %get3A_1719 = tpu.vector_load %arg6[%get3A_1716, %get3A_1717, %get3A_1718] {strides = array<i32>} : memref<128x2x128xf32, #tpu.memory_space<vmem>>, vector<16xf32>,
      %mul3A_1720 = arith.mulf %get3A_1719, %get3A_1719 : vector<16xf32>
      %add3A_1721 = arith.addf %add3A_1607, %mul3A_1720 : vector<16xf32>
      %get3A_1722 = arith.constant 0 : i32
      %get3A_1723 = arith.index_cast %scan3A_1693 : i32 to index
      %get3A_1724 = arith.index_cast %get3A_1722 : i32 to index
      %get3A_1725 = arith.constant 64 : index
      %get3A_1726 = tpu.vector_load %arg6[%get3A_1723, %get3A_1724, %get3A_1725] {strides = array<i32>} : memref<128x2x128xf32, #tpu.memory_space<vmem>>, vector<16xf32>,
      %mul3A_1727 = arith.mulf %get3A_1726, %get3A_1726 : vector<16xf32>
      %add3A_1728 = arith.addf %add3A_1614, %mul3A_1727 : vector<16xf32>
      %get3A_1729 = arith.constant 0 : i32
      %get3A_1730 = arith.index_cast %scan3A_1693 : i32 to index
      %get3A_1731 = arith.index_cast %get3A_1729 : i32 to index
      %get3A_1732 = arith.constant 80 : index
      %get3A_1733 = tpu.vector_load %arg6[%get3A_1730, %get3A_1731, %get3A_1732] {strides = array<i32>} : memref<128x2x128xf32, #tpu.memory_space<vmem>>, vector<16xf32>,
      %mul3A_1734 = arith.mulf %get3A_1733, %get3A_1733 : vector<16xf32>
      %add3A_1735 = arith.addf %add3A_1621, %mul3A_1734 : vector<16xf32>
      %get3A_1736 = arith.constant 0 : i32
      %get3A_1737 = arith.index_cast %scan3A_1693 : i32 to index
      %get3A_1738 = arith.index_cast %get3A_1736 : i32 to index
      %get3A_1739 = arith.constant 96 : index
      %get3A_1740 = tpu.vector_load %arg6[%get3A_1737, %get3A_1738, %get3A_1739] {strides = array<i32>} : memref<128x2x128xf32, #tpu.memory_space<vmem>>, vector<16xf32>,
      %mul3A_1741 = arith.mulf %get3A_1740, %get3A_1740 : vector<16xf32>
      %add3A_1742 = arith.addf %add3A_1628, %mul3A_1741 : vector<16xf32>
      %get3A_1743 = arith.constant 0 : i32
      %get3A_1744 = arith.index_cast %scan3A_1693 : i32 to index
      %get3A_1745 = arith.index_cast %get3A_1743 : i32 to index
      %get3A_1746 = arith.constant 112 : index
      %get3A_1747 = tpu.vector_load %arg6[%get3A_1744, %get3A_1745, %get3A_1746] {strides = array<i32>} : memref<128x2x128xf32, #tpu.memory_space<vmem>>, vector<16xf32>,
      %mul3A_1748 = arith.mulf %get3A_1747, %get3A_1747 : vector<16xf32>
      %add3A_1749 = arith.addf %add3A_1635, %mul3A_1748 : vector<16xf32>
      %get3A_1750 = arith.constant 1 : i32
      %get3A_1751 = arith.index_cast %scan3A_1693 : i32 to index
      %get3A_1752 = arith.index_cast %get3A_1750 : i32 to index
      %get3A_1753 = arith.constant 0 : index
      %get3A_1754 = tpu.vector_load %arg6[%get3A_1751, %get3A_1752, %get3A_1753] {strides = array<i32>} : memref<128x2x128xf32, #tpu.memory_space<vmem>>, vector<16xf32>,
      %mul3A_1755 = arith.mulf %get3A_1754, %get3A_1754 : vector<16xf32>
      %add3A_1756 = arith.addf %add3A_1642, %mul3A_1755 : vector<16xf32>
      %get3A_1757 = arith.constant 1 : i32
      %get3A_1758 = arith.index_cast %scan3A_1693 : i32 to index
      %get3A_1759 = arith.index_cast %get3A_1757 : i32 to index
      %get3A_1760 = arith.constant 16 : index
      %get3A_1761 = tpu.vector_load %arg6[%get3A_1758, %get3A_1759, %get3A_1760] {strides = array<i32>} : memref<128x2x128xf32, #tpu.memory_space<vmem>>, vector<16xf32>,
      %mul3A_1762 = arith.mulf %get3A_1761, %get3A_1761 : vector<16xf32>
      %add3A_1763 = arith.addf %add3A_1649, %mul3A_1762 : vector<16xf32>
      %get3A_1764 = arith.constant 1 : i32
      %get3A_1765 = arith.index_cast %scan3A_1693 : i32 to index
      %get3A_1766 = arith.index_cast %get3A_1764 : i32 to index
      %get3A_1767 = arith.constant 32 : index
      %get3A_1768 = tpu.vector_load %arg6[%get3A_1765, %get3A_1766, %get3A_1767] {strides = array<i32>} : memref<128x2x128xf32, #tpu.memory_space<vmem>>, vector<16xf32>,
      %mul3A_1769 = arith.mulf %get3A_1768, %get3A_1768 : vector<16xf32>
      %add3A_1770 = arith.addf %add3A_1656, %mul3A_1769 : vector<16xf32>
      %get3A_1771 = arith.constant 1 : i32
      %get3A_1772 = arith.index_cast %scan3A_1693 : i32 to index
      %get3A_1773 = arith.index_cast %get3A_1771 : i32 to index
      %get3A_1774 = arith.constant 48 : index
      %get3A_1775 = tpu.vector_load %arg6[%get3A_1772, %get3A_1773, %get3A_1774] {strides = array<i32>} : memref<128x2x128xf32, #tpu.memory_space<vmem>>, vector<16xf32>,
      %mul3A_1776 = arith.mulf %get3A_1775, %get3A_1775 : vector<16xf32>
      %add3A_1777 = arith.addf %add3A_1663, %mul3A_1776 : vector<16xf32>
      %get3A_1778 = arith.constant 1 : i32
      %get3A_1779 = arith.index_cast %scan3A_1693 : i32 to index
      %get3A_1780 = arith.index_cast %get3A_1778 : i32 to index
      %get3A_1781 = arith.constant 64 : index
      %get3A_1782 = tpu.vector_load %arg6[%get3A_1779, %get3A_1780, %get3A_1781] {strides = array<i32>} : memref<128x2x128xf32, #tpu.memory_space<vmem>>, vector<16xf32>,
      %mul3A_1783 = arith.mulf %get3A_1782, %get3A_1782 : vector<16xf32>
      %add3A_1784 = arith.addf %add3A_1670, %mul3A_1783 : vector<16xf32>
      %get3A_1785 = arith.constant 1 : i32
      %get3A_1786 = arith.index_cast %scan3A_1693 : i32 to index
      %get3A_1787 = arith.index_cast %get3A_1785 : i32 to index
      %get3A_1788 = arith.constant 80 : index
      %get3A_1789 = tpu.vector_load %arg6[%get3A_1786, %get3A_1787, %get3A_1788] {strides = array<i32>} : memref<128x2x128xf32, #tpu.memory_space<vmem>>, vector<16xf32>,
      %mul3A_1790 = arith.mulf %get3A_1789, %get3A_1789 : vector<16xf32>
      %add3A_1791 = arith.addf %add3A_1677, %mul3A_1790 : vector<16xf32>
      %get3A_1792 = arith.constant 1 : i32
      %get3A_1793 = arith.index_cast %scan3A_1693 : i32 to index
      %get3A_1794 = arith.index_cast %get3A_1792 : i32 to index
      %get3A_1795 = arith.constant 96 : index
      %get3A_1796 = tpu.vector_load %arg6[%get3A_1793, %get3A_1794, %get3A_1795] {strides = array<i32>} : memref<128x2x128xf32, #tpu.memory_space<vmem>>, vector<16xf32>,
      %mul3A_1797 = arith.mulf %get3A_1796, %get3A_1796 : vector<16xf32>
      %add3A_1798 = arith.addf %add3A_1684, %mul3A_1797 : vector<16xf32>
      %get3A_1799 = arith.constant 1 : i32
      %get3A_1800 = arith.index_cast %scan3A_1693 : i32 to index
      %get3A_1801 = arith.index_cast %get3A_1799 : i32 to index
      %get3A_1802 = arith.constant 112 : index
      %get3A_1803 = tpu.vector_load %arg6[%get3A_1800, %get3A_1801, %get3A_1802] {strides = array<i32>} : memref<128x2x128xf32, #tpu.memory_space<vmem>>, vector<16xf32>,
      %mul3A_1804 = arith.mulf %get3A_1803, %get3A_1803 : vector<16xf32>
      %add3A_1805 = arith.addf %add3A_1691, %mul3A_1804 : vector<16xf32>
      %scan3A_1806 = arith.constant 3 : i32
      %scan3A_1807 = arith.addi %scan3A_1449, %scan3A_1806 : i32
      %get3A_1808 = arith.constant 0 : i32
      %get3A_1809 = arith.index_cast %scan3A_1807 : i32 to index
      %get3A_1810 = arith.index_cast %get3A_1808 : i32 to index
      %get3A_1811 = arith.constant 0 : index
      %get3A_1812 = tpu.vector_load %arg6[%get3A_1809, %get3A_1810, %get3A_1811] {strides = array<i32>} : memref<128x2x128xf32, #tpu.memory_space<vmem>>, vector<16xf32>,
      %mul3A_1813 = arith.mulf %get3A_1812, %get3A_1812 : vector<16xf32>
      %add3A_1814 = arith.addf %add3A_1700, %mul3A_1813 : vector<16xf32>
      %get3A_1815 = arith.constant 0 : i32
      %get3A_1816 = arith.index_cast %scan3A_1807 : i32 to index
      %get3A_1817 = arith.index_cast %get3A_1815 : i32 to index
      %get3A_1818 = arith.constant 16 : index
      %get3A_1819 = tpu.vector_load %arg6[%get3A_1816, %get3A_1817, %get3A_1818] {strides = array<i32>} : memref<128x2x128xf32, #tpu.memory_space<vmem>>, vector<16xf32>,
      %mul3A_1820 = arith.mulf %get3A_1819, %get3A_1819 : vector<16xf32>
      %add3A_1821 = arith.addf %add3A_1707, %mul3A_1820 : vector<16xf32>
      %get3A_1822 = arith.constant 0 : i32
      %get3A_1823 = arith.index_cast %scan3A_1807 : i32 to index
      %get3A_1824 = arith.index_cast %get3A_1822 : i32 to index
      %get3A_1825 = arith.constant 32 : index
      %get3A_1826 = tpu.vector_load %arg6[%get3A_1823, %get3A_1824, %get3A_1825] {strides = array<i32>} : memref<128x2x128xf32, #tpu.memory_space<vmem>>, vector<16xf32>,
      %mul3A_1827 = arith.mulf %get3A_1826, %get3A_1826 : vector<16xf32>
      %add3A_1828 = arith.addf %add3A_1714, %mul3A_1827 : vector<16xf32>
      %get3A_1829 = arith.constant 0 : i32
      %get3A_1830 = arith.index_cast %scan3A_1807 : i32 to index
      %get3A_1831 = arith.index_cast %get3A_1829 : i32 to index
      %get3A_1832 = arith.constant 48 : index
      %get3A_1833 = tpu.vector_load %arg6[%get3A_1830, %get3A_1831, %get3A_1832] {strides = array<i32>} : memref<128x2x128xf32, #tpu.memory_space<vmem>>, vector<16xf32>,
      %mul3A_1834 = arith.mulf %get3A_1833, %get3A_1833 : vector<16xf32>
      %add3A_1835 = arith.addf %add3A_1721, %mul3A_1834 : vector<16xf32>
      %get3A_1836 = arith.constant 0 : i32
      %get3A_1837 = arith.index_cast %scan3A_1807 : i32 to index
      %get3A_1838 = arith.index_cast %get3A_1836 : i32 to index
      %get3A_1839 = arith.constant 64 : index
      %get3A_1840 = tpu.vector_load %arg6[%get3A_1837, %get3A_1838, %get3A_1839] {strides = array<i32>} : memref<128x2x128xf32, #tpu.memory_space<vmem>>, vector<16xf32>,
      %mul3A_1841 = arith.mulf %get3A_1840, %get3A_1840 : vector<16xf32>
      %add3A_1842 = arith.addf %add3A_1728, %mul3A_1841 : vector<16xf32>
      %get3A_1843 = arith.constant 0 : i32
      %get3A_1844 = arith.index_cast %scan3A_1807 : i32 to index
      %get3A_1845 = arith.index_cast %get3A_1843 : i32 to index
      %get3A_1846 = arith.constant 80 : index
      %get3A_1847 = tpu.vector_load %arg6[%get3A_1844, %get3A_1845, %get3A_1846] {strides = array<i32>} : memref<128x2x128xf32, #tpu.memory_space<vmem>>, vector<16xf32>,
      %mul3A_1848 = arith.mulf %get3A_1847, %get3A_1847 : vector<16xf32>
      %add3A_1849 = arith.addf %add3A_1735, %mul3A_1848 : vector<16xf32>
      %get3A_1850 = arith.constant 0 : i32
      %get3A_1851 = arith.index_cast %scan3A_1807 : i32 to index
      %get3A_1852 = arith.index_cast %get3A_1850 : i32 to index
      %get3A_1853 = arith.constant 96 : index
      %get3A_1854 = tpu.vector_load %arg6[%get3A_1851, %get3A_1852, %get3A_1853] {strides = array<i32>} : memref<128x2x128xf32, #tpu.memory_space<vmem>>, vector<16xf32>,
      %mul3A_1855 = arith.mulf %get3A_1854, %get3A_1854 : vector<16xf32>
      %add3A_1856 = arith.addf %add3A_1742, %mul3A_1855 : vector<16xf32>
      %get3A_1857 = arith.constant 0 : i32
      %get3A_1858 = arith.index_cast %scan3A_1807 : i32 to index
      %get3A_1859 = arith.index_cast %get3A_1857 : i32 to index
      %get3A_1860 = arith.constant 112 : index
      %get3A_1861 = tpu.vector_load %arg6[%get3A_1858, %get3A_1859, %get3A_1860] {strides = array<i32>} : memref<128x2x128xf32, #tpu.memory_space<vmem>>, vector<16xf32>,
      %mul3A_1862 = arith.mulf %get3A_1861, %get3A_1861 : vector<16xf32>
      %add3A_1863 = arith.addf %add3A_1749, %mul3A_1862 : vector<16xf32>
      %get3A_1864 = arith.constant 1 : i32
      %get3A_1865 = arith.index_cast %scan3A_1807 : i32 to index
      %get3A_1866 = arith.index_cast %get3A_1864 : i32 to index
      %get3A_1867 = arith.constant 0 : index
      %get3A_1868 = tpu.vector_load %arg6[%get3A_1865, %get3A_1866, %get3A_1867] {strides = array<i32>} : memref<128x2x128xf32, #tpu.memory_space<vmem>>, vector<16xf32>,
      %mul3A_1869 = arith.mulf %get3A_1868, %get3A_1868 : vector<16xf32>
      %add3A_1870 = arith.addf %add3A_1756, %mul3A_1869 : vector<16xf32>
      %get3A_1871 = arith.constant 1 : i32
      %get3A_1872 = arith.index_cast %scan3A_1807 : i32 to index
      %get3A_1873 = arith.index_cast %get3A_1871 : i32 to index
      %get3A_1874 = arith.constant 16 : index
      %get3A_1875 = tpu.vector_load %arg6[%get3A_1872, %get3A_1873, %get3A_1874] {strides = array<i32>} : memref<128x2x128xf32, #tpu.memory_space<vmem>>, vector<16xf32>,
      %mul3A_1876 = arith.mulf %get3A_1875, %get3A_1875 : vector<16xf32>
      %add3A_1877 = arith.addf %add3A_1763, %mul3A_1876 : vector<16xf32>
      %get3A_1878 = arith.constant 1 : i32
      %get3A_1879 = arith.index_cast %scan3A_1807 : i32 to index
      %get3A_1880 = arith.index_cast %get3A_1878 : i32 to index
      %get3A_1881 = arith.constant 32 : index
      %get3A_1882 = tpu.vector_load %arg6[%get3A_1879, %get3A_1880, %get3A_1881] {strides = array<i32>} : memref<128x2x128xf32, #tpu.memory_space<vmem>>, vector<16xf32>,
      %mul3A_1883 = arith.mulf %get3A_1882, %get3A_1882 : vector<16xf32>
      %add3A_1884 = arith.addf %add3A_1770, %mul3A_1883 : vector<16xf32>
      %get3A_1885 = arith.constant 1 : i32
      %get3A_1886 = arith.index_cast %scan3A_1807 : i32 to index
      %get3A_1887 = arith.index_cast %get3A_1885 : i32 to index
      %get3A_1888 = arith.constant 48 : index
      %get3A_1889 = tpu.vector_load %arg6[%get3A_1886, %get3A_1887, %get3A_1888] {strides = array<i32>} : memref<128x2x128xf32, #tpu.memory_space<vmem>>, vector<16xf32>,
      %mul3A_1890 = arith.mulf %get3A_1889, %get3A_1889 : vector<16xf32>
      %add3A_1891 = arith.addf %add3A_1777, %mul3A_1890 : vector<16xf32>
      %get3A_1892 = arith.constant 1 : i32
      %get3A_1893 = arith.index_cast %scan3A_1807 : i32 to index
      %get3A_1894 = arith.index_cast %get3A_1892 : i32 to index
      %get3A_1895 = arith.constant 64 : index
      %get3A_1896 = tpu.vector_load %arg6[%get3A_1893, %get3A_1894, %get3A_1895] {strides = array<i32>} : memref<128x2x128xf32, #tpu.memory_space<vmem>>, vector<16xf32>,
      %mul3A_1897 = arith.mulf %get3A_1896, %get3A_1896 : vector<16xf32>
      %add3A_1898 = arith.addf %add3A_1784, %mul3A_1897 : vector<16xf32>
      %get3A_1899 = arith.constant 1 : i32
      %get3A_1900 = arith.index_cast %scan3A_1807 : i32 to index
      %get3A_1901 = arith.index_cast %get3A_1899 : i32 to index
      %get3A_1902 = arith.constant 80 : index
      %get3A_1903 = tpu.vector_load %arg6[%get3A_1900, %get3A_1901, %get3A_1902] {strides = array<i32>} : memref<128x2x128xf32, #tpu.memory_space<vmem>>, vector<16xf32>,
      %mul3A_1904 = arith.mulf %get3A_1903, %get3A_1903 : vector<16xf32>
      %add3A_1905 = arith.addf %add3A_1791, %mul3A_1904 : vector<16xf32>
      %get3A_1906 = arith.constant 1 : i32
      %get3A_1907 = arith.index_cast %scan3A_1807 : i32 to index
      %get3A_1908 = arith.index_cast %get3A_1906 : i32 to index
      %get3A_1909 = arith.constant 96 : index
      %get3A_1910 = tpu.vector_load %arg6[%get3A_1907, %get3A_1908, %get3A_1909] {strides = array<i32>} : memref<128x2x128xf32, #tpu.memory_space<vmem>>, vector<16xf32>,
      %mul3A_1911 = arith.mulf %get3A_1910, %get3A_1910 : vector<16xf32>
      %add3A_1912 = arith.addf %add3A_1798, %mul3A_1911 : vector<16xf32>
      %get3A_1913 = arith.constant 1 : i32
      %get3A_1914 = arith.index_cast %scan3A_1807 : i32 to index
      %get3A_1915 = arith.index_cast %get3A_1913 : i32 to index
      %get3A_1916 = arith.constant 112 : index
      %get3A_1917 = tpu.vector_load %arg6[%get3A_1914, %get3A_1915, %get3A_1916] {strides = array<i32>} : memref<128x2x128xf32, #tpu.memory_space<vmem>>, vector<16xf32>,
      %mul3A_1918 = arith.mulf %get3A_1917, %get3A_1917 : vector<16xf32>
      %add3A_1919 = arith.addf %add3A_1805, %mul3A_1918 : vector<16xf32>
      scf.yield %add3A_1814, %add3A_1821, %add3A_1828, %add3A_1835, %add3A_1842, %add3A_1849, %add3A_1856, %add3A_1863, %add3A_1870, %add3A_1877, %add3A_1884, %add3A_1891, %add3A_1898, %add3A_1905, %add3A_1912, %add3A_1919 : vector<16xf32>, vector<16xf32>, vector<16xf32>, vector<16xf32>, vector<16xf32>, vector<16xf32>, vector<16xf32>, vector<16xf32>, vector<16xf32>, vector<16xf32>, vector<16xf32>, vector<16xf32>, vector<16xf32>, vector<16xf32>, vector<16xf32>, vector<16xf32>
    }
    %scan3A_789 = arith.constant 128 : i32
    %max3A_790 = arith.constant 1.000000e-24 : f32
    %max3A_791 = vector.broadcast %max3A_790 : f32 to vector<16xf32>
    %max3A_792 = arith.maximumf %scan3A_788#0, %max3A_791 : vector<16xf32>
    %bitcast_convert_type3A_793 = tpu.bitcast %max3A_792 : vector<16xf32> -> vector<16xi32>
    %shift_right_logical3A_794 = arith.constant 1 : i32
    %shift_right_logical3A_795 = vector.broadcast %shift_right_logical3A_794 : i32 to vector<16xi32>
    %shift_right_logical3A_796 = arith.shrui %bitcast_convert_type3A_793, %shift_right_logical3A_795 : vector<16xi32>
    %sub3A_797 = arith.constant 1597463007 : i32
    %sub3A_798 = vector.broadcast %sub3A_797 : i32 to vector<16xi32>
    %sub3A_799 = arith.subi %sub3A_798, %shift_right_logical3A_796 : vector<16xi32>
    %bitcast_convert_type3A_800 = tpu.bitcast %sub3A_799 : vector<16xi32> -> vector<16xf32>
    %mul3A_801 = arith.constant 5.000000e-01 : f32
    %mul3A_802 = vector.broadcast %mul3A_801 : f32 to vector<16xf32>
    %mul3A_803 = arith.mulf %mul3A_802, %max3A_792 : vector<16xf32>
    %mul3A_804 = arith.mulf %mul3A_803, %bitcast_convert_type3A_800 : vector<16xf32>
    %mul3A_805 = arith.mulf %mul3A_804, %bitcast_convert_type3A_800 : vector<16xf32>
    %sub3A_806 = arith.constant 1.500000e+00 : f32
    %sub3A_807 = vector.broadcast %sub3A_806 : f32 to vector<16xf32>
    %sub3A_808 = arith.subf %sub3A_807, %mul3A_805 : vector<16xf32>
    %mul3A_809 = arith.mulf %bitcast_convert_type3A_800, %sub3A_808 : vector<16xf32>
    %mul3A_810 = arith.constant 5.000000e-01 : f32
    %mul3A_811 = vector.broadcast %mul3A_810 : f32 to vector<16xf32>
    %mul3A_812 = arith.mulf %mul3A_811, %max3A_792 : vector<16xf32>
    %mul3A_813 = arith.mulf %mul3A_812, %mul3A_809 : vector<16xf32>
    %mul3A_814 = arith.mulf %mul3A_813, %mul3A_809 : vector<16xf32>
    %sub3A_815 = arith.constant 1.500000e+00 : f32
    %sub3A_816 = vector.broadcast %sub3A_815 : f32 to vector<16xf32>
    %sub3A_817 = arith.subf %sub3A_816, %mul3A_814 : vector<16xf32>
    %mul3A_818 = arith.mulf %mul3A_809, %sub3A_817 : vector<16xf32>
    %add3A_819 = arith.constant 0 : i32
    %add3A_820 = arith.addi %mul3A_751, %add3A_819 : i32
    %get3A_821 = arith.index_cast %add3A_820 : i32 to index
    %get3A_822 = arith.constant 0 : index
    %get3A_823 = tpu.vector_load %arg7[%get3A_821, %get3A_822] {strides = array<i32>} : memref<4x128xi32, #tpu.memory_space<vmem>>, vector<16xi32>,
    %mul3A_824 = arith.constant 2176 : i32
    %mul3A_825 = vector.broadcast %mul3A_824 : i32 to vector<16xi32>
    %mul3A_826 = arith.muli %get3A_823, %mul3A_825 : vector<16xi32>
    %add3A_827 = arith.addi %mul3A_826, %iota3A : vector<16xi32>
    %max3A_828 = arith.constant 1.000000e-24 : f32
    %max3A_829 = vector.broadcast %max3A_828 : f32 to vector<16xf32>
    %max3A_830 = arith.maximumf %scan3A_788#1, %max3A_829 : vector<16xf32>
    %bitcast_convert_type3A_831 = tpu.bitcast %max3A_830 : vector<16xf32> -> vector<16xi32>
    %shift_right_logical3A_832 = arith.constant 1 : i32
    %shift_right_logical3A_833 = vector.broadcast %shift_right_logical3A_832 : i32 to vector<16xi32>
    %shift_right_logical3A_834 = arith.shrui %bitcast_convert_type3A_831, %shift_right_logical3A_833 : vector<16xi32>
    %sub3A_835 = arith.constant 1597463007 : i32
    %sub3A_836 = vector.broadcast %sub3A_835 : i32 to vector<16xi32>
    %sub3A_837 = arith.subi %sub3A_836, %shift_right_logical3A_834 : vector<16xi32>
    %bitcast_convert_type3A_838 = tpu.bitcast %sub3A_837 : vector<16xi32> -> vector<16xf32>
    %mul3A_839 = arith.constant 5.000000e-01 : f32
    %mul3A_840 = vector.broadcast %mul3A_839 : f32 to vector<16xf32>
    %mul3A_841 = arith.mulf %mul3A_840, %max3A_830 : vector<16xf32>
    %mul3A_842 = arith.mulf %mul3A_841, %bitcast_convert_type3A_838 : vector<16xf32>
    %mul3A_843 = arith.mulf %mul3A_842, %bitcast_convert_type3A_838 : vector<16xf32>
    %sub3A_844 = arith.constant 1.500000e+00 : f32
    %sub3A_845 = vector.broadcast %sub3A_844 : f32 to vector<16xf32>
    %sub3A_846 = arith.subf %sub3A_845, %mul3A_843 : vector<16xf32>
    %mul3A_847 = arith.mulf %bitcast_convert_type3A_838, %sub3A_846 : vector<16xf32>
    %mul3A_848 = arith.constant 5.000000e-01 : f32
    %mul3A_849 = vector.broadcast %mul3A_848 : f32 to vector<16xf32>
    %mul3A_850 = arith.mulf %mul3A_849, %max3A_830 : vector<16xf32>
    %mul3A_851 = arith.mulf %mul3A_850, %mul3A_847 : vector<16xf32>
    %mul3A_852 = arith.mulf %mul3A_851, %mul3A_847 : vector<16xf32>
    %sub3A_853 = arith.constant 1.500000e+00 : f32
    %sub3A_854 = vector.broadcast %sub3A_853 : f32 to vector<16xf32>
    %sub3A_855 = arith.subf %sub3A_854, %mul3A_852 : vector<16xf32>
    %mul3A_856 = arith.mulf %mul3A_847, %sub3A_855 : vector<16xf32>
    %add3A_857 = arith.constant 0 : i32
    %add3A_858 = arith.addi %mul3A_751, %add3A_857 : i32
    %get3A_859 = arith.index_cast %add3A_858 : i32 to index
    %get3A_860 = arith.constant 16 : index
    %get3A_861 = tpu.vector_load %arg7[%get3A_859, %get3A_860] {strides = array<i32>} : memref<4x128xi32, #tpu.memory_space<vmem>>, vector<16xi32>,
    %mul3A_862 = arith.constant 2176 : i32
    %mul3A_863 = vector.broadcast %mul3A_862 : i32 to vector<16xi32>
    %mul3A_864 = arith.muli %get3A_861, %mul3A_863 : vector<16xi32>
    %add3A_865 = arith.addi %mul3A_864, %iota3A : vector<16xi32>
    %max3A_866 = arith.constant 1.000000e-24 : f32
    %max3A_867 = vector.broadcast %max3A_866 : f32 to vector<16xf32>
    %max3A_868 = arith.maximumf %scan3A_788#2, %max3A_867 : vector<16xf32>
    %bitcast_convert_type3A_869 = tpu.bitcast %max3A_868 : vector<16xf32> -> vector<16xi32>
    %shift_right_logical3A_870 = arith.constant 1 : i32
    %shift_right_logical3A_871 = vector.broadcast %shift_right_logical3A_870 : i32 to vector<16xi32>
    %shift_right_logical3A_872 = arith.shrui %bitcast_convert_type3A_869, %shift_right_logical3A_871 : vector<16xi32>
    %sub3A_873 = arith.constant 1597463007 : i32
    %sub3A_874 = vector.broadcast %sub3A_873 : i32 to vector<16xi32>
    %sub3A_875 = arith.subi %sub3A_874, %shift_right_logical3A_872 : vector<16xi32>
    %bitcast_convert_type3A_876 = tpu.bitcast %sub3A_875 : vector<16xi32> -> vector<16xf32>
    %mul3A_877 = arith.constant 5.000000e-01 : f32
    %mul3A_878 = vector.broadcast %mul3A_877 : f32 to vector<16xf32>
    %mul3A_879 = arith.mulf %mul3A_878, %max3A_868 : vector<16xf32>
    %mul3A_880 = arith.mulf %mul3A_879, %bitcast_convert_type3A_876 : vector<16xf32>
    %mul3A_881 = arith.mulf %mul3A_880, %bitcast_convert_type3A_876 : vector<16xf32>
    %sub3A_882 = arith.constant 1.500000e+00 : f32
    %sub3A_883 = vector.broadcast %sub3A_882 : f32 to vector<16xf32>
    %sub3A_884 = arith.subf %sub3A_883, %mul3A_881 : vector<16xf32>
    %mul3A_885 = arith.mulf %bitcast_convert_type3A_876, %sub3A_884 : vector<16xf32>
    %mul3A_886 = arith.constant 5.000000e-01 : f32
    %mul3A_887 = vector.broadcast %mul3A_886 : f32 to vector<16xf32>
    %mul3A_888 = arith.mulf %mul3A_887, %max3A_868 : vector<16xf32>
    %mul3A_889 = arith.mulf %mul3A_888, %mul3A_885 : vector<16xf32>
    %mul3A_890 = arith.mulf %mul3A_889, %mul3A_885 : vector<16xf32>
    %sub3A_891 = arith.constant 1.500000e+00 : f32
    %sub3A_892 = vector.broadcast %sub3A_891 : f32 to vector<16xf32>
    %sub3A_893 = arith.subf %sub3A_892, %mul3A_890 : vector<16xf32>
    %mul3A_894 = arith.mulf %mul3A_885, %sub3A_893 : vector<16xf32>
    %add3A_895 = arith.constant 0 : i32
    %add3A_896 = arith.addi %mul3A_751, %add3A_895 : i32
    %get3A_897 = arith.index_cast %add3A_896 : i32 to index
    %get3A_898 = arith.constant 32 : index
    %get3A_899 = tpu.vector_load %arg7[%get3A_897, %get3A_898] {strides = array<i32>} : memref<4x128xi32, #tpu.memory_space<vmem>>, vector<16xi32>,
    %mul3A_900 = arith.constant 2176 : i32
    %mul3A_901 = vector.broadcast %mul3A_900 : i32 to vector<16xi32>
    %mul3A_902 = arith.muli %get3A_899, %mul3A_901 : vector<16xi32>
    %add3A_903 = arith.addi %mul3A_902, %iota3A : vector<16xi32>
    %max3A_904 = arith.constant 1.000000e-24 : f32
    %max3A_905 = vector.broadcast %max3A_904 : f32 to vector<16xf32>
    %max3A_906 = arith.maximumf %scan3A_788#3, %max3A_905 : vector<16xf32>
    %bitcast_convert_type3A_907 = tpu.bitcast %max3A_906 : vector<16xf32> -> vector<16xi32>
    %shift_right_logical3A_908 = arith.constant 1 : i32
    %shift_right_logical3A_909 = vector.broadcast %shift_right_logical3A_908 : i32 to vector<16xi32>
    %shift_right_logical3A_910 = arith.shrui %bitcast_convert_type3A_907, %shift_right_logical3A_909 : vector<16xi32>
    %sub3A_911 = arith.constant 1597463007 : i32
    %sub3A_912 = vector.broadcast %sub3A_911 : i32 to vector<16xi32>
    %sub3A_913 = arith.subi %sub3A_912, %shift_right_logical3A_910 : vector<16xi32>
    %bitcast_convert_type3A_914 = tpu.bitcast %sub3A_913 : vector<16xi32> -> vector<16xf32>
    %mul3A_915 = arith.constant 5.000000e-01 : f32
    %mul3A_916 = vector.broadcast %mul3A_915 : f32 to vector<16xf32>
    %mul3A_917 = arith.mulf %mul3A_916, %max3A_906 : vector<16xf32>
    %mul3A_918 = arith.mulf %mul3A_917, %bitcast_convert_type3A_914 : vector<16xf32>
    %mul3A_919 = arith.mulf %mul3A_918, %bitcast_convert_type3A_914 : vector<16xf32>
    %sub3A_920 = arith.constant 1.500000e+00 : f32
    %sub3A_921 = vector.broadcast %sub3A_920 : f32 to vector<16xf32>
    %sub3A_922 = arith.subf %sub3A_921, %mul3A_919 : vector<16xf32>
    %mul3A_923 = arith.mulf %bitcast_convert_type3A_914, %sub3A_922 : vector<16xf32>
    %mul3A_924 = arith.constant 5.000000e-01 : f32
    %mul3A_925 = vector.broadcast %mul3A_924 : f32 to vector<16xf32>
    %mul3A_926 = arith.mulf %mul3A_925, %max3A_906 : vector<16xf32>
    %mul3A_927 = arith.mulf %mul3A_926, %mul3A_923 : vector<16xf32>
    %mul3A_928 = arith.mulf %mul3A_927, %mul3A_923 : vector<16xf32>
    %sub3A_929 = arith.constant 1.500000e+00 : f32
    %sub3A_930 = vector.broadcast %sub3A_929 : f32 to vector<16xf32>
    %sub3A_931 = arith.subf %sub3A_930, %mul3A_928 : vector<16xf32>
    %mul3A_932 = arith.mulf %mul3A_923, %sub3A_931 : vector<16xf32>
    %add3A_933 = arith.constant 0 : i32
    %add3A_934 = arith.addi %mul3A_751, %add3A_933 : i32
    %get3A_935 = arith.index_cast %add3A_934 : i32 to index
    %get3A_936 = arith.constant 48 : index
    %get3A_937 = tpu.vector_load %arg7[%get3A_935, %get3A_936] {strides = array<i32>} : memref<4x128xi32, #tpu.memory_space<vmem>>, vector<16xi32>,
    %mul3A_938 = arith.constant 2176 : i32
    %mul3A_939 = vector.broadcast %mul3A_938 : i32 to vector<16xi32>
    %mul3A_940 = arith.muli %get3A_937, %mul3A_939 : vector<16xi32>
    %add3A_941 = arith.addi %mul3A_940, %iota3A : vector<16xi32>
    %max3A_942 = arith.constant 1.000000e-24 : f32
    %max3A_943 = vector.broadcast %max3A_942 : f32 to vector<16xf32>
    %max3A_944 = arith.maximumf %scan3A_788#4, %max3A_943 : vector<16xf32>
    %bitcast_convert_type3A_945 = tpu.bitcast %max3A_944 : vector<16xf32> -> vector<16xi32>
    %shift_right_logical3A_946 = arith.constant 1 : i32
    %shift_right_logical3A_947 = vector.broadcast %shift_right_logical3A_946 : i32 to vector<16xi32>
    %shift_right_logical3A_948 = arith.shrui %bitcast_convert_type3A_945, %shift_right_logical3A_947 : vector<16xi32>
    %sub3A_949 = arith.constant 1597463007 : i32
    %sub3A_950 = vector.broadcast %sub3A_949 : i32 to vector<16xi32>
    %sub3A_951 = arith.subi %sub3A_950, %shift_right_logical3A_948 : vector<16xi32>
    %bitcast_convert_type3A_952 = tpu.bitcast %sub3A_951 : vector<16xi32> -> vector<16xf32>
    %mul3A_953 = arith.constant 5.000000e-01 : f32
    %mul3A_954 = vector.broadcast %mul3A_953 : f32 to vector<16xf32>
    %mul3A_955 = arith.mulf %mul3A_954, %max3A_944 : vector<16xf32>
    %mul3A_956 = arith.mulf %mul3A_955, %bitcast_convert_type3A_952 : vector<16xf32>
    %mul3A_957 = arith.mulf %mul3A_956, %bitcast_convert_type3A_952 : vector<16xf32>
    %sub3A_958 = arith.constant 1.500000e+00 : f32
    %sub3A_959 = vector.broadcast %sub3A_958 : f32 to vector<16xf32>
    %sub3A_960 = arith.subf %sub3A_959, %mul3A_957 : vector<16xf32>
    %mul3A_961 = arith.mulf %bitcast_convert_type3A_952, %sub3A_960 : vector<16xf32>
    %mul3A_962 = arith.constant 5.000000e-01 : f32
    %mul3A_963 = vector.broadcast %mul3A_962 : f32 to vector<16xf32>
    %mul3A_964 = arith.mulf %mul3A_963, %max3A_944 : vector<16xf32>
    %mul3A_965 = arith.mulf %mul3A_964, %mul3A_961 : vector<16xf32>
    %mul3A_966 = arith.mulf %mul3A_965, %mul3A_961 : vector<16xf32>
    %sub3A_967 = arith.constant 1.500000e+00 : f32
    %sub3A_968 = vector.broadcast %sub3A_967 : f32 to vector<16xf32>
    %sub3A_969 = arith.subf %sub3A_968, %mul3A_966 : vector<16xf32>
    %mul3A_970 = arith.mulf %mul3A_961, %sub3A_969 : vector<16xf32>
    %add3A_971 = arith.constant 0 : i32
    %add3A_972 = arith.addi %mul3A_751, %add3A_971 : i32
    %get3A_973 = arith.index_cast %add3A_972 : i32 to index
    %get3A_974 = arith.constant 64 : index
    %get3A_975 = tpu.vector_load %arg7[%get3A_973, %get3A_974] {strides = array<i32>} : memref<4x128xi32, #tpu.memory_space<vmem>>, vector<16xi32>,
    %mul3A_976 = arith.constant 2176 : i32
    %mul3A_977 = vector.broadcast %mul3A_976 : i32 to vector<16xi32>
    %mul3A_978 = arith.muli %get3A_975, %mul3A_977 : vector<16xi32>
    %add3A_979 = arith.addi %mul3A_978, %iota3A : vector<16xi32>
    %max3A_980 = arith.constant 1.000000e-24 : f32
    %max3A_981 = vector.broadcast %max3A_980 : f32 to vector<16xf32>
    %max3A_982 = arith.maximumf %scan3A_788#5, %max3A_981 : vector<16xf32>
    %bitcast_convert_type3A_983 = tpu.bitcast %max3A_982 : vector<16xf32> -> vector<16xi32>
    %shift_right_logical3A_984 = arith.constant 1 : i32
    %shift_right_logical3A_985 = vector.broadcast %shift_right_logical3A_984 : i32 to vector<16xi32>
    %shift_right_logical3A_986 = arith.shrui %bitcast_convert_type3A_983, %shift_right_logical3A_985 : vector<16xi32>
    %sub3A_987 = arith.constant 1597463007 : i32
    %sub3A_988 = vector.broadcast %sub3A_987 : i32 to vector<16xi32>
    %sub3A_989 = arith.subi %sub3A_988, %shift_right_logical3A_986 : vector<16xi32>
    %bitcast_convert_type3A_990 = tpu.bitcast %sub3A_989 : vector<16xi32> -> vector<16xf32>
    %mul3A_991 = arith.constant 5.000000e-01 : f32
    %mul3A_992 = vector.broadcast %mul3A_991 : f32 to vector<16xf32>
    %mul3A_993 = arith.mulf %mul3A_992, %max3A_982 : vector<16xf32>
    %mul3A_994 = arith.mulf %mul3A_993, %bitcast_convert_type3A_990 : vector<16xf32>
    %mul3A_995 = arith.mulf %mul3A_994, %bitcast_convert_type3A_990 : vector<16xf32>
    %sub3A_996 = arith.constant 1.500000e+00 : f32
    %sub3A_997 = vector.broadcast %sub3A_996 : f32 to vector<16xf32>
    %sub3A_998 = arith.subf %sub3A_997, %mul3A_995 : vector<16xf32>
    %mul3A_999 = arith.mulf %bitcast_convert_type3A_990, %sub3A_998 : vector<16xf32>
    %mul3A_1000 = arith.constant 5.000000e-01 : f32
    %mul3A_1001 = vector.broadcast %mul3A_1000 : f32 to vector<16xf32>
    %mul3A_1002 = arith.mulf %mul3A_1001, %max3A_982 : vector<16xf32>
    %mul3A_1003 = arith.mulf %mul3A_1002, %mul3A_999 : vector<16xf32>
    %mul3A_1004 = arith.mulf %mul3A_1003, %mul3A_999 : vector<16xf32>
    %sub3A_1005 = arith.constant 1.500000e+00 : f32
    %sub3A_1006 = vector.broadcast %sub3A_1005 : f32 to vector<16xf32>
    %sub3A_1007 = arith.subf %sub3A_1006, %mul3A_1004 : vector<16xf32>
    %mul3A_1008 = arith.mulf %mul3A_999, %sub3A_1007 : vector<16xf32>
    %add3A_1009 = arith.constant 0 : i32
    %add3A_1010 = arith.addi %mul3A_751, %add3A_1009 : i32
    %get3A_1011 = arith.index_cast %add3A_1010 : i32 to index
    %get3A_1012 = arith.constant 80 : index
    %get3A_1013 = tpu.vector_load %arg7[%get3A_1011, %get3A_1012] {strides = array<i32>} : memref<4x128xi32, #tpu.memory_space<vmem>>, vector<16xi32>,
    %mul3A_1014 = arith.constant 2176 : i32
    %mul3A_1015 = vector.broadcast %mul3A_1014 : i32 to vector<16xi32>
    %mul3A_1016 = arith.muli %get3A_1013, %mul3A_1015 : vector<16xi32>
    %add3A_1017 = arith.addi %mul3A_1016, %iota3A : vector<16xi32>
    %max3A_1018 = arith.constant 1.000000e-24 : f32
    %max3A_1019 = vector.broadcast %max3A_1018 : f32 to vector<16xf32>
    %max3A_1020 = arith.maximumf %scan3A_788#6, %max3A_1019 : vector<16xf32>
    %bitcast_convert_type3A_1021 = tpu.bitcast %max3A_1020 : vector<16xf32> -> vector<16xi32>
    %shift_right_logical3A_1022 = arith.constant 1 : i32
    %shift_right_logical3A_1023 = vector.broadcast %shift_right_logical3A_1022 : i32 to vector<16xi32>
    %shift_right_logical3A_1024 = arith.shrui %bitcast_convert_type3A_1021, %shift_right_logical3A_1023 : vector<16xi32>
    %sub3A_1025 = arith.constant 1597463007 : i32
    %sub3A_1026 = vector.broadcast %sub3A_1025 : i32 to vector<16xi32>
    %sub3A_1027 = arith.subi %sub3A_1026, %shift_right_logical3A_1024 : vector<16xi32>
    %bitcast_convert_type3A_1028 = tpu.bitcast %sub3A_1027 : vector<16xi32> -> vector<16xf32>
    %mul3A_1029 = arith.constant 5.000000e-01 : f32
    %mul3A_1030 = vector.broadcast %mul3A_1029 : f32 to vector<16xf32>
    %mul3A_1031 = arith.mulf %mul3A_1030, %max3A_1020 : vector<16xf32>
    %mul3A_1032 = arith.mulf %mul3A_1031, %bitcast_convert_type3A_1028 : vector<16xf32>
    %mul3A_1033 = arith.mulf %mul3A_1032, %bitcast_convert_type3A_1028 : vector<16xf32>
    %sub3A_1034 = arith.constant 1.500000e+00 : f32
    %sub3A_1035 = vector.broadcast %sub3A_1034 : f32 to vector<16xf32>
    %sub3A_1036 = arith.subf %sub3A_1035, %mul3A_1033 : vector<16xf32>
    %mul3A_1037 = arith.mulf %bitcast_convert_type3A_1028, %sub3A_1036 : vector<16xf32>
    %mul3A_1038 = arith.constant 5.000000e-01 : f32
    %mul3A_1039 = vector.broadcast %mul3A_1038 : f32 to vector<16xf32>
    %mul3A_1040 = arith.mulf %mul3A_1039, %max3A_1020 : vector<16xf32>
    %mul3A_1041 = arith.mulf %mul3A_1040, %mul3A_1037 : vector<16xf32>
    %mul3A_1042 = arith.mulf %mul3A_1041, %mul3A_1037 : vector<16xf32>
    %sub3A_1043 = arith.constant 1.500000e+00 : f32
    %sub3A_1044 = vector.broadcast %sub3A_1043 : f32 to vector<16xf32>
    %sub3A_1045 = arith.subf %sub3A_1044, %mul3A_1042 : vector<16xf32>
    %mul3A_1046 = arith.mulf %mul3A_1037, %sub3A_1045 : vector<16xf32>
    %add3A_1047 = arith.constant 0 : i32
    %add3A_1048 = arith.addi %mul3A_751, %add3A_1047 : i32
    %get3A_1049 = arith.index_cast %add3A_1048 : i32 to index
    %get3A_1050 = arith.constant 96 : index
    %get3A_1051 = tpu.vector_load %arg7[%get3A_1049, %get3A_1050] {strides = array<i32>} : memref<4x128xi32, #tpu.memory_space<vmem>>, vector<16xi32>,
    %mul3A_1052 = arith.constant 2176 : i32
    %mul3A_1053 = vector.broadcast %mul3A_1052 : i32 to vector<16xi32>
    %mul3A_1054 = arith.muli %get3A_1051, %mul3A_1053 : vector<16xi32>
    %add3A_1055 = arith.addi %mul3A_1054, %iota3A : vector<16xi32>
    %max3A_1056 = arith.constant 1.000000e-24 : f32
    %max3A_1057 = vector.broadcast %max3A_1056 : f32 to vector<16xf32>
    %max3A_1058 = arith.maximumf %scan3A_788#7, %max3A_1057 : vector<16xf32>
    %bitcast_convert_type3A_1059 = tpu.bitcast %max3A_1058 : vector<16xf32> -> vector<16xi32>
    %shift_right_logical3A_1060 = arith.constant 1 : i32
    %shift_right_logical3A_1061 = vector.broadcast %shift_right_logical3A_1060 : i32 to vector<16xi32>
    %shift_right_logical3A_1062 = arith.shrui %bitcast_convert_type3A_1059, %shift_right_logical3A_1061 : vector<16xi32>
    %sub3A_1063 = arith.constant 1597463007 : i32
    %sub3A_1064 = vector.broadcast %sub3A_1063 : i32 to vector<16xi32>
    %sub3A_1065 = arith.subi %sub3A_1064, %shift_right_logical3A_1062 : vector<16xi32>
    %bitcast_convert_type3A_1066 = tpu.bitcast %sub3A_1065 : vector<16xi32> -> vector<16xf32>
    %mul3A_1067 = arith.constant 5.000000e-01 : f32
    %mul3A_1068 = vector.broadcast %mul3A_1067 : f32 to vector<16xf32>
    %mul3A_1069 = arith.mulf %mul3A_1068, %max3A_1058 : vector<16xf32>
    %mul3A_1070 = arith.mulf %mul3A_1069, %bitcast_convert_type3A_1066 : vector<16xf32>
    %mul3A_1071 = arith.mulf %mul3A_1070, %bitcast_convert_type3A_1066 : vector<16xf32>
    %sub3A_1072 = arith.constant 1.500000e+00 : f32
    %sub3A_1073 = vector.broadcast %sub3A_1072 : f32 to vector<16xf32>
    %sub3A_1074 = arith.subf %sub3A_1073, %mul3A_1071 : vector<16xf32>
    %mul3A_1075 = arith.mulf %bitcast_convert_type3A_1066, %sub3A_1074 : vector<16xf32>
    %mul3A_1076 = arith.constant 5.000000e-01 : f32
    %mul3A_1077 = vector.broadcast %mul3A_1076 : f32 to vector<16xf32>
    %mul3A_1078 = arith.mulf %mul3A_1077, %max3A_1058 : vector<16xf32>
    %mul3A_1079 = arith.mulf %mul3A_1078, %mul3A_1075 : vector<16xf32>
    %mul3A_1080 = arith.mulf %mul3A_1079, %mul3A_1075 : vector<16xf32>
    %sub3A_1081 = arith.constant 1.500000e+00 : f32
    %sub3A_1082 = vector.broadcast %sub3A_1081 : f32 to vector<16xf32>
    %sub3A_1083 = arith.subf %sub3A_1082, %mul3A_1080 : vector<16xf32>
    %mul3A_1084 = arith.mulf %mul3A_1075, %sub3A_1083 : vector<16xf32>
    %add3A_1085 = arith.constant 0 : i32
    %add3A_1086 = arith.addi %mul3A_751, %add3A_1085 : i32
    %get3A_1087 = arith.index_cast %add3A_1086 : i32 to index
    %get3A_1088 = arith.constant 112 : index
    %get3A_1089 = tpu.vector_load %arg7[%get3A_1087, %get3A_1088] {strides = array<i32>} : memref<4x128xi32, #tpu.memory_space<vmem>>, vector<16xi32>,
    %mul3A_1090 = arith.constant 2176 : i32
    %mul3A_1091 = vector.broadcast %mul3A_1090 : i32 to vector<16xi32>
    %mul3A_1092 = arith.muli %get3A_1089, %mul3A_1091 : vector<16xi32>
    %add3A_1093 = arith.addi %mul3A_1092, %iota3A : vector<16xi32>
    %max3A_1094 = arith.constant 1.000000e-24 : f32
    %max3A_1095 = vector.broadcast %max3A_1094 : f32 to vector<16xf32>
    %max3A_1096 = arith.maximumf %scan3A_788#8, %max3A_1095 : vector<16xf32>
    %bitcast_convert_type3A_1097 = tpu.bitcast %max3A_1096 : vector<16xf32> -> vector<16xi32>
    %shift_right_logical3A_1098 = arith.constant 1 : i32
    %shift_right_logical3A_1099 = vector.broadcast %shift_right_logical3A_1098 : i32 to vector<16xi32>
    %shift_right_logical3A_1100 = arith.shrui %bitcast_convert_type3A_1097, %shift_right_logical3A_1099 : vector<16xi32>
    %sub3A_1101 = arith.constant 1597463007 : i32
    %sub3A_1102 = vector.broadcast %sub3A_1101 : i32 to vector<16xi32>
    %sub3A_1103 = arith.subi %sub3A_1102, %shift_right_logical3A_1100 : vector<16xi32>
    %bitcast_convert_type3A_1104 = tpu.bitcast %sub3A_1103 : vector<16xi32> -> vector<16xf32>
    %mul3A_1105 = arith.constant 5.000000e-01 : f32
    %mul3A_1106 = vector.broadcast %mul3A_1105 : f32 to vector<16xf32>
    %mul3A_1107 = arith.mulf %mul3A_1106, %max3A_1096 : vector<16xf32>
    %mul3A_1108 = arith.mulf %mul3A_1107, %bitcast_convert_type3A_1104 : vector<16xf32>
    %mul3A_1109 = arith.mulf %mul3A_1108, %bitcast_convert_type3A_1104 : vector<16xf32>
    %sub3A_1110 = arith.constant 1.500000e+00 : f32
    %sub3A_1111 = vector.broadcast %sub3A_1110 : f32 to vector<16xf32>
    %sub3A_1112 = arith.subf %sub3A_1111, %mul3A_1109 : vector<16xf32>
    %mul3A_1113 = arith.mulf %bitcast_convert_type3A_1104, %sub3A_1112 : vector<16xf32>
    %mul3A_1114 = arith.constant 5.000000e-01 : f32
    %mul3A_1115 = vector.broadcast %mul3A_1114 : f32 to vector<16xf32>
    %mul3A_1116 = arith.mulf %mul3A_1115, %max3A_1096 : vector<16xf32>
    %mul3A_1117 = arith.mulf %mul3A_1116, %mul3A_1113 : vector<16xf32>
    %mul3A_1118 = arith.mulf %mul3A_1117, %mul3A_1113 : vector<16xf32>
    %sub3A_1119 = arith.constant 1.500000e+00 : f32
    %sub3A_1120 = vector.broadcast %sub3A_1119 : f32 to vector<16xf32>
    %sub3A_1121 = arith.subf %sub3A_1120, %mul3A_1118 : vector<16xf32>
    %mul3A_1122 = arith.mulf %mul3A_1113, %sub3A_1121 : vector<16xf32>
    %add3A_1123 = arith.constant 1 : i32
    %add3A_1124 = arith.addi %mul3A_751, %add3A_1123 : i32
    %get3A_1125 = arith.index_cast %add3A_1124 : i32 to index
    %get3A_1126 = arith.constant 0 : index
    %get3A_1127 = tpu.vector_load %arg7[%get3A_1125, %get3A_1126] {strides = array<i32>} : memref<4x128xi32, #tpu.memory_space<vmem>>, vector<16xi32>,
    %mul3A_1128 = arith.constant 2176 : i32
    %mul3A_1129 = vector.broadcast %mul3A_1128 : i32 to vector<16xi32>
    %mul3A_1130 = arith.muli %get3A_1127, %mul3A_1129 : vector<16xi32>
    %add3A_1131 = arith.addi %mul3A_1130, %iota3A : vector<16xi32>
    %max3A_1132 = arith.constant 1.000000e-24 : f32
    %max3A_1133 = vector.broadcast %max3A_1132 : f32 to vector<16xf32>
    %max3A_1134 = arith.maximumf %scan3A_788#9, %max3A_1133 : vector<16xf32>
    %bitcast_convert_type3A_1135 = tpu.bitcast %max3A_1134 : vector<16xf32> -> vector<16xi32>
    %shift_right_logical3A_1136 = arith.constant 1 : i32
    %shift_right_logical3A_1137 = vector.broadcast %shift_right_logical3A_1136 : i32 to vector<16xi32>
    %shift_right_logical3A_1138 = arith.shrui %bitcast_convert_type3A_1135, %shift_right_logical3A_1137 : vector<16xi32>
    %sub3A_1139 = arith.constant 1597463007 : i32
    %sub3A_1140 = vector.broadcast %sub3A_1139 : i32 to vector<16xi32>
    %sub3A_1141 = arith.subi %sub3A_1140, %shift_right_logical3A_1138 : vector<16xi32>
    %bitcast_convert_type3A_1142 = tpu.bitcast %sub3A_1141 : vector<16xi32> -> vector<16xf32>
    %mul3A_1143 = arith.constant 5.000000e-01 : f32
    %mul3A_1144 = vector.broadcast %mul3A_1143 : f32 to vector<16xf32>
    %mul3A_1145 = arith.mulf %mul3A_1144, %max3A_1134 : vector<16xf32>
    %mul3A_1146 = arith.mulf %mul3A_1145, %bitcast_convert_type3A_1142 : vector<16xf32>
    %mul3A_1147 = arith.mulf %mul3A_1146, %bitcast_convert_type3A_1142 : vector<16xf32>
    %sub3A_1148 = arith.constant 1.500000e+00 : f32
    %sub3A_1149 = vector.broadcast %sub3A_1148 : f32 to vector<16xf32>
    %sub3A_1150 = arith.subf %sub3A_1149, %mul3A_1147 : vector<16xf32>
    %mul3A_1151 = arith.mulf %bitcast_convert_type3A_1142, %sub3A_1150 : vector<16xf32>
    %mul3A_1152 = arith.constant 5.000000e-01 : f32
    %mul3A_1153 = vector.broadcast %mul3A_1152 : f32 to vector<16xf32>
    %mul3A_1154 = arith.mulf %mul3A_1153, %max3A_1134 : vector<16xf32>
    %mul3A_1155 = arith.mulf %mul3A_1154, %mul3A_1151 : vector<16xf32>
    %mul3A_1156 = arith.mulf %mul3A_1155, %mul3A_1151 : vector<16xf32>
    %sub3A_1157 = arith.constant 1.500000e+00 : f32
    %sub3A_1158 = vector.broadcast %sub3A_1157 : f32 to vector<16xf32>
    %sub3A_1159 = arith.subf %sub3A_1158, %mul3A_1156 : vector<16xf32>
    %mul3A_1160 = arith.mulf %mul3A_1151, %sub3A_1159 : vector<16xf32>
    %add3A_1161 = arith.constant 1 : i32
    %add3A_1162 = arith.addi %mul3A_751, %add3A_1161 : i32
    %get3A_1163 = arith.index_cast %add3A_1162 : i32 to index
    %get3A_1164 = arith.constant 16 : index
    %get3A_1165 = tpu.vector_load %arg7[%get3A_1163, %get3A_1164] {strides = array<i32>} : memref<4x128xi32, #tpu.memory_space<vmem>>, vector<16xi32>,
    %mul3A_1166 = arith.constant 2176 : i32
    %mul3A_1167 = vector.broadcast %mul3A_1166 : i32 to vector<16xi32>
    %mul3A_1168 = arith.muli %get3A_1165, %mul3A_1167 : vector<16xi32>
    %add3A_1169 = arith.addi %mul3A_1168, %iota3A : vector<16xi32>
    %max3A_1170 = arith.constant 1.000000e-24 : f32
    %max3A_1171 = vector.broadcast %max3A_1170 : f32 to vector<16xf32>
    %max3A_1172 = arith.maximumf %scan3A_788#10, %max3A_1171 : vector<16xf32>
    %bitcast_convert_type3A_1173 = tpu.bitcast %max3A_1172 : vector<16xf32> -> vector<16xi32>
    %shift_right_logical3A_1174 = arith.constant 1 : i32
    %shift_right_logical3A_1175 = vector.broadcast %shift_right_logical3A_1174 : i32 to vector<16xi32>
    %shift_right_logical3A_1176 = arith.shrui %bitcast_convert_type3A_1173, %shift_right_logical3A_1175 : vector<16xi32>
    %sub3A_1177 = arith.constant 1597463007 : i32
    %sub3A_1178 = vector.broadcast %sub3A_1177 : i32 to vector<16xi32>
    %sub3A_1179 = arith.subi %sub3A_1178, %shift_right_logical3A_1176 : vector<16xi32>
    %bitcast_convert_type3A_1180 = tpu.bitcast %sub3A_1179 : vector<16xi32> -> vector<16xf32>
    %mul3A_1181 = arith.constant 5.000000e-01 : f32
    %mul3A_1182 = vector.broadcast %mul3A_1181 : f32 to vector<16xf32>
    %mul3A_1183 = arith.mulf %mul3A_1182, %max3A_1172 : vector<16xf32>
    %mul3A_1184 = arith.mulf %mul3A_1183, %bitcast_convert_type3A_1180 : vector<16xf32>
    %mul3A_1185 = arith.mulf %mul3A_1184, %bitcast_convert_type3A_1180 : vector<16xf32>
    %sub3A_1186 = arith.constant 1.500000e+00 : f32
    %sub3A_1187 = vector.broadcast %sub3A_1186 : f32 to vector<16xf32>
    %sub3A_1188 = arith.subf %sub3A_1187, %mul3A_1185 : vector<16xf32>
    %mul3A_1189 = arith.mulf %bitcast_convert_type3A_1180, %sub3A_1188 : vector<16xf32>
    %mul3A_1190 = arith.constant 5.000000e-01 : f32
    %mul3A_1191 = vector.broadcast %mul3A_1190 : f32 to vector<16xf32>
    %mul3A_1192 = arith.mulf %mul3A_1191, %max3A_1172 : vector<16xf32>
    %mul3A_1193 = arith.mulf %mul3A_1192, %mul3A_1189 : vector<16xf32>
    %mul3A_1194 = arith.mulf %mul3A_1193, %mul3A_1189 : vector<16xf32>
    %sub3A_1195 = arith.constant 1.500000e+00 : f32
    %sub3A_1196 = vector.broadcast %sub3A_1195 : f32 to vector<16xf32>
    %sub3A_1197 = arith.subf %sub3A_1196, %mul3A_1194 : vector<16xf32>
    %mul3A_1198 = arith.mulf %mul3A_1189, %sub3A_1197 : vector<16xf32>
    %add3A_1199 = arith.constant 1 : i32
    %add3A_1200 = arith.addi %mul3A_751, %add3A_1199 : i32
    %get3A_1201 = arith.index_cast %add3A_1200 : i32 to index
    %get3A_1202 = arith.constant 32 : index
    %get3A_1203 = tpu.vector_load %arg7[%get3A_1201, %get3A_1202] {strides = array<i32>} : memref<4x128xi32, #tpu.memory_space<vmem>>, vector<16xi32>,
    %mul3A_1204 = arith.constant 2176 : i32
    %mul3A_1205 = vector.broadcast %mul3A_1204 : i32 to vector<16xi32>
    %mul3A_1206 = arith.muli %get3A_1203, %mul3A_1205 : vector<16xi32>
    %add3A_1207 = arith.addi %mul3A_1206, %iota3A : vector<16xi32>
    %max3A_1208 = arith.constant 1.000000e-24 : f32
    %max3A_1209 = vector.broadcast %max3A_1208 : f32 to vector<16xf32>
    %max3A_1210 = arith.maximumf %scan3A_788#11, %max3A_1209 : vector<16xf32>
    %bitcast_convert_type3A_1211 = tpu.bitcast %max3A_1210 : vector<16xf32> -> vector<16xi32>
    %shift_right_logical3A_1212 = arith.constant 1 : i32
    %shift_right_logical3A_1213 = vector.broadcast %shift_right_logical3A_1212 : i32 to vector<16xi32>
    %shift_right_logical3A_1214 = arith.shrui %bitcast_convert_type3A_1211, %shift_right_logical3A_1213 : vector<16xi32>
    %sub3A_1215 = arith.constant 1597463007 : i32
    %sub3A_1216 = vector.broadcast %sub3A_1215 : i32 to vector<16xi32>
    %sub3A_1217 = arith.subi %sub3A_1216, %shift_right_logical3A_1214 : vector<16xi32>
    %bitcast_convert_type3A_1218 = tpu.bitcast %sub3A_1217 : vector<16xi32> -> vector<16xf32>
    %mul3A_1219 = arith.constant 5.000000e-01 : f32
    %mul3A_1220 = vector.broadcast %mul3A_1219 : f32 to vector<16xf32>
    %mul3A_1221 = arith.mulf %mul3A_1220, %max3A_1210 : vector<16xf32>
    %mul3A_1222 = arith.mulf %mul3A_1221, %bitcast_convert_type3A_1218 : vector<16xf32>
    %mul3A_1223 = arith.mulf %mul3A_1222, %bitcast_convert_type3A_1218 : vector<16xf32>
    %sub3A_1224 = arith.constant 1.500000e+00 : f32
    %sub3A_1225 = vector.broadcast %sub3A_1224 : f32 to vector<16xf32>
    %sub3A_1226 = arith.subf %sub3A_1225, %mul3A_1223 : vector<16xf32>
    %mul3A_1227 = arith.mulf %bitcast_convert_type3A_1218, %sub3A_1226 : vector<16xf32>
    %mul3A_1228 = arith.constant 5.000000e-01 : f32
    %mul3A_1229 = vector.broadcast %mul3A_1228 : f32 to vector<16xf32>
    %mul3A_1230 = arith.mulf %mul3A_1229, %max3A_1210 : vector<16xf32>
    %mul3A_1231 = arith.mulf %mul3A_1230, %mul3A_1227 : vector<16xf32>
    %mul3A_1232 = arith.mulf %mul3A_1231, %mul3A_1227 : vector<16xf32>
    %sub3A_1233 = arith.constant 1.500000e+00 : f32
    %sub3A_1234 = vector.broadcast %sub3A_1233 : f32 to vector<16xf32>
    %sub3A_1235 = arith.subf %sub3A_1234, %mul3A_1232 : vector<16xf32>
    %mul3A_1236 = arith.mulf %mul3A_1227, %sub3A_1235 : vector<16xf32>
    %add3A_1237 = arith.constant 1 : i32
    %add3A_1238 = arith.addi %mul3A_751, %add3A_1237 : i32
    %get3A_1239 = arith.index_cast %add3A_1238 : i32 to index
    %get3A_1240 = arith.constant 48 : index
    %get3A_1241 = tpu.vector_load %arg7[%get3A_1239, %get3A_1240] {strides = array<i32>} : memref<4x128xi32, #tpu.memory_space<vmem>>, vector<16xi32>,
    %mul3A_1242 = arith.constant 2176 : i32
    %mul3A_1243 = vector.broadcast %mul3A_1242 : i32 to vector<16xi32>
    %mul3A_1244 = arith.muli %get3A_1241, %mul3A_1243 : vector<16xi32>
    %add3A_1245 = arith.addi %mul3A_1244, %iota3A : vector<16xi32>
    %max3A_1246 = arith.constant 1.000000e-24 : f32
    %max3A_1247 = vector.broadcast %max3A_1246 : f32 to vector<16xf32>
    %max3A_1248 = arith.maximumf %scan3A_788#12, %max3A_1247 : vector<16xf32>
    %bitcast_convert_type3A_1249 = tpu.bitcast %max3A_1248 : vector<16xf32> -> vector<16xi32>
    %shift_right_logical3A_1250 = arith.constant 1 : i32
    %shift_right_logical3A_1251 = vector.broadcast %shift_right_logical3A_1250 : i32 to vector<16xi32>
    %shift_right_logical3A_1252 = arith.shrui %bitcast_convert_type3A_1249, %shift_right_logical3A_1251 : vector<16xi32>
    %sub3A_1253 = arith.constant 1597463007 : i32
    %sub3A_1254 = vector.broadcast %sub3A_1253 : i32 to vector<16xi32>
    %sub3A_1255 = arith.subi %sub3A_1254, %shift_right_logical3A_1252 : vector<16xi32>
    %bitcast_convert_type3A_1256 = tpu.bitcast %sub3A_1255 : vector<16xi32> -> vector<16xf32>
    %mul3A_1257 = arith.constant 5.000000e-01 : f32
    %mul3A_1258 = vector.broadcast %mul3A_1257 : f32 to vector<16xf32>
    %mul3A_1259 = arith.mulf %mul3A_1258, %max3A_1248 : vector<16xf32>
    %mul3A_1260 = arith.mulf %mul3A_1259, %bitcast_convert_type3A_1256 : vector<16xf32>
    %mul3A_1261 = arith.mulf %mul3A_1260, %bitcast_convert_type3A_1256 : vector<16xf32>
    %sub3A_1262 = arith.constant 1.500000e+00 : f32
    %sub3A_1263 = vector.broadcast %sub3A_1262 : f32 to vector<16xf32>
    %sub3A_1264 = arith.subf %sub3A_1263, %mul3A_1261 : vector<16xf32>
    %mul3A_1265 = arith.mulf %bitcast_convert_type3A_1256, %sub3A_1264 : vector<16xf32>
    %mul3A_1266 = arith.constant 5.000000e-01 : f32
    %mul3A_1267 = vector.broadcast %mul3A_1266 : f32 to vector<16xf32>
    %mul3A_1268 = arith.mulf %mul3A_1267, %max3A_1248 : vector<16xf32>
    %mul3A_1269 = arith.mulf %mul3A_1268, %mul3A_1265 : vector<16xf32>
    %mul3A_1270 = arith.mulf %mul3A_1269, %mul3A_1265 : vector<16xf32>
    %sub3A_1271 = arith.constant 1.500000e+00 : f32
    %sub3A_1272 = vector.broadcast %sub3A_1271 : f32 to vector<16xf32>
    %sub3A_1273 = arith.subf %sub3A_1272, %mul3A_1270 : vector<16xf32>
    %mul3A_1274 = arith.mulf %mul3A_1265, %sub3A_1273 : vector<16xf32>
    %add3A_1275 = arith.constant 1 : i32
    %add3A_1276 = arith.addi %mul3A_751, %add3A_1275 : i32
    %get3A_1277 = arith.index_cast %add3A_1276 : i32 to index
    %get3A_1278 = arith.constant 64 : index
    %get3A_1279 = tpu.vector_load %arg7[%get3A_1277, %get3A_1278] {strides = array<i32>} : memref<4x128xi32, #tpu.memory_space<vmem>>, vector<16xi32>,
    %mul3A_1280 = arith.constant 2176 : i32
    %mul3A_1281 = vector.broadcast %mul3A_1280 : i32 to vector<16xi32>
    %mul3A_1282 = arith.muli %get3A_1279, %mul3A_1281 : vector<16xi32>
    %add3A_1283 = arith.addi %mul3A_1282, %iota3A : vector<16xi32>
    %max3A_1284 = arith.constant 1.000000e-24 : f32
    %max3A_1285 = vector.broadcast %max3A_1284 : f32 to vector<16xf32>
    %max3A_1286 = arith.maximumf %scan3A_788#13, %max3A_1285 : vector<16xf32>
    %bitcast_convert_type3A_1287 = tpu.bitcast %max3A_1286 : vector<16xf32> -> vector<16xi32>
    %shift_right_logical3A_1288 = arith.constant 1 : i32
    %shift_right_logical3A_1289 = vector.broadcast %shift_right_logical3A_1288 : i32 to vector<16xi32>
    %shift_right_logical3A_1290 = arith.shrui %bitcast_convert_type3A_1287, %shift_right_logical3A_1289 : vector<16xi32>
    %sub3A_1291 = arith.constant 1597463007 : i32
    %sub3A_1292 = vector.broadcast %sub3A_1291 : i32 to vector<16xi32>
    %sub3A_1293 = arith.subi %sub3A_1292, %shift_right_logical3A_1290 : vector<16xi32>
    %bitcast_convert_type3A_1294 = tpu.bitcast %sub3A_1293 : vector<16xi32> -> vector<16xf32>
    %mul3A_1295 = arith.constant 5.000000e-01 : f32
    %mul3A_1296 = vector.broadcast %mul3A_1295 : f32 to vector<16xf32>
    %mul3A_1297 = arith.mulf %mul3A_1296, %max3A_1286 : vector<16xf32>
    %mul3A_1298 = arith.mulf %mul3A_1297, %bitcast_convert_type3A_1294 : vector<16xf32>
    %mul3A_1299 = arith.mulf %mul3A_1298, %bitcast_convert_type3A_1294 : vector<16xf32>
    %sub3A_1300 = arith.constant 1.500000e+00 : f32
    %sub3A_1301 = vector.broadcast %sub3A_1300 : f32 to vector<16xf32>
    %sub3A_1302 = arith.subf %sub3A_1301, %mul3A_1299 : vector<16xf32>
    %mul3A_1303 = arith.mulf %bitcast_convert_type3A_1294, %sub3A_1302 : vector<16xf32>
    %mul3A_1304 = arith.constant 5.000000e-01 : f32
    %mul3A_1305 = vector.broadcast %mul3A_1304 : f32 to vector<16xf32>
    %mul3A_1306 = arith.mulf %mul3A_1305, %max3A_1286 : vector<16xf32>
    %mul3A_1307 = arith.mulf %mul3A_1306, %mul3A_1303 : vector<16xf32>
    %mul3A_1308 = arith.mulf %mul3A_1307, %mul3A_1303 : vector<16xf32>
    %sub3A_1309 = arith.constant 1.500000e+00 : f32
    %sub3A_1310 = vector.broadcast %sub3A_1309 : f32 to vector<16xf32>
    %sub3A_1311 = arith.subf %sub3A_1310, %mul3A_1308 : vector<16xf32>
    %mul3A_1312 = arith.mulf %mul3A_1303, %sub3A_1311 : vector<16xf32>
    %add3A_1313 = arith.constant 1 : i32
    %add3A_1314 = arith.addi %mul3A_751, %add3A_1313 : i32
    %get3A_1315 = arith.index_cast %add3A_1314 : i32 to index
    %get3A_1316 = arith.constant 80 : index
    %get3A_1317 = tpu.vector_load %arg7[%get3A_1315, %get3A_1316] {strides = array<i32>} : memref<4x128xi32, #tpu.memory_space<vmem>>, vector<16xi32>,
    %mul3A_1318 = arith.constant 2176 : i32
    %mul3A_1319 = vector.broadcast %mul3A_1318 : i32 to vector<16xi32>
    %mul3A_1320 = arith.muli %get3A_1317, %mul3A_1319 : vector<16xi32>
    %add3A_1321 = arith.addi %mul3A_1320, %iota3A : vector<16xi32>
    %max3A_1322 = arith.constant 1.000000e-24 : f32
    %max3A_1323 = vector.broadcast %max3A_1322 : f32 to vector<16xf32>
    %max3A_1324 = arith.maximumf %scan3A_788#14, %max3A_1323 : vector<16xf32>
    %bitcast_convert_type3A_1325 = tpu.bitcast %max3A_1324 : vector<16xf32> -> vector<16xi32>
    %shift_right_logical3A_1326 = arith.constant 1 : i32
    %shift_right_logical3A_1327 = vector.broadcast %shift_right_logical3A_1326 : i32 to vector<16xi32>
    %shift_right_logical3A_1328 = arith.shrui %bitcast_convert_type3A_1325, %shift_right_logical3A_1327 : vector<16xi32>
    %sub3A_1329 = arith.constant 1597463007 : i32
    %sub3A_1330 = vector.broadcast %sub3A_1329 : i32 to vector<16xi32>
    %sub3A_1331 = arith.subi %sub3A_1330, %shift_right_logical3A_1328 : vector<16xi32>
    %bitcast_convert_type3A_1332 = tpu.bitcast %sub3A_1331 : vector<16xi32> -> vector<16xf32>
    %mul3A_1333 = arith.constant 5.000000e-01 : f32
    %mul3A_1334 = vector.broadcast %mul3A_1333 : f32 to vector<16xf32>
    %mul3A_1335 = arith.mulf %mul3A_1334, %max3A_1324 : vector<16xf32>
    %mul3A_1336 = arith.mulf %mul3A_1335, %bitcast_convert_type3A_1332 : vector<16xf32>
    %mul3A_1337 = arith.mulf %mul3A_1336, %bitcast_convert_type3A_1332 : vector<16xf32>
    %sub3A_1338 = arith.constant 1.500000e+00 : f32
    %sub3A_1339 = vector.broadcast %sub3A_1338 : f32 to vector<16xf32>
    %sub3A_1340 = arith.subf %sub3A_1339, %mul3A_1337 : vector<16xf32>
    %mul3A_1341 = arith.mulf %bitcast_convert_type3A_1332, %sub3A_1340 : vector<16xf32>
    %mul3A_1342 = arith.constant 5.000000e-01 : f32
    %mul3A_1343 = vector.broadcast %mul3A_1342 : f32 to vector<16xf32>
    %mul3A_1344 = arith.mulf %mul3A_1343, %max3A_1324 : vector<16xf32>
    %mul3A_1345 = arith.mulf %mul3A_1344, %mul3A_1341 : vector<16xf32>
    %mul3A_1346 = arith.mulf %mul3A_1345, %mul3A_1341 : vector<16xf32>
    %sub3A_1347 = arith.constant 1.500000e+00 : f32
    %sub3A_1348 = vector.broadcast %sub3A_1347 : f32 to vector<16xf32>
    %sub3A_1349 = arith.subf %sub3A_1348, %mul3A_1346 : vector<16xf32>
    %mul3A_1350 = arith.mulf %mul3A_1341, %sub3A_1349 : vector<16xf32>
    %add3A_1351 = arith.constant 1 : i32
    %add3A_1352 = arith.addi %mul3A_751, %add3A_1351 : i32
    %get3A_1353 = arith.index_cast %add3A_1352 : i32 to index
    %get3A_1354 = arith.constant 96 : index
    %get3A_1355 = tpu.vector_load %arg7[%get3A_1353, %get3A_1354] {strides = array<i32>} : memref<4x128xi32, #tpu.memory_space<vmem>>, vector<16xi32>,
    %mul3A_1356 = arith.constant 2176 : i32
    %mul3A_1357 = vector.broadcast %mul3A_1356 : i32 to vector<16xi32>
    %mul3A_1358 = arith.muli %get3A_1355, %mul3A_1357 : vector<16xi32>
    %add3A_1359 = arith.addi %mul3A_1358, %iota3A : vector<16xi32>
    %max3A_1360 = arith.constant 1.000000e-24 : f32
    %max3A_1361 = vector.broadcast %max3A_1360 : f32 to vector<16xf32>
    %max3A_1362 = arith.maximumf %scan3A_788#15, %max3A_1361 : vector<16xf32>
    %bitcast_convert_type3A_1363 = tpu.bitcast %max3A_1362 : vector<16xf32> -> vector<16xi32>
    %shift_right_logical3A_1364 = arith.constant 1 : i32
    %shift_right_logical3A_1365 = vector.broadcast %shift_right_logical3A_1364 : i32 to vector<16xi32>
    %shift_right_logical3A_1366 = arith.shrui %bitcast_convert_type3A_1363, %shift_right_logical3A_1365 : vector<16xi32>
    %sub3A_1367 = arith.constant 1597463007 : i32
    %sub3A_1368 = vector.broadcast %sub3A_1367 : i32 to vector<16xi32>
    %sub3A_1369 = arith.subi %sub3A_1368, %shift_right_logical3A_1366 : vector<16xi32>
    %bitcast_convert_type3A_1370 = tpu.bitcast %sub3A_1369 : vector<16xi32> -> vector<16xf32>
    %mul3A_1371 = arith.constant 5.000000e-01 : f32
    %mul3A_1372 = vector.broadcast %mul3A_1371 : f32 to vector<16xf32>
    %mul3A_1373 = arith.mulf %mul3A_1372, %max3A_1362 : vector<16xf32>
    %mul3A_1374 = arith.mulf %mul3A_1373, %bitcast_convert_type3A_1370 : vector<16xf32>
    %mul3A_1375 = arith.mulf %mul3A_1374, %bitcast_convert_type3A_1370 : vector<16xf32>
    %sub3A_1376 = arith.constant 1.500000e+00 : f32
    %sub3A_1377 = vector.broadcast %sub3A_1376 : f32 to vector<16xf32>
    %sub3A_1378 = arith.subf %sub3A_1377, %mul3A_1375 : vector<16xf32>
    %mul3A_1379 = arith.mulf %bitcast_convert_type3A_1370, %sub3A_1378 : vector<16xf32>
    %mul3A_1380 = arith.constant 5.000000e-01 : f32
    %mul3A_1381 = vector.broadcast %mul3A_1380 : f32 to vector<16xf32>
    %mul3A_1382 = arith.mulf %mul3A_1381, %max3A_1362 : vector<16xf32>
    %mul3A_1383 = arith.mulf %mul3A_1382, %mul3A_1379 : vector<16xf32>
    %mul3A_1384 = arith.mulf %mul3A_1383, %mul3A_1379 : vector<16xf32>
    %sub3A_1385 = arith.constant 1.500000e+00 : f32
    %sub3A_1386 = vector.broadcast %sub3A_1385 : f32 to vector<16xf32>
    %sub3A_1387 = arith.subf %sub3A_1386, %mul3A_1384 : vector<16xf32>
    %mul3A_1388 = arith.mulf %mul3A_1379, %sub3A_1387 : vector<16xf32>
    %add3A_1389 = arith.constant 1 : i32
    %add3A_1390 = arith.addi %mul3A_751, %add3A_1389 : i32
    %get3A_1391 = arith.index_cast %add3A_1390 : i32 to index
    %get3A_1392 = arith.constant 112 : index
    %get3A_1393 = tpu.vector_load %arg7[%get3A_1391, %get3A_1392] {strides = array<i32>} : memref<4x128xi32, #tpu.memory_space<vmem>>, vector<16xi32>,
    %mul3A_1394 = arith.constant 2176 : i32
    %mul3A_1395 = vector.broadcast %mul3A_1394 : i32 to vector<16xi32>
    %mul3A_1396 = arith.muli %get3A_1393, %mul3A_1395 : vector<16xi32>
    %add3A_1397 = arith.addi %mul3A_1396, %iota3A : vector<16xi32>
    %scan3A_1398 = arith.constant 0 : i32
    %scan3A_1399 = arith.constant 0 : i32
    %scan3A_1400 = arith.constant 128 : i32
    %scan3A_1401 = arith.addi %scan3A_1399, %scan3A_1400 : i32
    %scan3A_1402 = arith.constant 4 : i32
    scf.for %scan3A_1449 = %scan3A_1399 to %scan3A_1401 step %scan3A_1402  : i32 {
      %mul3A_1450 = arith.constant 17 : i32
      %mul3A_1451 = arith.muli %scan3A_1449, %mul3A_1450 : i32
      %get3A_1452 = arith.constant 0 : i32
      %get3A_1453 = arith.index_cast %scan3A_1449 : i32 to index
      %get3A_1454 = arith.index_cast %get3A_1452 : i32 to index
      %get3A_1455 = arith.constant 0 : index
      %get3A_1456 = tpu.vector_load %arg6[%get3A_1453, %get3A_1454, %get3A_1455] {strides = array<i32>} : memref<128x2x128xf32, #tpu.memory_space<vmem>>, vector<16xf32>,
      %mul3A_1457 = arith.mulf %get3A_1456, %mul3A_818 : vector<16xf32>
      %add3A_1458 = vector.broadcast %mul3A_1451 : i32 to vector<16xi32>
      %add3A_1459 = arith.addi %add3A_827, %add3A_1458 : vector<16xi32>
      tpu.vector_store_idx %arg8[%add3A_1459], %mul3A_1457 {add = true} : memref<43536xf32, #tpu.memory_space<vmem>>[vector<16xi32>], vector<16xf32>,
      %get3A_1460 = arith.constant 0 : i32
      %get3A_1461 = arith.index_cast %scan3A_1449 : i32 to index
      %get3A_1462 = arith.index_cast %get3A_1460 : i32 to index
      %get3A_1463 = arith.constant 16 : index
      %get3A_1464 = tpu.vector_load %arg6[%get3A_1461, %get3A_1462, %get3A_1463] {strides = array<i32>} : memref<128x2x128xf32, #tpu.memory_space<vmem>>, vector<16xf32>,
      %mul3A_1465 = arith.mulf %get3A_1464, %mul3A_856 : vector<16xf32>
      %add3A_1466 = vector.broadcast %mul3A_1451 : i32 to vector<16xi32>
      %add3A_1467 = arith.addi %add3A_865, %add3A_1466 : vector<16xi32>
      tpu.vector_store_idx %arg8[%add3A_1467], %mul3A_1465 {add = true} : memref<43536xf32, #tpu.memory_space<vmem>>[vector<16xi32>], vector<16xf32>,
      %get3A_1468 = arith.constant 0 : i32
      %get3A_1469 = arith.index_cast %scan3A_1449 : i32 to index
      %get3A_1470 = arith.index_cast %get3A_1468 : i32 to index
      %get3A_1471 = arith.constant 32 : index
      %get3A_1472 = tpu.vector_load %arg6[%get3A_1469, %get3A_1470, %get3A_1471] {strides = array<i32>} : memref<128x2x128xf32, #tpu.memory_space<vmem>>, vector<16xf32>,
      %mul3A_1473 = arith.mulf %get3A_1472, %mul3A_894 : vector<16xf32>
      %add3A_1474 = vector.broadcast %mul3A_1451 : i32 to vector<16xi32>
      %add3A_1475 = arith.addi %add3A_903, %add3A_1474 : vector<16xi32>
      tpu.vector_store_idx %arg8[%add3A_1475], %mul3A_1473 {add = true} : memref<43536xf32, #tpu.memory_space<vmem>>[vector<16xi32>], vector<16xf32>,
      %get3A_1476 = arith.constant 0 : i32
      %get3A_1477 = arith.index_cast %scan3A_1449 : i32 to index
      %get3A_1478 = arith.index_cast %get3A_1476 : i32 to index
      %get3A_1479 = arith.constant 48 : index
      %get3A_1480 = tpu.vector_load %arg6[%get3A_1477, %get3A_1478, %get3A_1479] {strides = array<i32>} : memref<128x2x128xf32, #tpu.memory_space<vmem>>, vector<16xf32>,
      %mul3A_1481 = arith.mulf %get3A_1480, %mul3A_932 : vector<16xf32>
      %add3A_1482 = vector.broadcast %mul3A_1451 : i32 to vector<16xi32>
      %add3A_1483 = arith.addi %add3A_941, %add3A_1482 : vector<16xi32>
      tpu.vector_store_idx %arg8[%add3A_1483], %mul3A_1481 {add = true} : memref<43536xf32, #tpu.memory_space<vmem>>[vector<16xi32>], vector<16xf32>,
      %get3A_1484 = arith.constant 0 : i32
      %get3A_1485 = arith.index_cast %scan3A_1449 : i32 to index
      %get3A_1486 = arith.index_cast %get3A_1484 : i32 to index
      %get3A_1487 = arith.constant 64 : index
      %get3A_1488 = tpu.vector_load %arg6[%get3A_1485, %get3A_1486, %get3A_1487] {strides = array<i32>} : memref<128x2x128xf32, #tpu.memory_space<vmem>>, vector<16xf32>,
      %mul3A_1489 = arith.mulf %get3A_1488, %mul3A_970 : vector<16xf32>
      %add3A_1490 = vector.broadcast %mul3A_1451 : i32 to vector<16xi32>
      %add3A_1491 = arith.addi %add3A_979, %add3A_1490 : vector<16xi32>
      tpu.vector_store_idx %arg8[%add3A_1491], %mul3A_1489 {add = true} : memref<43536xf32, #tpu.memory_space<vmem>>[vector<16xi32>], vector<16xf32>,
      %get3A_1492 = arith.constant 0 : i32
      %get3A_1493 = arith.index_cast %scan3A_1449 : i32 to index
      %get3A_1494 = arith.index_cast %get3A_1492 : i32 to index
      %get3A_1495 = arith.constant 80 : index
      %get3A_1496 = tpu.vector_load %arg6[%get3A_1493, %get3A_1494, %get3A_1495] {strides = array<i32>} : memref<128x2x128xf32, #tpu.memory_space<vmem>>, vector<16xf32>,
      %mul3A_1497 = arith.mulf %get3A_1496, %mul3A_1008 : vector<16xf32>
      %add3A_1498 = vector.broadcast %mul3A_1451 : i32 to vector<16xi32>
      %add3A_1499 = arith.addi %add3A_1017, %add3A_1498 : vector<16xi32>
      tpu.vector_store_idx %arg8[%add3A_1499], %mul3A_1497 {add = true} : memref<43536xf32, #tpu.memory_space<vmem>>[vector<16xi32>], vector<16xf32>,
      %get3A_1500 = arith.constant 0 : i32
      %get3A_1501 = arith.index_cast %scan3A_1449 : i32 to index
      %get3A_1502 = arith.index_cast %get3A_1500 : i32 to index
      %get3A_1503 = arith.constant 96 : index
      %get3A_1504 = tpu.vector_load %arg6[%get3A_1501, %get3A_1502, %get3A_1503] {strides = array<i32>} : memref<128x2x128xf32, #tpu.memory_space<vmem>>, vector<16xf32>,
      %mul3A_1505 = arith.mulf %get3A_1504, %mul3A_1046 : vector<16xf32>
      %add3A_1506 = vector.broadcast %mul3A_1451 : i32 to vector<16xi32>
      %add3A_1507 = arith.addi %add3A_1055, %add3A_1506 : vector<16xi32>
      tpu.vector_store_idx %arg8[%add3A_1507], %mul3A_1505 {add = true} : memref<43536xf32, #tpu.memory_space<vmem>>[vector<16xi32>], vector<16xf32>,
      %get3A_1508 = arith.constant 0 : i32
      %get3A_1509 = arith.index_cast %scan3A_1449 : i32 to index
      %get3A_1510 = arith.index_cast %get3A_1508 : i32 to index
      %get3A_1511 = arith.constant 112 : index
      %get3A_1512 = tpu.vector_load %arg6[%get3A_1509, %get3A_1510, %get3A_1511] {strides = array<i32>} : memref<128x2x128xf32, #tpu.memory_space<vmem>>, vector<16xf32>,
      %mul3A_1513 = arith.mulf %get3A_1512, %mul3A_1084 : vector<16xf32>
      %add3A_1514 = vector.broadcast %mul3A_1451 : i32 to vector<16xi32>
      %add3A_1515 = arith.addi %add3A_1093, %add3A_1514 : vector<16xi32>
      tpu.vector_store_idx %arg8[%add3A_1515], %mul3A_1513 {add = true} : memref<43536xf32, #tpu.memory_space<vmem>>[vector<16xi32>], vector<16xf32>,
      %get3A_1516 = arith.constant 1 : i32
      %get3A_1517 = arith.index_cast %scan3A_1449 : i32 to index
      %get3A_1518 = arith.index_cast %get3A_1516 : i32 to index
      %get3A_1519 = arith.constant 0 : index
      %get3A_1520 = tpu.vector_load %arg6[%get3A_1517, %get3A_1518, %get3A_1519] {strides = array<i32>} : memref<128x2x128xf32, #tpu.memory_space<vmem>>, vector<16xf32>,
      %mul3A_1521 = arith.mulf %get3A_1520, %mul3A_1122 : vector<16xf32>
      %add3A_1522 = vector.broadcast %mul3A_1451 : i32 to vector<16xi32>
      %add3A_1523 = arith.addi %add3A_1131, %add3A_1522 : vector<16xi32>
      tpu.vector_store_idx %arg8[%add3A_1523], %mul3A_1521 {add = true} : memref<43536xf32, #tpu.memory_space<vmem>>[vector<16xi32>], vector<16xf32>,
      %get3A_1524 = arith.constant 1 : i32
      %get3A_1525 = arith.index_cast %scan3A_1449 : i32 to index
      %get3A_1526 = arith.index_cast %get3A_1524 : i32 to index
      %get3A_1527 = arith.constant 16 : index
      %get3A_1528 = tpu.vector_load %arg6[%get3A_1525, %get3A_1526, %get3A_1527] {strides = array<i32>} : memref<128x2x128xf32, #tpu.memory_space<vmem>>, vector<16xf32>,
      %mul3A_1529 = arith.mulf %get3A_1528, %mul3A_1160 : vector<16xf32>
      %add3A_1530 = vector.broadcast %mul3A_1451 : i32 to vector<16xi32>
      %add3A_1531 = arith.addi %add3A_1169, %add3A_1530 : vector<16xi32>
      tpu.vector_store_idx %arg8[%add3A_1531], %mul3A_1529 {add = true} : memref<43536xf32, #tpu.memory_space<vmem>>[vector<16xi32>], vector<16xf32>,
      %get3A_1532 = arith.constant 1 : i32
      %get3A_1533 = arith.index_cast %scan3A_1449 : i32 to index
      %get3A_1534 = arith.index_cast %get3A_1532 : i32 to index
      %get3A_1535 = arith.constant 32 : index
      %get3A_1536 = tpu.vector_load %arg6[%get3A_1533, %get3A_1534, %get3A_1535] {strides = array<i32>} : memref<128x2x128xf32, #tpu.memory_space<vmem>>, vector<16xf32>,
      %mul3A_1537 = arith.mulf %get3A_1536, %mul3A_1198 : vector<16xf32>
      %add3A_1538 = vector.broadcast %mul3A_1451 : i32 to vector<16xi32>
      %add3A_1539 = arith.addi %add3A_1207, %add3A_1538 : vector<16xi32>
      tpu.vector_store_idx %arg8[%add3A_1539], %mul3A_1537 {add = true} : memref<43536xf32, #tpu.memory_space<vmem>>[vector<16xi32>], vector<16xf32>,
      %get3A_1540 = arith.constant 1 : i32
      %get3A_1541 = arith.index_cast %scan3A_1449 : i32 to index
      %get3A_1542 = arith.index_cast %get3A_1540 : i32 to index
      %get3A_1543 = arith.constant 48 : index
      %get3A_1544 = tpu.vector_load %arg6[%get3A_1541, %get3A_1542, %get3A_1543] {strides = array<i32>} : memref<128x2x128xf32, #tpu.memory_space<vmem>>, vector<16xf32>,
      %mul3A_1545 = arith.mulf %get3A_1544, %mul3A_1236 : vector<16xf32>
      %add3A_1546 = vector.broadcast %mul3A_1451 : i32 to vector<16xi32>
      %add3A_1547 = arith.addi %add3A_1245, %add3A_1546 : vector<16xi32>
      tpu.vector_store_idx %arg8[%add3A_1547], %mul3A_1545 {add = true} : memref<43536xf32, #tpu.memory_space<vmem>>[vector<16xi32>], vector<16xf32>,
      %get3A_1548 = arith.constant 1 : i32
      %get3A_1549 = arith.index_cast %scan3A_1449 : i32 to index
      %get3A_1550 = arith.index_cast %get3A_1548 : i32 to index
      %get3A_1551 = arith.constant 64 : index
      %get3A_1552 = tpu.vector_load %arg6[%get3A_1549, %get3A_1550, %get3A_1551] {strides = array<i32>} : memref<128x2x128xf32, #tpu.memory_space<vmem>>, vector<16xf32>,
      %mul3A_1553 = arith.mulf %get3A_1552, %mul3A_1274 : vector<16xf32>
      %add3A_1554 = vector.broadcast %mul3A_1451 : i32 to vector<16xi32>
      %add3A_1555 = arith.addi %add3A_1283, %add3A_1554 : vector<16xi32>
      tpu.vector_store_idx %arg8[%add3A_1555], %mul3A_1553 {add = true} : memref<43536xf32, #tpu.memory_space<vmem>>[vector<16xi32>], vector<16xf32>,
      %get3A_1556 = arith.constant 1 : i32
      %get3A_1557 = arith.index_cast %scan3A_1449 : i32 to index
      %get3A_1558 = arith.index_cast %get3A_1556 : i32 to index
      %get3A_1559 = arith.constant 80 : index
      %get3A_1560 = tpu.vector_load %arg6[%get3A_1557, %get3A_1558, %get3A_1559] {strides = array<i32>} : memref<128x2x128xf32, #tpu.memory_space<vmem>>, vector<16xf32>,
      %mul3A_1561 = arith.mulf %get3A_1560, %mul3A_1312 : vector<16xf32>
      %add3A_1562 = vector.broadcast %mul3A_1451 : i32 to vector<16xi32>
      %add3A_1563 = arith.addi %add3A_1321, %add3A_1562 : vector<16xi32>
      tpu.vector_store_idx %arg8[%add3A_1563], %mul3A_1561 {add = true} : memref<43536xf32, #tpu.memory_space<vmem>>[vector<16xi32>], vector<16xf32>,
      %get3A_1564 = arith.constant 1 : i32
      %get3A_1565 = arith.index_cast %scan3A_1449 : i32 to index
      %get3A_1566 = arith.index_cast %get3A_1564 : i32 to index
      %get3A_1567 = arith.constant 96 : index
      %get3A_1568 = tpu.vector_load %arg6[%get3A_1565, %get3A_1566, %get3A_1567] {strides = array<i32>} : memref<128x2x128xf32, #tpu.memory_space<vmem>>, vector<16xf32>,
      %mul3A_1569 = arith.mulf %get3A_1568, %mul3A_1350 : vector<16xf32>
      %add3A_1570 = vector.broadcast %mul3A_1451 : i32 to vector<16xi32>
      %add3A_1571 = arith.addi %add3A_1359, %add3A_1570 : vector<16xi32>
      tpu.vector_store_idx %arg8[%add3A_1571], %mul3A_1569 {add = true} : memref<43536xf32, #tpu.memory_space<vmem>>[vector<16xi32>], vector<16xf32>,
      %get3A_1572 = arith.constant 1 : i32
      %get3A_1573 = arith.index_cast %scan3A_1449 : i32 to index
      %get3A_1574 = arith.index_cast %get3A_1572 : i32 to index
      %get3A_1575 = arith.constant 112 : index
      %get3A_1576 = tpu.vector_load %arg6[%get3A_1573, %get3A_1574, %get3A_1575] {strides = array<i32>} : memref<128x2x128xf32, #tpu.memory_space<vmem>>, vector<16xf32>,
      %mul3A_1577 = arith.mulf %get3A_1576, %mul3A_1388 : vector<16xf32>
      %add3A_1578 = vector.broadcast %mul3A_1451 : i32 to vector<16xi32>
      %add3A_1579 = arith.addi %add3A_1397, %add3A_1578 : vector<16xi32>
      tpu.vector_store_idx %arg8[%add3A_1579], %mul3A_1577 {add = true} : memref<43536xf32, #tpu.memory_space<vmem>>[vector<16xi32>], vector<16xf32>,
      %scan3A_1580 = arith.constant 1 : i32
      %scan3A_1581 = arith.addi %scan3A_1449, %scan3A_1580 : i32
      %mul3A_1582 = arith.constant 17 : i32
      %mul3A_1583 = arith.muli %scan3A_1581, %mul3A_1582 : i32
      %get3A_1584 = arith.constant 0 : i32
      %get3A_1585 = arith.index_cast %scan3A_1581 : i32 to index
      %get3A_1586 = arith.index_cast %get3A_1584 : i32 to index
      %get3A_1587 = arith.constant 0 : index
      %get3A_1588 = tpu.vector_load %arg6[%get3A_1585, %get3A_1586, %get3A_1587] {strides = array<i32>} : memref<128x2x128xf32, #tpu.memory_space<vmem>>, vector<16xf32>,
      %mul3A_1589 = arith.mulf %get3A_1588, %mul3A_818 : vector<16xf32>
      %add3A_1590 = vector.broadcast %mul3A_1583 : i32 to vector<16xi32>
      %add3A_1591 = arith.addi %add3A_827, %add3A_1590 : vector<16xi32>
      tpu.vector_store_idx %arg8[%add3A_1591], %mul3A_1589 {add = true} : memref<43536xf32, #tpu.memory_space<vmem>>[vector<16xi32>], vector<16xf32>,
      %get3A_1592 = arith.constant 0 : i32
      %get3A_1593 = arith.index_cast %scan3A_1581 : i32 to index
      %get3A_1594 = arith.index_cast %get3A_1592 : i32 to index
      %get3A_1595 = arith.constant 16 : index
      %get3A_1596 = tpu.vector_load %arg6[%get3A_1593, %get3A_1594, %get3A_1595] {strides = array<i32>} : memref<128x2x128xf32, #tpu.memory_space<vmem>>, vector<16xf32>,
      %mul3A_1597 = arith.mulf %get3A_1596, %mul3A_856 : vector<16xf32>
      %add3A_1598 = vector.broadcast %mul3A_1583 : i32 to vector<16xi32>
      %add3A_1599 = arith.addi %add3A_865, %add3A_1598 : vector<16xi32>
      tpu.vector_store_idx %arg8[%add3A_1599], %mul3A_1597 {add = true} : memref<43536xf32, #tpu.memory_space<vmem>>[vector<16xi32>], vector<16xf32>,
      %get3A_1600 = arith.constant 0 : i32
      %get3A_1601 = arith.index_cast %scan3A_1581 : i32 to index
      %get3A_1602 = arith.index_cast %get3A_1600 : i32 to index
      %get3A_1603 = arith.constant 32 : index
      %get3A_1604 = tpu.vector_load %arg6[%get3A_1601, %get3A_1602, %get3A_1603] {strides = array<i32>} : memref<128x2x128xf32, #tpu.memory_space<vmem>>, vector<16xf32>,
      %mul3A_1605 = arith.mulf %get3A_1604, %mul3A_894 : vector<16xf32>
      %add3A_1606 = vector.broadcast %mul3A_1583 : i32 to vector<16xi32>
      %add3A_1607 = arith.addi %add3A_903, %add3A_1606 : vector<16xi32>
      tpu.vector_store_idx %arg8[%add3A_1607], %mul3A_1605 {add = true} : memref<43536xf32, #tpu.memory_space<vmem>>[vector<16xi32>], vector<16xf32>,
      %get3A_1608 = arith.constant 0 : i32
      %get3A_1609 = arith.index_cast %scan3A_1581 : i32 to index
      %get3A_1610 = arith.index_cast %get3A_1608 : i32 to index
      %get3A_1611 = arith.constant 48 : index
      %get3A_1612 = tpu.vector_load %arg6[%get3A_1609, %get3A_1610, %get3A_1611] {strides = array<i32>} : memref<128x2x128xf32, #tpu.memory_space<vmem>>, vector<16xf32>,
      %mul3A_1613 = arith.mulf %get3A_1612, %mul3A_932 : vector<16xf32>
      %add3A_1614 = vector.broadcast %mul3A_1583 : i32 to vector<16xi32>
      %add3A_1615 = arith.addi %add3A_941, %add3A_1614 : vector<16xi32>
      tpu.vector_store_idx %arg8[%add3A_1615], %mul3A_1613 {add = true} : memref<43536xf32, #tpu.memory_space<vmem>>[vector<16xi32>], vector<16xf32>,
      %get3A_1616 = arith.constant 0 : i32
      %get3A_1617 = arith.index_cast %scan3A_1581 : i32 to index
      %get3A_1618 = arith.index_cast %get3A_1616 : i32 to index
      %get3A_1619 = arith.constant 64 : index
      %get3A_1620 = tpu.vector_load %arg6[%get3A_1617, %get3A_1618, %get3A_1619] {strides = array<i32>} : memref<128x2x128xf32, #tpu.memory_space<vmem>>, vector<16xf32>,
      %mul3A_1621 = arith.mulf %get3A_1620, %mul3A_970 : vector<16xf32>
      %add3A_1622 = vector.broadcast %mul3A_1583 : i32 to vector<16xi32>
      %add3A_1623 = arith.addi %add3A_979, %add3A_1622 : vector<16xi32>
      tpu.vector_store_idx %arg8[%add3A_1623], %mul3A_1621 {add = true} : memref<43536xf32, #tpu.memory_space<vmem>>[vector<16xi32>], vector<16xf32>,
      %get3A_1624 = arith.constant 0 : i32
      %get3A_1625 = arith.index_cast %scan3A_1581 : i32 to index
      %get3A_1626 = arith.index_cast %get3A_1624 : i32 to index
      %get3A_1627 = arith.constant 80 : index
      %get3A_1628 = tpu.vector_load %arg6[%get3A_1625, %get3A_1626, %get3A_1627] {strides = array<i32>} : memref<128x2x128xf32, #tpu.memory_space<vmem>>, vector<16xf32>,
      %mul3A_1629 = arith.mulf %get3A_1628, %mul3A_1008 : vector<16xf32>
      %add3A_1630 = vector.broadcast %mul3A_1583 : i32 to vector<16xi32>
      %add3A_1631 = arith.addi %add3A_1017, %add3A_1630 : vector<16xi32>
      tpu.vector_store_idx %arg8[%add3A_1631], %mul3A_1629 {add = true} : memref<43536xf32, #tpu.memory_space<vmem>>[vector<16xi32>], vector<16xf32>,
      %get3A_1632 = arith.constant 0 : i32
      %get3A_1633 = arith.index_cast %scan3A_1581 : i32 to index
      %get3A_1634 = arith.index_cast %get3A_1632 : i32 to index
      %get3A_1635 = arith.constant 96 : index
      %get3A_1636 = tpu.vector_load %arg6[%get3A_1633, %get3A_1634, %get3A_1635] {strides = array<i32>} : memref<128x2x128xf32, #tpu.memory_space<vmem>>, vector<16xf32>,
      %mul3A_1637 = arith.mulf %get3A_1636, %mul3A_1046 : vector<16xf32>
      %add3A_1638 = vector.broadcast %mul3A_1583 : i32 to vector<16xi32>
      %add3A_1639 = arith.addi %add3A_1055, %add3A_1638 : vector<16xi32>
      tpu.vector_store_idx %arg8[%add3A_1639], %mul3A_1637 {add = true} : memref<43536xf32, #tpu.memory_space<vmem>>[vector<16xi32>], vector<16xf32>,
      %get3A_1640 = arith.constant 0 : i32
      %get3A_1641 = arith.index_cast %scan3A_1581 : i32 to index
      %get3A_1642 = arith.index_cast %get3A_1640 : i32 to index
      %get3A_1643 = arith.constant 112 : index
      %get3A_1644 = tpu.vector_load %arg6[%get3A_1641, %get3A_1642, %get3A_1643] {strides = array<i32>} : memref<128x2x128xf32, #tpu.memory_space<vmem>>, vector<16xf32>,
      %mul3A_1645 = arith.mulf %get3A_1644, %mul3A_1084 : vector<16xf32>
      %add3A_1646 = vector.broadcast %mul3A_1583 : i32 to vector<16xi32>
      %add3A_1647 = arith.addi %add3A_1093, %add3A_1646 : vector<16xi32>
      tpu.vector_store_idx %arg8[%add3A_1647], %mul3A_1645 {add = true} : memref<43536xf32, #tpu.memory_space<vmem>>[vector<16xi32>], vector<16xf32>,
      %get3A_1648 = arith.constant 1 : i32
      %get3A_1649 = arith.index_cast %scan3A_1581 : i32 to index
      %get3A_1650 = arith.index_cast %get3A_1648 : i32 to index
      %get3A_1651 = arith.constant 0 : index
      %get3A_1652 = tpu.vector_load %arg6[%get3A_1649, %get3A_1650, %get3A_1651] {strides = array<i32>} : memref<128x2x128xf32, #tpu.memory_space<vmem>>, vector<16xf32>,
      %mul3A_1653 = arith.mulf %get3A_1652, %mul3A_1122 : vector<16xf32>
      %add3A_1654 = vector.broadcast %mul3A_1583 : i32 to vector<16xi32>
      %add3A_1655 = arith.addi %add3A_1131, %add3A_1654 : vector<16xi32>
      tpu.vector_store_idx %arg8[%add3A_1655], %mul3A_1653 {add = true} : memref<43536xf32, #tpu.memory_space<vmem>>[vector<16xi32>], vector<16xf32>,
      %get3A_1656 = arith.constant 1 : i32
      %get3A_1657 = arith.index_cast %scan3A_1581 : i32 to index
      %get3A_1658 = arith.index_cast %get3A_1656 : i32 to index
      %get3A_1659 = arith.constant 16 : index
      %get3A_1660 = tpu.vector_load %arg6[%get3A_1657, %get3A_1658, %get3A_1659] {strides = array<i32>} : memref<128x2x128xf32, #tpu.memory_space<vmem>>, vector<16xf32>,
      %mul3A_1661 = arith.mulf %get3A_1660, %mul3A_1160 : vector<16xf32>
      %add3A_1662 = vector.broadcast %mul3A_1583 : i32 to vector<16xi32>
      %add3A_1663 = arith.addi %add3A_1169, %add3A_1662 : vector<16xi32>
      tpu.vector_store_idx %arg8[%add3A_1663], %mul3A_1661 {add = true} : memref<43536xf32, #tpu.memory_space<vmem>>[vector<16xi32>], vector<16xf32>,
      %get3A_1664 = arith.constant 1 : i32
      %get3A_1665 = arith.index_cast %scan3A_1581 : i32 to index
      %get3A_1666 = arith.index_cast %get3A_1664 : i32 to index
      %get3A_1667 = arith.constant 32 : index
      %get3A_1668 = tpu.vector_load %arg6[%get3A_1665, %get3A_1666, %get3A_1667] {strides = array<i32>} : memref<128x2x128xf32, #tpu.memory_space<vmem>>, vector<16xf32>,
      %mul3A_1669 = arith.mulf %get3A_1668, %mul3A_1198 : vector<16xf32>
      %add3A_1670 = vector.broadcast %mul3A_1583 : i32 to vector<16xi32>
      %add3A_1671 = arith.addi %add3A_1207, %add3A_1670 : vector<16xi32>
      tpu.vector_store_idx %arg8[%add3A_1671], %mul3A_1669 {add = true} : memref<43536xf32, #tpu.memory_space<vmem>>[vector<16xi32>], vector<16xf32>,
      %get3A_1672 = arith.constant 1 : i32
      %get3A_1673 = arith.index_cast %scan3A_1581 : i32 to index
      %get3A_1674 = arith.index_cast %get3A_1672 : i32 to index
      %get3A_1675 = arith.constant 48 : index
      %get3A_1676 = tpu.vector_load %arg6[%get3A_1673, %get3A_1674, %get3A_1675] {strides = array<i32>} : memref<128x2x128xf32, #tpu.memory_space<vmem>>, vector<16xf32>,
      %mul3A_1677 = arith.mulf %get3A_1676, %mul3A_1236 : vector<16xf32>
      %add3A_1678 = vector.broadcast %mul3A_1583 : i32 to vector<16xi32>
      %add3A_1679 = arith.addi %add3A_1245, %add3A_1678 : vector<16xi32>
      tpu.vector_store_idx %arg8[%add3A_1679], %mul3A_1677 {add = true} : memref<43536xf32, #tpu.memory_space<vmem>>[vector<16xi32>], vector<16xf32>,
      %get3A_1680 = arith.constant 1 : i32
      %get3A_1681 = arith.index_cast %scan3A_1581 : i32 to index
      %get3A_1682 = arith.index_cast %get3A_1680 : i32 to index
      %get3A_1683 = arith.constant 64 : index
      %get3A_1684 = tpu.vector_load %arg6[%get3A_1681, %get3A_1682, %get3A_1683] {strides = array<i32>} : memref<128x2x128xf32, #tpu.memory_space<vmem>>, vector<16xf32>,
      %mul3A_1685 = arith.mulf %get3A_1684, %mul3A_1274 : vector<16xf32>
      %add3A_1686 = vector.broadcast %mul3A_1583 : i32 to vector<16xi32>
      %add3A_1687 = arith.addi %add3A_1283, %add3A_1686 : vector<16xi32>
      tpu.vector_store_idx %arg8[%add3A_1687], %mul3A_1685 {add = true} : memref<43536xf32, #tpu.memory_space<vmem>>[vector<16xi32>], vector<16xf32>,
      %get3A_1688 = arith.constant 1 : i32
      %get3A_1689 = arith.index_cast %scan3A_1581 : i32 to index
      %get3A_1690 = arith.index_cast %get3A_1688 : i32 to index
      %get3A_1691 = arith.constant 80 : index
      %get3A_1692 = tpu.vector_load %arg6[%get3A_1689, %get3A_1690, %get3A_1691] {strides = array<i32>} : memref<128x2x128xf32, #tpu.memory_space<vmem>>, vector<16xf32>,
      %mul3A_1693 = arith.mulf %get3A_1692, %mul3A_1312 : vector<16xf32>
      %add3A_1694 = vector.broadcast %mul3A_1583 : i32 to vector<16xi32>
      %add3A_1695 = arith.addi %add3A_1321, %add3A_1694 : vector<16xi32>
      tpu.vector_store_idx %arg8[%add3A_1695], %mul3A_1693 {add = true} : memref<43536xf32, #tpu.memory_space<vmem>>[vector<16xi32>], vector<16xf32>,
      %get3A_1696 = arith.constant 1 : i32
      %get3A_1697 = arith.index_cast %scan3A_1581 : i32 to index
      %get3A_1698 = arith.index_cast %get3A_1696 : i32 to index
      %get3A_1699 = arith.constant 96 : index
      %get3A_1700 = tpu.vector_load %arg6[%get3A_1697, %get3A_1698, %get3A_1699] {strides = array<i32>} : memref<128x2x128xf32, #tpu.memory_space<vmem>>, vector<16xf32>,
      %mul3A_1701 = arith.mulf %get3A_1700, %mul3A_1350 : vector<16xf32>
      %add3A_1702 = vector.broadcast %mul3A_1583 : i32 to vector<16xi32>
      %add3A_1703 = arith.addi %add3A_1359, %add3A_1702 : vector<16xi32>
      tpu.vector_store_idx %arg8[%add3A_1703], %mul3A_1701 {add = true} : memref<43536xf32, #tpu.memory_space<vmem>>[vector<16xi32>], vector<16xf32>,
      %get3A_1704 = arith.constant 1 : i32
      %get3A_1705 = arith.index_cast %scan3A_1581 : i32 to index
      %get3A_1706 = arith.index_cast %get3A_1704 : i32 to index
      %get3A_1707 = arith.constant 112 : index
      %get3A_1708 = tpu.vector_load %arg6[%get3A_1705, %get3A_1706, %get3A_1707] {strides = array<i32>} : memref<128x2x128xf32, #tpu.memory_space<vmem>>, vector<16xf32>,
      %mul3A_1709 = arith.mulf %get3A_1708, %mul3A_1388 : vector<16xf32>
      %add3A_1710 = vector.broadcast %mul3A_1583 : i32 to vector<16xi32>
      %add3A_1711 = arith.addi %add3A_1397, %add3A_1710 : vector<16xi32>
      tpu.vector_store_idx %arg8[%add3A_1711], %mul3A_1709 {add = true} : memref<43536xf32, #tpu.memory_space<vmem>>[vector<16xi32>], vector<16xf32>,
      %scan3A_1712 = arith.constant 2 : i32
      %scan3A_1713 = arith.addi %scan3A_1449, %scan3A_1712 : i32
      %mul3A_1714 = arith.constant 17 : i32
      %mul3A_1715 = arith.muli %scan3A_1713, %mul3A_1714 : i32
      %get3A_1716 = arith.constant 0 : i32
      %get3A_1717 = arith.index_cast %scan3A_1713 : i32 to index
      %get3A_1718 = arith.index_cast %get3A_1716 : i32 to index
      %get3A_1719 = arith.constant 0 : index
      %get3A_1720 = tpu.vector_load %arg6[%get3A_1717, %get3A_1718, %get3A_1719] {strides = array<i32>} : memref<128x2x128xf32, #tpu.memory_space<vmem>>, vector<16xf32>,
      %mul3A_1721 = arith.mulf %get3A_1720, %mul3A_818 : vector<16xf32>
      %add3A_1722 = vector.broadcast %mul3A_1715 : i32 to vector<16xi32>
      %add3A_1723 = arith.addi %add3A_827, %add3A_1722 : vector<16xi32>
      tpu.vector_store_idx %arg8[%add3A_1723], %mul3A_1721 {add = true} : memref<43536xf32, #tpu.memory_space<vmem>>[vector<16xi32>], vector<16xf32>,
      %get3A_1724 = arith.constant 0 : i32
      %get3A_1725 = arith.index_cast %scan3A_1713 : i32 to index
      %get3A_1726 = arith.index_cast %get3A_1724 : i32 to index
      %get3A_1727 = arith.constant 16 : index
      %get3A_1728 = tpu.vector_load %arg6[%get3A_1725, %get3A_1726, %get3A_1727] {strides = array<i32>} : memref<128x2x128xf32, #tpu.memory_space<vmem>>, vector<16xf32>,
      %mul3A_1729 = arith.mulf %get3A_1728, %mul3A_856 : vector<16xf32>
      %add3A_1730 = vector.broadcast %mul3A_1715 : i32 to vector<16xi32>
      %add3A_1731 = arith.addi %add3A_865, %add3A_1730 : vector<16xi32>
      tpu.vector_store_idx %arg8[%add3A_1731], %mul3A_1729 {add = true} : memref<43536xf32, #tpu.memory_space<vmem>>[vector<16xi32>], vector<16xf32>,
      %get3A_1732 = arith.constant 0 : i32
      %get3A_1733 = arith.index_cast %scan3A_1713 : i32 to index
      %get3A_1734 = arith.index_cast %get3A_1732 : i32 to index
      %get3A_1735 = arith.constant 32 : index
      %get3A_1736 = tpu.vector_load %arg6[%get3A_1733, %get3A_1734, %get3A_1735] {strides = array<i32>} : memref<128x2x128xf32, #tpu.memory_space<vmem>>, vector<16xf32>,
      %mul3A_1737 = arith.mulf %get3A_1736, %mul3A_894 : vector<16xf32>
      %add3A_1738 = vector.broadcast %mul3A_1715 : i32 to vector<16xi32>
      %add3A_1739 = arith.addi %add3A_903, %add3A_1738 : vector<16xi32>
      tpu.vector_store_idx %arg8[%add3A_1739], %mul3A_1737 {add = true} : memref<43536xf32, #tpu.memory_space<vmem>>[vector<16xi32>], vector<16xf32>,
      %get3A_1740 = arith.constant 0 : i32
      %get3A_1741 = arith.index_cast %scan3A_1713 : i32 to index
      %get3A_1742 = arith.index_cast %get3A_1740 : i32 to index
      %get3A_1743 = arith.constant 48 : index
      %get3A_1744 = tpu.vector_load %arg6[%get3A_1741, %get3A_1742, %get3A_1743] {strides = array<i32>} : memref<128x2x128xf32, #tpu.memory_space<vmem>>, vector<16xf32>,
      %mul3A_1745 = arith.mulf %get3A_1744, %mul3A_932 : vector<16xf32>
      %add3A_1746 = vector.broadcast %mul3A_1715 : i32 to vector<16xi32>
      %add3A_1747 = arith.addi %add3A_941, %add3A_1746 : vector<16xi32>
      tpu.vector_store_idx %arg8[%add3A_1747], %mul3A_1745 {add = true} : memref<43536xf32, #tpu.memory_space<vmem>>[vector<16xi32>], vector<16xf32>,
      %get3A_1748 = arith.constant 0 : i32
      %get3A_1749 = arith.index_cast %scan3A_1713 : i32 to index
      %get3A_1750 = arith.index_cast %get3A_1748 : i32 to index
      %get3A_1751 = arith.constant 64 : index
      %get3A_1752 = tpu.vector_load %arg6[%get3A_1749, %get3A_1750, %get3A_1751] {strides = array<i32>} : memref<128x2x128xf32, #tpu.memory_space<vmem>>, vector<16xf32>,
      %mul3A_1753 = arith.mulf %get3A_1752, %mul3A_970 : vector<16xf32>
      %add3A_1754 = vector.broadcast %mul3A_1715 : i32 to vector<16xi32>
      %add3A_1755 = arith.addi %add3A_979, %add3A_1754 : vector<16xi32>
      tpu.vector_store_idx %arg8[%add3A_1755], %mul3A_1753 {add = true} : memref<43536xf32, #tpu.memory_space<vmem>>[vector<16xi32>], vector<16xf32>,
      %get3A_1756 = arith.constant 0 : i32
      %get3A_1757 = arith.index_cast %scan3A_1713 : i32 to index
      %get3A_1758 = arith.index_cast %get3A_1756 : i32 to index
      %get3A_1759 = arith.constant 80 : index
      %get3A_1760 = tpu.vector_load %arg6[%get3A_1757, %get3A_1758, %get3A_1759] {strides = array<i32>} : memref<128x2x128xf32, #tpu.memory_space<vmem>>, vector<16xf32>,
      %mul3A_1761 = arith.mulf %get3A_1760, %mul3A_1008 : vector<16xf32>
      %add3A_1762 = vector.broadcast %mul3A_1715 : i32 to vector<16xi32>
      %add3A_1763 = arith.addi %add3A_1017, %add3A_1762 : vector<16xi32>
      tpu.vector_store_idx %arg8[%add3A_1763], %mul3A_1761 {add = true} : memref<43536xf32, #tpu.memory_space<vmem>>[vector<16xi32>], vector<16xf32>,
      %get3A_1764 = arith.constant 0 : i32
      %get3A_1765 = arith.index_cast %scan3A_1713 : i32 to index
      %get3A_1766 = arith.index_cast %get3A_1764 : i32 to index
      %get3A_1767 = arith.constant 96 : index
      %get3A_1768 = tpu.vector_load %arg6[%get3A_1765, %get3A_1766, %get3A_1767] {strides = array<i32>} : memref<128x2x128xf32, #tpu.memory_space<vmem>>, vector<16xf32>,
      %mul3A_1769 = arith.mulf %get3A_1768, %mul3A_1046 : vector<16xf32>
      %add3A_1770 = vector.broadcast %mul3A_1715 : i32 to vector<16xi32>
      %add3A_1771 = arith.addi %add3A_1055, %add3A_1770 : vector<16xi32>
      tpu.vector_store_idx %arg8[%add3A_1771], %mul3A_1769 {add = true} : memref<43536xf32, #tpu.memory_space<vmem>>[vector<16xi32>], vector<16xf32>,
      %get3A_1772 = arith.constant 0 : i32
      %get3A_1773 = arith.index_cast %scan3A_1713 : i32 to index
      %get3A_1774 = arith.index_cast %get3A_1772 : i32 to index
      %get3A_1775 = arith.constant 112 : index
      %get3A_1776 = tpu.vector_load %arg6[%get3A_1773, %get3A_1774, %get3A_1775] {strides = array<i32>} : memref<128x2x128xf32, #tpu.memory_space<vmem>>, vector<16xf32>,
      %mul3A_1777 = arith.mulf %get3A_1776, %mul3A_1084 : vector<16xf32>
      %add3A_1778 = vector.broadcast %mul3A_1715 : i32 to vector<16xi32>
      %add3A_1779 = arith.addi %add3A_1093, %add3A_1778 : vector<16xi32>
      tpu.vector_store_idx %arg8[%add3A_1779], %mul3A_1777 {add = true} : memref<43536xf32, #tpu.memory_space<vmem>>[vector<16xi32>], vector<16xf32>,
      %get3A_1780 = arith.constant 1 : i32
      %get3A_1781 = arith.index_cast %scan3A_1713 : i32 to index
      %get3A_1782 = arith.index_cast %get3A_1780 : i32 to index
      %get3A_1783 = arith.constant 0 : index
      %get3A_1784 = tpu.vector_load %arg6[%get3A_1781, %get3A_1782, %get3A_1783] {strides = array<i32>} : memref<128x2x128xf32, #tpu.memory_space<vmem>>, vector<16xf32>,
      %mul3A_1785 = arith.mulf %get3A_1784, %mul3A_1122 : vector<16xf32>
      %add3A_1786 = vector.broadcast %mul3A_1715 : i32 to vector<16xi32>
      %add3A_1787 = arith.addi %add3A_1131, %add3A_1786 : vector<16xi32>
      tpu.vector_store_idx %arg8[%add3A_1787], %mul3A_1785 {add = true} : memref<43536xf32, #tpu.memory_space<vmem>>[vector<16xi32>], vector<16xf32>,
      %get3A_1788 = arith.constant 1 : i32
      %get3A_1789 = arith.index_cast %scan3A_1713 : i32 to index
      %get3A_1790 = arith.index_cast %get3A_1788 : i32 to index
      %get3A_1791 = arith.constant 16 : index
      %get3A_1792 = tpu.vector_load %arg6[%get3A_1789, %get3A_1790, %get3A_1791] {strides = array<i32>} : memref<128x2x128xf32, #tpu.memory_space<vmem>>, vector<16xf32>,
      %mul3A_1793 = arith.mulf %get3A_1792, %mul3A_1160 : vector<16xf32>
      %add3A_1794 = vector.broadcast %mul3A_1715 : i32 to vector<16xi32>
      %add3A_1795 = arith.addi %add3A_1169, %add3A_1794 : vector<16xi32>
      tpu.vector_store_idx %arg8[%add3A_1795], %mul3A_1793 {add = true} : memref<43536xf32, #tpu.memory_space<vmem>>[vector<16xi32>], vector<16xf32>,
      %get3A_1796 = arith.constant 1 : i32
      %get3A_1797 = arith.index_cast %scan3A_1713 : i32 to index
      %get3A_1798 = arith.index_cast %get3A_1796 : i32 to index
      %get3A_1799 = arith.constant 32 : index
      %get3A_1800 = tpu.vector_load %arg6[%get3A_1797, %get3A_1798, %get3A_1799] {strides = array<i32>} : memref<128x2x128xf32, #tpu.memory_space<vmem>>, vector<16xf32>,
      %mul3A_1801 = arith.mulf %get3A_1800, %mul3A_1198 : vector<16xf32>
      %add3A_1802 = vector.broadcast %mul3A_1715 : i32 to vector<16xi32>
      %add3A_1803 = arith.addi %add3A_1207, %add3A_1802 : vector<16xi32>
      tpu.vector_store_idx %arg8[%add3A_1803], %mul3A_1801 {add = true} : memref<43536xf32, #tpu.memory_space<vmem>>[vector<16xi32>], vector<16xf32>,
      %get3A_1804 = arith.constant 1 : i32
      %get3A_1805 = arith.index_cast %scan3A_1713 : i32 to index
      %get3A_1806 = arith.index_cast %get3A_1804 : i32 to index
      %get3A_1807 = arith.constant 48 : index
      %get3A_1808 = tpu.vector_load %arg6[%get3A_1805, %get3A_1806, %get3A_1807] {strides = array<i32>} : memref<128x2x128xf32, #tpu.memory_space<vmem>>, vector<16xf32>,
      %mul3A_1809 = arith.mulf %get3A_1808, %mul3A_1236 : vector<16xf32>
      %add3A_1810 = vector.broadcast %mul3A_1715 : i32 to vector<16xi32>
      %add3A_1811 = arith.addi %add3A_1245, %add3A_1810 : vector<16xi32>
      tpu.vector_store_idx %arg8[%add3A_1811], %mul3A_1809 {add = true} : memref<43536xf32, #tpu.memory_space<vmem>>[vector<16xi32>], vector<16xf32>,
      %get3A_1812 = arith.constant 1 : i32
      %get3A_1813 = arith.index_cast %scan3A_1713 : i32 to index
      %get3A_1814 = arith.index_cast %get3A_1812 : i32 to index
      %get3A_1815 = arith.constant 64 : index
      %get3A_1816 = tpu.vector_load %arg6[%get3A_1813, %get3A_1814, %get3A_1815] {strides = array<i32>} : memref<128x2x128xf32, #tpu.memory_space<vmem>>, vector<16xf32>,
      %mul3A_1817 = arith.mulf %get3A_1816, %mul3A_1274 : vector<16xf32>
      %add3A_1818 = vector.broadcast %mul3A_1715 : i32 to vector<16xi32>
      %add3A_1819 = arith.addi %add3A_1283, %add3A_1818 : vector<16xi32>
      tpu.vector_store_idx %arg8[%add3A_1819], %mul3A_1817 {add = true} : memref<43536xf32, #tpu.memory_space<vmem>>[vector<16xi32>], vector<16xf32>,
      %get3A_1820 = arith.constant 1 : i32
      %get3A_1821 = arith.index_cast %scan3A_1713 : i32 to index
      %get3A_1822 = arith.index_cast %get3A_1820 : i32 to index
      %get3A_1823 = arith.constant 80 : index
      %get3A_1824 = tpu.vector_load %arg6[%get3A_1821, %get3A_1822, %get3A_1823] {strides = array<i32>} : memref<128x2x128xf32, #tpu.memory_space<vmem>>, vector<16xf32>,
      %mul3A_1825 = arith.mulf %get3A_1824, %mul3A_1312 : vector<16xf32>
      %add3A_1826 = vector.broadcast %mul3A_1715 : i32 to vector<16xi32>
      %add3A_1827 = arith.addi %add3A_1321, %add3A_1826 : vector<16xi32>
      tpu.vector_store_idx %arg8[%add3A_1827], %mul3A_1825 {add = true} : memref<43536xf32, #tpu.memory_space<vmem>>[vector<16xi32>], vector<16xf32>,
      %get3A_1828 = arith.constant 1 : i32
      %get3A_1829 = arith.index_cast %scan3A_1713 : i32 to index
      %get3A_1830 = arith.index_cast %get3A_1828 : i32 to index
      %get3A_1831 = arith.constant 96 : index
      %get3A_1832 = tpu.vector_load %arg6[%get3A_1829, %get3A_1830, %get3A_1831] {strides = array<i32>} : memref<128x2x128xf32, #tpu.memory_space<vmem>>, vector<16xf32>,
      %mul3A_1833 = arith.mulf %get3A_1832, %mul3A_1350 : vector<16xf32>
      %add3A_1834 = vector.broadcast %mul3A_1715 : i32 to vector<16xi32>
      %add3A_1835 = arith.addi %add3A_1359, %add3A_1834 : vector<16xi32>
      tpu.vector_store_idx %arg8[%add3A_1835], %mul3A_1833 {add = true} : memref<43536xf32, #tpu.memory_space<vmem>>[vector<16xi32>], vector<16xf32>,
      %get3A_1836 = arith.constant 1 : i32
      %get3A_1837 = arith.index_cast %scan3A_1713 : i32 to index
      %get3A_1838 = arith.index_cast %get3A_1836 : i32 to index
      %get3A_1839 = arith.constant 112 : index
      %get3A_1840 = tpu.vector_load %arg6[%get3A_1837, %get3A_1838, %get3A_1839] {strides = array<i32>} : memref<128x2x128xf32, #tpu.memory_space<vmem>>, vector<16xf32>,
      %mul3A_1841 = arith.mulf %get3A_1840, %mul3A_1388 : vector<16xf32>
      %add3A_1842 = vector.broadcast %mul3A_1715 : i32 to vector<16xi32>
      %add3A_1843 = arith.addi %add3A_1397, %add3A_1842 : vector<16xi32>
      tpu.vector_store_idx %arg8[%add3A_1843], %mul3A_1841 {add = true} : memref<43536xf32, #tpu.memory_space<vmem>>[vector<16xi32>], vector<16xf32>,
      %scan3A_1844 = arith.constant 3 : i32
      %scan3A_1845 = arith.addi %scan3A_1449, %scan3A_1844 : i32
      %mul3A_1846 = arith.constant 17 : i32
      %mul3A_1847 = arith.muli %scan3A_1845, %mul3A_1846 : i32
      %get3A_1848 = arith.constant 0 : i32
      %get3A_1849 = arith.index_cast %scan3A_1845 : i32 to index
      %get3A_1850 = arith.index_cast %get3A_1848 : i32 to index
      %get3A_1851 = arith.constant 0 : index
      %get3A_1852 = tpu.vector_load %arg6[%get3A_1849, %get3A_1850, %get3A_1851] {strides = array<i32>} : memref<128x2x128xf32, #tpu.memory_space<vmem>>, vector<16xf32>,
      %mul3A_1853 = arith.mulf %get3A_1852, %mul3A_818 : vector<16xf32>
      %add3A_1854 = vector.broadcast %mul3A_1847 : i32 to vector<16xi32>
      %add3A_1855 = arith.addi %add3A_827, %add3A_1854 : vector<16xi32>
      tpu.vector_store_idx %arg8[%add3A_1855], %mul3A_1853 {add = true} : memref<43536xf32, #tpu.memory_space<vmem>>[vector<16xi32>], vector<16xf32>,
      %get3A_1856 = arith.constant 0 : i32
      %get3A_1857 = arith.index_cast %scan3A_1845 : i32 to index
      %get3A_1858 = arith.index_cast %get3A_1856 : i32 to index
      %get3A_1859 = arith.constant 16 : index
      %get3A_1860 = tpu.vector_load %arg6[%get3A_1857, %get3A_1858, %get3A_1859] {strides = array<i32>} : memref<128x2x128xf32, #tpu.memory_space<vmem>>, vector<16xf32>,
      %mul3A_1861 = arith.mulf %get3A_1860, %mul3A_856 : vector<16xf32>
      %add3A_1862 = vector.broadcast %mul3A_1847 : i32 to vector<16xi32>
      %add3A_1863 = arith.addi %add3A_865, %add3A_1862 : vector<16xi32>
      tpu.vector_store_idx %arg8[%add3A_1863], %mul3A_1861 {add = true} : memref<43536xf32, #tpu.memory_space<vmem>>[vector<16xi32>], vector<16xf32>,
      %get3A_1864 = arith.constant 0 : i32
      %get3A_1865 = arith.index_cast %scan3A_1845 : i32 to index
      %get3A_1866 = arith.index_cast %get3A_1864 : i32 to index
      %get3A_1867 = arith.constant 32 : index
      %get3A_1868 = tpu.vector_load %arg6[%get3A_1865, %get3A_1866, %get3A_1867] {strides = array<i32>} : memref<128x2x128xf32, #tpu.memory_space<vmem>>, vector<16xf32>,
      %mul3A_1869 = arith.mulf %get3A_1868, %mul3A_894 : vector<16xf32>
      %add3A_1870 = vector.broadcast %mul3A_1847 : i32 to vector<16xi32>
      %add3A_1871 = arith.addi %add3A_903, %add3A_1870 : vector<16xi32>
      tpu.vector_store_idx %arg8[%add3A_1871], %mul3A_1869 {add = true} : memref<43536xf32, #tpu.memory_space<vmem>>[vector<16xi32>], vector<16xf32>,
      %get3A_1872 = arith.constant 0 : i32
      %get3A_1873 = arith.index_cast %scan3A_1845 : i32 to index
      %get3A_1874 = arith.index_cast %get3A_1872 : i32 to index
      %get3A_1875 = arith.constant 48 : index
      %get3A_1876 = tpu.vector_load %arg6[%get3A_1873, %get3A_1874, %get3A_1875] {strides = array<i32>} : memref<128x2x128xf32, #tpu.memory_space<vmem>>, vector<16xf32>,
      %mul3A_1877 = arith.mulf %get3A_1876, %mul3A_932 : vector<16xf32>
      %add3A_1878 = vector.broadcast %mul3A_1847 : i32 to vector<16xi32>
      %add3A_1879 = arith.addi %add3A_941, %add3A_1878 : vector<16xi32>
      tpu.vector_store_idx %arg8[%add3A_1879], %mul3A_1877 {add = true} : memref<43536xf32, #tpu.memory_space<vmem>>[vector<16xi32>], vector<16xf32>,
      %get3A_1880 = arith.constant 0 : i32
      %get3A_1881 = arith.index_cast %scan3A_1845 : i32 to index
      %get3A_1882 = arith.index_cast %get3A_1880 : i32 to index
      %get3A_1883 = arith.constant 64 : index
      %get3A_1884 = tpu.vector_load %arg6[%get3A_1881, %get3A_1882, %get3A_1883] {strides = array<i32>} : memref<128x2x128xf32, #tpu.memory_space<vmem>>, vector<16xf32>,
      %mul3A_1885 = arith.mulf %get3A_1884, %mul3A_970 : vector<16xf32>
      %add3A_1886 = vector.broadcast %mul3A_1847 : i32 to vector<16xi32>
      %add3A_1887 = arith.addi %add3A_979, %add3A_1886 : vector<16xi32>
      tpu.vector_store_idx %arg8[%add3A_1887], %mul3A_1885 {add = true} : memref<43536xf32, #tpu.memory_space<vmem>>[vector<16xi32>], vector<16xf32>,
      %get3A_1888 = arith.constant 0 : i32
      %get3A_1889 = arith.index_cast %scan3A_1845 : i32 to index
      %get3A_1890 = arith.index_cast %get3A_1888 : i32 to index
      %get3A_1891 = arith.constant 80 : index
      %get3A_1892 = tpu.vector_load %arg6[%get3A_1889, %get3A_1890, %get3A_1891] {strides = array<i32>} : memref<128x2x128xf32, #tpu.memory_space<vmem>>, vector<16xf32>,
      %mul3A_1893 = arith.mulf %get3A_1892, %mul3A_1008 : vector<16xf32>
      %add3A_1894 = vector.broadcast %mul3A_1847 : i32 to vector<16xi32>
      %add3A_1895 = arith.addi %add3A_1017, %add3A_1894 : vector<16xi32>
      tpu.vector_store_idx %arg8[%add3A_1895], %mul3A_1893 {add = true} : memref<43536xf32, #tpu.memory_space<vmem>>[vector<16xi32>], vector<16xf32>,
      %get3A_1896 = arith.constant 0 : i32
      %get3A_1897 = arith.index_cast %scan3A_1845 : i32 to index
      %get3A_1898 = arith.index_cast %get3A_1896 : i32 to index
      %get3A_1899 = arith.constant 96 : index
      %get3A_1900 = tpu.vector_load %arg6[%get3A_1897, %get3A_1898, %get3A_1899] {strides = array<i32>} : memref<128x2x128xf32, #tpu.memory_space<vmem>>, vector<16xf32>,
      %mul3A_1901 = arith.mulf %get3A_1900, %mul3A_1046 : vector<16xf32>
      %add3A_1902 = vector.broadcast %mul3A_1847 : i32 to vector<16xi32>
      %add3A_1903 = arith.addi %add3A_1055, %add3A_1902 : vector<16xi32>
      tpu.vector_store_idx %arg8[%add3A_1903], %mul3A_1901 {add = true} : memref<43536xf32, #tpu.memory_space<vmem>>[vector<16xi32>], vector<16xf32>,
      %get3A_1904 = arith.constant 0 : i32
      %get3A_1905 = arith.index_cast %scan3A_1845 : i32 to index
      %get3A_1906 = arith.index_cast %get3A_1904 : i32 to index
      %get3A_1907 = arith.constant 112 : index
      %get3A_1908 = tpu.vector_load %arg6[%get3A_1905, %get3A_1906, %get3A_1907] {strides = array<i32>} : memref<128x2x128xf32, #tpu.memory_space<vmem>>, vector<16xf32>,
      %mul3A_1909 = arith.mulf %get3A_1908, %mul3A_1084 : vector<16xf32>
      %add3A_1910 = vector.broadcast %mul3A_1847 : i32 to vector<16xi32>
      %add3A_1911 = arith.addi %add3A_1093, %add3A_1910 : vector<16xi32>
      tpu.vector_store_idx %arg8[%add3A_1911], %mul3A_1909 {add = true} : memref<43536xf32, #tpu.memory_space<vmem>>[vector<16xi32>], vector<16xf32>,
      %get3A_1912 = arith.constant 1 : i32
      %get3A_1913 = arith.index_cast %scan3A_1845 : i32 to index
      %get3A_1914 = arith.index_cast %get3A_1912 : i32 to index
      %get3A_1915 = arith.constant 0 : index
      %get3A_1916 = tpu.vector_load %arg6[%get3A_1913, %get3A_1914, %get3A_1915] {strides = array<i32>} : memref<128x2x128xf32, #tpu.memory_space<vmem>>, vector<16xf32>,
      %mul3A_1917 = arith.mulf %get3A_1916, %mul3A_1122 : vector<16xf32>
      %add3A_1918 = vector.broadcast %mul3A_1847 : i32 to vector<16xi32>
      %add3A_1919 = arith.addi %add3A_1131, %add3A_1918 : vector<16xi32>
      tpu.vector_store_idx %arg8[%add3A_1919], %mul3A_1917 {add = true} : memref<43536xf32, #tpu.memory_space<vmem>>[vector<16xi32>], vector<16xf32>,
      %get3A_1920 = arith.constant 1 : i32
      %get3A_1921 = arith.index_cast %scan3A_1845 : i32 to index
      %get3A_1922 = arith.index_cast %get3A_1920 : i32 to index
      %get3A_1923 = arith.constant 16 : index
      %get3A_1924 = tpu.vector_load %arg6[%get3A_1921, %get3A_1922, %get3A_1923] {strides = array<i32>} : memref<128x2x128xf32, #tpu.memory_space<vmem>>, vector<16xf32>,
      %mul3A_1925 = arith.mulf %get3A_1924, %mul3A_1160 : vector<16xf32>
      %add3A_1926 = vector.broadcast %mul3A_1847 : i32 to vector<16xi32>
      %add3A_1927 = arith.addi %add3A_1169, %add3A_1926 : vector<16xi32>
      tpu.vector_store_idx %arg8[%add3A_1927], %mul3A_1925 {add = true} : memref<43536xf32, #tpu.memory_space<vmem>>[vector<16xi32>], vector<16xf32>,
      %get3A_1928 = arith.constant 1 : i32
      %get3A_1929 = arith.index_cast %scan3A_1845 : i32 to index
      %get3A_1930 = arith.index_cast %get3A_1928 : i32 to index
      %get3A_1931 = arith.constant 32 : index
      %get3A_1932 = tpu.vector_load %arg6[%get3A_1929, %get3A_1930, %get3A_1931] {strides = array<i32>} : memref<128x2x128xf32, #tpu.memory_space<vmem>>, vector<16xf32>,
      %mul3A_1933 = arith.mulf %get3A_1932, %mul3A_1198 : vector<16xf32>
      %add3A_1934 = vector.broadcast %mul3A_1847 : i32 to vector<16xi32>
      %add3A_1935 = arith.addi %add3A_1207, %add3A_1934 : vector<16xi32>
      tpu.vector_store_idx %arg8[%add3A_1935], %mul3A_1933 {add = true} : memref<43536xf32, #tpu.memory_space<vmem>>[vector<16xi32>], vector<16xf32>,
      %get3A_1936 = arith.constant 1 : i32
      %get3A_1937 = arith.index_cast %scan3A_1845 : i32 to index
      %get3A_1938 = arith.index_cast %get3A_1936 : i32 to index
      %get3A_1939 = arith.constant 48 : index
      %get3A_1940 = tpu.vector_load %arg6[%get3A_1937, %get3A_1938, %get3A_1939] {strides = array<i32>} : memref<128x2x128xf32, #tpu.memory_space<vmem>>, vector<16xf32>,
      %mul3A_1941 = arith.mulf %get3A_1940, %mul3A_1236 : vector<16xf32>
      %add3A_1942 = vector.broadcast %mul3A_1847 : i32 to vector<16xi32>
      %add3A_1943 = arith.addi %add3A_1245, %add3A_1942 : vector<16xi32>
      tpu.vector_store_idx %arg8[%add3A_1943], %mul3A_1941 {add = true} : memref<43536xf32, #tpu.memory_space<vmem>>[vector<16xi32>], vector<16xf32>,
      %get3A_1944 = arith.constant 1 : i32
      %get3A_1945 = arith.index_cast %scan3A_1845 : i32 to index
      %get3A_1946 = arith.index_cast %get3A_1944 : i32 to index
      %get3A_1947 = arith.constant 64 : index
      %get3A_1948 = tpu.vector_load %arg6[%get3A_1945, %get3A_1946, %get3A_1947] {strides = array<i32>} : memref<128x2x128xf32, #tpu.memory_space<vmem>>, vector<16xf32>,
      %mul3A_1949 = arith.mulf %get3A_1948, %mul3A_1274 : vector<16xf32>
      %add3A_1950 = vector.broadcast %mul3A_1847 : i32 to vector<16xi32>
      %add3A_1951 = arith.addi %add3A_1283, %add3A_1950 : vector<16xi32>
      tpu.vector_store_idx %arg8[%add3A_1951], %mul3A_1949 {add = true} : memref<43536xf32, #tpu.memory_space<vmem>>[vector<16xi32>], vector<16xf32>,
      %get3A_1952 = arith.constant 1 : i32
      %get3A_1953 = arith.index_cast %scan3A_1845 : i32 to index
      %get3A_1954 = arith.index_cast %get3A_1952 : i32 to index
      %get3A_1955 = arith.constant 80 : index
      %get3A_1956 = tpu.vector_load %arg6[%get3A_1953, %get3A_1954, %get3A_1955] {strides = array<i32>} : memref<128x2x128xf32, #tpu.memory_space<vmem>>, vector<16xf32>,
      %mul3A_1957 = arith.mulf %get3A_1956, %mul3A_1312 : vector<16xf32>
      %add3A_1958 = vector.broadcast %mul3A_1847 : i32 to vector<16xi32>
      %add3A_1959 = arith.addi %add3A_1321, %add3A_1958 : vector<16xi32>
      tpu.vector_store_idx %arg8[%add3A_1959], %mul3A_1957 {add = true} : memref<43536xf32, #tpu.memory_space<vmem>>[vector<16xi32>], vector<16xf32>,
      %get3A_1960 = arith.constant 1 : i32
      %get3A_1961 = arith.index_cast %scan3A_1845 : i32 to index
      %get3A_1962 = arith.index_cast %get3A_1960 : i32 to index
      %get3A_1963 = arith.constant 96 : index
      %get3A_1964 = tpu.vector_load %arg6[%get3A_1961, %get3A_1962, %get3A_1963] {strides = array<i32>} : memref<128x2x128xf32, #tpu.memory_space<vmem>>, vector<16xf32>,
      %mul3A_1965 = arith.mulf %get3A_1964, %mul3A_1350 : vector<16xf32>
      %add3A_1966 = vector.broadcast %mul3A_1847 : i32 to vector<16xi32>
      %add3A_1967 = arith.addi %add3A_1359, %add3A_1966 : vector<16xi32>
      tpu.vector_store_idx %arg8[%add3A_1967], %mul3A_1965 {add = true} : memref<43536xf32, #tpu.memory_space<vmem>>[vector<16xi32>], vector<16xf32>,
      %get3A_1968 = arith.constant 1 : i32
      %get3A_1969 = arith.index_cast %scan3A_1845 : i32 to index
      %get3A_1970 = arith.index_cast %get3A_1968 : i32 to index
      %get3A_1971 = arith.constant 112 : index
      %get3A_1972 = tpu.vector_load %arg6[%get3A_1969, %get3A_1970, %get3A_1971] {strides = array<i32>} : memref<128x2x128xf32, #tpu.memory_space<vmem>>, vector<16xf32>,
      %mul3A_1973 = arith.mulf %get3A_1972, %mul3A_1388 : vector<16xf32>
      %add3A_1974 = vector.broadcast %mul3A_1847 : i32 to vector<16xi32>
      %add3A_1975 = arith.addi %add3A_1397, %add3A_1974 : vector<16xi32>
      tpu.vector_store_idx %arg8[%add3A_1975], %mul3A_1973 {add = true} : memref<43536xf32, #tpu.memory_space<vmem>>[vector<16xi32>], vector<16xf32>,
    }
    %scan3A_1403 = arith.constant 128 : i32
    %add3A_1404 = arith.constant 2 : i32
    %add3A_1405 = arith.addi %add3A_741, %add3A_1404 : i32
    %lt3A_1406 = arith.constant 2 : i32
    %lt3A_1407 = arith.cmpi slt, %add3A_1405, %lt3A_1406 : i32
    %convert_element_type3A_1408 = arith.extui %lt3A_1407 : i1 to i32
    %cond3A_1409 = arith.constant 0 : i32
    %cond3A_1410 = arith.cmpi ne, %convert_element_type3A_1408, %cond3A_1409 : i32
    scf.if %cond3A_1410 {
      %add3A_1449 = arith.constant 2 : i32
      %add3A_1450 = arith.addi %add3A_741, %add3A_1449 : i32
      %mul3A_1451 = arith.constant 2 : i32
      %mul3A_1452 = arith.muli %add3A_1450, %mul3A_1451 : i32
      %add3A_1453 = arith.addi %mul3A_32, %mul3A_1452 : i32
      %dma_start3A_1454 = arith.constant 0 : i32
      %dma_start3A_1455 = arith.constant 0 : i32
      %dma_start3A_1456 = tpu.memref_slice %arg2[%select_n3A, %dma_start3A_1454, %add3A_1453, %dma_start3A_1455] : memref<1x128x128x128xf32, #tpu.memory_space<hbm>> -> memref<1x128x2x128xf32, #tpu.memory_space<hbm>>
      %dma_start3A_1457 = tpu.memref_squeeze %dma_start3A_1456 : memref<1x128x2x128xf32, #tpu.memory_space<hbm>> -> memref<128x2x128xf32, #tpu.memory_space<hbm>>
      %dma_start3A_1458 = arith.constant 0 : i32
      %dma_start3A_1459 = arith.constant 0 : i32
      %dma_start3A_1460 = tpu.memref_slice %arg2[%select_n3A, %dma_start3A_1458, %add3A_1453, %dma_start3A_1459] : memref<1x128x128x128xf32, #tpu.memory_space<hbm>> -> memref<1x128x2x128xf32, #tpu.memory_space<hbm>>
      %dma_start3A_1461 = tpu.memref_squeeze %dma_start3A_1460 : memref<1x128x2x128xf32, #tpu.memory_space<hbm>> -> memref<128x2x128xf32, #tpu.memory_space<hbm>>
      tpu.enqueue_dma source(%dma_start3A_1461 : memref<128x2x128xf32, #tpu.memory_space<hbm>>) target(%arg6 : memref<128x2x128xf32, #tpu.memory_space<vmem>>) target_semaphore(%arg13 : memref<!tpu.dma_semaphore, #tpu.memory_space<semaphore_mem>>)
    } else {
    }
    %scan3A_1411 = arith.constant 1 : i32
    %eq3A_1412 = arith.constant 15 : i32
    %eq3A_1413 = vector.broadcast %eq3A_1412 : i32 to vector<16xi32>
    %eq3A_1414 = arith.cmpi eq, %iota3A, %eq3A_1413 : vector<16xi32>
    %scan3A_1415 = arith.constant 0 : i32
    %scan3A_1416 = arith.constant 0 : i32
    %scan3A_1417 = arith.constant 640 : i32
    %scan3A_1418 = arith.addi %scan3A_1416, %scan3A_1417 : i32
    %scan3A_1419 = arith.constant 1 : i32
    scf.for %scan3A_1449 = %scan3A_1416 to %scan3A_1418 step %scan3A_1419  : i32 {
      %mul3A_1450 = arith.constant 4 : i32
      %mul3A_1451 = arith.muli %scan3A_1449, %mul3A_1450 : i32
      %add3A_1452 = arith.constant 0 : i32
      %add3A_1453 = arith.addi %mul3A_1451, %add3A_1452 : i32
      %mul3A_1454 = arith.constant 17 : i32
      %mul3A_1455 = arith.muli %add3A_1453, %mul3A_1454 : i32
      %get3A_1456 = arith.index_cast %mul3A_1455 : i32 to index
      %get3A_1457 = tpu.vector_load %arg8[%get3A_1456] {strides = array<i32>} : memref<43536xf32, #tpu.memory_space<vmem>>, vector<16xf32>,
      %broadcast_in_dim3A_1458 = arith.constant true
      %broadcast_in_dim3A_1459 = vector.broadcast %broadcast_in_dim3A_1458 : i1 to vector<16xi1>
      %masked_cumsum3A = tpu.scan <sum>, %get3A_1457 masked %broadcast_in_dim3A_1459 : vector<16xf32>, vector<16xi1> -> vector<16xf32>
      %shift_right_logical3A_1460 = arith.constant 7 : i32
      %shift_right_logical3A_1461 = arith.shrui %add3A_1453, %shift_right_logical3A_1460 : i32
      %broadcast_in_dim3A_1462 = vector.broadcast %shift_right_logical3A_1461 : i32 to vector<16xi32>
      %and3A_1463 = arith.constant 127 : i32
      %and3A_1464 = arith.andi %add3A_1453, %and3A_1463 : i32
      %broadcast_in_dim3A_1465 = vector.broadcast %and3A_1464 : i32 to vector<16xi32>
      tpu.vector_store_idx %arg9[%broadcast_in_dim3A_1462, %broadcast_in_dim3A_1465], %masked_cumsum3A masked %eq3A_1414 : memref<32x128xf32, #tpu.memory_space<vmem>>[vector<16xi32>, vector<16xi32>], vector<16xf32>, vector<16xi1>
      %mul3A_1466 = arith.constant 4 : i32
      %mul3A_1467 = arith.muli %scan3A_1449, %mul3A_1466 : i32
      %add3A_1468 = arith.constant 1 : i32
      %add3A_1469 = arith.addi %mul3A_1467, %add3A_1468 : i32
      %mul3A_1470 = arith.constant 17 : i32
      %mul3A_1471 = arith.muli %add3A_1469, %mul3A_1470 : i32
      %get3A_1472 = arith.index_cast %mul3A_1471 : i32 to index
      %get3A_1473 = tpu.vector_load %arg8[%get3A_1472] {strides = array<i32>} : memref<43536xf32, #tpu.memory_space<vmem>>, vector<16xf32>,
      %broadcast_in_dim3A_1474 = arith.constant true
      %broadcast_in_dim3A_1475 = vector.broadcast %broadcast_in_dim3A_1474 : i1 to vector<16xi1>
      %masked_cumsum3A_1476 = tpu.scan <sum>, %get3A_1473 masked %broadcast_in_dim3A_1475 : vector<16xf32>, vector<16xi1> -> vector<16xf32>
      %shift_right_logical3A_1477 = arith.constant 7 : i32
      %shift_right_logical3A_1478 = arith.shrui %add3A_1469, %shift_right_logical3A_1477 : i32
      %broadcast_in_dim3A_1479 = vector.broadcast %shift_right_logical3A_1478 : i32 to vector<16xi32>
      %and3A_1480 = arith.constant 127 : i32
      %and3A_1481 = arith.andi %add3A_1469, %and3A_1480 : i32
      %broadcast_in_dim3A_1482 = vector.broadcast %and3A_1481 : i32 to vector<16xi32>
      tpu.vector_store_idx %arg9[%broadcast_in_dim3A_1479, %broadcast_in_dim3A_1482], %masked_cumsum3A_1476 masked %eq3A_1414 : memref<32x128xf32, #tpu.memory_space<vmem>>[vector<16xi32>, vector<16xi32>], vector<16xf32>, vector<16xi1>
      %mul3A_1483 = arith.constant 4 : i32
      %mul3A_1484 = arith.muli %scan3A_1449, %mul3A_1483 : i32
      %add3A_1485 = arith.constant 2 : i32
      %add3A_1486 = arith.addi %mul3A_1484, %add3A_1485 : i32
      %mul3A_1487 = arith.constant 17 : i32
      %mul3A_1488 = arith.muli %add3A_1486, %mul3A_1487 : i32
      %get3A_1489 = arith.index_cast %mul3A_1488 : i32 to index
      %get3A_1490 = tpu.vector_load %arg8[%get3A_1489] {strides = array<i32>} : memref<43536xf32, #tpu.memory_space<vmem>>, vector<16xf32>,
      %broadcast_in_dim3A_1491 = arith.constant true
      %broadcast_in_dim3A_1492 = vector.broadcast %broadcast_in_dim3A_1491 : i1 to vector<16xi1>
      %masked_cumsum3A_1493 = tpu.scan <sum>, %get3A_1490 masked %broadcast_in_dim3A_1492 : vector<16xf32>, vector<16xi1> -> vector<16xf32>
      %shift_right_logical3A_1494 = arith.constant 7 : i32
      %shift_right_logical3A_1495 = arith.shrui %add3A_1486, %shift_right_logical3A_1494 : i32
      %broadcast_in_dim3A_1496 = vector.broadcast %shift_right_logical3A_1495 : i32 to vector<16xi32>
      %and3A_1497 = arith.constant 127 : i32
      %and3A_1498 = arith.andi %add3A_1486, %and3A_1497 : i32
      %broadcast_in_dim3A_1499 = vector.broadcast %and3A_1498 : i32 to vector<16xi32>
      tpu.vector_store_idx %arg9[%broadcast_in_dim3A_1496, %broadcast_in_dim3A_1499], %masked_cumsum3A_1493 masked %eq3A_1414 : memref<32x128xf32, #tpu.memory_space<vmem>>[vector<16xi32>, vector<16xi32>], vector<16xf32>, vector<16xi1>
      %mul3A_1500 = arith.constant 4 : i32
      %mul3A_1501 = arith.muli %scan3A_1449, %mul3A_1500 : i32
      %add3A_1502 = arith.constant 3 : i32
      %add3A_1503 = arith.addi %mul3A_1501, %add3A_1502 : i32
      %mul3A_1504 = arith.constant 17 : i32
      %mul3A_1505 = arith.muli %add3A_1503, %mul3A_1504 : i32
      %get3A_1506 = arith.index_cast %mul3A_1505 : i32 to index
      %get3A_1507 = tpu.vector_load %arg8[%get3A_1506] {strides = array<i32>} : memref<43536xf32, #tpu.memory_space<vmem>>, vector<16xf32>,
      %broadcast_in_dim3A_1508 = arith.constant true
      %broadcast_in_dim3A_1509 = vector.broadcast %broadcast_in_dim3A_1508 : i1 to vector<16xi1>
      %masked_cumsum3A_1510 = tpu.scan <sum>, %get3A_1507 masked %broadcast_in_dim3A_1509 : vector<16xf32>, vector<16xi1> -> vector<16xf32>
      %shift_right_logical3A_1511 = arith.constant 7 : i32
      %shift_right_logical3A_1512 = arith.shrui %add3A_1503, %shift_right_logical3A_1511 : i32
      %broadcast_in_dim3A_1513 = vector.broadcast %shift_right_logical3A_1512 : i32 to vector<16xi32>
      %and3A_1514 = arith.constant 127 : i32
      %and3A_1515 = arith.andi %add3A_1503, %and3A_1514 : i32
      %broadcast_in_dim3A_1516 = vector.broadcast %and3A_1515 : i32 to vector<16xi32>
      tpu.vector_store_idx %arg9[%broadcast_in_dim3A_1513, %broadcast_in_dim3A_1516], %masked_cumsum3A_1510 masked %eq3A_1414 : memref<32x128xf32, #tpu.memory_space<vmem>>[vector<16xi32>, vector<16xi32>], vector<16xf32>, vector<16xi1>
    }
    %scan3A_1420 = arith.constant 640 : i32
    %scan3A_1421 = arith.constant 0 : i32
    %scan3A_1422 = arith.constant 20 : i32
    %scan3A_1423 = arith.constant 12 : i32
    %scan3A_1424 = arith.addi %scan3A_1422, %scan3A_1423 : i32
    %scan3A_1425 = arith.constant 1 : i32
    scf.for %scan3A_1449 = %scan3A_1422 to %scan3A_1424 step %scan3A_1425  : i32 {
      %swap3A_1450 = arith.index_cast %scan3A_1449 : i32 to index
      %swap3A_1451 = arith.constant 0 : index
      %swap3A_1452 = tpu.vector_load %arg9[%swap3A_1450, %swap3A_1451] {strides = array<i32>} : memref<32x128xf32, #tpu.memory_space<vmem>>, vector<16xf32>,
      tpu.vector_store %arg9[%swap3A_1450, %swap3A_1451], %broadcast_in_dim3A_38 {strides = array<i32>} : memref<32x128xf32, #tpu.memory_space<vmem>>, vector<16xf32>,
      %swap3A_1453 = arith.index_cast %scan3A_1449 : i32 to index
      %swap3A_1454 = arith.constant 16 : index
      %swap3A_1455 = tpu.vector_load %arg9[%swap3A_1453, %swap3A_1454] {strides = array<i32>} : memref<32x128xf32, #tpu.memory_space<vmem>>, vector<16xf32>,
      tpu.vector_store %arg9[%swap3A_1453, %swap3A_1454], %broadcast_in_dim3A_38 {strides = array<i32>} : memref<32x128xf32, #tpu.memory_space<vmem>>, vector<16xf32>,
      %swap3A_1456 = arith.index_cast %scan3A_1449 : i32 to index
      %swap3A_1457 = arith.constant 32 : index
      %swap3A_1458 = tpu.vector_load %arg9[%swap3A_1456, %swap3A_1457] {strides = array<i32>} : memref<32x128xf32, #tpu.memory_space<vmem>>, vector<16xf32>,
      tpu.vector_store %arg9[%swap3A_1456, %swap3A_1457], %broadcast_in_dim3A_38 {strides = array<i32>} : memref<32x128xf32, #tpu.memory_space<vmem>>, vector<16xf32>,
      %swap3A_1459 = arith.index_cast %scan3A_1449 : i32 to index
      %swap3A_1460 = arith.constant 48 : index
      %swap3A_1461 = tpu.vector_load %arg9[%swap3A_1459, %swap3A_1460] {strides = array<i32>} : memref<32x128xf32, #tpu.memory_space<vmem>>, vector<16xf32>,
      tpu.vector_store %arg9[%swap3A_1459, %swap3A_1460], %broadcast_in_dim3A_38 {strides = array<i32>} : memref<32x128xf32, #tpu.memory_space<vmem>>, vector<16xf32>,
      %swap3A_1462 = arith.index_cast %scan3A_1449 : i32 to index
      %swap3A_1463 = arith.constant 64 : index
      %swap3A_1464 = tpu.vector_load %arg9[%swap3A_1462, %swap3A_1463] {strides = array<i32>} : memref<32x128xf32, #tpu.memory_space<vmem>>, vector<16xf32>,
      tpu.vector_store %arg9[%swap3A_1462, %swap3A_1463], %broadcast_in_dim3A_38 {strides = array<i32>} : memref<32x128xf32, #tpu.memory_space<vmem>>, vector<16xf32>,
      %swap3A_1465 = arith.index_cast %scan3A_1449 : i32 to index
      %swap3A_1466 = arith.constant 80 : index
      %swap3A_1467 = tpu.vector_load %arg9[%swap3A_1465, %swap3A_1466] {strides = array<i32>} : memref<32x128xf32, #tpu.memory_space<vmem>>, vector<16xf32>,
      tpu.vector_store %arg9[%swap3A_1465, %swap3A_1466], %broadcast_in_dim3A_38 {strides = array<i32>} : memref<32x128xf32, #tpu.memory_space<vmem>>, vector<16xf32>,
      %swap3A_1468 = arith.index_cast %scan3A_1449 : i32 to index
      %swap3A_1469 = arith.constant 96 : index
      %swap3A_1470 = tpu.vector_load %arg9[%swap3A_1468, %swap3A_1469] {strides = array<i32>} : memref<32x128xf32, #tpu.memory_space<vmem>>, vector<16xf32>,
      tpu.vector_store %arg9[%swap3A_1468, %swap3A_1469], %broadcast_in_dim3A_38 {strides = array<i32>} : memref<32x128xf32, #tpu.memory_space<vmem>>, vector<16xf32>,
      %swap3A_1471 = arith.index_cast %scan3A_1449 : i32 to index
      %swap3A_1472 = arith.constant 112 : index
      %swap3A_1473 = tpu.vector_load %arg9[%swap3A_1471, %swap3A_1472] {strides = array<i32>} : memref<32x128xf32, #tpu.memory_space<vmem>>, vector<16xf32>,
      tpu.vector_store %arg9[%swap3A_1471, %swap3A_1472], %broadcast_in_dim3A_38 {strides = array<i32>} : memref<32x128xf32, #tpu.memory_space<vmem>>, vector<16xf32>,
    }
    %scan3A_1426 = arith.constant 12 : i32
    %swap3A = arith.constant 0 : index
    %swap3A_1427 = tpu.vector_load %arg10[%swap3A] {strides = array<i32>} : memref<32xi32, #tpu.memory_space<vmem>>, vector<16xi32>,
    tpu.vector_store %arg10[%swap3A], %iota3A {strides = array<i32>} : memref<32xi32, #tpu.memory_space<vmem>>, vector<16xi32>,
    %add3A_1428 = arith.constant 16 : i32
    %add3A_1429 = vector.broadcast %add3A_1428 : i32 to vector<16xi32>
    %add3A_1430 = arith.addi %iota3A, %add3A_1429 : vector<16xi32>
    %swap3A_1431 = arith.constant 16 : index
    %swap3A_1432 = tpu.vector_load %arg10[%swap3A_1431] {strides = array<i32>} : memref<32xi32, #tpu.memory_space<vmem>>, vector<16xi32>,
    tpu.vector_store %arg10[%swap3A_1431], %add3A_1430 {strides = array<i32>} : memref<32xi32, #tpu.memory_space<vmem>>, vector<16xi32>,
    %eq3A_1433 = arith.constant 0 : i32
    %eq3A_1434 = arith.cmpi eq, %arg1, %eq3A_1433 : i32
    %convert_element_type3A_1435 = arith.extui %eq3A_1434 : i1 to i32
    %cond3A_1436 = arith.constant 0 : i32
    %cond3A_1437 = arith.cmpi ne, %convert_element_type3A_1435, %cond3A_1436 : i32
    scf.if %cond3A_1437 {
      "tpu.region"() ({
        %run_scoped3A = tpu.sem_alloc : memref<!tpu.dma_semaphore, #tpu.memory_space<semaphore_mem>>
        tpu.enqueue_dma source(%arg9 : memref<32x128xf32, #tpu.memory_space<vmem>>) target(%arg11 : memref<32x128xf32, #tpu.memory_space<vmem_shared>>) target_semaphore(%run_scoped3A : memref<!tpu.dma_semaphore, #tpu.memory_space<semaphore_mem>>)
        tpu.wait_dma2 semaphore(%run_scoped3A : memref<!tpu.dma_semaphore, #tpu.memory_space<semaphore_mem>>) src(%arg9 : memref<32x128xf32, #tpu.memory_space<vmem>>) dst(%arg11 : memref<32x128xf32, #tpu.memory_space<vmem_shared>>)
        tpu.yield
      }) : () -> ()
    } else {
    }
    %barrier3A = arith.constant 0 : index
    tpu.barrier barrier_id(%barrier3A)
    %ne3A_1438 = arith.constant 0 : i32
    %ne3A_1439 = arith.cmpi ne, %arg1, %ne3A_1438 : i32
    %convert_element_type3A_1440 = arith.extui %ne3A_1439 : i1 to i32
    %cond3A_1441 = arith.constant 0 : i32
    %cond3A_1442 = arith.cmpi ne, %convert_element_type3A_1440, %cond3A_1441 : i32
    scf.if %cond3A_1442 {
      "tpu.region"() ({
        %run_scoped3A = tpu.sem_alloc : memref<!tpu.dma_semaphore, #tpu.memory_space<semaphore_mem>>
        %dma_start3A_1449 = arith.constant 0 : i32
        %dma_start3A_1450 = arith.constant 0 : i32
        %dma_start3A_1451 = tpu.memref_slice %arg11[%dma_start3A_1449, %dma_start3A_1450] : memref<32x128xf32, #tpu.memory_space<vmem_shared>> -> memref<32x128xf32, #tpu.memory_space<vmem_shared>>
        tpu.enqueue_indirect_dma source(%arg9 : memref<32x128xf32, #tpu.memory_space<vmem>>) target(%dma_start3A_1451 : memref<32x128xf32, #tpu.memory_space<vmem_shared>>) offsets(%arg10 : memref<32xi32, #tpu.memory_space<vmem>>) semaphore(%run_scoped3A : memref<!tpu.dma_semaphore, #tpu.memory_space<semaphore_mem>>) {add = true}
        %dma_wait3A_1452 = arith.constant 0 : i32
        %dma_wait3A_1453 = arith.constant 0 : i32
        %dma_wait3A_1454 = tpu.memref_slice %arg11[%dma_wait3A_1452, %dma_wait3A_1453] : memref<32x128xf32, #tpu.memory_space<vmem_shared>> -> memref<32x128xf32, #tpu.memory_space<vmem_shared>>
        tpu.wait_indirect_dma semaphore(%run_scoped3A : memref<!tpu.dma_semaphore, #tpu.memory_space<semaphore_mem>>) src(%arg9 : memref<32x128xf32, #tpu.memory_space<vmem>>) dst(%dma_wait3A_1454 : memref<32x128xf32, #tpu.memory_space<vmem_shared>>)
        tpu.yield
      }) : () -> ()
    } else {
    }
    %barrier3A_1443 = arith.constant 0 : index
    tpu.barrier barrier_id(%barrier3A_1443)
    %eq3A_1444 = arith.constant 0 : i32
    %eq3A_1445 = arith.cmpi eq, %arg1, %eq3A_1444 : i32
    %convert_element_type3A_1446 = arith.extui %eq3A_1445 : i1 to i32
    %cond3A_1447 = arith.constant 0 : i32
    %cond3A_1448 = arith.cmpi ne, %convert_element_type3A_1446, %cond3A_1447 : i32
    scf.if %cond3A_1448 {
      "tpu.region"() ({
        %run_scoped3A = tpu.sem_alloc : memref<!tpu.dma_semaphore, #tpu.memory_space<semaphore_mem>>
        %dma_start3A_1449 = arith.constant 0 : i32
        %dma_start3A_1450 = arith.constant 0 : i32
        %dma_start3A_1451 = tpu.memref_slice %arg4[%arg0, %dma_start3A_1449, %dma_start3A_1450] : memref<2x32x128xf32, #tpu.memory_space<hbm>> -> memref<1x32x128xf32, #tpu.memory_space<hbm>>
        %dma_start3A_1452 = tpu.memref_squeeze %dma_start3A_1451 : memref<1x32x128xf32, #tpu.memory_space<hbm>> -> memref<32x128xf32, #tpu.memory_space<hbm>>
        tpu.enqueue_dma source(%arg11 : memref<32x128xf32, #tpu.memory_space<vmem_shared>>) target(%dma_start3A_1452 : memref<32x128xf32, #tpu.memory_space<hbm>>) target_semaphore(%run_scoped3A : memref<!tpu.dma_semaphore, #tpu.memory_space<semaphore_mem>>)
        %dma_wait3A_1453 = arith.constant 0 : i32
        %dma_wait3A_1454 = arith.constant 0 : i32
        %dma_wait3A_1455 = tpu.memref_slice %arg4[%arg0, %dma_wait3A_1453, %dma_wait3A_1454] : memref<2x32x128xf32, #tpu.memory_space<hbm>> -> memref<1x32x128xf32, #tpu.memory_space<hbm>>
        %dma_wait3A_1456 = tpu.memref_squeeze %dma_wait3A_1455 : memref<1x32x128xf32, #tpu.memory_space<hbm>> -> memref<32x128xf32, #tpu.memory_space<hbm>>
        tpu.wait_dma2 semaphore(%run_scoped3A : memref<!tpu.dma_semaphore, #tpu.memory_space<semaphore_mem>>) src(%arg11 : memref<32x128xf32, #tpu.memory_space<vmem_shared>>) dst(%dma_wait3A_1456 : memref<32x128xf32, #tpu.memory_space<hbm>>)
        tpu.yield
      }) : () -> ()
    } else {
    }
    return
  }
}

module attributes {stable_mosaic.version = 14 : i64} {
  func.func @_stage2_body(%arg0: memref<2x32x128xf32, #tpu.memory_space<vmem>>, %arg1: memref<32x128xf32, #tpu.memory_space<vmem>>, %arg2: memref<128x19xf32, #tpu.memory_space<vmem>>) attributes {dimension_semantics = [], scalar_prefetch = 0 : i64, scratch_operands = 0 : i64, tpu.core_type = #tpu.core_type<tc>} {
    %get3A = arith.constant 0 : index
    %get3A_0 = arith.constant 0 : index
    %get3A_1 = arith.constant 0 : index
    %get3A_2 = vector.load %arg0[%get3A, %get3A_0, %get3A_1] : memref<2x32x128xf32, #tpu.memory_space<vmem>>, vector<1x32x128xf32>
    %get3A_3 = vector.shape_cast %get3A_2 : vector<1x32x128xf32> to vector<32x128xf32>
    %get3A_4 = arith.constant 1 : index
    %get3A_5 = arith.constant 0 : index
    %get3A_6 = arith.constant 0 : index
    %get3A_7 = vector.load %arg0[%get3A_4, %get3A_5, %get3A_6] : memref<2x32x128xf32, #tpu.memory_space<vmem>>, vector<1x32x128xf32>
    %get3A_8 = vector.shape_cast %get3A_7 : vector<1x32x128xf32> to vector<32x128xf32>
    %add3A = arith.addf %get3A_3, %get3A_8 : vector<32x128xf32>
    %get3A_9 = arith.constant 0 : index
    %get3A_10 = arith.constant 0 : index
    %get3A_11 = vector.load %arg1[%get3A_9, %get3A_10] : memref<32x128xf32, #tpu.memory_space<vmem>>, vector<32x128xf32>
    %add3A_12 = arith.addf %add3A, %get3A_11 : vector<32x128xf32>
    %mul3A = arith.mulf %add3A_12, %add3A_12 : vector<32x128xf32>
    %reduce_sum3A = arith.constant dense<0.000000e+00> : vector<32xf32>
    %reduce_sum3A_13 = vector.multi_reduction <add>, %mul3A, %reduce_sum3A [1] : vector<32x128xf32> to vector<32xf32>
    %broadcast_in_dim3A = vector.shape_cast %reduce_sum3A_13 : vector<32xf32> to vector<32x1xf32>
    %sqrt3A = math.sqrt %broadcast_in_dim3A : vector<32x1xf32>
    %max3A = arith.constant 9.99999996E-13 : f32
    %max3A_14 = vector.broadcast %max3A : f32 to vector<32x1xf32>
    %max3A_15 = arith.maximumf %sqrt3A, %max3A_14 : vector<32x1xf32>
    %div3A = vector.broadcast %max3A_15 : vector<32x1xf32> to vector<32x128xf32>
    %div3A_16 = arith.divf %add3A_12, %div3A : vector<32x128xf32>
    %iota3A = tpu.iota {dimensions = array<i32: 0>} : vector<32x19xi32>
    %iota3A_17 = tpu.iota {dimensions = array<i32: 1>} : vector<32x19xi32>
    %eq3A = arith.cmpi eq, %iota3A, %iota3A_17 : vector<32x19xi32>
    %convert_element_type3A = arith.extui %eq3A : vector<32x19xi1> to vector<32x19xi32>
    %convert_element_type3A_18 = arith.sitofp %convert_element_type3A : vector<32x19xi32> to vector<32x19xf32>
    %dot_general3A = arith.constant dense<0.000000e+00> : vector<128x19xf32>
    %dot_general3A_19 = tpu.matmul %div3A_16, %convert_element_type3A_18, %dot_general3A {dimension_numbers = #tpu.dot_dimension_numbers<[0], [0], [1], [1], [0, 1, 1, 1], [], []>, transpose_lhs_hint = false} : vector<32x128xf32>, vector<32x19xf32>, vector<128x19xf32> -> vector<128x19xf32>
    %swap3A = arith.constant 0 : index
    %swap3A_20 = arith.constant 0 : index
    %swap3A_21 = vector.load %arg2[%swap3A, %swap3A_20] : memref<128x19xf32, #tpu.memory_space<vmem>>, vector<128x19xf32>
    tpu.vector_store %arg2[%swap3A, %swap3A_20], %dot_general3A_19 {strides = array<i32>} : memref<128x19xf32, #tpu.memory_space<vmem>>, vector<128x19xf32>,
    return
  }
}

module attributes {stable_mosaic.version = 14 : i64} {
  func.func @_tc_body(%arg0: i32, %arg1: i32, %arg2: memref<1x128x16x128xf32, #tpu.memory_space<vmem>>, %arg3: memref<1x16x128xi32, #tpu.memory_space<vmem>>, %arg4: memref<32x128xf32, #tpu.memory_space<vmem>>) attributes {dimension_semantics = [#tpu.dimension_semantics<arbitrary>, #tpu.dimension_semantics<arbitrary>], iteration_bounds = array<i64: 15, 8>, scalar_prefetch = 0 : i64, scratch_operands = 0 : i64, tpu.core_type = #tpu.core_type<tc>, window_params = [{transform_indices = @transform_0, window_bounds = array<i64: 1, 128, 16, 128>}, {transform_indices = @transform_1, window_bounds = array<i64: 1, 16, 128>}, {pipeline_mode = #tpu.pipeline_mode<synchronous>, transform_indices = @transform_2, window_bounds = array<i64: 32, 128>}]} {
    %get3A = arith.constant 0 : index
    %get3A_0 = arith.constant 0 : index
    %get3A_1 = arith.constant 0 : index
    %get3A_2 = arith.constant 0 : index
    %get3A_3 = vector.load %arg2[%get3A, %get3A_0, %get3A_1, %get3A_2] : memref<1x128x16x128xf32, #tpu.memory_space<vmem>>, vector<1x128x16x128xf32>
    %get3A_4 = vector.shape_cast %get3A_3 : vector<1x128x16x128xf32> to vector<128x16x128xf32>
    %reshape3A = vector.shape_cast %get3A_4 : vector<128x16x128xf32> to vector<128x2048xf32>
    %mul3A = arith.mulf %reshape3A, %reshape3A : vector<128x2048xf32>
    %reduce_sum3A = arith.constant dense<0.000000e+00> : vector<2048xf32>
    %reduce_sum3A_5 = vector.multi_reduction <add>, %mul3A, %reduce_sum3A [0] : vector<128x2048xf32> to vector<2048xf32>
    %broadcast_in_dim3A = vector.shape_cast %reduce_sum3A_5 : vector<2048xf32> to vector<1x2048xf32>
    %max3A = arith.constant 1.000000e-24 : f32
    %max3A_6 = vector.broadcast %max3A : f32 to vector<1x2048xf32>
    %max3A_7 = arith.maximumf %broadcast_in_dim3A, %max3A_6 : vector<1x2048xf32>
    %rsqrt3A = math.rsqrt %max3A_7 : vector<1x2048xf32>
    %get3A_8 = arith.constant 0 : index
    %get3A_9 = arith.constant 0 : index
    %get3A_10 = arith.constant 0 : index
    %get3A_11 = vector.load %arg3[%get3A_8, %get3A_9, %get3A_10] : memref<1x16x128xi32, #tpu.memory_space<vmem>>, vector<1x16x128xi32>
    %get3A_12 = vector.shape_cast %get3A_11 : vector<1x16x128xi32> to vector<16x128xi32>
    %reshape3A_13 = vector.shape_cast %get3A_12 : vector<16x128xi32> to vector<1x2048xi32>
    %broadcast_in_dim3A_14 = vector.shape_cast %reshape3A_13 : vector<1x2048xi32> to vector<1x2048xi32>
    %broadcast_in_dim3A_15 = vector.broadcast %broadcast_in_dim3A_14 : vector<1x2048xi32> to vector<32x2048xi32>
    %iota3A = tpu.iota {dimensions = array<i32: 0>} : vector<32x2048xi32>
    %eq3A = arith.cmpi eq, %broadcast_in_dim3A_15, %iota3A : vector<32x2048xi32>
    %convert_element_type3A = arith.extui %eq3A : vector<32x2048xi1> to vector<32x2048xi32>
    %convert_element_type3A_16 = arith.sitofp %convert_element_type3A : vector<32x2048xi32> to vector<32x2048xf32>
    %mul3A_17 = vector.broadcast %rsqrt3A : vector<1x2048xf32> to vector<128x2048xf32>
    %mul3A_18 = arith.mulf %reshape3A, %mul3A_17 : vector<128x2048xf32>
    %dot_general3A = arith.constant dense<0.000000e+00> : vector<32x128xf32>
    %dot_general3A_19 = tpu.matmul %convert_element_type3A_16, %mul3A_18, %dot_general3A {dimension_numbers = #tpu.dot_dimension_numbers<[1], [1], [0], [0], [0, 0, 1, 0], [], []>, transpose_lhs_hint = false} : vector<32x2048xf32>, vector<128x2048xf32>, vector<32x128xf32> -> vector<32x128xf32>
    %eq3A_20 = arith.constant 0 : i32
    %eq3A_21 = arith.cmpi eq, %arg0, %eq3A_20 : i32
    %eq3A_22 = arith.constant 0 : i32
    %eq3A_23 = arith.cmpi eq, %arg1, %eq3A_22 : i32
    %and3A = arith.andi %eq3A_21, %eq3A_23 : i1
    %convert_element_type3A_24 = arith.extui %and3A : i1 to i32
    %cond3A = arith.constant 0 : i32
    %cond3A_25 = arith.cmpi ne, %convert_element_type3A_24, %cond3A : i32
    scf.if %cond3A_25 {
      %swap3A = arith.constant 0 : index
      %swap3A_30 = arith.constant 0 : index
      %swap3A_31 = vector.load %arg4[%swap3A, %swap3A_30] : memref<32x128xf32, #tpu.memory_space<vmem>>, vector<32x128xf32>
      tpu.vector_store %arg4[%swap3A, %swap3A_30], %dot_general3A_19 {strides = array<i32>} : memref<32x128xf32, #tpu.memory_space<vmem>>, vector<32x128xf32>,
    } else {
    }
    %not3A = arith.constant true
    %not3A_26 = arith.xori %and3A, %not3A : i1
    %convert_element_type3A_27 = arith.extui %not3A_26 : i1 to i32
    %cond3A_28 = arith.constant 0 : i32
    %cond3A_29 = arith.cmpi ne, %convert_element_type3A_27, %cond3A_28 : i32
    scf.if %cond3A_29 {
      %get3A_30 = arith.constant 0 : index
      %get3A_31 = arith.constant 0 : index
      %get3A_32 = vector.load %arg4[%get3A_30, %get3A_31] : memref<32x128xf32, #tpu.memory_space<vmem>>, vector<32x128xf32>
      %add3A = arith.addf %get3A_32, %dot_general3A_19 : vector<32x128xf32>
      %swap3A = arith.constant 0 : index
      %swap3A_33 = arith.constant 0 : index
      %swap3A_34 = vector.load %arg4[%swap3A, %swap3A_33] : memref<32x128xf32, #tpu.memory_space<vmem>>, vector<32x128xf32>
      tpu.vector_store %arg4[%swap3A, %swap3A_33], %add3A {strides = array<i32>} : memref<32x128xf32, #tpu.memory_space<vmem>>, vector<32x128xf32>,
    } else {
    }
    return
  }
  func.func @transform_0(%arg0: i32, %arg1: i32) -> (i32, i32, i32, i32) {
    %c0_i32 = arith.constant 0 : i32
    %c0_i32_0 = arith.constant 0 : i32
    %c0_i32_1 = arith.constant 0 : i32
    return %arg0, %c0_i32, %arg1, %c0_i32_0 : i32, i32, i32, i32
  }
  func.func @transform_1(%arg0: i32, %arg1: i32) -> (i32, i32, i32) {
    %c0_i32 = arith.constant 0 : i32
    %c0_i32_0 = arith.constant 0 : i32
    return %arg0, %arg1, %c0_i32 : i32, i32, i32
  }
  func.func @transform_2(%arg0: i32, %arg1: i32) -> (i32, i32) {
    %c0_i32 = arith.constant 0 : i32
    %c0_i32_0 = arith.constant 0 : i32
    %c0_i32_1 = arith.constant 0 : i32
    return %c0_i32, %c0_i32_0 : i32, i32
  }
}

</mosaic_0001>

<sc_bundles>
// kernel: kernel.5.cloned.1.call-start
scs
__scs_entry_jumppad:
0x0: {  	(pc) =	sbr.rel $0x88, $3  }
0x1: {  	(tag) =	ssettag $0x0;
	lr =	simm.s32 $0x1  }
0x2: {  	[smem:$0x3F9F] =	sst lr;
	_ =	strace $0xD0000000  }
0x3: {  	_ = 	snop  }
0x4: {  	_ = 	snop  }
0x5: {  	_ = 	snop  }
0x6: {  	_ = 	snop  }
0x7: {  	_ = 	snop  }
__scs_overlays_trampoline_lowered:
0x8: {  	[smem:$0x3FAE] =	sst s0  }
0x9: {  	[smem:$0x3FAF] =	sst s1  }
0xa: {  	[smem:$0x3FB0] =	sst s2  }
0xb: {  	[smem:$0x3FB1] =	sst s3  }
0xc: {  	[smem:$0x3FB2] =	sst s4  }
0xd: {  	[smem:$0x3FB3] =	sst s5  }
0xe: {  	[smem:$0x3FB4] =	sst s6  }
0xf: {  	[smem:$0x3FB5] =	sst s7  }
0x10: {  	[smem:$0x3FB6] =	sst s8  }
0x11: {  	[smem:$0x3FB7] =	sst s9;
	s0 =	simm.s32 @!p0 $0x0  }
0x12: {  	s1 =	sld [smem:$0x3F9D];
	s0 =	simm.s32 @p0 $0x1  }
0x13: {  	[smem:$0x3FB8] =	sst s0;
	s0 =	simm.s32 @!p1 $0x0  }
0x14: {  	s2 =	sld [smem:$0x3F9C];
	s0 =	simm.s32 @p1 $0x1  }
0x15: {  	[smem:$0x3FB9] =	sst s0;
	s0 =	simm.s32 @!p2 $0x0  }
0x16: {  	s3 =	sld [smem:$0x3FDB];
	s0 =	simm.s32 @p2 $0x1  }
0x17: {  	s4 =	simm.s32 $0x1BF5;
	[smem:$0x3FBB] =	sst s0  }
0x18: {  	s0 =	sld [smem:$0x3F9E];
	_ =	swait.ge [sflag:s4], $0x0  }
0x19: {  	s7 =	sld [smem:$0x3F9F]  }
0x1a: {  	s8 =	sadd.s32 $0xFFFFE003, lr  }
0x1b: {  	s9 =	sadd.s32 $0xFFFFFEF7, lr;
	s5 =	simm.s32 $0xFFFFFFFF;
	p2 =	slt.u32 s8, $0xFFFFF086  }
0x1c: {  	p1 =	slt.u32 s9, $0xF7A;
	s5 =	simm.s32 @!p2 $0x0  }
0x1d: {  	s5 =	simm.s32 @p1 $0x1;
	p0 =	seq.s32 s7, s2  }
0x1e: {  	s7 =	smul.u32 @!p0 $0xF7A, s2;
	p2 =	seq.s32 @!p0 s5, $0x0  }
0x1f: {  	s9 =	smul.u32 $0xF7A, s1;
	s8 =	simm.s32 @!p0 $0x1BF5;
	p2 =	por !p2, p0  }
0x20: {  	[sflag:s8] =	ssyncset.s32 @!p0 $0xFFFFF086;
	s6 =	sadd.s32 @!p0 s3, s7;
	s7 =	simm.s32 @!p0 $0x108  }
0x21: {  	s3 =	sadd.s32 s3, s9;
	s6 =	sadd.s32 @!p0 $0x88, s6;
	s7 =	simm.s32 @p2 $0x1082  }
0x22: {  	[simem:s7], [sflag:s8] =	dma.local @!p0 [hbm:s6], $0xF7A  }
0x23: {  	s9 =	sor.u32 $0xD0000000, s2;
	s6 =	simm.s32 $0x108;
	_ =	swait.ge @!p0 [sflag:s8], $0x0  }
0x24: {  	s3 =	sadd.s32 $0x88, s3;
	s6 =	simm.s32 @!p1 $0x1082;
	[sflag:s4] =	ssyncset.s32 $0xFFFFF086  }
0x25: {  	[simem:s6], [sflag:s4] =	dma.local [hbm:s3], $0xF7A  }
0x26: {  	[smem:$0x3F9F] =	sst s1;
	(tag) =	ssettag s2;
	_ =	strace s9  }
0x27: {  	s1 =	sld [smem:$0x3FAF]  }
0x28: {  	s2 =	sld [smem:$0x3FB0]  }
0x29: {  	s4 =	sld [smem:$0x3FB2]  }
0x2a: {  	p0 =	seq.s32 s5, $0x0;
	s5 =	sld [smem:$0x3FB3]  }
0x2b: {  	s6 =	sld [smem:$0x3FB4]  }
0x2c: {  	s7 =	sld [smem:$0x3FB5]  }
0x2d: {  	s3 =	simm.s32 $0x108;
	s8 =	sld [smem:$0x3FB6]  }
0x2e: {  	s3 =	simm.s32 @!p0 $0x1082;
	s9 =	sld [smem:$0x3FB7]  }
0x2f: {  	lr =	sadd.s32 s0, s3;
	s0 =	sld [smem:$0x3FAE]  }
0x30: {  	s3 =	sld [smem:$0x3FB1]  }
0x31: {  	[smem:$0x3FBA] =	sst s10  }
0x32: {  	s10 =	sld [smem:$0x3FB8];
	_ =	sdelay $0x3  }
0x33: {  	p0 =	seq.s32 s10, $0x1;
	s10 =	sld [smem:$0x3FBA];
	_ =	sdelay $0x3  }
0x34: {  	[smem:$0x3FBA] =	sst s10  }
0x35: {  	s10 =	sld [smem:$0x3FB9];
	_ =	sdelay $0x3  }
0x36: {  	p1 =	seq.s32 s10, $0x1;
	s10 =	sld [smem:$0x3FBA];
	_ =	sdelay $0x3  }
0x37: {  	[smem:$0x3FBA] =	sst s10  }
0x38: {  	s10 =	sld [smem:$0x3FBB]  }
0x39: {  	_ = 	snop;
	(pc) =	sbr.ind lr, $3  }
0x3a: {  	_ = 	snop  }
0x3b: {  	_ = 	snop  }
0x3c: {  	p2 =	seq.s32 s10, $0x1;
	s10 =	sld [smem:$0x3FBA]  }
0x3d: {  	_ =	shalt  }
0x3e: {  	_ =	shalt  }
0x3f: {  	_ =	shalt  }
0x40: {  	_ =	shalt  }
0x41: {  	_ =	shalt  }
0x42: {  	_ =	shalt  }
0x43: {  	_ =	shalt  }
0x44: {  	_ =	shalt  }
0x45: {  	_ =	shalt  }
0x46: {  	_ =	shalt  }
0x47: {  	_ =	shalt  }
0x48: {  	_ =	shalt  }
0x49: {  	_ =	shalt  }
0x4a: {  	_ =	shalt  }
0x4b: {  	_ =	shalt  }
0x4c: {  	_ =	shalt  }
0x4d: {  	_ =	shalt  }
0x4e: {  	_ =	shalt  }
0x4f: {  	_ =	shalt  }
0x50: {  	_ =	shalt  }
0x51: {  	_ =	shalt  }
0x52: {  	_ =	shalt  }
0x53: {  	_ =	shalt  }
0x54: {  	_ =	shalt  }
0x55: {  	_ =	shalt  }
0x56: {  	_ =	shalt  }
0x57: {  	_ =	shalt  }
0x58: {  	_ =	shalt  }
0x59: {  	_ =	shalt  }
0x5a: {  	_ =	shalt  }
0x5b: {  	_ =	shalt  }
0x5c: {  	_ =	shalt  }
0x5d: {  	_ =	shalt  }
0x5e: {  	_ =	shalt  }
0x5f: {  	_ =	shalt  }
0x60: {  	_ =	shalt  }
0x61: {  	_ =	shalt  }
0x62: {  	_ =	shalt  }
0x63: {  	_ =	shalt  }
0x64: {  	_ =	shalt  }
0x65: {  	_ =	shalt  }
0x66: {  	_ =	shalt  }
0x67: {  	_ =	shalt  }
0x68: {  	_ =	shalt  }
0x69: {  	_ =	shalt  }
0x6a: {  	_ =	shalt  }
0x6b: {  	_ =	shalt  }
0x6c: {  	_ =	shalt  }
0x6d: {  	_ =	shalt  }
0x6e: {  	_ =	shalt  }
0x6f: {  	_ =	shalt  }
0x70: {  	_ =	shalt  }
0x71: {  	_ =	shalt  }
0x72: {  	_ =	shalt  }
0x73: {  	_ =	shalt  }
0x74: {  	_ =	shalt  }
0x75: {  	_ =	shalt  }
0x76: {  	_ =	shalt  }
0x77: {  	_ =	shalt  }
0x78: {  	_ =	shalt  }
0x79: {  	_ =	shalt  }
0x7a: {  	_ =	shalt  }
0x7b: {  	_ =	shalt  }
0x7c: {  	_ =	shalt  }
0x7d: {  	_ =	shalt  }
0x7e: {  	_ =	shalt  }
0x7f: {  	_ =	shalt  }
0x80: {  	_ =	shalt  }
0x81: {  	_ =	shalt  }
0x82: {  	_ =	shalt  }
0x83: {  	_ =	shalt  }
0x84: {  	_ =	shalt  }
0x85: {  	_ =	shalt  }
0x86: {  	_ =	shalt  }
0x87: {  	_ =	shalt  }
.Lfunc_end0:
.L_simem_size_0:
called_computation_lowered:
.L_overlay_start_0:
0x88: {  	s2 =	sld [smem:$0x3FD9]  }
0x89: {  	s3 =	sld [smem:$0x3FFE];
	_ =	sdelay $0x1  }
0x8a: {  	s1 =	srdreg.scid  }
0x8b: {  	s0 =	sand.u32 $0x1, s1  }
0x8c: {  	s16 =	sshll.u32 s0, $0xA;
	s2 =	sadd.s32 s3, s2  }
0x8d: {  	s2 =	sadd.s32 s2, s16  }
0x8e: {  	[smem:$0x3FC6] =	sst s2  }
0x8f: {  	_ = 	snop  }
0x90: {  	(tm) =	ssettm $0x1  }
0x91: {  	s17 =	sld [smem:$0x3FFB];
	_ =	sdelay $0x3  }
0x92: {  	_ =	strace s17  }
0x93: {  	s2 =	sld [smem:$0x3FFC];
	_ =	sdelay $0x3  }
0x94: {  	_ =	strace s2  }
0x95: {  	s2 =	sld [smem:$0x3FFD];
	_ =	sdelay $0x3  }
0x96: {  	_ =	strace s2  }
0x97: {  	_ =	strace $0x8FFFFFFF  }
0x98: {  	s18 =	sld [smem:$0x3FDB];
	_ =	sdelay $0x1  }
0x99: {  	s19 =	simm.s32 $_scs_section_size  }
0x9a: {  	s4 =	simm.s32 $_size__tile_overlayer_lowered;
	s5 =	simm.s32 $_tile_overlayer_lowered  }
0x9b: {  	s22 =	simm.s32 $0x1BFF;
	s21 =	sshll.u32 s5, $0x1;
	s2 =	sadd.s32 s19, s18  }
0x9c: {  	s6 =	simm.s32 $0x0;
	s20 =	sshll.u32 s4, $0x1;
	s4 =	sadd.s32 s21, s2  }
0x9d: {  	[timem:s6], [sflag:s22] =	dma.local [hbm:s4], s20  }
0x9e: {  	_ =	swait.ge [sflag:s22], s20  }
0x9f: {  	s3 =	ssub.s32 $0x0, s20;
	[sflag:s22] =	ssyncset.done $0x0  }
0xa0: {  	[sflag:s22] =	ssyncadd.s32 s3;
	_ =	sdelay $0x1  }
0xa1: {  	s23 =	simm.s32 $0x1B8B  }
0xa2: {  	_ =	swait.ge [sflag:s23], $0x1  }
0xa3: {  	[sflag:s23] =	ssyncset.done $0x0  }
0xa4: {  	s25 =	simm.s32 $0x1B8E;
	s24 =	sld [smem:$0x3FFE];
	[sflag:s23] =	ssyncadd.s32 $0xFFFFFFFF  }
0xa5: {  	s26 =	simm.s32 $execute0_lowered;
	[smem:$0x3FD2] =	sst s25  }
0xa6: {  	s4 =	sshll.u32 s26, $0x1;
	_ =	strace $0x80000046;
	[dreg:$0x1] =	wrdreg $0xFFFFFFFF  }
0xa7: {  	s28 =	simm.s32 $_size_execute0_lowered;
	s2 =	sadd.s32 s2, s4;
	[dreg:$0x0] =	wrdreg $0x0  }
0xa8: {  	s4 =	sshll.u32 s28, $0x1;
	[dreg:$0x2] =	wrdreg s2  }
0xa9: {  	[dreg:$0x3] =	wrdreg s4  }
0xaa: {  	[dreg:$0x4] =	wrdreg $0xC0  }
0xab: {  	_ =	task [dreg:s6], $0x5FFFF  }
0xac: {  	[dreg:$0x1] =	wrdreg $0xFFFFFFFF  }
0xad: {  	[dreg:$0x0] =	wrdreg $0x60  }
0xae: {  	[dreg:$0x2] =	wrdreg s24  }
0xaf: {  	[dreg:$0x3] =	wrdreg $0x1BD000  }
0xb0: {  	[dreg:$0x4] =	wrdreg $0x9  }
0xb1: {  	_ =	task.clear_ibuf [dreg:s6], $0x5FFFF;
	_ =	strace $0x90000046  }
0xb2: {  	s29 =	simm.s32 $0x9;
	_ =	strace $0x80000048  }
0xb3: {  	_ =	swait.ge [sflag:s29], $0x1  }
0xb4: {  	[sflag:s29] =	ssyncadd.s32 $0xFFFFFFFF  }
0xb5: {  	_ =	strace $0x90000048  }
0xb6: {  	_ =	sfence  }
0xb7: {  	s30 =	sld [smem:$0x0];
	_ =	sdelay $0x2  }
0xb8: {  	s31 =	sshll.u32 s1, $0xD;
	s1 =	sshrl.u32 s1, $0x2  }
0xb9: {  	s3 =	sand.u32 $0x4000, s31;
	s1 =	sadd.s32 s1, s30  }
0xba: {  	s0 =	sor.u32 s3, s0;
	s1 =	sshll.u32 s1, $0x11  }
0xbb: {  	s0 =	sor.u32 s1, s0  }
0xbc: {  	s0 =	sadd.s32 $0x8F2B, s0  }
0xbd: {  	[sflag:s0] =	ssyncadd.remote.s32 $0x1  }
0xbe: {  	_ =	sfence.sel $0xFFFF  }
0xbf: {  	[dreg:$0x0] =	wrdreg $0xFFFFFFFF;
	(pc) =	sbr.abs _section_cstart, $3  }
0xc0: {  	[dreg:$0x1] =	wrdreg $0xFFFFFFFF  }
0xc1: {  	_ =	task.clear_ibuf [dreg:s6], $0x2FFFF;
	_ =	strace $0x9FFFFFFF  }
0xc2: {  	(tm) =	ssettm $0x7FFFFFFF  }
0xc3: {  	_ =	shalt  }
tec
execute0_lowered:
.L_overlay_start_1:
0x0: {  	(tag) =	ssettag $0x1  }
0x1: {  	s1 =	srdreg.scid  }
0x2: {  	s4 =	rddreg [dreg:$0x0];
	s0 =	stileid.u32  }
0x3: {  	s2 =	rddreg [dreg:$0x1];
	s3 =	simm.s32 $0x0;
	s12 =	simm.s32 $0x8000  }
0x4: {  	s13 =	simm.s32 $0x3;
	s14 =	simm.s32 $0x1;
	s15 =	simm.s32 $0x10200  }
0x5: {  	s16 =	simm.s32 $0x2;
	s17 =	simm.s32 $0x1AC80;
	s18 =	simm.s32 $0x0  }
0x6: {  	s5 =	sand.u32 $0x1, s1;
	s6 =	sshll.u32 s0, $0xA;
	s1 =	rddreg [dreg:$0x2]  }
0x7: {  	[smem:$0x7FF] =	sst s3;
	s8 =	sadd.s32 $0x800, s4;
	s11 =	sshll.u32 s0, $0x7  }
0x8: {  	p0 =	seq.s32 s0, $0x0;
	s7 =	sshll.u32 s5, $0x9;
	_ =	strace $0x80000047  }
0x9: {  	vm0 =	vcmask $0x3F3C;
	s30 =	ssub.s32 $0x2, s5;
	s5 =	sshll.u32 s5, $0x6;
	s6 =	sor.u32 s7, s6  }
0xa: {  	s7 =	sadd.s32 s7, s4;
	s10 =	sshrl.u32 s30, $0x1;
	s5 =	sadd.s32 s5, s8  }
0xb: {  	s6 =	sshrl.u32 s6, $0x3;
	s10 =	ssub.s32 s30, s10;
	s31 =	sadd.s32 s11, s5  }
0xc: {  	s7 =	sadd.s32 $0x41000, s7;
	s11 =	simm.s32 $0x4000;
	s9 =	sadd.s32 s6, s4  }
0xd: {  	s5 =	sadd.s32 s8, s6;
	s6 =	sadd.s32 $0x20, s31;
	s8 =	smax.u32 s10, $0x1  }
0xe: {  	v0 =	vimm.f32 $0.0e+00;
	v1 =	vlaneseq.u32;
	s10 =	simm.s32 $0x100;
	s4 =	sadd.s32 $0x40800, s9;
	s9 =	simm.s32 $0x10000  }
.LBB2_1:
0xf: {  	[tilespmem:s9], [sflag:$0x3] =	stream.linear.gather [hbm4b:s4+s3], $0x200, $0x38;
	[tilespmem:$0x1BE00] =	vst v63  }
0x10: {  	s20 =	simm.s32 $0x100;
	s19 =	simm.s32 $0x0  }
.LBB2_2:
0x11: {  	p1 =	sne.s32 s20, $0x2A700;
	[tilespmem:s19+$0x10230] =	vst v0;
	s21 =	smov.u32 s20;
	s20 =	sadd.s32 $0x100, s20  }
.Ltmp0:
0x12: {  	[tilespmem:s19+$0x10220] =	vst v0;
	(pc) =	sbr.rel @p1 .LBB2_2-.Ltmp0, $3  }
0x13: {  	[tilespmem:s19+$0x10200] =	vst v0  }
0x14: {  	[tilespmem:s19+$0x10210] =	vst v0;
	_ =	sdelay $0x1  }
0x15: {  	s19 =	sshra.s32 s21, $0x2  }
0x16: {  	[tilespmem:s19+$0x10230] =	vst v0  }
0x17: {  	[tilespmem:s19+$0x10220] =	vst v0  }
0x18: {  	[tilespmem:s19+$0x10200] =	vst v0  }
0x19: {  	[tilespmem:s19+$0x10210] =	vst v0  }
0x1a: {  	[tilespmem:s3], [sflag:$0x1] =	stream.strided.gather [hbm4b:s5+s10], $0x8000, s11, s10, $0x38;
	[tilespmem:$0x1BE00] =	vst v63  }
0x1b: {  	_ = 	snop  }
0x1c: {  	[tilespmem:s12], [sflag:$0x2] =	stream.strided.gather [hbm4b:s6+s10], $0x8000, s11, s10, $0x38;
	[tilespmem:$0x1BE00] =	vst v63  }
0x1d: {  	_ =	swait.ge [sflag:s13], $0x200  }
0x1e: {  	[sflag:s13] =	ssyncset.done $0x0  }
0x1f: {  	[sflag:s13] =	ssyncadd.s32 $0xFFFFFE00  }
0x20: {  	_ =	swait.ge [sflag:s14], $0x8000  }
0x21: {  	[sflag:s14] =	ssyncset.done $0x0  }
0x22: {  	s20 =	simm.s32 $0x200;
	[sflag:s14] =	ssyncadd.s32 $0xFFFF8000  }
0x23: {  	v2 =	vld [tilespmem:s20+$0x100]  }
0x24: {  	v3 =	vld [tilespmem:s20+$0x110]  }
0x25: {  	v4 =	vld [tilespmem:s20+$0x120]  }
0x26: {  	v5 =	vld [tilespmem:s20+$0x130]  }
0x27: {  	v6 =	vld [tilespmem:s20+$0x140]  }
0x28: {  	v7 =	vld [tilespmem:s20+$0x150]  }
0x29: {  	v8 =	vld [tilespmem:s20+$0x160]  }
0x2a: {  	v9 =	vld [tilespmem:s20+$0x170]  }
0x2b: {  	v10 =	vld [tilespmem:s20+$0x180]  }
0x2c: {  	v11 =	vld [tilespmem:s20+$0x190]  }
0x2d: {  	v12 =	vld [tilespmem:s20+$0x1A0]  }
0x2e: {  	v13 =	vld [tilespmem:s20+$0x1B0]  }
0x2f: {  	v14 =	vld [tilespmem:s20+$0x1C0]  }
0x30: {  	v15 =	vld [tilespmem:s20+$0x1D0]  }
0x31: {  	v16 =	vld [tilespmem:s20+$0x0]  }
0x32: {  	v17 =	vld [tilespmem:s20+$0x10]  }
0x33: {  	v18 =	vld [tilespmem:s20+$0x20]  }
0x34: {  	v19 =	vld [tilespmem:s20+$0x30]  }
0x35: {  	v20 =	vld [tilespmem:s20+$0x40]  }
0x36: {  	v21 =	vld [tilespmem:s20+$0x50]  }
0x37: {  	v22 =	vld [tilespmem:s20+$0x60]  }
0x38: {  	v23 =	vld [tilespmem:s20+$0x70]  }
0x39: {  	v24 =	vld [tilespmem:s20+$0x80]  }
0x3a: {  	v27 =	vld [tilespmem:s20+$0x90];
	v25 =	vmul.f32 v2, v2;
	v26 =	vmul.f32 v3, v3  }
0x3b: {  	v29 =	vld [tilespmem:s20+$0xB0];
	v28 =	vmul.f32 v4, v4;
	v5 =	vmul.f32 v5, v5  }
0x3c: {  	v32 =	vld [tilespmem:s20+$0xD0];
	v6 =	vmul.f32 v6, v6;
	v7 =	vmul.f32 v7, v7  }
0x3d: {  	v33 =	vld [tilespmem:s20+$0xFFFFFE00];
	v30 =	vmul.f32 v8, v8;
	v31 =	vmul.f32 v9, v9  }
0x3e: {  	v35 =	vld [tilespmem:s20+$0xFFFFFE10];
	v10 =	vmul.f32 v10, v10;
	v9 =	vmul.f32 v11, v11  }
0x3f: {  	v36 =	vld [tilespmem:s20+$0xFFFFFE20];
	v12 =	vmul.f32 v12, v12;
	v11 =	vmul.f32 v13, v13  }
0x40: {  	v37 =	vld [tilespmem:s20+$0xFFFFFE30];
	v3 =	vmul.f32 v14, v14;
	v2 =	vmul.f32 v15, v15  }
0x41: {  	v40 =	vld [tilespmem:s20+$0xFFFFFF30];
	v15 =	vmul.f32 v16, v16;
	v16 =	vmul.f32 v17, v17  }
0x42: {  	v4 =	vld [tilespmem:s20+$0xA0];
	v34 =	vmul.f32 v18, v18;
	v19 =	vmul.f32 v19, v19  }
0x43: {  	v8 =	vld [tilespmem:s20+$0xC0];
	v20 =	vmul.f32 v20, v20;
	v21 =	vmul.f32 v21, v21  }
0x44: {  	v13 =	vld [tilespmem:s20+$0xFFFFFF00];
	v22 =	vmul.f32 v22, v22;
	v23 =	vmul.f32 v23, v23  }
0x45: {  	v14 =	vld [tilespmem:s20+$0xFFFFFF10];
	v24 =	vmul.f32 v24, v24;
	v38 =	vmul.f32 v27, v27  }
0x46: {  	v27 =	vld [tilespmem:s20+$0xFFFFFF20];
	v29 =	vmul.f32 v29, v29;
	v18 =	vmul.f32 v32, v32  }
0x47: {  	v46 =	vld [tilespmem:s20+$0xFFFFFF50];
	v44 =	vmul.f32 v33, v33;
	v45 =	vmul.f32 v35, v35  }
0x48: {  	v41 =	vld [tilespmem:s20+$0xFFFFFE40];
	v36 =	vmul.f32 v36, v36;
	v37 =	vmul.f32 v37, v37  }
0x49: {  	v42 =	vld [tilespmem:s20+$0xFFFFFE50];
	v39 =	vmul.f32 v4, v4;
	v17 =	vmul.f32 v8, v8;
	v4 =	vimm.f32 $0.0e+00  }
0x4a: {  	v43 =	vld [tilespmem:s20+$0xFFFFFE60];
	v8 =	vmul.f32 v13, v13;
	v14 =	vmul.f32 v14, v14;
	v32 =	vadd.f32 v44, v4  }
0x4b: {  	v13 =	vld [tilespmem:s20+$0xFFFFFF40];
	v27 =	vmul.f32 v27, v27;
	v33 =	vadd.f32 v45, v4;
	v36 =	vadd.f32 v36, v4  }
0x4c: {  	v47 =	vld [tilespmem:s20+$0xFFFFFE70];
	v40 =	vmul.f32 v40, v40;
	v37 =	vadd.f32 v37, v4;
	v8 =	vadd.f32 v8, v32  }
0x4d: {  	v49 =	vld [tilespmem:s20+$0xFFFFFF60];
	v35 =	vmul.f32 v46, v46;
	v14 =	vadd.f32 v14, v33;
	v27 =	vadd.f32 v27, v36  }
0x4e: {  	v51 =	vld [tilespmem:s20+$0xFFFFFF70];
	v50 =	vmul.f32 v41, v41;
	v48 =	vadd.f32 v40, v37;
	v8 =	vadd.f32 v15, v8  }
0x4f: {  	v53 =	vld [tilespmem:s20+$0xFFFFFF80];
	v52 =	vmul.f32 v42, v42;
	v14 =	vadd.f32 v16, v14;
	v27 =	vadd.f32 v34, v27  }
0x50: {  	v54 =	vld [tilespmem:s20+$0xFFFFFF90];
	v13 =	vmul.f32 v13, v13;
	v19 =	vadd.f32 v19, v48;
	v16 =	vadd.f32 v25, v8  }
0x51: {  	v56 =	vld [tilespmem:s20+$0xFFFFFEA0];
	v25 =	vmul.f32 v43, v43;
	v15 =	vadd.f32 v26, v14;
	v8 =	vadd.f32 v28, v27  }
0x52: {  	v14 =	vmul.f32 v47, v47;
	v26 =	vld [tilespmem:s20+$0xFFFFFE80];
	v5 =	vadd.f32 v5, v19;
	v19 =	vadd.f32 v50, v4  }
0x53: {  	v55 =	vmul.f32 v49, v49;
	v27 =	vadd.f32 v52, v4;
	v28 =	vld [tilespmem:s20+$0xFFFFFE90];
	v25 =	vadd.f32 v25, v4  }
0x54: {  	v60 =	vld [tilespmem:s20+$0xFFFFFFA0];
	v57 =	vmul.f32 v51, v51;
	v14 =	vadd.f32 v14, v4;
	v13 =	vadd.f32 v13, v19  }
0x55: {  	v58 =	vmul.f32 v53, v53;
	v19 =	vld [tilespmem:s20+$0xFFFFFEB0];
	v27 =	vadd.f32 v35, v27;
	v25 =	vadd.f32 v55, v25  }
0x56: {  	v61 =	vld [tilespmem:s20+$0xFFFFFFD0];
	v59 =	vmul.f32 v54, v54;
	v14 =	vadd.f32 v57, v14;
	v13 =	vadd.f32 v20, v13  }
0x57: {  	v21 =	vadd.f32 v21, v27;
	v20 =	vmul.f32 v26, v26;
	v26 =	vld [tilespmem:s20+$0xFFFFFFB0];
	v22 =	vadd.f32 v22, v25  }
0x58: {  	v27 =	vld [tilespmem:s20+$0xFFFFFFC0];
	v25 =	vmul.f32 v28, v28;
	v23 =	vadd.f32 v23, v14;
	v13 =	vadd.f32 v6, v13  }
0x59: {  	v28 =	vmul.f32 v56, v56;
	v14 =	vadd.f32 v7, v21;
	v21 =	vld [tilespmem:s20+$0xFFFFFEC0];
	v20 =	vadd.f32 v20, v4  }
0x5a: {  	v19 =	vmul.f32 v19, v19;
	v6 =	vadd.f32 v30, v22;
	v7 =	vadd.f32 v31, v23;
	v23 =	vld [tilespmem:s20+$0xFFFFFED0]  }
0x5b: {  	v22 =	vadd.f32 v25, v4;
	v25 =	vmul.f32 v60, v60;
	v28 =	vadd.f32 v28, v4;
	v31 =	vld [tilespmem:s20+$0xFFFFFEE0]  }
0x5c: {  	v62 =	vld [tilespmem:s20+$0xFFFFFEF0];
	v19 =	vadd.f32 v19, v4;
	v20 =	vadd.f32 v58, v20;
	v30 =	vmul.f32 v26, v26  }
0x5d: {  	v63 =	vld [tilespmem:s20+$0xFFFFFFE0];
	v22 =	vadd.f32 v59, v22;
	v26 =	vmul.f32 v27, v27;
	v25 =	vadd.f32 v25, v28  }
0x5e: {  	v27 =	vmul.f32 v61, v61;
	v20 =	vadd.f32 v24, v20;
	v19 =	vadd.f32 v30, v19  }
0x5f: {  	v28 =	vld [tilespmem:s20+$0xFFFFFFF0];
	v21 =	vmul.f32 v21, v21;
	v22 =	vadd.f32 v38, v22;
	v24 =	vadd.f32 v39, v25  }
0x60: {  	v30 =	vld [tilespmem:s20+$0xE0];
	v25 =	vmul.f32 v23, v23;
	v10 =	vadd.f32 v10, v20;
	v31 =	vmul.f32 v31, v31  }
0x61: {  	v23 =	vmul.f32 v62, v62;
	v19 =	vadd.f32 v29, v19;
	v29 =	vld [tilespmem:s20+$0xF0];
	v9 =	vadd.f32 v9, v22  }
0x62: {  	v12 =	vadd.f32 v12, v24;
	v22 =	vld [tilespmem:s20+$0x1E0];
	v24 =	vadd.f32 v21, v4;
	v21 =	vmul.f32 v63, v63  }
0x63: {  	s19 =	simm.s32 $0x0;
	v20 =	vld [tilespmem:s20+$0x1F0];
	s20 =	simm.s32 $0x600;
	v25 =	vadd.f32 v25, v4;
	v11 =	vadd.f32 v11, v19;
	v19 =	vimm.f32 $0.0e+00  }
.LBB2_4:
0x64: {  	v32 =	vld [tilespmem:s20+$0x100];
	v4 =	vadd.f32 v31, v4;
	v19 =	vadd.f32 v23, v19;
	v23 =	vmul.f32 v28, v28  }
0x65: {  	v28 =	vld [tilespmem:s20+$0x110];
	v24 =	vadd.f32 v26, v24;
	v25 =	vadd.f32 v27, v25;
	v26 =	vmul.f32 v30, v30  }
0x66: {  	v27 =	vld [tilespmem:s20+$0x120];
	v4 =	vadd.f32 v21, v4;
	v19 =	vadd.f32 v23, v19;
	v21 =	vmul.f32 v29, v29  }
0x67: {  	v23 =	vld [tilespmem:s20+$0x130];
	v17 =	vadd.f32 v17, v24;
	v18 =	vadd.f32 v18, v25;
	v22 =	vmul.f32 v22, v22  }
0x68: {  	v24 =	vld [tilespmem:s20+$0x140];
	v4 =	vadd.f32 v26, v4;
	v19 =	vadd.f32 v21, v19;
	v25 =	vmul.f32 v20, v20  }
0x69: {  	v26 =	vld [tilespmem:s20+$0x150];
	v20 =	vadd.f32 v3, v17;
	v21 =	vadd.f32 v2, v18  }
0x6a: {  	v2 =	vld [tilespmem:s20+$0x160];
	v4 =	vadd.f32 v22, v4;
	v19 =	vadd.f32 v25, v19  }
0x6b: {  	v3 =	vld [tilespmem:s20+$0x170]  }
0x6c: {  	v17 =	vld [tilespmem:s20+$0x180]  }
0x6d: {  	v18 =	vld [tilespmem:s20+$0x190]  }
0x6e: {  	v25 =	vld [tilespmem:s20+$0x1A0]  }
0x6f: {  	v30 =	vld [tilespmem:s20+$0x1B0]  }
0x70: {  	v31 =	vld [tilespmem:s20+$0x1C0]  }
0x71: {  	v33 =	vld [tilespmem:s20+$0x1D0]  }
0x72: {  	v34 =	vld [tilespmem:s20+$0x0]  }
0x73: {  	v35 =	vld [tilespmem:s20+$0x10]  }
0x74: {  	v36 =	vld [tilespmem:s20+$0x20]  }
0x75: {  	v37 =	vld [tilespmem:s20+$0x30]  }
0x76: {  	v38 =	vld [tilespmem:s20+$0x40]  }
0x77: {  	v39 =	vld [tilespmem:s20+$0x50]  }
0x78: {  	v40 =	vld [tilespmem:s20+$0x60]  }
0x79: {  	v41 =	vld [tilespmem:s20+$0x70]  }
0x7a: {  	v32 =	vmul.f32 v32, v32;
	v43 =	vmul.f32 v28, v28;
	v42 =	vld [tilespmem:s20+$0x80]  }
0x7b: {  	v45 =	vmul.f32 v27, v27;
	v46 =	vmul.f32 v23, v23;
	v44 =	vld [tilespmem:s20+$0x90]  }
0x7c: {  	v28 =	vmul.f32 v24, v24;
	v29 =	vmul.f32 v26, v26;
	v47 =	vld [tilespmem:s20+$0xA0]  }
0x7d: {  	v26 =	vmul.f32 v2, v2;
	v27 =	vmul.f32 v3, v3;
	v48 =	vld [tilespmem:s20+$0xB0]  }
0x7e: {  	v22 =	vmul.f32 v17, v17;
	v23 =	vmul.f32 v18, v18;
	v49 =	vld [tilespmem:s20+$0xC0]  }
0x7f: {  	v24 =	vmul.f32 v25, v25;
	v25 =	vmul.f32 v30, v30;
	v18 =	vld [tilespmem:s20+$0xD0]  }
0x80: {  	v3 =	vmul.f32 v31, v31;
	v2 =	vmul.f32 v33, v33;
	v30 =	vld [tilespmem:s20+$0xFFFFFF00]  }
0x81: {  	v33 =	vmul.f32 v34, v34;
	v34 =	vmul.f32 v35, v35;
	v31 =	vld [tilespmem:s20+$0xFFFFFF10]  }
0x82: {  	v36 =	vmul.f32 v36, v36;
	v37 =	vmul.f32 v37, v37;
	v35 =	vld [tilespmem:s20+$0xFFFFFE00]  }
0x83: {  	v38 =	vmul.f32 v38, v38;
	v39 =	vmul.f32 v39, v39;
	v50 =	vld [tilespmem:s20+$0xFFFFFE10]  }
0x84: {  	v40 =	vmul.f32 v40, v40;
	v41 =	vmul.f32 v41, v41;
	v51 =	vld [tilespmem:s20+$0xFFFFFE20]  }
0x85: {  	v42 =	vmul.f32 v42, v42;
	v44 =	vmul.f32 v44, v44;
	v52 =	vld [tilespmem:s20+$0xFFFFFE30]  }
0x86: {  	v47 =	vmul.f32 v47, v47;
	v48 =	vmul.f32 v48, v48;
	v53 =	vld [tilespmem:s20+$0xFFFFFF20]  }
0x87: {  	v17 =	vmul.f32 v49, v49;
	v18 =	vmul.f32 v18, v18;
	v54 =	vld [tilespmem:s20+$0xFFFFFF30]  }
0x88: {  	v30 =	vmul.f32 v30, v30;
	v31 =	vmul.f32 v31, v31;
	v49 =	vld [tilespmem:s20+$0xFFFFFF40]  }
0x89: {  	v35 =	vmul.f32 v35, v35;
	v50 =	vmul.f32 v50, v50;
	v55 =	vld [tilespmem:s20+$0xFFFFFF50]  }
0x8a: {  	v51 =	vmul.f32 v51, v51;
	v52 =	vmul.f32 v52, v52;
	v56 =	vld [tilespmem:s20+$0xFFFFFE40]  }
0x8b: {  	v16 =	vadd.f32 v35, v16;
	v15 =	vadd.f32 v50, v15;
	v35 =	vld [tilespmem:s20+$0xFFFFFE50];
	v50 =	vmul.f32 v53, v53  }
0x8c: {  	v8 =	vadd.f32 v51, v8;
	v5 =	vadd.f32 v52, v5;
	v51 =	vld [tilespmem:s20+$0xFFFFFE60];
	v52 =	vmul.f32 v54, v54  }
0x8d: {  	v16 =	vadd.f32 v30, v16;
	v15 =	vadd.f32 v31, v15;
	v53 =	vld [tilespmem:s20+$0xFFFFFE70];
	v30 =	vmul.f32 v49, v49  }
0x8e: {  	v8 =	vadd.f32 v50, v8;
	v5 =	vadd.f32 v52, v5;
	v31 =	vmul.f32 v55, v55;
	v49 =	vld [tilespmem:s20+$0xFFFFFF60]  }
0x8f: {  	v16 =	vadd.f32 v33, v16;
	v15 =	vadd.f32 v34, v15;
	v50 =	vmul.f32 v56, v56;
	v52 =	vld [tilespmem:s20+$0xFFFFFF70]  }
0x90: {  	v8 =	vadd.f32 v36, v8;
	v33 =	vmul.f32 v35, v35;
	v34 =	vld [tilespmem:s20+$0xFFFFFF80];
	v5 =	vadd.f32 v37, v5  }
0x91: {  	v16 =	vadd.f32 v32, v16;
	v15 =	vadd.f32 v43, v15;
	v35 =	vmul.f32 v51, v51;
	v36 =	vld [tilespmem:s20+$0xFFFFFF90]  }
0x92: {  	v8 =	vadd.f32 v45, v8;
	v32 =	vmul.f32 v53, v53;
	v37 =	vld [tilespmem:s20+$0xFFFFFE80];
	v5 =	vadd.f32 v46, v5  }
0x93: {  	v13 =	vadd.f32 v50, v13;
	v14 =	vadd.f32 v33, v14;
	v33 =	vld [tilespmem:s20+$0xFFFFFE90];
	v43 =	vmul.f32 v49, v49  }
0x94: {  	v6 =	vadd.f32 v35, v6;
	v7 =	vadd.f32 v32, v7;
	v32 =	vld [tilespmem:s20+$0xFFFFFEA0];
	v35 =	vmul.f32 v52, v52  }
0x95: {  	v13 =	vadd.f32 v30, v13;
	v14 =	vadd.f32 v31, v14;
	v45 =	vld [tilespmem:s20+$0xFFFFFEB0];
	v30 =	vmul.f32 v34, v34  }
0x96: {  	v6 =	vadd.f32 v43, v6;
	v7 =	vadd.f32 v35, v7;
	v31 =	vmul.f32 v36, v36;
	v34 =	vld [tilespmem:s20+$0xFFFFFFA0]  }
0x97: {  	v13 =	vadd.f32 v38, v13;
	v14 =	vadd.f32 v39, v14;
	v35 =	vmul.f32 v37, v37;
	v36 =	vld [tilespmem:s20+$0xFFFFFFB0]  }
0x98: {  	v6 =	vadd.f32 v40, v6;
	v33 =	vmul.f32 v33, v33;
	v37 =	vld [tilespmem:s20+$0xFFFFFFC0];
	v7 =	vadd.f32 v41, v7  }
0x99: {  	v13 =	vadd.f32 v28, v13;
	v14 =	vadd.f32 v29, v14;
	v32 =	vmul.f32 v32, v32;
	v38 =	vld [tilespmem:s20+$0xFFFFFFD0]  }
0x9a: {  	v6 =	vadd.f32 v26, v6;
	v28 =	vmul.f32 v45, v45;
	v29 =	vld [tilespmem:s20+$0xFFFFFEC0];
	v7 =	vadd.f32 v27, v7  }
0x9b: {  	v10 =	vadd.f32 v35, v10;
	v9 =	vadd.f32 v33, v9;
	v33 =	vld [tilespmem:s20+$0xFFFFFED0];
	v27 =	vmul.f32 v34, v34  }
0x9c: {  	v12 =	vadd.f32 v32, v12;
	v11 =	vadd.f32 v28, v11;
	v32 =	vld [tilespmem:s20+$0xFFFFFEE0];
	v28 =	vmul.f32 v36, v36  }
0x9d: {  	s19 =	sadd.s32 $0x4, s19;
	v10 =	vadd.f32 v30, v10;
	v9 =	vadd.f32 v31, v9;
	v34 =	vld [tilespmem:s20+$0xFFFFFEF0];
	v26 =	vmul.f32 v37, v37  }
0x9e: {  	p1 =	slt.u32 s19, $0x7C;
	v12 =	vadd.f32 v27, v12;
	v11 =	vadd.f32 v28, v11;
	v27 =	vmul.f32 v38, v38;
	v35 =	vld [tilespmem:s20+$0xFFFFFFE0]  }
.Ltmp1:
0x9f: {  	v10 =	vadd.f32 v42, v10;
	v9 =	vadd.f32 v44, v9;
	v36 =	vmul.f32 v29, v29;
	v28 =	vld [tilespmem:s20+$0xFFFFFFF0];
	(pc) =	sbr.rel @p1 .LBB2_4-.Ltmp1, $4  }
0xa0: {  	v12 =	vadd.f32 v47, v12;
	v33 =	vmul.f32 v33, v33;
	v11 =	vadd.f32 v48, v11;
	v30 =	vld [tilespmem:s20+$0xE0]  }
0xa1: {  	v10 =	vadd.f32 v22, v10;
	v9 =	vadd.f32 v23, v9;
	v31 =	vmul.f32 v32, v32;
	v29 =	vld [tilespmem:s20+$0xF0]  }
0xa2: {  	v12 =	vadd.f32 v24, v12;
	v23 =	vmul.f32 v34, v34;
	v11 =	vadd.f32 v25, v11;
	v22 =	vld [tilespmem:s20+$0x1E0]  }
0xa3: {  	v24 =	vadd.f32 v36, v20;
	v25 =	vadd.f32 v33, v21;
	v21 =	vmul.f32 v35, v35;
	v20 =	vld [tilespmem:s20+$0x1F0];
	s20 =	sadd.s32 $0x400, s20  }
0xa4: {  	v16 =	vmax.f32 v16, $1.000000020e-24;
	v4 =	vadd.f32 v31, v4;
	v19 =	vadd.f32 v23, v19  }
0xa5: {  	v28 =	vmul.f32 v28, v28;
	v32 =	vshrl.u32 v16, $0x1;
	v16 =	vmul.f32 $5.000000000e-01, v16  }
0xa6: {  	v15 =	vmax.f32 v15, $1.000000020e-24;
	v8 =	vmax.f32 v8, $1.000000020e-24;
	v23 =	vsub.s32 $0x5F3759DF, v32  }
0xa7: {  	v5 =	vmax.f32 v5, $1.000000020e-24;
	v24 =	vadd.f32 v26, v24;
	v26 =	vmul.f32 v23, v16  }
0xa8: {  	v13 =	vmax.f32 v13, $1.000000020e-24;
	v14 =	vmax.f32 v14, $1.000000020e-24;
	v6 =	vmax.f32 v6, $1.000000020e-24  }
0xa9: {  	v7 =	vmax.f32 v7, $1.000000020e-24;
	v25 =	vadd.f32 v27, v25;
	v26 =	vmul.f32 v23, v26  }
0xaa: {  	v10 =	vmax.f32 v10, $1.000000020e-24;
	v4 =	vadd.f32 v21, v4;
	v19 =	vadd.f32 v28, v19  }
0xab: {  	v21 =	vmul.f32 v29, v29;
	v17 =	vadd.f32 v17, v24;
	v24 =	vsub.f32 $1.500000000e+00, v26  }
0xac: {  	v18 =	vadd.f32 v18, v25;
	v25 =	vshrl.u32 v15, $0x1;
	v26 =	vmul.f32 $5.000000000e-01, v15  }
0xad: {  	v25 =	vsub.s32 $0x5F3759DF, v25;
	v19 =	vadd.f32 v21, v19;
	v23 =	vmul.f32 v23, v24  }
0xae: {  	v21 =	vshrl.u32 v8, $0x1;
	v8 =	vmul.f32 $5.000000000e-01, v8;
	v15 =	vmul.f32 v25, v26  }
0xaf: {  	v27 =	vmul.f32 v30, v30;
	v21 =	vsub.s32 $0x5F3759DF, v21;
	v16 =	vmul.f32 v23, v16  }
0xb0: {  	v24 =	vmul.f32 v25, v15;
	v15 =	vadd.f32 v3, v17;
	v3 =	vmul.f32 v21, v8  }
0xb1: {  	v22 =	vmul.f32 v22, v22;
	v4 =	vadd.f32 v27, v4;
	v16 =	vmul.f32 v16, v23  }
0xb2: {  	v20 =	vmul.f32 v20, v20;
	v17 =	vsub.f32 $1.500000000e+00, v24;
	v3 =	vmul.f32 v21, v3  }
0xb3: {  	v24 =	vshrl.u32 v5, $0x1;
	v5 =	vmul.f32 $5.000000000e-01, v5;
	v16 =	vsub.f32 $1.500000000e+00, v16  }
0xb4: {  	v24 =	vsub.s32 $0x5F3759DF, v24;
	v17 =	vmul.f32 v25, v17;
	v3 =	vsub.f32 $1.500000000e+00, v3  }
0xb5: {  	v18 =	vadd.f32 v2, v18;
	v25 =	vmul.f32 v24, v5;
	v2 =	vmul.f32 v16, v23  }
0xb6: {  	v22 =	vadd.f32 v22, v4;
	v4 =	vmul.f32 v17, v26;
	v21 =	vmul.f32 v21, v3  }
0xb7: {  	v3 =	vmul.f32 v24, v25;
	v16 =	vshrl.u32 v13, $0x1;
	v13 =	vmul.f32 $5.000000000e-01, v13  }
0xb8: {  	v23 =	vld [tilespmem:$0x10000];
	v25 =	vsub.s32 $0x5F3759DF, v16;
	v16 =	vshrl.u32 v14, $0x1;
	v14 =	vmul.f32 $5.000000000e-01, v14  }
0xb9: {  	v8 =	vmul.f32 v21, v8;
	v26 =	vmul.f32 v25, v13;
	v27 =	vsub.s32 $0x5F3759DF, v16  }
0xba: {  	v4 =	vmul.f32 v4, v17;
	v3 =	vsub.f32 $1.500000000e+00, v3;
	v28 =	vmul.f32 v27, v14  }
0xbb: {  	v16 =	vadd.f32 v20, v19;
	v8 =	vmul.f32 v8, v21;
	v19 =	vmul.f32 v25, v26  }
0xbc: {  	v4 =	vsub.f32 $1.500000000e+00, v4;
	v20 =	vmul.f32 v24, v3;
	v24 =	vmul.f32 v27, v28  }
0xbd: {  	v23 =	vmul.u32 $0x880, v23;
	v8 =	vsub.f32 $1.500000000e+00, v8;
	v19 =	vsub.f32 $1.500000000e+00, v19  }
0xbe: {  	v3 =	vmul.f32 v4, v17;
	v26 =	vmul.f32 v20, v5;
	v24 =	vsub.f32 $1.500000000e+00, v24  }
0xbf: {  	v9 =	vmax.f32 v9, $1.000000020e-24;
	v5 =	vmul.f32 v8, v21;
	v8 =	vld [tilespmem:$0x10020];
	v19 =	vmul.f32 v25, v19  }
0xc0: {  	v4 =	vor.u32 v1, v23;
	v21 =	vmul.f32 v26, v20;
	v23 =	vmul.f32 v27, v24  }
0xc1: {  	v25 =	vmul.f32 $5.000000000e-01, v6;
	v24 =	vshrl.u32 v6, $0x1;
	v13 =	vmul.f32 v19, v13  }
0xc2: {  	v6 =	vsub.f32 $1.500000000e+00, v21;
	v21 =	vsub.s32 $0x5F3759DF, v24;
	v14 =	vmul.f32 v23, v14  }
0xc3: {  	v11 =	vmax.f32 v11, $1.000000020e-24;
	v24 =	vmul.f32 v21, v25;
	v13 =	vmul.f32 v13, v19  }
0xc4: {  	v12 =	vmax.f32 v12, $1.000000020e-24;
	v29 =	vmul.f32 $5.000000000e-01, v11;
	v26 =	vmul.u32 $0x880, v8  }
0xc5: {  	v17 =	vld [tilespmem:$0x10010];
	v8 =	vmul.f32 v14, v23;
	v14 =	vmul.f32 v21, v24;
	v13 =	vsub.f32 $1.500000000e+00, v13  }
0xc6: {  	v6 =	vmul.f32 v6, v20;
	v20 =	vshrl.u32 v7, $0x1;
	v24 =	vmul.f32 $5.000000000e-01, v7  }
0xc7: {  	v7 =	vmul.f32 v13, v19;
	v13 =	vsub.f32 $1.500000000e+00, v14;
	v14 =	vsub.s32 $0x5F3759DF, v20  }
0xc8: {  	v22 =	vmax.f32 v22, $1.000000020e-24;
	v8 =	vsub.f32 $1.500000000e+00, v8;
	v19 =	vmul.f32 v14, v24  }
0xc9: {  	v20 =	vshrl.u32 v10, $0x1;
	v13 =	vmul.f32 v21, v13;
	v21 =	vmul.f32 $5.000000000e-01, v10  }
0xca: {  	v17 =	vmul.u32 $0x880, v17;
	v10 =	vmul.f32 v14, v19;
	v19 =	vsub.s32 $0x5F3759DF, v20  }
0xcb: {  	v8 =	vmul.f32 v8, v23;
	v23 =	vshrl.u32 v9, $0x1;
	v20 =	vmul.f32 v19, v21  }
0xcc: {  	v27 =	vmul.f32 $5.000000000e-01, v9;
	v9 =	vor.u32 v1, v17;
	v23 =	vsub.s32 $0x5F3759DF, v23  }
0xcd: {  	v25 =	vmul.f32 v13, v25;
	v28 =	vsub.f32 $1.500000000e+00, v10;
	v17 =	vmul.f32 v19, v20  }
0xce: {  	v31 =	vshrl.u32 v22, $0x1;
	v10 =	vor.u32 v1, v26;
	v20 =	vmul.f32 v23, v27  }
0xcf: {  	v25 =	vmul.f32 v25, v13;
	v14 =	vmul.f32 v14, v28;
	v17 =	vsub.f32 $1.500000000e+00, v17  }
0xd0: {  	v26 =	vshrl.u32 v12, $0x1;
	v28 =	vmul.f32 $5.000000000e-01, v12;
	v20 =	vmul.f32 v23, v20  }
0xd1: {  	v22 =	vmul.f32 $5.000000000e-01, v22;
	v17 =	vmul.f32 v19, v17;
	v19 =	vsub.s32 $0x5F3759DF, v26  }
0xd2: {  	v12 =	vsub.f32 $1.500000000e+00, v20;
	v20 =	vsub.f32 $1.500000000e+00, v25;
	v25 =	vmul.f32 v19, v28  }
0xd3: {  	v24 =	vmul.f32 v14, v24;
	v21 =	vmul.f32 v17, v21  }
0xd4: {  	v23 =	vmul.f32 v23, v12;
	v12 =	vmul.f32 v19, v25  }
0xd5: {  	v24 =	vmul.f32 v24, v14;
	v25 =	vshrl.u32 v11, $0x1;
	v21 =	vmul.f32 v21, v17  }
0xd6: {  	v27 =	vmul.f32 v23, v27;
	v25 =	vsub.s32 $0x5F3759DF, v25;
	v12 =	vsub.f32 $1.500000000e+00, v12  }
0xd7: {  	v11 =	vmul.f32 v20, v13;
	v20 =	vsub.f32 $1.500000000e+00, v24;
	v13 =	vmul.f32 v25, v29  }
0xd8: {  	v21 =	vsub.f32 $1.500000000e+00, v21;
	v24 =	vmul.f32 v27, v23;
	v19 =	vmul.f32 v19, v12  }
0xd9: {  	v15 =	vmax.f32 v15, $1.000000020e-24;
	v26 =	vld [tilespmem:$0x10030];
	v27 =	vmul.f32 v25, v13;
	v12 =	vmul.f32 v20, v14  }
0xda: {  	v13 =	vmul.f32 v21, v17;
	v17 =	vsub.f32 $1.500000000e+00, v24;
	v21 =	vshrl.u32 v15, $0x1  }
0xdb: {  	v24 =	vmul.f32 $5.000000000e-01, v15;
	v15 =	vmax.f32 v18, $1.000000020e-24;
	v14 =	vsub.f32 $1.500000000e+00, v27  }
0xdc: {  	v18 =	vsub.s32 $0x5F3759DF, v21;
	v21 =	vshrl.u32 v15, $0x1;
	v27 =	vmul.f32 $5.000000000e-01, v15  }
0xdd: {  	v31 =	vsub.s32 $0x5F3759DF, v31;
	v15 =	vmul.f32 v18, v24;
	v21 =	vsub.s32 $0x5F3759DF, v21  }
0xde: {  	v26 =	vmul.u32 $0x880, v26;
	v20 =	vmul.f32 v19, v28;
	v30 =	vmul.f32 v21, v27  }
0xdf: {  	v16 =	vmax.f32 v16, $1.000000020e-24;
	v25 =	vmul.f32 v25, v14;
	v57 =	vmul.f32 v18, v15  }
0xe0: {  	v14 =	vor.u32 v1, v26;
	v26 =	vmul.f32 v21, v30;
	v30 =	vmul.f32 v31, v22  }
0xe1: {  	v20 =	vmul.f32 v20, v19;
	v15 =	vmul.f32 v17, v23;
	v23 =	vsub.f32 $1.500000000e+00, v57  }
0xe2: {  	v28 =	vld [tilespmem:$0x10040];
	v17 =	vmul.f32 v25, v29;
	v26 =	vsub.f32 $1.500000000e+00, v26;
	v29 =	vmul.f32 v31, v30  }
0xe3: {  	v58 =	vmul.f32 $5.000000000e-01, v16;
	v18 =	vmul.f32 v18, v23  }
0xe4: {  	v33 =	vld [tilespmem:$0x10070];
	v20 =	vsub.f32 $1.500000000e+00, v20;
	v21 =	vmul.f32 v21, v26;
	v26 =	vsub.f32 $1.500000000e+00, v29  }
0xe5: {  	v34 =	vld [tilespmem:$0x10090];
	v17 =	vmul.f32 v17, v25;
	v30 =	vshrl.u32 v16, $0x1;
	v24 =	vmul.f32 v18, v24  }
0xe6: {  	v23 =	vld [tilespmem:$0x10050];
	v16 =	vmul.f32 v21, v27;
	v26 =	vmul.f32 v31, v26;
	v27 =	vsub.s32 $0x5F3759DF, v30  }
0xe7: {  	v59 =	vld [tilespmem:$0x100C0];
	v28 =	vmul.u32 $0x880, v28;
	v24 =	vmul.f32 v24, v18;
	v31 =	vmul.f32 v27, v58  }
0xe8: {  	v29 =	vld [tilespmem:$0x10060];
	v17 =	vsub.f32 $1.500000000e+00, v17;
	v35 =	vmul.f32 v16, v21;
	v22 =	vmul.f32 v26, v22  }
0xe9: {  	v30 =	vld [tilespmem:$0x10080];
	v16 =	vmul.f32 v20, v19;
	v19 =	vsub.f32 $1.500000000e+00, v24;
	v20 =	vmul.f32 v27, v31  }
0xea: {  	v36 =	vld [tilespmem:$0x100A0];
	v17 =	vmul.f32 v17, v25;
	v24 =	vsub.f32 $1.500000000e+00, v35;
	v22 =	vmul.f32 v22, v26  }
0xeb: {  	v23 =	vmul.u32 $0x880, v23;
	v31 =	vld [tilespmem:$0x100B0];
	v18 =	vmul.f32 v19, v18;
	v25 =	vsub.f32 $1.500000000e+00, v20  }
0xec: {  	v19 =	vor.u32 v1, v28;
	v28 =	vld [tilespmem:$0x100D0];
	v20 =	vmul.f32 v24, v21;
	v22 =	vsub.f32 $1.500000000e+00, v22  }
0xed: {  	v21 =	vor.u32 v1, v23;
	v23 =	vmul.u32 $0x880, v29;
	v29 =	vld [tilespmem:$0x100E0];
	v37 =	vmul.f32 v27, v25  }
0xee: {  	v60 =	vmul.u32 $0x880, v59;
	v24 =	vmul.u32 $0x880, v33;
	v25 =	vmul.u32 $0x880, v30;
	v30 =	vld [tilespmem:$0x100F0]  }
0xef: {  	v27 =	vmul.u32 $0x880, v36;
	v22 =	vmul.f32 v22, v26;
	v32 =	vmul.f32 v37, v58  }
0xf0: {  	v26 =	vmul.u32 $0x880, v34;
	v23 =	vor.u32 v1, v23;
	v24 =	vor.u32 v1, v24  }
0xf1: {  	v31 =	vmul.u32 $0x880, v31;
	v25 =	vor.u32 v1, v25;
	v32 =	vmul.f32 v32, v37  }
0xf2: {  	v27 =	vor.u32 v1, v27;
	v26 =	vor.u32 v1, v26;
	v61 =	vmul.u32 $0x880, v28  }
0xf3: {  	v62 =	vmul.u32 $0x880, v29;
	v63 =	vmul.u32 $0x880, v30;
	v32 =	vsub.f32 $1.500000000e+00, v32  }
0xf4: {  	v28 =	vor.u32 v1, v31;
	v29 =	vor.u32 v1, v60;
	v30 =	vor.u32 v1, v61  }
0xf5: {  	s19 =	simm.s32 $0xFFFFFFFC;
	s20 =	simm.s32 $0x0;
	s21 =	simm.s32 $0x200;
	v31 =	vor.u32 v1, v62;
	v33 =	vor.u32 v1, v63;
	v32 =	vmul.f32 v32, v37  }
.LBB2_6:
0xf6: {  	v34 =	vld [tilespmem:s21+$0xFFFFFE00];
	_ =	sdelay $0x1  }
0xf7: {  	v35 =	vadd.s32 s20, v4;
	_ =	sdelay $0x2  }
0xf8: {  	v34 =	vmul.f32 v34, v2;
	_ =	sdelay $0x1  }
0xf9: {  	[tilespmem:v35+s15+$0x0] =	vst.idx.add.f32.msk $0xffff, v34  }
0xfa: {  	v34 =	vld [tilespmem:s21+$0xFFFFFE10];
	_ =	sdelay $0x1  }
0xfb: {  	v57 =	vadd.s32 s20, v9;
	_ =	sdelay $0x2  }
0xfc: {  	v34 =	vmul.f32 v34, v3;
	_ =	sdelay $0x1  }
0xfd: {  	[tilespmem:v57+s15+$0x0] =	vst.idx.add.f32.msk $0xffff, v34  }
0xfe: {  	v34 =	vld [tilespmem:s21+$0xFFFFFE20];
	_ =	sdelay $0x1  }
0xff: {  	v58 =	vadd.s32 s20, v10;
	_ =	sdelay $0x2  }
0x100: {  	v34 =	vmul.f32 v34, v5;
	_ =	sdelay $0x1  }
0x101: {  	[tilespmem:v58+s15+$0x0] =	vst.idx.add.f32.msk $0xffff, v34  }
0x102: {  	v34 =	vld [tilespmem:s21+$0xFFFFFE30];
	_ =	sdelay $0x1  }
0x103: {  	v59 =	vadd.s32 s20, v14;
	_ =	sdelay $0x2  }
0x104: {  	v34 =	vmul.f32 v34, v6;
	_ =	sdelay $0x1  }
0x105: {  	[tilespmem:v59+s15+$0x0] =	vst.idx.add.f32.msk $0xffff, v34  }
0x106: {  	v34 =	vld [tilespmem:s21+$0xFFFFFE40];
	_ =	sdelay $0x1  }
0x107: {  	v60 =	vadd.s32 s20, v19;
	_ =	sdelay $0x2  }
0x108: {  	v34 =	vmul.f32 v34, v7;
	_ =	sdelay $0x1  }
0x109: {  	[tilespmem:v60+s15+$0x0] =	vst.idx.add.f32.msk $0xffff, v34  }
0x10a: {  	v34 =	vld [tilespmem:s21+$0xFFFFFE50];
	_ =	sdelay $0x1  }
0x10b: {  	v61 =	vadd.s32 s20, v21;
	_ =	sdelay $0x2  }
0x10c: {  	v34 =	vmul.f32 v34, v8;
	_ =	sdelay $0x1  }
0x10d: {  	[tilespmem:v61+s15+$0x0] =	vst.idx.add.f32.msk $0xffff, v34  }
0x10e: {  	v34 =	vld [tilespmem:s21+$0xFFFFFE60];
	_ =	sdelay $0x1  }
0x10f: {  	v62 =	vadd.s32 s20, v23;
	_ =	sdelay $0x2  }
0x110: {  	v34 =	vmul.f32 v34, v11;
	_ =	sdelay $0x1  }
0x111: {  	[tilespmem:v62+s15+$0x0] =	vst.idx.add.f32.msk $0xffff, v34  }
0x112: {  	v34 =	vld [tilespmem:s21+$0xFFFFFE70];
	_ =	sdelay $0x1  }
0x113: {  	v63 =	vadd.s32 s20, v24;
	_ =	sdelay $0x2  }
0x114: {  	v34 =	vmul.f32 v34, v12;
	_ =	sdelay $0x1  }
0x115: {  	[tilespmem:v63+s15+$0x0] =	vst.idx.add.f32.msk $0xffff, v34  }
0x116: {  	v34 =	vld [tilespmem:s21+$0xFFFFFE80];
	_ =	sdelay $0x1  }
0x117: {  	v36 =	vadd.s32 s20, v25;
	_ =	sdelay $0x2  }
0x118: {  	v34 =	vmul.f32 v34, v13;
	_ =	sdelay $0x1  }
0x119: {  	[tilespmem:v36+s15+$0x0] =	vst.idx.add.f32.msk $0xffff, v34  }
0x11a: {  	v34 =	vld [tilespmem:s21+$0xFFFFFE90];
	_ =	sdelay $0x1  }
0x11b: {  	v37 =	vadd.s32 s20, v26;
	_ =	sdelay $0x2  }
0x11c: {  	v34 =	vmul.f32 v34, v15;
	_ =	sdelay $0x1  }
0x11d: {  	[tilespmem:v37+s15+$0x0] =	vst.idx.add.f32.msk $0xffff, v34  }
0x11e: {  	v34 =	vld [tilespmem:s21+$0xFFFFFEA0];
	_ =	sdelay $0x1  }
0x11f: {  	v38 =	vadd.s32 s20, v27;
	_ =	sdelay $0x2  }
0x120: {  	v34 =	vmul.f32 v34, v16;
	_ =	sdelay $0x1  }
0x121: {  	[tilespmem:v38+s15+$0x0] =	vst.idx.add.f32.msk $0xffff, v34  }
0x122: {  	v34 =	vld [tilespmem:s21+$0xFFFFFEB0];
	_ =	sdelay $0x1  }
0x123: {  	v39 =	vadd.s32 s20, v28;
	_ =	sdelay $0x2  }
0x124: {  	v34 =	vmul.f32 v34, v17;
	_ =	sdelay $0x1  }
0x125: {  	[tilespmem:v39+s15+$0x0] =	vst.idx.add.f32.msk $0xffff, v34  }
0x126: {  	v34 =	vld [tilespmem:s21+$0xFFFFFEC0];
	_ =	sdelay $0x1  }
0x127: {  	v40 =	vadd.s32 s20, v29;
	_ =	sdelay $0x2  }
0x128: {  	v34 =	vmul.f32 v34, v18;
	_ =	sdelay $0x1  }
0x129: {  	[tilespmem:v40+s15+$0x0] =	vst.idx.add.f32.msk $0xffff, v34  }
0x12a: {  	v34 =	vld [tilespmem:s21+$0xFFFFFED0];
	_ =	sdelay $0x1  }
0x12b: {  	v41 =	vadd.s32 s20, v30;
	_ =	sdelay $0x2  }
0x12c: {  	v34 =	vmul.f32 v34, v20;
	_ =	sdelay $0x1  }
0x12d: {  	[tilespmem:v41+s15+$0x0] =	vst.idx.add.f32.msk $0xffff, v34  }
0x12e: {  	v34 =	vld [tilespmem:s21+$0xFFFFFEE0];
	_ =	sdelay $0x1  }
0x12f: {  	v42 =	vadd.s32 s20, v31;
	_ =	sdelay $0x2  }
0x130: {  	v34 =	vmul.f32 v34, v22;
	_ =	sdelay $0x1  }
0x131: {  	[tilespmem:v42+s15+$0x0] =	vst.idx.add.f32.msk $0xffff, v34  }
0x132: {  	v34 =	vld [tilespmem:s21+$0xFFFFFEF0];
	_ =	sdelay $0x1  }
0x133: {  	v43 =	vadd.s32 s20, v33;
	_ =	sdelay $0x2  }
0x134: {  	v34 =	vmul.f32 v34, v32;
	_ =	sdelay $0x1  }
0x135: {  	[tilespmem:v43+s15+$0x0] =	vst.idx.add.f32.msk $0xffff, v34  }
0x136: {  	v34 =	vld [tilespmem:s21+$0xFFFFFF00]  }
0x137: {  	s22 =	sadd.s32 $0x11, s20  }
0x138: {  	v44 =	vadd.s32 s22, v4;
	_ =	sdelay $0x2  }
0x139: {  	v34 =	vmul.f32 v34, v2;
	_ =	sdelay $0x1  }
0x13a: {  	[tilespmem:v44+s15+$0x0] =	vst.idx.add.f32.msk $0xffff, v34  }
0x13b: {  	v34 =	vld [tilespmem:s21+$0xFFFFFF10];
	_ =	sdelay $0x1  }
0x13c: {  	v45 =	vadd.s32 s22, v9;
	_ =	sdelay $0x2  }
0x13d: {  	v34 =	vmul.f32 v34, v3;
	_ =	sdelay $0x1  }
0x13e: {  	[tilespmem:v45+s15+$0x0] =	vst.idx.add.f32.msk $0xffff, v34  }
0x13f: {  	v34 =	vld [tilespmem:s21+$0xFFFFFF20];
	_ =	sdelay $0x1  }
0x140: {  	v46 =	vadd.s32 s22, v10;
	_ =	sdelay $0x2  }
0x141: {  	v34 =	vmul.f32 v34, v5;
	_ =	sdelay $0x1  }
0x142: {  	[tilespmem:v46+s15+$0x0] =	vst.idx.add.f32.msk $0xffff, v34  }
0x143: {  	v34 =	vld [tilespmem:s21+$0xFFFFFF30];
	_ =	sdelay $0x1  }
0x144: {  	v47 =	vadd.s32 s22, v14;
	_ =	sdelay $0x2  }
0x145: {  	v34 =	vmul.f32 v34, v6;
	_ =	sdelay $0x1  }
0x146: {  	[tilespmem:v47+s15+$0x0] =	vst.idx.add.f32.msk $0xffff, v34  }
0x147: {  	v34 =	vld [tilespmem:s21+$0xFFFFFF40];
	_ =	sdelay $0x1  }
0x148: {  	v48 =	vadd.s32 s22, v19;
	_ =	sdelay $0x2  }
0x149: {  	v34 =	vmul.f32 v34, v7;
	_ =	sdelay $0x1  }
0x14a: {  	[tilespmem:v48+s15+$0x0] =	vst.idx.add.f32.msk $0xffff, v34  }
0x14b: {  	v34 =	vld [tilespmem:s21+$0xFFFFFF50];
	_ =	sdelay $0x1  }
0x14c: {  	v49 =	vadd.s32 s22, v21;
	_ =	sdelay $0x2  }
0x14d: {  	v34 =	vmul.f32 v34, v8;
	_ =	sdelay $0x1  }
0x14e: {  	[tilespmem:v49+s15+$0x0] =	vst.idx.add.f32.msk $0xffff, v34  }
0x14f: {  	v34 =	vld [tilespmem:s21+$0xFFFFFF60];
	_ =	sdelay $0x1  }
0x150: {  	v50 =	vadd.s32 s22, v23;
	_ =	sdelay $0x2  }
0x151: {  	v34 =	vmul.f32 v34, v11;
	_ =	sdelay $0x1  }
0x152: {  	[tilespmem:v50+s15+$0x0] =	vst.idx.add.f32.msk $0xffff, v34  }
0x153: {  	v34 =	vld [tilespmem:s21+$0xFFFFFF70];
	_ =	sdelay $0x1  }
0x154: {  	v51 =	vadd.s32 s22, v24;
	_ =	sdelay $0x2  }
0x155: {  	v34 =	vmul.f32 v34, v12;
	_ =	sdelay $0x1  }
0x156: {  	[tilespmem:v51+s15+$0x0] =	vst.idx.add.f32.msk $0xffff, v34  }
0x157: {  	v34 =	vld [tilespmem:s21+$0xFFFFFF80];
	_ =	sdelay $0x1  }
0x158: {  	v52 =	vadd.s32 s22, v25;
	_ =	sdelay $0x2  }
0x159: {  	v34 =	vmul.f32 v34, v13;
	_ =	sdelay $0x1  }
0x15a: {  	[tilespmem:v52+s15+$0x0] =	vst.idx.add.f32.msk $0xffff, v34  }
0x15b: {  	v34 =	vld [tilespmem:s21+$0xFFFFFF90];
	_ =	sdelay $0x1  }
0x15c: {  	v53 =	vadd.s32 s22, v26;
	_ =	sdelay $0x2  }
0x15d: {  	v34 =	vmul.f32 v34, v15;
	_ =	sdelay $0x1  }
0x15e: {  	[tilespmem:v53+s15+$0x0] =	vst.idx.add.f32.msk $0xffff, v34  }
0x15f: {  	v34 =	vld [tilespmem:s21+$0xFFFFFFA0];
	_ =	sdelay $0x1  }
0x160: {  	v54 =	vadd.s32 s22, v27;
	_ =	sdelay $0x2  }
0x161: {  	v34 =	vmul.f32 v34, v16;
	_ =	sdelay $0x1  }
0x162: {  	[tilespmem:v54+s15+$0x0] =	vst.idx.add.f32.msk $0xffff, v34  }
0x163: {  	v34 =	vld [tilespmem:s21+$0xFFFFFFB0];
	_ =	sdelay $0x1  }
0x164: {  	v55 =	vadd.s32 s22, v28;
	_ =	sdelay $0x2  }
0x165: {  	v34 =	vmul.f32 v34, v17;
	_ =	sdelay $0x1  }
0x166: {  	[tilespmem:v55+s15+$0x0] =	vst.idx.add.f32.msk $0xffff, v34  }
0x167: {  	v34 =	vld [tilespmem:s21+$0xFFFFFFC0];
	_ =	sdelay $0x1  }
0x168: {  	v56 =	vadd.s32 s22, v29;
	_ =	sdelay $0x2  }
0x169: {  	v34 =	vmul.f32 v34, v18;
	_ =	sdelay $0x1  }
0x16a: {  	[tilespmem:v56+s15+$0x0] =	vst.idx.add.f32.msk $0xffff, v34  }
0x16b: {  	v34 =	vld [tilespmem:s21+$0xFFFFFFD0];
	_ =	sdelay $0x1  }
0x16c: {  	v57 =	vadd.s32 s22, v30;
	_ =	sdelay $0x2  }
0x16d: {  	v34 =	vmul.f32 v34, v20;
	_ =	sdelay $0x1  }
0x16e: {  	[tilespmem:v57+s15+$0x0] =	vst.idx.add.f32.msk $0xffff, v34  }
0x16f: {  	v34 =	vld [tilespmem:s21+$0xFFFFFFE0];
	_ =	sdelay $0x1  }
0x170: {  	v58 =	vadd.s32 s22, v31;
	_ =	sdelay $0x2  }
0x171: {  	v34 =	vmul.f32 v34, v22;
	_ =	sdelay $0x1  }
0x172: {  	[tilespmem:v58+s15+$0x0] =	vst.idx.add.f32.msk $0xffff, v34  }
0x173: {  	v34 =	vld [tilespmem:s21+$0xFFFFFFF0];
	_ =	sdelay $0x1  }
0x174: {  	v59 =	vadd.s32 s22, v33;
	_ =	sdelay $0x2  }
0x175: {  	v34 =	vmul.f32 v34, v32;
	_ =	sdelay $0x1  }
0x176: {  	[tilespmem:v59+s15+$0x0] =	vst.idx.add.f32.msk $0xffff, v34  }
0x177: {  	v34 =	vld [tilespmem:s21+$0x0]  }
0x178: {  	s30 =	sadd.s32 $0x22, s20  }
0x179: {  	v60 =	vadd.s32 s30, v4;
	_ =	sdelay $0x2  }
0x17a: {  	v34 =	vmul.f32 v34, v2;
	_ =	sdelay $0x1  }
0x17b: {  	[tilespmem:v60+s15+$0x0] =	vst.idx.add.f32.msk $0xffff, v34  }
0x17c: {  	v34 =	vld [tilespmem:s21+$0x10];
	_ =	sdelay $0x1  }
0x17d: {  	v61 =	vadd.s32 s30, v9;
	_ =	sdelay $0x2  }
0x17e: {  	v34 =	vmul.f32 v34, v3;
	_ =	sdelay $0x1  }
0x17f: {  	[tilespmem:v61+s15+$0x0] =	vst.idx.add.f32.msk $0xffff, v34  }
0x180: {  	v34 =	vld [tilespmem:s21+$0x20];
	_ =	sdelay $0x1  }
0x181: {  	v62 =	vadd.s32 s30, v10;
	_ =	sdelay $0x2  }
0x182: {  	v34 =	vmul.f32 v34, v5;
	_ =	sdelay $0x1  }
0x183: {  	[tilespmem:v62+s15+$0x0] =	vst.idx.add.f32.msk $0xffff, v34  }
0x184: {  	v34 =	vld [tilespmem:s21+$0x30];
	_ =	sdelay $0x1  }
0x185: {  	v63 =	vadd.s32 s30, v14;
	_ =	sdelay $0x2  }
0x186: {  	v34 =	vmul.f32 v34, v6;
	_ =	sdelay $0x1  }
0x187: {  	[tilespmem:v63+s15+$0x0] =	vst.idx.add.f32.msk $0xffff, v34  }
0x188: {  	v34 =	vld [tilespmem:s21+$0x40];
	_ =	sdelay $0x1  }
0x189: {  	v36 =	vadd.s32 s30, v19;
	_ =	sdelay $0x2  }
0x18a: {  	v34 =	vmul.f32 v34, v7;
	_ =	sdelay $0x1  }
0x18b: {  	[tilespmem:v36+s15+$0x0] =	vst.idx.add.f32.msk $0xffff, v34  }
0x18c: {  	v34 =	vld [tilespmem:s21+$0x50];
	_ =	sdelay $0x1  }
0x18d: {  	v37 =	vadd.s32 s30, v21;
	_ =	sdelay $0x2  }
0x18e: {  	v34 =	vmul.f32 v34, v8;
	_ =	sdelay $0x1  }
0x18f: {  	[tilespmem:v37+s15+$0x0] =	vst.idx.add.f32.msk $0xffff, v34  }
0x190: {  	v34 =	vld [tilespmem:s21+$0x60];
	_ =	sdelay $0x1  }
0x191: {  	v38 =	vadd.s32 s30, v23;
	_ =	sdelay $0x2  }
0x192: {  	v34 =	vmul.f32 v34, v11;
	_ =	sdelay $0x1  }
0x193: {  	[tilespmem:v38+s15+$0x0] =	vst.idx.add.f32.msk $0xffff, v34  }
0x194: {  	v34 =	vld [tilespmem:s21+$0x70];
	_ =	sdelay $0x1  }
0x195: {  	v39 =	vadd.s32 s30, v24;
	_ =	sdelay $0x2  }
0x196: {  	v34 =	vmul.f32 v34, v12;
	_ =	sdelay $0x1  }
0x197: {  	[tilespmem:v39+s15+$0x0] =	vst.idx.add.f32.msk $0xffff, v34  }
0x198: {  	v34 =	vld [tilespmem:s21+$0x80];
	_ =	sdelay $0x1  }
0x199: {  	v40 =	vadd.s32 s30, v25;
	_ =	sdelay $0x2  }
0x19a: {  	v34 =	vmul.f32 v34, v13;
	_ =	sdelay $0x1  }
0x19b: {  	[tilespmem:v40+s15+$0x0] =	vst.idx.add.f32.msk $0xffff, v34  }
0x19c: {  	v34 =	vld [tilespmem:s21+$0x90];
	_ =	sdelay $0x1  }
0x19d: {  	v41 =	vadd.s32 s30, v26;
	_ =	sdelay $0x2  }
0x19e: {  	v34 =	vmul.f32 v34, v15;
	_ =	sdelay $0x1  }
0x19f: {  	[tilespmem:v41+s15+$0x0] =	vst.idx.add.f32.msk $0xffff, v34  }
0x1a0: {  	v34 =	vld [tilespmem:s21+$0xA0];
	_ =	sdelay $0x1  }
0x1a1: {  	v42 =	vadd.s32 s30, v27;
	_ =	sdelay $0x2  }
0x1a2: {  	v34 =	vmul.f32 v34, v16;
	_ =	sdelay $0x1  }
0x1a3: {  	[tilespmem:v42+s15+$0x0] =	vst.idx.add.f32.msk $0xffff, v34  }
0x1a4: {  	v34 =	vld [tilespmem:s21+$0xB0];
	_ =	sdelay $0x1  }
0x1a5: {  	v43 =	vadd.s32 s30, v28;
	_ =	sdelay $0x2  }
0x1a6: {  	v34 =	vmul.f32 v34, v17;
	_ =	sdelay $0x1  }
0x1a7: {  	[tilespmem:v43+s15+$0x0] =	vst.idx.add.f32.msk $0xffff, v34  }
0x1a8: {  	v34 =	vld [tilespmem:s21+$0xC0];
	_ =	sdelay $0x1  }
0x1a9: {  	v44 =	vadd.s32 s30, v29;
	_ =	sdelay $0x2  }
0x1aa: {  	v34 =	vmul.f32 v34, v18;
	_ =	sdelay $0x1  }
0x1ab: {  	[tilespmem:v44+s15+$0x0] =	vst.idx.add.f32.msk $0xffff, v34  }
0x1ac: {  	v34 =	vld [tilespmem:s21+$0xD0];
	_ =	sdelay $0x1  }
0x1ad: {  	v45 =	vadd.s32 s30, v30;
	_ =	sdelay $0x2  }
0x1ae: {  	v34 =	vmul.f32 v34, v20;
	_ =	sdelay $0x1  }
0x1af: {  	[tilespmem:v45+s15+$0x0] =	vst.idx.add.f32.msk $0xffff, v34  }
0x1b0: {  	v34 =	vld [tilespmem:s21+$0xE0];
	_ =	sdelay $0x1  }
0x1b1: {  	v46 =	vadd.s32 s30, v31;
	_ =	sdelay $0x2  }
0x1b2: {  	v34 =	vmul.f32 v34, v22;
	_ =	sdelay $0x1  }
0x1b3: {  	[tilespmem:v46+s15+$0x0] =	vst.idx.add.f32.msk $0xffff, v34  }
0x1b4: {  	v34 =	vld [tilespmem:s21+$0xF0];
	_ =	sdelay $0x1  }
0x1b5: {  	v47 =	vadd.s32 s30, v33;
	_ =	sdelay $0x2  }
0x1b6: {  	v34 =	vmul.f32 v34, v32;
	_ =	sdelay $0x1  }
0x1b7: {  	[tilespmem:v47+s15+$0x0] =	vst.idx.add.f32.msk $0xffff, v34  }
0x1b8: {  	v34 =	vld [tilespmem:s21+$0x100]  }
0x1b9: {  	s31 =	sadd.s32 $0x33, s20  }
0x1ba: {  	v48 =	vadd.s32 s31, v4;
	_ =	sdelay $0x2  }
0x1bb: {  	v34 =	vmul.f32 v34, v2;
	_ =	sdelay $0x1  }
0x1bc: {  	[tilespmem:v48+s15+$0x0] =	vst.idx.add.f32.msk $0xffff, v34  }
0x1bd: {  	v34 =	vld [tilespmem:s21+$0x110];
	_ =	sdelay $0x1  }
0x1be: {  	v49 =	vadd.s32 s31, v9;
	_ =	sdelay $0x2  }
0x1bf: {  	v34 =	vmul.f32 v34, v3;
	_ =	sdelay $0x1  }
0x1c0: {  	[tilespmem:v49+s15+$0x0] =	vst.idx.add.f32.msk $0xffff, v34  }
0x1c1: {  	v34 =	vld [tilespmem:s21+$0x120];
	_ =	sdelay $0x1  }
0x1c2: {  	v50 =	vadd.s32 s31, v10;
	_ =	sdelay $0x2  }
0x1c3: {  	v34 =	vmul.f32 v34, v5;
	_ =	sdelay $0x1  }
0x1c4: {  	[tilespmem:v50+s15+$0x0] =	vst.idx.add.f32.msk $0xffff, v34  }
0x1c5: {  	v34 =	vld [tilespmem:s21+$0x130];
	_ =	sdelay $0x1  }
0x1c6: {  	v51 =	vadd.s32 s31, v14;
	_ =	sdelay $0x2  }
0x1c7: {  	v34 =	vmul.f32 v34, v6;
	_ =	sdelay $0x1  }
0x1c8: {  	[tilespmem:v51+s15+$0x0] =	vst.idx.add.f32.msk $0xffff, v34  }
0x1c9: {  	v34 =	vld [tilespmem:s21+$0x140];
	_ =	sdelay $0x1  }
0x1ca: {  	v52 =	vadd.s32 s31, v19;
	_ =	sdelay $0x2  }
0x1cb: {  	v34 =	vmul.f32 v34, v7;
	_ =	sdelay $0x1  }
0x1cc: {  	[tilespmem:v52+s15+$0x0] =	vst.idx.add.f32.msk $0xffff, v34  }
0x1cd: {  	v34 =	vld [tilespmem:s21+$0x150];
	_ =	sdelay $0x1  }
0x1ce: {  	v53 =	vadd.s32 s31, v21;
	_ =	sdelay $0x2  }
0x1cf: {  	v34 =	vmul.f32 v34, v8;
	_ =	sdelay $0x1  }
0x1d0: {  	[tilespmem:v53+s15+$0x0] =	vst.idx.add.f32.msk $0xffff, v34  }
0x1d1: {  	v34 =	vld [tilespmem:s21+$0x160];
	_ =	sdelay $0x1  }
0x1d2: {  	v54 =	vadd.s32 s31, v23;
	_ =	sdelay $0x2  }
0x1d3: {  	v34 =	vmul.f32 v34, v11;
	_ =	sdelay $0x1  }
0x1d4: {  	[tilespmem:v54+s15+$0x0] =	vst.idx.add.f32.msk $0xffff, v34  }
0x1d5: {  	v34 =	vld [tilespmem:s21+$0x170];
	_ =	sdelay $0x1  }
0x1d6: {  	v55 =	vadd.s32 s31, v24;
	_ =	sdelay $0x2  }
0x1d7: {  	v34 =	vmul.f32 v34, v12;
	_ =	sdelay $0x1  }
0x1d8: {  	[tilespmem:v55+s15+$0x0] =	vst.idx.add.f32.msk $0xffff, v34  }
0x1d9: {  	v34 =	vld [tilespmem:s21+$0x180];
	_ =	sdelay $0x1  }
0x1da: {  	v56 =	vadd.s32 s31, v25;
	_ =	sdelay $0x2  }
0x1db: {  	v34 =	vmul.f32 v34, v13;
	_ =	sdelay $0x1  }
0x1dc: {  	[tilespmem:v56+s15+$0x0] =	vst.idx.add.f32.msk $0xffff, v34  }
0x1dd: {  	v34 =	vld [tilespmem:s21+$0x190];
	_ =	sdelay $0x1  }
0x1de: {  	v57 =	vadd.s32 s31, v26;
	_ =	sdelay $0x2  }
0x1df: {  	v34 =	vmul.f32 v34, v15;
	_ =	sdelay $0x1  }
0x1e0: {  	[tilespmem:v57+s15+$0x0] =	vst.idx.add.f32.msk $0xffff, v34  }
0x1e1: {  	v34 =	vld [tilespmem:s21+$0x1A0];
	_ =	sdelay $0x1  }
0x1e2: {  	v58 =	vadd.s32 s31, v27;
	_ =	sdelay $0x2  }
0x1e3: {  	v34 =	vmul.f32 v34, v16;
	_ =	sdelay $0x1  }
0x1e4: {  	[tilespmem:v58+s15+$0x0] =	vst.idx.add.f32.msk $0xffff, v34  }
0x1e5: {  	v34 =	vld [tilespmem:s21+$0x1B0];
	_ =	sdelay $0x1  }
0x1e6: {  	v59 =	vadd.s32 s31, v28;
	_ =	sdelay $0x2  }
0x1e7: {  	v34 =	vmul.f32 v34, v17;
	_ =	sdelay $0x1  }
0x1e8: {  	[tilespmem:v59+s15+$0x0] =	vst.idx.add.f32.msk $0xffff, v34  }
0x1e9: {  	v34 =	vld [tilespmem:s21+$0x1C0];
	_ =	sdelay $0x1  }
0x1ea: {  	v60 =	vadd.s32 s31, v29;
	_ =	sdelay $0x2  }
0x1eb: {  	v34 =	vmul.f32 v34, v18;
	_ =	sdelay $0x1  }
0x1ec: {  	[tilespmem:v60+s15+$0x0] =	vst.idx.add.f32.msk $0xffff, v34  }
0x1ed: {  	v34 =	vld [tilespmem:s21+$0x1D0];
	_ =	sdelay $0x1  }
0x1ee: {  	v61 =	vadd.s32 s31, v30;
	_ =	sdelay $0x2  }
0x1ef: {  	v34 =	vmul.f32 v34, v20;
	_ =	sdelay $0x1  }
0x1f0: {  	[tilespmem:v61+s15+$0x0] =	vst.idx.add.f32.msk $0xffff, v34  }
0x1f1: {  	v34 =	vld [tilespmem:s21+$0x1E0];
	_ =	sdelay $0x1  }
0x1f2: {  	v62 =	vadd.s32 s31, v31;
	_ =	sdelay $0x2  }
0x1f3: {  	v34 =	vmul.f32 v34, v22;
	_ =	sdelay $0x1  }
0x1f4: {  	[tilespmem:v62+s15+$0x0] =	vst.idx.add.f32.msk $0xffff, v34  }
0x1f5: {  	v34 =	vld [tilespmem:s21+$0x1F0]  }
0x1f6: {  	s19 =	sadd.s32 $0x4, s19  }
0x1f7: {  	p1 =	slt.u32 s19, $0x7C;
	v63 =	vadd.s32 s31, v33  }
.Ltmp2:
0x1f8: {  	_ = 	snop;
	(pc) =	sbr.rel @p1 .LBB2_6-.Ltmp2, $3  }
0x1f9: {  	_ = 	snop  }
0x1fa: {  	v34 =	vmul.f32 v34, v32;
	_ =	sdelay $0x1  }
0x1fb: {  	s20 =	sadd.s32 $0x44, s20;
	s21 =	sadd.s32 $0x400, s21;
	[tilespmem:v63+s15+$0x0] =	vst.idx.add.f32.msk $0xffff, v34  }
0x1fc: {  	_ =	swait.ge [sflag:s16], $0x8000  }
0x1fd: {  	[sflag:s16] =	ssyncset.done $0x0  }
0x1fe: {  	s20 =	simm.s32 $0x8200;
	[sflag:s16] =	ssyncadd.s32 $0xFFFF8000  }
0x1ff: {  	v2 =	vld [tilespmem:s20+$0x100]  }
0x200: {  	v3 =	vld [tilespmem:s20+$0x110]  }
0x201: {  	v4 =	vld [tilespmem:s20+$0x120]  }
0x202: {  	v5 =	vld [tilespmem:s20+$0x130]  }
0x203: {  	v6 =	vld [tilespmem:s20+$0x140]  }
0x204: {  	v7 =	vld [tilespmem:s20+$0x150]  }
0x205: {  	v8 =	vld [tilespmem:s20+$0x160]  }
0x206: {  	v9 =	vld [tilespmem:s20+$0x170]  }
0x207: {  	v10 =	vld [tilespmem:s20+$0x180]  }
0x208: {  	v11 =	vld [tilespmem:s20+$0x190]  }
0x209: {  	v12 =	vld [tilespmem:s20+$0x1A0]  }
0x20a: {  	v13 =	vld [tilespmem:s20+$0x1B0]  }
0x20b: {  	v14 =	vld [tilespmem:s20+$0x1C0]  }
0x20c: {  	v15 =	vld [tilespmem:s20+$0x1D0]  }
0x20d: {  	v16 =	vld [tilespmem:s20+$0x0]  }
0x20e: {  	v17 =	vld [tilespmem:s20+$0x10]  }
0x20f: {  	v18 =	vld [tilespmem:s20+$0x20]  }
0x210: {  	v19 =	vld [tilespmem:s20+$0x30]  }
0x211: {  	v20 =	vld [tilespmem:s20+$0x40]  }
0x212: {  	v21 =	vld [tilespmem:s20+$0x50]  }
0x213: {  	v22 =	vld [tilespmem:s20+$0x60]  }
0x214: {  	v23 =	vld [tilespmem:s20+$0x70]  }
0x215: {  	v24 =	vld [tilespmem:s20+$0x80]  }
0x216: {  	v27 =	vld [tilespmem:s20+$0x90];
	v25 =	vmul.f32 v2, v2;
	v26 =	vmul.f32 v3, v3  }
0x217: {  	v29 =	vld [tilespmem:s20+$0xB0];
	v28 =	vmul.f32 v4, v4;
	v5 =	vmul.f32 v5, v5  }
0x218: {  	v32 =	vld [tilespmem:s20+$0xD0];
	v6 =	vmul.f32 v6, v6;
	v7 =	vmul.f32 v7, v7  }
0x219: {  	v33 =	vld [tilespmem:s20+$0xFFFFFE00];
	v30 =	vmul.f32 v8, v8;
	v31 =	vmul.f32 v9, v9  }
0x21a: {  	v35 =	vld [tilespmem:s20+$0xFFFFFE10];
	v10 =	vmul.f32 v10, v10;
	v9 =	vmul.f32 v11, v11  }
0x21b: {  	v36 =	vld [tilespmem:s20+$0xFFFFFE20];
	v12 =	vmul.f32 v12, v12;
	v11 =	vmul.f32 v13, v13  }
0x21c: {  	v37 =	vld [tilespmem:s20+$0xFFFFFE30];
	v3 =	vmul.f32 v14, v14;
	v2 =	vmul.f32 v15, v15  }
0x21d: {  	v40 =	vld [tilespmem:s20+$0xFFFFFF30];
	v15 =	vmul.f32 v16, v16;
	v16 =	vmul.f32 v17, v17  }
0x21e: {  	v4 =	vld [tilespmem:s20+$0xA0];
	v34 =	vmul.f32 v18, v18;
	v19 =	vmul.f32 v19, v19  }
0x21f: {  	v8 =	vld [tilespmem:s20+$0xC0];
	v20 =	vmul.f32 v20, v20;
	v21 =	vmul.f32 v21, v21  }
0x220: {  	v13 =	vld [tilespmem:s20+$0xFFFFFF00];
	v22 =	vmul.f32 v22, v22;
	v23 =	vmul.f32 v23, v23  }
0x221: {  	v14 =	vld [tilespmem:s20+$0xFFFFFF10];
	v24 =	vmul.f32 v24, v24;
	v38 =	vmul.f32 v27, v27  }
0x222: {  	v27 =	vld [tilespmem:s20+$0xFFFFFF20];
	v29 =	vmul.f32 v29, v29;
	v18 =	vmul.f32 v32, v32  }
0x223: {  	v46 =	vld [tilespmem:s20+$0xFFFFFF50];
	v44 =	vmul.f32 v33, v33;
	v45 =	vmul.f32 v35, v35  }
0x224: {  	v41 =	vld [tilespmem:s20+$0xFFFFFE40];
	v36 =	vmul.f32 v36, v36;
	v37 =	vmul.f32 v37, v37  }
0x225: {  	v42 =	vld [tilespmem:s20+$0xFFFFFE50];
	v39 =	vmul.f32 v4, v4;
	v17 =	vmul.f32 v8, v8;
	v4 =	vimm.f32 $0.0e+00  }
0x226: {  	v43 =	vld [tilespmem:s20+$0xFFFFFE60];
	v8 =	vmul.f32 v13, v13;
	v14 =	vmul.f32 v14, v14;
	v32 =	vadd.f32 v44, v4  }
0x227: {  	v13 =	vld [tilespmem:s20+$0xFFFFFF40];
	v27 =	vmul.f32 v27, v27;
	v33 =	vadd.f32 v45, v4;
	v36 =	vadd.f32 v36, v4  }
0x228: {  	v47 =	vld [tilespmem:s20+$0xFFFFFE70];
	v40 =	vmul.f32 v40, v40;
	v37 =	vadd.f32 v37, v4;
	v8 =	vadd.f32 v8, v32  }
0x229: {  	v49 =	vld [tilespmem:s20+$0xFFFFFF60];
	v35 =	vmul.f32 v46, v46;
	v14 =	vadd.f32 v14, v33;
	v27 =	vadd.f32 v27, v36  }
0x22a: {  	v51 =	vld [tilespmem:s20+$0xFFFFFF70];
	v50 =	vmul.f32 v41, v41;
	v48 =	vadd.f32 v40, v37;
	v8 =	vadd.f32 v15, v8  }
0x22b: {  	v53 =	vld [tilespmem:s20+$0xFFFFFF80];
	v52 =	vmul.f32 v42, v42;
	v14 =	vadd.f32 v16, v14;
	v27 =	vadd.f32 v34, v27  }
0x22c: {  	v54 =	vld [tilespmem:s20+$0xFFFFFF90];
	v13 =	vmul.f32 v13, v13;
	v19 =	vadd.f32 v19, v48;
	v16 =	vadd.f32 v25, v8  }
0x22d: {  	v56 =	vld [tilespmem:s20+$0xFFFFFEA0];
	v25 =	vmul.f32 v43, v43;
	v15 =	vadd.f32 v26, v14;
	v8 =	vadd.f32 v28, v27  }
0x22e: {  	v14 =	vmul.f32 v47, v47;
	v26 =	vld [tilespmem:s20+$0xFFFFFE80];
	v5 =	vadd.f32 v5, v19;
	v19 =	vadd.f32 v50, v4  }
0x22f: {  	v55 =	vmul.f32 v49, v49;
	v27 =	vadd.f32 v52, v4;
	v28 =	vld [tilespmem:s20+$0xFFFFFE90];
	v25 =	vadd.f32 v25, v4  }
0x230: {  	v60 =	vld [tilespmem:s20+$0xFFFFFFA0];
	v57 =	vmul.f32 v51, v51;
	v14 =	vadd.f32 v14, v4;
	v13 =	vadd.f32 v13, v19  }
0x231: {  	v58 =	vmul.f32 v53, v53;
	v19 =	vld [tilespmem:s20+$0xFFFFFEB0];
	v27 =	vadd.f32 v35, v27;
	v25 =	vadd.f32 v55, v25  }
0x232: {  	v61 =	vld [tilespmem:s20+$0xFFFFFFD0];
	v59 =	vmul.f32 v54, v54;
	v14 =	vadd.f32 v57, v14;
	v13 =	vadd.f32 v20, v13  }
0x233: {  	v21 =	vadd.f32 v21, v27;
	v20 =	vmul.f32 v26, v26;
	v26 =	vld [tilespmem:s20+$0xFFFFFFB0];
	v22 =	vadd.f32 v22, v25  }
0x234: {  	v27 =	vld [tilespmem:s20+$0xFFFFFFC0];
	v25 =	vmul.f32 v28, v28;
	v23 =	vadd.f32 v23, v14;
	v13 =	vadd.f32 v6, v13  }
0x235: {  	v28 =	vmul.f32 v56, v56;
	v14 =	vadd.f32 v7, v21;
	v21 =	vld [tilespmem:s20+$0xFFFFFEC0];
	v20 =	vadd.f32 v20, v4  }
0x236: {  	v19 =	vmul.f32 v19, v19;
	v6 =	vadd.f32 v30, v22;
	v7 =	vadd.f32 v31, v23;
	v23 =	vld [tilespmem:s20+$0xFFFFFED0]  }
0x237: {  	v22 =	vadd.f32 v25, v4;
	v25 =	vmul.f32 v60, v60;
	v28 =	vadd.f32 v28, v4;
	v31 =	vld [tilespmem:s20+$0xFFFFFEE0]  }
0x238: {  	v62 =	vld [tilespmem:s20+$0xFFFFFEF0];
	v19 =	vadd.f32 v19, v4;
	v20 =	vadd.f32 v58, v20;
	v30 =	vmul.f32 v26, v26  }
0x239: {  	v63 =	vld [tilespmem:s20+$0xFFFFFFE0];
	v22 =	vadd.f32 v59, v22;
	v26 =	vmul.f32 v27, v27;
	v25 =	vadd.f32 v25, v28  }
0x23a: {  	v27 =	vmul.f32 v61, v61;
	v20 =	vadd.f32 v24, v20;
	v19 =	vadd.f32 v30, v19  }
0x23b: {  	v28 =	vld [tilespmem:s20+$0xFFFFFFF0];
	v21 =	vmul.f32 v21, v21;
	v22 =	vadd.f32 v38, v22;
	v24 =	vadd.f32 v39, v25  }
0x23c: {  	v30 =	vld [tilespmem:s20+$0xE0];
	v25 =	vmul.f32 v23, v23;
	v10 =	vadd.f32 v10, v20;
	v31 =	vmul.f32 v31, v31  }
0x23d: {  	v23 =	vmul.f32 v62, v62;
	v19 =	vadd.f32 v29, v19;
	v29 =	vld [tilespmem:s20+$0xF0];
	v9 =	vadd.f32 v9, v22  }
0x23e: {  	v12 =	vadd.f32 v12, v24;
	v22 =	vld [tilespmem:s20+$0x1E0];
	v24 =	vadd.f32 v21, v4;
	v21 =	vmul.f32 v63, v63  }
0x23f: {  	s19 =	simm.s32 $0x0;
	v20 =	vld [tilespmem:s20+$0x1F0];
	s20 =	simm.s32 $0x8600;
	v25 =	vadd.f32 v25, v4;
	v11 =	vadd.f32 v11, v19;
	v19 =	vimm.f32 $0.0e+00  }
.LBB2_8:
0x240: {  	v32 =	vld [tilespmem:s20+$0x100];
	v4 =	vadd.f32 v31, v4;
	v19 =	vadd.f32 v23, v19;
	v23 =	vmul.f32 v28, v28  }
0x241: {  	v28 =	vld [tilespmem:s20+$0x110];
	v24 =	vadd.f32 v26, v24;
	v25 =	vadd.f32 v27, v25;
	v26 =	vmul.f32 v30, v30  }
0x242: {  	v27 =	vld [tilespmem:s20+$0x120];
	v4 =	vadd.f32 v21, v4;
	v19 =	vadd.f32 v23, v19;
	v21 =	vmul.f32 v29, v29  }
0x243: {  	v23 =	vld [tilespmem:s20+$0x130];
	v17 =	vadd.f32 v17, v24;
	v18 =	vadd.f32 v18, v25;
	v22 =	vmul.f32 v22, v22  }
0x244: {  	v24 =	vld [tilespmem:s20+$0x140];
	v4 =	vadd.f32 v26, v4;
	v19 =	vadd.f32 v21, v19;
	v25 =	vmul.f32 v20, v20  }
0x245: {  	v26 =	vld [tilespmem:s20+$0x150];
	v20 =	vadd.f32 v3, v17;
	v21 =	vadd.f32 v2, v18  }
0x246: {  	v2 =	vld [tilespmem:s20+$0x160];
	v4 =	vadd.f32 v22, v4;
	v19 =	vadd.f32 v25, v19  }
0x247: {  	v3 =	vld [tilespmem:s20+$0x170]  }
0x248: {  	v17 =	vld [tilespmem:s20+$0x180]  }
0x249: {  	v18 =	vld [tilespmem:s20+$0x190]  }
0x24a: {  	v25 =	vld [tilespmem:s20+$0x1A0]  }
0x24b: {  	v30 =	vld [tilespmem:s20+$0x1B0]  }
0x24c: {  	v31 =	vld [tilespmem:s20+$0x1C0]  }
0x24d: {  	v33 =	vld [tilespmem:s20+$0x1D0]  }
0x24e: {  	v34 =	vld [tilespmem:s20+$0x0]  }
0x24f: {  	v35 =	vld [tilespmem:s20+$0x10]  }
0x250: {  	v36 =	vld [tilespmem:s20+$0x20]  }
0x251: {  	v37 =	vld [tilespmem:s20+$0x30]  }
0x252: {  	v38 =	vld [tilespmem:s20+$0x40]  }
0x253: {  	v39 =	vld [tilespmem:s20+$0x50]  }
0x254: {  	v40 =	vld [tilespmem:s20+$0x60]  }
0x255: {  	v41 =	vld [tilespmem:s20+$0x70]  }
0x256: {  	v32 =	vmul.f32 v32, v32;
	v43 =	vmul.f32 v28, v28;
	v42 =	vld [tilespmem:s20+$0x80]  }
0x257: {  	v45 =	vmul.f32 v27, v27;
	v46 =	vmul.f32 v23, v23;
	v44 =	vld [tilespmem:s20+$0x90]  }
0x258: {  	v28 =	vmul.f32 v24, v24;
	v29 =	vmul.f32 v26, v26;
	v47 =	vld [tilespmem:s20+$0xA0]  }
0x259: {  	v26 =	vmul.f32 v2, v2;
	v27 =	vmul.f32 v3, v3;
	v48 =	vld [tilespmem:s20+$0xB0]  }
0x25a: {  	v22 =	vmul.f32 v17, v17;
	v23 =	vmul.f32 v18, v18;
	v49 =	vld [tilespmem:s20+$0xC0]  }
0x25b: {  	v24 =	vmul.f32 v25, v25;
	v25 =	vmul.f32 v30, v30;
	v18 =	vld [tilespmem:s20+$0xD0]  }
0x25c: {  	v3 =	vmul.f32 v31, v31;
	v2 =	vmul.f32 v33, v33;
	v30 =	vld [tilespmem:s20+$0xFFFFFF00]  }
0x25d: {  	v33 =	vmul.f32 v34, v34;
	v34 =	vmul.f32 v35, v35;
	v31 =	vld [tilespmem:s20+$0xFFFFFF10]  }
0x25e: {  	v36 =	vmul.f32 v36, v36;
	v37 =	vmul.f32 v37, v37;
	v35 =	vld [tilespmem:s20+$0xFFFFFE00]  }
0x25f: {  	v38 =	vmul.f32 v38, v38;
	v39 =	vmul.f32 v39, v39;
	v50 =	vld [tilespmem:s20+$0xFFFFFE10]  }
0x260: {  	v40 =	vmul.f32 v40, v40;
	v41 =	vmul.f32 v41, v41;
	v51 =	vld [tilespmem:s20+$0xFFFFFE20]  }
0x261: {  	v42 =	vmul.f32 v42, v42;
	v44 =	vmul.f32 v44, v44;
	v52 =	vld [tilespmem:s20+$0xFFFFFE30]  }
0x262: {  	v47 =	vmul.f32 v47, v47;
	v48 =	vmul.f32 v48, v48;
	v53 =	vld [tilespmem:s20+$0xFFFFFF20]  }
0x263: {  	v17 =	vmul.f32 v49, v49;
	v18 =	vmul.f32 v18, v18;
	v54 =	vld [tilespmem:s20+$0xFFFFFF30]  }
0x264: {  	v30 =	vmul.f32 v30, v30;
	v31 =	vmul.f32 v31, v31;
	v49 =	vld [tilespmem:s20+$0xFFFFFF40]  }
0x265: {  	v35 =	vmul.f32 v35, v35;
	v50 =	vmul.f32 v50, v50;
	v55 =	vld [tilespmem:s20+$0xFFFFFF50]  }
0x266: {  	v51 =	vmul.f32 v51, v51;
	v52 =	vmul.f32 v52, v52;
	v56 =	vld [tilespmem:s20+$0xFFFFFE40]  }
0x267: {  	v16 =	vadd.f32 v35, v16;
	v15 =	vadd.f32 v50, v15;
	v35 =	vld [tilespmem:s20+$0xFFFFFE50];
	v50 =	vmul.f32 v53, v53  }
0x268: {  	v8 =	vadd.f32 v51, v8;
	v5 =	vadd.f32 v52, v5;
	v51 =	vld [tilespmem:s20+$0xFFFFFE60];
	v52 =	vmul.f32 v54, v54  }
0x269: {  	v16 =	vadd.f32 v30, v16;
	v15 =	vadd.f32 v31, v15;
	v53 =	vld [tilespmem:s20+$0xFFFFFE70];
	v30 =	vmul.f32 v49, v49  }
0x26a: {  	v8 =	vadd.f32 v50, v8;
	v5 =	vadd.f32 v52, v5;
	v31 =	vmul.f32 v55, v55;
	v49 =	vld [tilespmem:s20+$0xFFFFFF60]  }
0x26b: {  	v16 =	vadd.f32 v33, v16;
	v15 =	vadd.f32 v34, v15;
	v50 =	vmul.f32 v56, v56;
	v52 =	vld [tilespmem:s20+$0xFFFFFF70]  }
0x26c: {  	v8 =	vadd.f32 v36, v8;
	v33 =	vmul.f32 v35, v35;
	v34 =	vld [tilespmem:s20+$0xFFFFFF80];
	v5 =	vadd.f32 v37, v5  }
0x26d: {  	v16 =	vadd.f32 v32, v16;
	v15 =	vadd.f32 v43, v15;
	v35 =	vmul.f32 v51, v51;
	v36 =	vld [tilespmem:s20+$0xFFFFFF90]  }
0x26e: {  	v8 =	vadd.f32 v45, v8;
	v32 =	vmul.f32 v53, v53;
	v37 =	vld [tilespmem:s20+$0xFFFFFE80];
	v5 =	vadd.f32 v46, v5  }
0x26f: {  	v13 =	vadd.f32 v50, v13;
	v14 =	vadd.f32 v33, v14;
	v33 =	vld [tilespmem:s20+$0xFFFFFE90];
	v43 =	vmul.f32 v49, v49  }
0x270: {  	v6 =	vadd.f32 v35, v6;
	v7 =	vadd.f32 v32, v7;
	v32 =	vld [tilespmem:s20+$0xFFFFFEA0];
	v35 =	vmul.f32 v52, v52  }
0x271: {  	v13 =	vadd.f32 v30, v13;
	v14 =	vadd.f32 v31, v14;
	v45 =	vld [tilespmem:s20+$0xFFFFFEB0];
	v30 =	vmul.f32 v34, v34  }
0x272: {  	v6 =	vadd.f32 v43, v6;
	v7 =	vadd.f32 v35, v7;
	v31 =	vmul.f32 v36, v36;
	v34 =	vld [tilespmem:s20+$0xFFFFFFA0]  }
0x273: {  	v13 =	vadd.f32 v38, v13;
	v14 =	vadd.f32 v39, v14;
	v35 =	vmul.f32 v37, v37;
	v36 =	vld [tilespmem:s20+$0xFFFFFFB0]  }
0x274: {  	v6 =	vadd.f32 v40, v6;
	v33 =	vmul.f32 v33, v33;
	v37 =	vld [tilespmem:s20+$0xFFFFFFC0];
	v7 =	vadd.f32 v41, v7  }
0x275: {  	v13 =	vadd.f32 v28, v13;
	v14 =	vadd.f32 v29, v14;
	v32 =	vmul.f32 v32, v32;
	v38 =	vld [tilespmem:s20+$0xFFFFFFD0]  }
0x276: {  	v6 =	vadd.f32 v26, v6;
	v28 =	vmul.f32 v45, v45;
	v29 =	vld [tilespmem:s20+$0xFFFFFEC0];
	v7 =	vadd.f32 v27, v7  }
0x277: {  	v10 =	vadd.f32 v35, v10;
	v9 =	vadd.f32 v33, v9;
	v33 =	vld [tilespmem:s20+$0xFFFFFED0];
	v27 =	vmul.f32 v34, v34  }
0x278: {  	v12 =	vadd.f32 v32, v12;
	v11 =	vadd.f32 v28, v11;
	v32 =	vld [tilespmem:s20+$0xFFFFFEE0];
	v28 =	vmul.f32 v36, v36  }
0x279: {  	s19 =	sadd.s32 $0x4, s19;
	v10 =	vadd.f32 v30, v10;
	v9 =	vadd.f32 v31, v9;
	v34 =	vld [tilespmem:s20+$0xFFFFFEF0];
	v26 =	vmul.f32 v37, v37  }
0x27a: {  	p1 =	slt.u32 s19, $0x7C;
	v12 =	vadd.f32 v27, v12;
	v11 =	vadd.f32 v28, v11;
	v27 =	vmul.f32 v38, v38;
	v35 =	vld [tilespmem:s20+$0xFFFFFFE0]  }
.Ltmp3:
0x27b: {  	v10 =	vadd.f32 v42, v10;
	v9 =	vadd.f32 v44, v9;
	v36 =	vmul.f32 v29, v29;
	v28 =	vld [tilespmem:s20+$0xFFFFFFF0];
	(pc) =	sbr.rel @p1 .LBB2_8-.Ltmp3, $4  }
0x27c: {  	v12 =	vadd.f32 v47, v12;
	v33 =	vmul.f32 v33, v33;
	v11 =	vadd.f32 v48, v11;
	v30 =	vld [tilespmem:s20+$0xE0]  }
0x27d: {  	v10 =	vadd.f32 v22, v10;
	v9 =	vadd.f32 v23, v9;
	v31 =	vmul.f32 v32, v32;
	v29 =	vld [tilespmem:s20+$0xF0]  }
0x27e: {  	v12 =	vadd.f32 v24, v12;
	v23 =	vmul.f32 v34, v34;
	v11 =	vadd.f32 v25, v11;
	v22 =	vld [tilespmem:s20+$0x1E0]  }
0x27f: {  	v24 =	vadd.f32 v36, v20;
	v25 =	vadd.f32 v33, v21;
	v21 =	vmul.f32 v35, v35;
	v20 =	vld [tilespmem:s20+$0x1F0];
	s20 =	sadd.s32 $0x400, s20  }
0x280: {  	v16 =	vmax.f32 v16, $1.000000020e-24;
	v4 =	vadd.f32 v31, v4;
	v19 =	vadd.f32 v23, v19  }
0x281: {  	v28 =	vmul.f32 v28, v28;
	v32 =	vshrl.u32 v16, $0x1;
	v16 =	vmul.f32 $5.000000000e-01, v16  }
0x282: {  	v15 =	vmax.f32 v15, $1.000000020e-24;
	v8 =	vmax.f32 v8, $1.000000020e-24;
	v23 =	vsub.s32 $0x5F3759DF, v32  }
0x283: {  	v5 =	vmax.f32 v5, $1.000000020e-24;
	v24 =	vadd.f32 v26, v24;
	v26 =	vmul.f32 v23, v16  }
0x284: {  	v13 =	vmax.f32 v13, $1.000000020e-24;
	v14 =	vmax.f32 v14, $1.000000020e-24;
	v6 =	vmax.f32 v6, $1.000000020e-24  }
0x285: {  	v7 =	vmax.f32 v7, $1.000000020e-24;
	v25 =	vadd.f32 v27, v25;
	v26 =	vmul.f32 v23, v26  }
0x286: {  	v10 =	vmax.f32 v10, $1.000000020e-24;
	v4 =	vadd.f32 v21, v4;
	v19 =	vadd.f32 v28, v19  }
0x287: {  	v21 =	vmul.f32 v29, v29;
	v17 =	vadd.f32 v17, v24;
	v24 =	vsub.f32 $1.500000000e+00, v26  }
0x288: {  	v18 =	vadd.f32 v18, v25;
	v25 =	vshrl.u32 v15, $0x1;
	v26 =	vmul.f32 $5.000000000e-01, v15  }
0x289: {  	v25 =	vsub.s32 $0x5F3759DF, v25;
	v19 =	vadd.f32 v21, v19;
	v23 =	vmul.f32 v23, v24  }
0x28a: {  	v21 =	vshrl.u32 v8, $0x1;
	v8 =	vmul.f32 $5.000000000e-01, v8;
	v15 =	vmul.f32 v25, v26  }
0x28b: {  	v27 =	vmul.f32 v30, v30;
	v21 =	vsub.s32 $0x5F3759DF, v21;
	v16 =	vmul.f32 v23, v16  }
0x28c: {  	v24 =	vmul.f32 v25, v15;
	v15 =	vadd.f32 v3, v17;
	v3 =	vmul.f32 v21, v8  }
0x28d: {  	v22 =	vmul.f32 v22, v22;
	v4 =	vadd.f32 v27, v4;
	v16 =	vmul.f32 v16, v23  }
0x28e: {  	v20 =	vmul.f32 v20, v20;
	v17 =	vsub.f32 $1.500000000e+00, v24;
	v3 =	vmul.f32 v21, v3  }
0x28f: {  	v24 =	vshrl.u32 v5, $0x1;
	v5 =	vmul.f32 $5.000000000e-01, v5;
	v16 =	vsub.f32 $1.500000000e+00, v16  }
0x290: {  	v24 =	vsub.s32 $0x5F3759DF, v24;
	v17 =	vmul.f32 v25, v17;
	v3 =	vsub.f32 $1.500000000e+00, v3  }
0x291: {  	v18 =	vadd.f32 v2, v18;
	v25 =	vmul.f32 v24, v5;
	v2 =	vmul.f32 v16, v23  }
0x292: {  	v22 =	vadd.f32 v22, v4;
	v4 =	vmul.f32 v17, v26;
	v21 =	vmul.f32 v21, v3  }
0x293: {  	v3 =	vmul.f32 v24, v25;
	v16 =	vshrl.u32 v13, $0x1;
	v13 =	vmul.f32 $5.000000000e-01, v13  }
0x294: {  	v23 =	vld [tilespmem:$0x10100];
	v25 =	vsub.s32 $0x5F3759DF, v16;
	v16 =	vshrl.u32 v14, $0x1;
	v14 =	vmul.f32 $5.000000000e-01, v14  }
0x295: {  	v8 =	vmul.f32 v21, v8;
	v26 =	vmul.f32 v25, v13;
	v27 =	vsub.s32 $0x5F3759DF, v16  }
0x296: {  	v4 =	vmul.f32 v4, v17;
	v3 =	vsub.f32 $1.500000000e+00, v3;
	v28 =	vmul.f32 v27, v14  }
0x297: {  	v16 =	vadd.f32 v20, v19;
	v8 =	vmul.f32 v8, v21;
	v19 =	vmul.f32 v25, v26  }
0x298: {  	v4 =	vsub.f32 $1.500000000e+00, v4;
	v20 =	vmul.f32 v24, v3;
	v24 =	vmul.f32 v27, v28  }
0x299: {  	v23 =	vmul.u32 $0x880, v23;
	v8 =	vsub.f32 $1.500000000e+00, v8;
	v19 =	vsub.f32 $1.500000000e+00, v19  }
0x29a: {  	v3 =	vmul.f32 v4, v17;
	v26 =	vmul.f32 v20, v5;
	v24 =	vsub.f32 $1.500000000e+00, v24  }
0x29b: {  	v9 =	vmax.f32 v9, $1.000000020e-24;
	v5 =	vmul.f32 v8, v21;
	v8 =	vld [tilespmem:$0x10120];
	v19 =	vmul.f32 v25, v19  }
0x29c: {  	v4 =	vor.u32 v1, v23;
	v21 =	vmul.f32 v26, v20;
	v23 =	vmul.f32 v27, v24  }
0x29d: {  	v25 =	vmul.f32 $5.000000000e-01, v6;
	v24 =	vshrl.u32 v6, $0x1;
	v13 =	vmul.f32 v19, v13  }
0x29e: {  	v6 =	vsub.f32 $1.500000000e+00, v21;
	v21 =	vsub.s32 $0x5F3759DF, v24;
	v14 =	vmul.f32 v23, v14  }
0x29f: {  	v11 =	vmax.f32 v11, $1.000000020e-24;
	v24 =	vmul.f32 v21, v25;
	v13 =	vmul.f32 v13, v19  }
0x2a0: {  	v12 =	vmax.f32 v12, $1.000000020e-24;
	v29 =	vmul.f32 $5.000000000e-01, v11;
	v26 =	vmul.u32 $0x880, v8  }
0x2a1: {  	v17 =	vld [tilespmem:$0x10110];
	v8 =	vmul.f32 v14, v23;
	v14 =	vmul.f32 v21, v24;
	v13 =	vsub.f32 $1.500000000e+00, v13  }
0x2a2: {  	v6 =	vmul.f32 v6, v20;
	v20 =	vshrl.u32 v7, $0x1;
	v24 =	vmul.f32 $5.000000000e-01, v7  }
0x2a3: {  	v7 =	vmul.f32 v13, v19;
	v13 =	vsub.f32 $1.500000000e+00, v14;
	v14 =	vsub.s32 $0x5F3759DF, v20  }
0x2a4: {  	v22 =	vmax.f32 v22, $1.000000020e-24;
	v8 =	vsub.f32 $1.500000000e+00, v8;
	v19 =	vmul.f32 v14, v24  }
0x2a5: {  	v20 =	vshrl.u32 v10, $0x1;
	v13 =	vmul.f32 v21, v13;
	v21 =	vmul.f32 $5.000000000e-01, v10  }
0x2a6: {  	v17 =	vmul.u32 $0x880, v17;
	v10 =	vmul.f32 v14, v19;
	v19 =	vsub.s32 $0x5F3759DF, v20  }
0x2a7: {  	v8 =	vmul.f32 v8, v23;
	v23 =	vshrl.u32 v9, $0x1;
	v20 =	vmul.f32 v19, v21  }
0x2a8: {  	v27 =	vmul.f32 $5.000000000e-01, v9;
	v9 =	vor.u32 v1, v17;
	v23 =	vsub.s32 $0x5F3759DF, v23  }
0x2a9: {  	v25 =	vmul.f32 v13, v25;
	v28 =	vsub.f32 $1.500000000e+00, v10;
	v17 =	vmul.f32 v19, v20  }
0x2aa: {  	v31 =	vshrl.u32 v22, $0x1;
	v10 =	vor.u32 v1, v26;
	v20 =	vmul.f32 v23, v27  }
0x2ab: {  	v25 =	vmul.f32 v25, v13;
	v14 =	vmul.f32 v14, v28;
	v17 =	vsub.f32 $1.500000000e+00, v17  }
0x2ac: {  	v26 =	vshrl.u32 v12, $0x1;
	v28 =	vmul.f32 $5.000000000e-01, v12;
	v20 =	vmul.f32 v23, v20  }
0x2ad: {  	v22 =	vmul.f32 $5.000000000e-01, v22;
	v17 =	vmul.f32 v19, v17;
	v19 =	vsub.s32 $0x5F3759DF, v26  }
0x2ae: {  	v12 =	vsub.f32 $1.500000000e+00, v20;
	v20 =	vsub.f32 $1.500000000e+00, v25;
	v25 =	vmul.f32 v19, v28  }
0x2af: {  	v24 =	vmul.f32 v14, v24;
	v21 =	vmul.f32 v17, v21  }
0x2b0: {  	v23 =	vmul.f32 v23, v12;
	v12 =	vmul.f32 v19, v25  }
0x2b1: {  	v24 =	vmul.f32 v24, v14;
	v25 =	vshrl.u32 v11, $0x1;
	v21 =	vmul.f32 v21, v17  }
0x2b2: {  	v27 =	vmul.f32 v23, v27;
	v25 =	vsub.s32 $0x5F3759DF, v25;
	v12 =	vsub.f32 $1.500000000e+00, v12  }
0x2b3: {  	v11 =	vmul.f32 v20, v13;
	v20 =	vsub.f32 $1.500000000e+00, v24;
	v13 =	vmul.f32 v25, v29  }
0x2b4: {  	v21 =	vsub.f32 $1.500000000e+00, v21;
	v24 =	vmul.f32 v27, v23;
	v19 =	vmul.f32 v19, v12  }
0x2b5: {  	v15 =	vmax.f32 v15, $1.000000020e-24;
	v26 =	vld [tilespmem:$0x10130];
	v27 =	vmul.f32 v25, v13;
	v12 =	vmul.f32 v20, v14  }
0x2b6: {  	v13 =	vmul.f32 v21, v17;
	v17 =	vsub.f32 $1.500000000e+00, v24;
	v21 =	vshrl.u32 v15, $0x1  }
0x2b7: {  	v24 =	vmul.f32 $5.000000000e-01, v15;
	v15 =	vmax.f32 v18, $1.000000020e-24;
	v14 =	vsub.f32 $1.500000000e+00, v27  }
0x2b8: {  	v18 =	vsub.s32 $0x5F3759DF, v21;
	v21 =	vshrl.u32 v15, $0x1;
	v27 =	vmul.f32 $5.000000000e-01, v15  }
0x2b9: {  	v31 =	vsub.s32 $0x5F3759DF, v31;
	v15 =	vmul.f32 v18, v24;
	v21 =	vsub.s32 $0x5F3759DF, v21  }
0x2ba: {  	v26 =	vmul.u32 $0x880, v26;
	v20 =	vmul.f32 v19, v28;
	v30 =	vmul.f32 v21, v27  }
0x2bb: {  	v16 =	vmax.f32 v16, $1.000000020e-24;
	v25 =	vmul.f32 v25, v14;
	v57 =	vmul.f32 v18, v15  }
0x2bc: {  	v14 =	vor.u32 v1, v26;
	v26 =	vmul.f32 v21, v30;
	v30 =	vmul.f32 v31, v22  }
0x2bd: {  	v20 =	vmul.f32 v20, v19;
	v15 =	vmul.f32 v17, v23;
	v23 =	vsub.f32 $1.500000000e+00, v57  }
0x2be: {  	v28 =	vld [tilespmem:$0x10140];
	v17 =	vmul.f32 v25, v29;
	v26 =	vsub.f32 $1.500000000e+00, v26;
	v29 =	vmul.f32 v31, v30  }
0x2bf: {  	v58 =	vmul.f32 $5.000000000e-01, v16;
	v18 =	vmul.f32 v18, v23  }
0x2c0: {  	v33 =	vld [tilespmem:$0x10170];
	v20 =	vsub.f32 $1.500000000e+00, v20;
	v21 =	vmul.f32 v21, v26;
	v26 =	vsub.f32 $1.500000000e+00, v29  }
0x2c1: {  	v34 =	vld [tilespmem:$0x10190];
	v17 =	vmul.f32 v17, v25;
	v30 =	vshrl.u32 v16, $0x1;
	v24 =	vmul.f32 v18, v24  }
0x2c2: {  	v23 =	vld [tilespmem:$0x10150];
	v16 =	vmul.f32 v21, v27;
	v26 =	vmul.f32 v31, v26;
	v27 =	vsub.s32 $0x5F3759DF, v30  }
0x2c3: {  	v59 =	vld [tilespmem:$0x101C0];
	v28 =	vmul.u32 $0x880, v28;
	v24 =	vmul.f32 v24, v18;
	v31 =	vmul.f32 v27, v58  }
0x2c4: {  	v29 =	vld [tilespmem:$0x10160];
	v17 =	vsub.f32 $1.500000000e+00, v17;
	v35 =	vmul.f32 v16, v21;
	v22 =	vmul.f32 v26, v22  }
0x2c5: {  	v30 =	vld [tilespmem:$0x10180];
	v16 =	vmul.f32 v20, v19;
	v19 =	vsub.f32 $1.500000000e+00, v24;
	v20 =	vmul.f32 v27, v31  }
0x2c6: {  	v36 =	vld [tilespmem:$0x101A0];
	v17 =	vmul.f32 v17, v25;
	v24 =	vsub.f32 $1.500000000e+00, v35;
	v22 =	vmul.f32 v22, v26  }
0x2c7: {  	v23 =	vmul.u32 $0x880, v23;
	v31 =	vld [tilespmem:$0x101B0];
	v18 =	vmul.f32 v19, v18;
	v25 =	vsub.f32 $1.500000000e+00, v20  }
0x2c8: {  	v19 =	vor.u32 v1, v28;
	v28 =	vld [tilespmem:$0x101D0];
	v20 =	vmul.f32 v24, v21;
	v22 =	vsub.f32 $1.500000000e+00, v22  }
0x2c9: {  	v21 =	vor.u32 v1, v23;
	v23 =	vmul.u32 $0x880, v29;
	v29 =	vld [tilespmem:$0x101E0];
	v37 =	vmul.f32 v27, v25  }
0x2ca: {  	v60 =	vmul.u32 $0x880, v59;
	v24 =	vmul.u32 $0x880, v33;
	v25 =	vmul.u32 $0x880, v30;
	v30 =	vld [tilespmem:$0x101F0]  }
0x2cb: {  	v27 =	vmul.u32 $0x880, v36;
	v22 =	vmul.f32 v22, v26;
	v32 =	vmul.f32 v37, v58  }
0x2cc: {  	v26 =	vmul.u32 $0x880, v34;
	v23 =	vor.u32 v1, v23;
	v24 =	vor.u32 v1, v24  }
0x2cd: {  	v31 =	vmul.u32 $0x880, v31;
	v25 =	vor.u32 v1, v25;
	v32 =	vmul.f32 v32, v37  }
0x2ce: {  	v27 =	vor.u32 v1, v27;
	v26 =	vor.u32 v1, v26;
	v61 =	vmul.u32 $0x880, v28  }
0x2cf: {  	v62 =	vmul.u32 $0x880, v29;
	v63 =	vmul.u32 $0x880, v30;
	v32 =	vsub.f32 $1.500000000e+00, v32  }
0x2d0: {  	s20 =	simm.s32 $0xFFFFFFFC;
	v28 =	vor.u32 v1, v31;
	v29 =	vor.u32 v1, v60;
	v30 =	vor.u32 v1, v61  }
0x2d1: {  	s19 =	simm.s32 $0x0;
	s21 =	simm.s32 $0x8200;
	s22 =	simm.s32 $0x0;
	v31 =	vor.u32 v1, v62;
	v33 =	vor.u32 v1, v63;
	v32 =	vmul.f32 v32, v37  }
.LBB2_10:
0x2d2: {  	v34 =	vld [tilespmem:s21+$0xFFFFFE00];
	_ =	sdelay $0x1  }
0x2d3: {  	v35 =	vadd.s32 s22, v4;
	_ =	sdelay $0x2  }
0x2d4: {  	v34 =	vmul.f32 v34, v2;
	_ =	sdelay $0x1  }
0x2d5: {  	[tilespmem:v35+s15+$0x0] =	vst.idx.add.f32.msk $0xffff, v34  }
0x2d6: {  	v34 =	vld [tilespmem:s21+$0xFFFFFE10];
	_ =	sdelay $0x1  }
0x2d7: {  	v57 =	vadd.s32 s22, v9;
	_ =	sdelay $0x2  }
0x2d8: {  	v34 =	vmul.f32 v34, v3;
	_ =	sdelay $0x1  }
0x2d9: {  	[tilespmem:v57+s15+$0x0] =	vst.idx.add.f32.msk $0xffff, v34  }
0x2da: {  	v34 =	vld [tilespmem:s21+$0xFFFFFE20];
	_ =	sdelay $0x1  }
0x2db: {  	v58 =	vadd.s32 s22, v10;
	_ =	sdelay $0x2  }
0x2dc: {  	v34 =	vmul.f32 v34, v5;
	_ =	sdelay $0x1  }
0x2dd: {  	[tilespmem:v58+s15+$0x0] =	vst.idx.add.f32.msk $0xffff, v34  }
0x2de: {  	v34 =	vld [tilespmem:s21+$0xFFFFFE30];
	_ =	sdelay $0x1  }
0x2df: {  	v59 =	vadd.s32 s22, v14;
	_ =	sdelay $0x2  }
0x2e0: {  	v34 =	vmul.f32 v34, v6;
	_ =	sdelay $0x1  }
0x2e1: {  	[tilespmem:v59+s15+$0x0] =	vst.idx.add.f32.msk $0xffff, v34  }
0x2e2: {  	v34 =	vld [tilespmem:s21+$0xFFFFFE40];
	_ =	sdelay $0x1  }
0x2e3: {  	v60 =	vadd.s32 s22, v19;
	_ =	sdelay $0x2  }
0x2e4: {  	v34 =	vmul.f32 v34, v7;
	_ =	sdelay $0x1  }
0x2e5: {  	[tilespmem:v60+s15+$0x0] =	vst.idx.add.f32.msk $0xffff, v34  }
0x2e6: {  	v34 =	vld [tilespmem:s21+$0xFFFFFE50];
	_ =	sdelay $0x1  }
0x2e7: {  	v61 =	vadd.s32 s22, v21;
	_ =	sdelay $0x2  }
0x2e8: {  	v34 =	vmul.f32 v34, v8;
	_ =	sdelay $0x1  }
0x2e9: {  	[tilespmem:v61+s15+$0x0] =	vst.idx.add.f32.msk $0xffff, v34  }
0x2ea: {  	v34 =	vld [tilespmem:s21+$0xFFFFFE60];
	_ =	sdelay $0x1  }
0x2eb: {  	v62 =	vadd.s32 s22, v23;
	_ =	sdelay $0x2  }
0x2ec: {  	v34 =	vmul.f32 v34, v11;
	_ =	sdelay $0x1  }
0x2ed: {  	[tilespmem:v62+s15+$0x0] =	vst.idx.add.f32.msk $0xffff, v34  }
0x2ee: {  	v34 =	vld [tilespmem:s21+$0xFFFFFE70];
	_ =	sdelay $0x1  }
0x2ef: {  	v63 =	vadd.s32 s22, v24;
	_ =	sdelay $0x2  }
0x2f0: {  	v34 =	vmul.f32 v34, v12;
	_ =	sdelay $0x1  }
0x2f1: {  	[tilespmem:v63+s15+$0x0] =	vst.idx.add.f32.msk $0xffff, v34  }
0x2f2: {  	v34 =	vld [tilespmem:s21+$0xFFFFFE80];
	_ =	sdelay $0x1  }
0x2f3: {  	v36 =	vadd.s32 s22, v25;
	_ =	sdelay $0x2  }
0x2f4: {  	v34 =	vmul.f32 v34, v13;
	_ =	sdelay $0x1  }
0x2f5: {  	[tilespmem:v36+s15+$0x0] =	vst.idx.add.f32.msk $0xffff, v34  }
0x2f6: {  	v34 =	vld [tilespmem:s21+$0xFFFFFE90];
	_ =	sdelay $0x1  }
0x2f7: {  	v37 =	vadd.s32 s22, v26;
	_ =	sdelay $0x2  }
0x2f8: {  	v34 =	vmul.f32 v34, v15;
	_ =	sdelay $0x1  }
0x2f9: {  	[tilespmem:v37+s15+$0x0] =	vst.idx.add.f32.msk $0xffff, v34  }
0x2fa: {  	v34 =	vld [tilespmem:s21+$0xFFFFFEA0];
	_ =	sdelay $0x1  }
0x2fb: {  	v38 =	vadd.s32 s22, v27;
	_ =	sdelay $0x2  }
0x2fc: {  	v34 =	vmul.f32 v34, v16;
	_ =	sdelay $0x1  }
0x2fd: {  	[tilespmem:v38+s15+$0x0] =	vst.idx.add.f32.msk $0xffff, v34  }
0x2fe: {  	v34 =	vld [tilespmem:s21+$0xFFFFFEB0];
	_ =	sdelay $0x1  }
0x2ff: {  	v39 =	vadd.s32 s22, v28;
	_ =	sdelay $0x2  }
0x300: {  	v34 =	vmul.f32 v34, v17;
	_ =	sdelay $0x1  }
0x301: {  	[tilespmem:v39+s15+$0x0] =	vst.idx.add.f32.msk $0xffff, v34  }
0x302: {  	v34 =	vld [tilespmem:s21+$0xFFFFFEC0];
	_ =	sdelay $0x1  }
0x303: {  	v40 =	vadd.s32 s22, v29;
	_ =	sdelay $0x2  }
0x304: {  	v34 =	vmul.f32 v34, v18;
	_ =	sdelay $0x1  }
0x305: {  	[tilespmem:v40+s15+$0x0] =	vst.idx.add.f32.msk $0xffff, v34  }
0x306: {  	v34 =	vld [tilespmem:s21+$0xFFFFFED0];
	_ =	sdelay $0x1  }
0x307: {  	v41 =	vadd.s32 s22, v30;
	_ =	sdelay $0x2  }
0x308: {  	v34 =	vmul.f32 v34, v20;
	_ =	sdelay $0x1  }
0x309: {  	[tilespmem:v41+s15+$0x0] =	vst.idx.add.f32.msk $0xffff, v34  }
0x30a: {  	v34 =	vld [tilespmem:s21+$0xFFFFFEE0];
	_ =	sdelay $0x1  }
0x30b: {  	v42 =	vadd.s32 s22, v31;
	_ =	sdelay $0x2  }
0x30c: {  	v34 =	vmul.f32 v34, v22;
	_ =	sdelay $0x1  }
0x30d: {  	[tilespmem:v42+s15+$0x0] =	vst.idx.add.f32.msk $0xffff, v34  }
0x30e: {  	v34 =	vld [tilespmem:s21+$0xFFFFFEF0];
	_ =	sdelay $0x1  }
0x30f: {  	v43 =	vadd.s32 s22, v33;
	_ =	sdelay $0x2  }
0x310: {  	v34 =	vmul.f32 v34, v32;
	_ =	sdelay $0x1  }
0x311: {  	[tilespmem:v43+s15+$0x0] =	vst.idx.add.f32.msk $0xffff, v34  }
0x312: {  	v34 =	vld [tilespmem:s21+$0xFFFFFF00]  }
0x313: {  	s23 =	sadd.s32 $0x11, s22  }
0x314: {  	v44 =	vadd.s32 s23, v4;
	_ =	sdelay $0x2  }
0x315: {  	v34 =	vmul.f32 v34, v2;
	_ =	sdelay $0x1  }
0x316: {  	[tilespmem:v44+s15+$0x0] =	vst.idx.add.f32.msk $0xffff, v34  }
0x317: {  	v34 =	vld [tilespmem:s21+$0xFFFFFF10];
	_ =	sdelay $0x1  }
0x318: {  	v45 =	vadd.s32 s23, v9;
	_ =	sdelay $0x2  }
0x319: {  	v34 =	vmul.f32 v34, v3;
	_ =	sdelay $0x1  }
0x31a: {  	[tilespmem:v45+s15+$0x0] =	vst.idx.add.f32.msk $0xffff, v34  }
0x31b: {  	v34 =	vld [tilespmem:s21+$0xFFFFFF20];
	_ =	sdelay $0x1  }
0x31c: {  	v46 =	vadd.s32 s23, v10;
	_ =	sdelay $0x2  }
0x31d: {  	v34 =	vmul.f32 v34, v5;
	_ =	sdelay $0x1  }
0x31e: {  	[tilespmem:v46+s15+$0x0] =	vst.idx.add.f32.msk $0xffff, v34  }
0x31f: {  	v34 =	vld [tilespmem:s21+$0xFFFFFF30];
	_ =	sdelay $0x1  }
0x320: {  	v47 =	vadd.s32 s23, v14;
	_ =	sdelay $0x2  }
0x321: {  	v34 =	vmul.f32 v34, v6;
	_ =	sdelay $0x1  }
0x322: {  	[tilespmem:v47+s15+$0x0] =	vst.idx.add.f32.msk $0xffff, v34  }
0x323: {  	v34 =	vld [tilespmem:s21+$0xFFFFFF40];
	_ =	sdelay $0x1  }
0x324: {  	v48 =	vadd.s32 s23, v19;
	_ =	sdelay $0x2  }
0x325: {  	v34 =	vmul.f32 v34, v7;
	_ =	sdelay $0x1  }
0x326: {  	[tilespmem:v48+s15+$0x0] =	vst.idx.add.f32.msk $0xffff, v34  }
0x327: {  	v34 =	vld [tilespmem:s21+$0xFFFFFF50];
	_ =	sdelay $0x1  }
0x328: {  	v49 =	vadd.s32 s23, v21;
	_ =	sdelay $0x2  }
0x329: {  	v34 =	vmul.f32 v34, v8;
	_ =	sdelay $0x1  }
0x32a: {  	[tilespmem:v49+s15+$0x0] =	vst.idx.add.f32.msk $0xffff, v34  }
0x32b: {  	v34 =	vld [tilespmem:s21+$0xFFFFFF60];
	_ =	sdelay $0x1  }
0x32c: {  	v50 =	vadd.s32 s23, v23;
	_ =	sdelay $0x2  }
0x32d: {  	v34 =	vmul.f32 v34, v11;
	_ =	sdelay $0x1  }
0x32e: {  	[tilespmem:v50+s15+$0x0] =	vst.idx.add.f32.msk $0xffff, v34  }
0x32f: {  	v34 =	vld [tilespmem:s21+$0xFFFFFF70];
	_ =	sdelay $0x1  }
0x330: {  	v51 =	vadd.s32 s23, v24;
	_ =	sdelay $0x2  }
0x331: {  	v34 =	vmul.f32 v34, v12;
	_ =	sdelay $0x1  }
0x332: {  	[tilespmem:v51+s15+$0x0] =	vst.idx.add.f32.msk $0xffff, v34  }
0x333: {  	v34 =	vld [tilespmem:s21+$0xFFFFFF80];
	_ =	sdelay $0x1  }
0x334: {  	v52 =	vadd.s32 s23, v25;
	_ =	sdelay $0x2  }
0x335: {  	v34 =	vmul.f32 v34, v13;
	_ =	sdelay $0x1  }
0x336: {  	[tilespmem:v52+s15+$0x0] =	vst.idx.add.f32.msk $0xffff, v34  }
0x337: {  	v34 =	vld [tilespmem:s21+$0xFFFFFF90];
	_ =	sdelay $0x1  }
0x338: {  	v53 =	vadd.s32 s23, v26;
	_ =	sdelay $0x2  }
0x339: {  	v34 =	vmul.f32 v34, v15;
	_ =	sdelay $0x1  }
0x33a: {  	[tilespmem:v53+s15+$0x0] =	vst.idx.add.f32.msk $0xffff, v34  }
0x33b: {  	v34 =	vld [tilespmem:s21+$0xFFFFFFA0];
	_ =	sdelay $0x1  }
0x33c: {  	v54 =	vadd.s32 s23, v27;
	_ =	sdelay $0x2  }
0x33d: {  	v34 =	vmul.f32 v34, v16;
	_ =	sdelay $0x1  }
0x33e: {  	[tilespmem:v54+s15+$0x0] =	vst.idx.add.f32.msk $0xffff, v34  }
0x33f: {  	v34 =	vld [tilespmem:s21+$0xFFFFFFB0];
	_ =	sdelay $0x1  }
0x340: {  	v55 =	vadd.s32 s23, v28;
	_ =	sdelay $0x2  }
0x341: {  	v34 =	vmul.f32 v34, v17;
	_ =	sdelay $0x1  }
0x342: {  	[tilespmem:v55+s15+$0x0] =	vst.idx.add.f32.msk $0xffff, v34  }
0x343: {  	v34 =	vld [tilespmem:s21+$0xFFFFFFC0];
	_ =	sdelay $0x1  }
0x344: {  	v56 =	vadd.s32 s23, v29;
	_ =	sdelay $0x2  }
0x345: {  	v34 =	vmul.f32 v34, v18;
	_ =	sdelay $0x1  }
0x346: {  	[tilespmem:v56+s15+$0x0] =	vst.idx.add.f32.msk $0xffff, v34  }
0x347: {  	v34 =	vld [tilespmem:s21+$0xFFFFFFD0];
	_ =	sdelay $0x1  }
0x348: {  	v57 =	vadd.s32 s23, v30;
	_ =	sdelay $0x2  }
0x349: {  	v34 =	vmul.f32 v34, v20;
	_ =	sdelay $0x1  }
0x34a: {  	[tilespmem:v57+s15+$0x0] =	vst.idx.add.f32.msk $0xffff, v34  }
0x34b: {  	v34 =	vld [tilespmem:s21+$0xFFFFFFE0];
	_ =	sdelay $0x1  }
0x34c: {  	v58 =	vadd.s32 s23, v31;
	_ =	sdelay $0x2  }
0x34d: {  	v34 =	vmul.f32 v34, v22;
	_ =	sdelay $0x1  }
0x34e: {  	[tilespmem:v58+s15+$0x0] =	vst.idx.add.f32.msk $0xffff, v34  }
0x34f: {  	v34 =	vld [tilespmem:s21+$0xFFFFFFF0];
	_ =	sdelay $0x1  }
0x350: {  	v59 =	vadd.s32 s23, v33;
	_ =	sdelay $0x2  }
0x351: {  	v34 =	vmul.f32 v34, v32;
	_ =	sdelay $0x1  }
0x352: {  	[tilespmem:v59+s15+$0x0] =	vst.idx.add.f32.msk $0xffff, v34  }
0x353: {  	v34 =	vld [tilespmem:s21+$0x0]  }
0x354: {  	s30 =	sadd.s32 $0x22, s22  }
0x355: {  	v60 =	vadd.s32 s30, v4;
	_ =	sdelay $0x2  }
0x356: {  	v34 =	vmul.f32 v34, v2;
	_ =	sdelay $0x1  }
0x357: {  	[tilespmem:v60+s15+$0x0] =	vst.idx.add.f32.msk $0xffff, v34  }
0x358: {  	v34 =	vld [tilespmem:s21+$0x10];
	_ =	sdelay $0x1  }
0x359: {  	v61 =	vadd.s32 s30, v9;
	_ =	sdelay $0x2  }
0x35a: {  	v34 =	vmul.f32 v34, v3;
	_ =	sdelay $0x1  }
0x35b: {  	[tilespmem:v61+s15+$0x0] =	vst.idx.add.f32.msk $0xffff, v34  }
0x35c: {  	v34 =	vld [tilespmem:s21+$0x20];
	_ =	sdelay $0x1  }
0x35d: {  	v62 =	vadd.s32 s30, v10;
	_ =	sdelay $0x2  }
0x35e: {  	v34 =	vmul.f32 v34, v5;
	_ =	sdelay $0x1  }
0x35f: {  	[tilespmem:v62+s15+$0x0] =	vst.idx.add.f32.msk $0xffff, v34  }
0x360: {  	v34 =	vld [tilespmem:s21+$0x30];
	_ =	sdelay $0x1  }
0x361: {  	v63 =	vadd.s32 s30, v14;
	_ =	sdelay $0x2  }
0x362: {  	v34 =	vmul.f32 v34, v6;
	_ =	sdelay $0x1  }
0x363: {  	[tilespmem:v63+s15+$0x0] =	vst.idx.add.f32.msk $0xffff, v34  }
0x364: {  	v34 =	vld [tilespmem:s21+$0x40];
	_ =	sdelay $0x1  }
0x365: {  	v36 =	vadd.s32 s30, v19;
	_ =	sdelay $0x2  }
0x366: {  	v34 =	vmul.f32 v34, v7;
	_ =	sdelay $0x1  }
0x367: {  	[tilespmem:v36+s15+$0x0] =	vst.idx.add.f32.msk $0xffff, v34  }
0x368: {  	v34 =	vld [tilespmem:s21+$0x50];
	_ =	sdelay $0x1  }
0x369: {  	v37 =	vadd.s32 s30, v21;
	_ =	sdelay $0x2  }
0x36a: {  	v34 =	vmul.f32 v34, v8;
	_ =	sdelay $0x1  }
0x36b: {  	[tilespmem:v37+s15+$0x0] =	vst.idx.add.f32.msk $0xffff, v34  }
0x36c: {  	v34 =	vld [tilespmem:s21+$0x60];
	_ =	sdelay $0x1  }
0x36d: {  	v38 =	vadd.s32 s30, v23;
	_ =	sdelay $0x2  }
0x36e: {  	v34 =	vmul.f32 v34, v11;
	_ =	sdelay $0x1  }
0x36f: {  	[tilespmem:v38+s15+$0x0] =	vst.idx.add.f32.msk $0xffff, v34  }
0x370: {  	v34 =	vld [tilespmem:s21+$0x70];
	_ =	sdelay $0x1  }
0x371: {  	v39 =	vadd.s32 s30, v24;
	_ =	sdelay $0x2  }
0x372: {  	v34 =	vmul.f32 v34, v12;
	_ =	sdelay $0x1  }
0x373: {  	[tilespmem:v39+s15+$0x0] =	vst.idx.add.f32.msk $0xffff, v34  }
0x374: {  	v34 =	vld [tilespmem:s21+$0x80];
	_ =	sdelay $0x1  }
0x375: {  	v40 =	vadd.s32 s30, v25;
	_ =	sdelay $0x2  }
0x376: {  	v34 =	vmul.f32 v34, v13;
	_ =	sdelay $0x1  }
0x377: {  	[tilespmem:v40+s15+$0x0] =	vst.idx.add.f32.msk $0xffff, v34  }
0x378: {  	v34 =	vld [tilespmem:s21+$0x90];
	_ =	sdelay $0x1  }
0x379: {  	v41 =	vadd.s32 s30, v26;
	_ =	sdelay $0x2  }
0x37a: {  	v34 =	vmul.f32 v34, v15;
	_ =	sdelay $0x1  }
0x37b: {  	[tilespmem:v41+s15+$0x0] =	vst.idx.add.f32.msk $0xffff, v34  }
0x37c: {  	v34 =	vld [tilespmem:s21+$0xA0];
	_ =	sdelay $0x1  }
0x37d: {  	v42 =	vadd.s32 s30, v27;
	_ =	sdelay $0x2  }
0x37e: {  	v34 =	vmul.f32 v34, v16;
	_ =	sdelay $0x1  }
0x37f: {  	[tilespmem:v42+s15+$0x0] =	vst.idx.add.f32.msk $0xffff, v34  }
0x380: {  	v34 =	vld [tilespmem:s21+$0xB0];
	_ =	sdelay $0x1  }
0x381: {  	v43 =	vadd.s32 s30, v28;
	_ =	sdelay $0x2  }
0x382: {  	v34 =	vmul.f32 v34, v17;
	_ =	sdelay $0x1  }
0x383: {  	[tilespmem:v43+s15+$0x0] =	vst.idx.add.f32.msk $0xffff, v34  }
0x384: {  	v34 =	vld [tilespmem:s21+$0xC0];
	_ =	sdelay $0x1  }
0x385: {  	v44 =	vadd.s32 s30, v29;
	_ =	sdelay $0x2  }
0x386: {  	v34 =	vmul.f32 v34, v18;
	_ =	sdelay $0x1  }
0x387: {  	[tilespmem:v44+s15+$0x0] =	vst.idx.add.f32.msk $0xffff, v34  }
0x388: {  	v34 =	vld [tilespmem:s21+$0xD0];
	_ =	sdelay $0x1  }
0x389: {  	v45 =	vadd.s32 s30, v30;
	_ =	sdelay $0x2  }
0x38a: {  	v34 =	vmul.f32 v34, v20;
	_ =	sdelay $0x1  }
0x38b: {  	[tilespmem:v45+s15+$0x0] =	vst.idx.add.f32.msk $0xffff, v34  }
0x38c: {  	v34 =	vld [tilespmem:s21+$0xE0];
	_ =	sdelay $0x1  }
0x38d: {  	v46 =	vadd.s32 s30, v31;
	_ =	sdelay $0x2  }
0x38e: {  	v34 =	vmul.f32 v34, v22;
	_ =	sdelay $0x1  }
0x38f: {  	[tilespmem:v46+s15+$0x0] =	vst.idx.add.f32.msk $0xffff, v34  }
0x390: {  	v34 =	vld [tilespmem:s21+$0xF0];
	_ =	sdelay $0x1  }
0x391: {  	v47 =	vadd.s32 s30, v33;
	_ =	sdelay $0x2  }
0x392: {  	v34 =	vmul.f32 v34, v32;
	_ =	sdelay $0x1  }
0x393: {  	[tilespmem:v47+s15+$0x0] =	vst.idx.add.f32.msk $0xffff, v34  }
0x394: {  	v34 =	vld [tilespmem:s21+$0x100]  }
0x395: {  	s31 =	sadd.s32 $0x33, s22  }
0x396: {  	v48 =	vadd.s32 s31, v4;
	_ =	sdelay $0x2  }
0x397: {  	v34 =	vmul.f32 v34, v2;
	_ =	sdelay $0x1  }
0x398: {  	[tilespmem:v48+s15+$0x0] =	vst.idx.add.f32.msk $0xffff, v34  }
0x399: {  	v34 =	vld [tilespmem:s21+$0x110];
	_ =	sdelay $0x1  }
0x39a: {  	v49 =	vadd.s32 s31, v9;
	_ =	sdelay $0x2  }
0x39b: {  	v34 =	vmul.f32 v34, v3;
	_ =	sdelay $0x1  }
0x39c: {  	[tilespmem:v49+s15+$0x0] =	vst.idx.add.f32.msk $0xffff, v34  }
0x39d: {  	v34 =	vld [tilespmem:s21+$0x120];
	_ =	sdelay $0x1  }
0x39e: {  	v50 =	vadd.s32 s31, v10;
	_ =	sdelay $0x2  }
0x39f: {  	v34 =	vmul.f32 v34, v5;
	_ =	sdelay $0x1  }
0x3a0: {  	[tilespmem:v50+s15+$0x0] =	vst.idx.add.f32.msk $0xffff, v34  }
0x3a1: {  	v34 =	vld [tilespmem:s21+$0x130];
	_ =	sdelay $0x1  }
0x3a2: {  	v51 =	vadd.s32 s31, v14;
	_ =	sdelay $0x2  }
0x3a3: {  	v34 =	vmul.f32 v34, v6;
	_ =	sdelay $0x1  }
0x3a4: {  	[tilespmem:v51+s15+$0x0] =	vst.idx.add.f32.msk $0xffff, v34  }
0x3a5: {  	v34 =	vld [tilespmem:s21+$0x140];
	_ =	sdelay $0x1  }
0x3a6: {  	v52 =	vadd.s32 s31, v19;
	_ =	sdelay $0x2  }
0x3a7: {  	v34 =	vmul.f32 v34, v7;
	_ =	sdelay $0x1  }
0x3a8: {  	[tilespmem:v52+s15+$0x0] =	vst.idx.add.f32.msk $0xffff, v34  }
0x3a9: {  	v34 =	vld [tilespmem:s21+$0x150];
	_ =	sdelay $0x1  }
0x3aa: {  	v53 =	vadd.s32 s31, v21;
	_ =	sdelay $0x2  }
0x3ab: {  	v34 =	vmul.f32 v34, v8;
	_ =	sdelay $0x1  }
0x3ac: {  	[tilespmem:v53+s15+$0x0] =	vst.idx.add.f32.msk $0xffff, v34  }
0x3ad: {  	v34 =	vld [tilespmem:s21+$0x160];
	_ =	sdelay $0x1  }
0x3ae: {  	v54 =	vadd.s32 s31, v23;
	_ =	sdelay $0x2  }
0x3af: {  	v34 =	vmul.f32 v34, v11;
	_ =	sdelay $0x1  }
0x3b0: {  	[tilespmem:v54+s15+$0x0] =	vst.idx.add.f32.msk $0xffff, v34  }
0x3b1: {  	v34 =	vld [tilespmem:s21+$0x170];
	_ =	sdelay $0x1  }
0x3b2: {  	v55 =	vadd.s32 s31, v24;
	_ =	sdelay $0x2  }
0x3b3: {  	v34 =	vmul.f32 v34, v12;
	_ =	sdelay $0x1  }
0x3b4: {  	[tilespmem:v55+s15+$0x0] =	vst.idx.add.f32.msk $0xffff, v34  }
0x3b5: {  	v34 =	vld [tilespmem:s21+$0x180];
	_ =	sdelay $0x1  }
0x3b6: {  	v56 =	vadd.s32 s31, v25;
	_ =	sdelay $0x2  }
0x3b7: {  	v34 =	vmul.f32 v34, v13;
	_ =	sdelay $0x1  }
0x3b8: {  	[tilespmem:v56+s15+$0x0] =	vst.idx.add.f32.msk $0xffff, v34  }
0x3b9: {  	v34 =	vld [tilespmem:s21+$0x190];
	_ =	sdelay $0x1  }
0x3ba: {  	v57 =	vadd.s32 s31, v26;
	_ =	sdelay $0x2  }
0x3bb: {  	v34 =	vmul.f32 v34, v15;
	_ =	sdelay $0x1  }
0x3bc: {  	[tilespmem:v57+s15+$0x0] =	vst.idx.add.f32.msk $0xffff, v34  }
0x3bd: {  	v34 =	vld [tilespmem:s21+$0x1A0];
	_ =	sdelay $0x1  }
0x3be: {  	v58 =	vadd.s32 s31, v27;
	_ =	sdelay $0x2  }
0x3bf: {  	v34 =	vmul.f32 v34, v16;
	_ =	sdelay $0x1  }
0x3c0: {  	[tilespmem:v58+s15+$0x0] =	vst.idx.add.f32.msk $0xffff, v34  }
0x3c1: {  	v34 =	vld [tilespmem:s21+$0x1B0];
	_ =	sdelay $0x1  }
0x3c2: {  	v59 =	vadd.s32 s31, v28;
	_ =	sdelay $0x2  }
0x3c3: {  	v34 =	vmul.f32 v34, v17;
	_ =	sdelay $0x1  }
0x3c4: {  	[tilespmem:v59+s15+$0x0] =	vst.idx.add.f32.msk $0xffff, v34  }
0x3c5: {  	v34 =	vld [tilespmem:s21+$0x1C0];
	_ =	sdelay $0x1  }
0x3c6: {  	v60 =	vadd.s32 s31, v29;
	_ =	sdelay $0x2  }
0x3c7: {  	v34 =	vmul.f32 v34, v18;
	_ =	sdelay $0x1  }
0x3c8: {  	[tilespmem:v60+s15+$0x0] =	vst.idx.add.f32.msk $0xffff, v34  }
0x3c9: {  	v34 =	vld [tilespmem:s21+$0x1D0];
	_ =	sdelay $0x1  }
0x3ca: {  	v61 =	vadd.s32 s31, v30;
	_ =	sdelay $0x2  }
0x3cb: {  	v34 =	vmul.f32 v34, v20;
	_ =	sdelay $0x1  }
0x3cc: {  	[tilespmem:v61+s15+$0x0] =	vst.idx.add.f32.msk $0xffff, v34  }
0x3cd: {  	v34 =	vld [tilespmem:s21+$0x1E0];
	_ =	sdelay $0x1  }
0x3ce: {  	v62 =	vadd.s32 s31, v31;
	_ =	sdelay $0x2  }
0x3cf: {  	v34 =	vmul.f32 v34, v22;
	_ =	sdelay $0x1  }
0x3d0: {  	[tilespmem:v62+s15+$0x0] =	vst.idx.add.f32.msk $0xffff, v34  }
0x3d1: {  	v34 =	vld [tilespmem:s21+$0x1F0]  }
0x3d2: {  	s20 =	sadd.s32 $0x4, s20  }
0x3d3: {  	p1 =	slt.u32 s20, $0x7C;
	v63 =	vadd.s32 s31, v33  }
.Ltmp4:
0x3d4: {  	_ = 	snop;
	(pc) =	sbr.rel @p1 .LBB2_10-.Ltmp4, $3  }
0x3d5: {  	_ = 	snop  }
0x3d6: {  	v34 =	vmul.f32 v34, v32;
	_ =	sdelay $0x1  }
0x3d7: {  	s22 =	sadd.s32 $0x44, s22;
	s23 =	simm.s32 $0x10222;
	s21 =	sadd.s32 $0x400, s21;
	[tilespmem:v63+s15+$0x0] =	vst.idx.add.f32.msk $0xffff, v34  }
0x3d8: {  	v2 =	vld [tilespmem:s23+$0xFFFFFFDE];
	_ =	sdelay $0x4  }
0x3d9: {  	(xrf2) =	vadd.scan.msk.f32 $0xffff, v2;
	_ =	sdelay $0x2  }
0x3da: {  	s20 =	simm.s32 $0x0  }
0x3db: {  	s21 =	sand.u32 $0x7C, s19;
	s20 =	sand.u32 $0xFFFFFF80, s20  }
0x3dc: {  	s21 =	sor.u32 s21, s20  }
0x3dd: {  	v2 =	vmov s21;
	_ =	sdelay $0x3  }
0x3de: {  	v3, _, _ =	vpop (xrf2)  }
0x3df: {  	[tilespmem:v2+s17+$0x0] =	vst.idx.msk vm0, v3  }
0x3e0: {  	v2 =	vld [tilespmem:s23+$0xFFFFFFEF];
	_ =	sdelay $0x4  }
0x3e1: {  	(xrf2) =	vadd.scan.msk.f32 $0xffff, v2;
	_ =	sdelay $0x2  }
0x3e2: {  	s29 =	simm.s32 $0x1  }
0x3e3: {  	s21 =	sand.u32 $0x7D, s29  }
0x3e4: {  	s21 =	sor.u32 s20, s21  }
0x3e5: {  	v2 =	vmov s21;
	_ =	sdelay $0x3  }
0x3e6: {  	v3, _, _ =	vpop (xrf2)  }
0x3e7: {  	[tilespmem:v2+s17+$0x0] =	vst.idx.msk vm0, v3  }
0x3e8: {  	v2 =	vld [tilespmem:s23+$0x0];
	_ =	sdelay $0x4  }
0x3e9: {  	(xrf2) =	vadd.scan.msk.f32 $0xffff, v2;
	_ =	sdelay $0x2  }
0x3ea: {  	s30 =	simm.s32 $0x2  }
0x3eb: {  	s21 =	sand.u32 $0x7E, s30  }
0x3ec: {  	s21 =	sor.u32 s20, s21  }
0x3ed: {  	v2 =	vmov s21;
	_ =	sdelay $0x3  }
0x3ee: {  	v3, _, _ =	vpop (xrf2)  }
0x3ef: {  	[tilespmem:v2+s17+$0x0] =	vst.idx.msk vm0, v3  }
0x3f0: {  	v2 =	vld [tilespmem:s23+$0x11];
	_ =	sdelay $0x4  }
0x3f1: {  	(xrf2) =	vadd.scan.msk.f32 $0xffff, v2;
	_ =	sdelay $0x2  }
0x3f2: {  	s31 =	simm.s32 $0x3  }
0x3f3: {  	s21 =	sand.u32 $0x7F, s31  }
0x3f4: {  	s21 =	sor.u32 s20, s21  }
0x3f5: {  	v2 =	vmov s21;
	_ =	sdelay $0x3  }
0x3f6: {  	s20 =	simm.s32 $0x1;
	v3, _, _ =	vpop (xrf2)  }
.LBB2_12:
0x3f7: {  	p1 =	sne.s32 s20, $0x27F;
	[tilespmem:v2+s17+$0x0] =	vst.idx.msk vm0, v3;
	s19 =	sadd.s32 $0x4, s19;
	s23 =	sadd.s32 $0x44, s23  }
0x3f8: {  	s21 =	smov.u32 s20;
	s20 =	sadd.s32 $0x1, s20;
	v2 =	vld [tilespmem:s23+$0xFFFFFFDE];
	_ =	sdelay $0x4  }
0x3f9: {  	(xrf2) =	vadd.scan.msk.f32 $0xffff, v2  }
0x3fa: {  	s22 =	sadd.s32 $0x3, s19  }
0x3fb: {  	s22 =	sand.u32 $0x7F, s22  }
0x3fc: {  	s21 =	sshll.u32 s21, $0x2;
	s24 =	sadd.s32 $0x1, s19;
	s25 =	sadd.s32 $0x2, s19  }
0x3fd: {  	s26 =	sand.u32 $0x7C, s19;
	s21 =	sand.u32 $0xFFFFFF80, s21;
	s24 =	sand.u32 $0x7D, s24  }
0x3fe: {  	s25 =	sand.u32 $0x7E, s25;
	s26 =	sor.u32 s26, s21;
	s24 =	sor.u32 s21, s24  }
0x3ff: {  	s25 =	sor.u32 s21, s25;
	s21 =	sor.u32 s21, s22;
	v2 =	vmov s26;
	_ =	sdelay $0x3  }
0x400: {  	v3, _, _ =	vpop (xrf2)  }
0x401: {  	[tilespmem:v2+s17+$0x0] =	vst.idx.msk vm0, v3  }
0x402: {  	v2 =	vld [tilespmem:s23+$0xFFFFFFEF];
	_ =	sdelay $0x4  }
0x403: {  	(xrf2) =	vadd.scan.msk.f32 $0xffff, v2;
	_ =	sdelay $0x5  }
0x404: {  	v2 =	vmov s24;
	_ =	sdelay $0x3  }
0x405: {  	v3, _, _ =	vpop (xrf2)  }
0x406: {  	[tilespmem:v2+s17+$0x0] =	vst.idx.msk vm0, v3  }
0x407: {  	v2 =	vld [tilespmem:s23+$0x0];
	_ =	sdelay $0x4  }
0x408: {  	(xrf2) =	vadd.scan.msk.f32 $0xffff, v2;
	_ =	sdelay $0x5  }
0x409: {  	v2 =	vmov s25;
	_ =	sdelay $0x3  }
0x40a: {  	v3, _, _ =	vpop (xrf2)  }
0x40b: {  	[tilespmem:v2+s17+$0x0] =	vst.idx.msk vm0, v3  }
0x40c: {  	v2 =	vld [tilespmem:s23+$0x11];
	_ =	sdelay $0x4  }
0x40d: {  	(xrf2) =	vadd.scan.msk.f32 $0xffff, v2;
	_ =	sdelay $0x5  }
.Ltmp5:
0x40e: {  	v2 =	vmov s21;
	(pc) =	sbr.rel @p1 .LBB2_12-.Ltmp5, $2  }
0x40f: {  	_ =	sdelay $0x2  }
0x410: {  	v3, _, _ =	vpop (xrf2)  }
0x411: {  	_ =	sdelay $0x4  }
0x412: {  	[tilespmem:v2+s17+$0x0] =	vst.idx.msk vm0, v3  }
0x413: {  	[tilespmem:$0x1B680] =	vst v0  }
0x414: {  	[tilespmem:$0x1B690] =	vst v0  }
0x415: {  	[tilespmem:$0x1B6A0] =	vst v0  }
0x416: {  	[tilespmem:$0x1B6B0] =	vst v0  }
0x417: {  	[tilespmem:$0x1B6C0] =	vst v0  }
0x418: {  	[tilespmem:$0x1B6D0] =	vst v0  }
0x419: {  	[tilespmem:$0x1B6E0] =	vst v0  }
0x41a: {  	[tilespmem:$0x1B6F0] =	vst v0  }
0x41b: {  	[tilespmem:$0x1B700] =	vst v0  }
0x41c: {  	[tilespmem:$0x1B710] =	vst v0  }
0x41d: {  	[tilespmem:$0x1B720] =	vst v0  }
0x41e: {  	[tilespmem:$0x1B730] =	vst v0  }
0x41f: {  	[tilespmem:$0x1B740] =	vst v0  }
0x420: {  	[tilespmem:$0x1B750] =	vst v0  }
0x421: {  	[tilespmem:$0x1B760] =	vst v0  }
0x422: {  	[tilespmem:$0x1B770] =	vst v0  }
0x423: {  	[tilespmem:$0x1B780] =	vst v0  }
0x424: {  	[tilespmem:$0x1B790] =	vst v0  }
0x425: {  	[tilespmem:$0x1B7A0] =	vst v0  }
0x426: {  	[tilespmem:$0x1B7B0] =	vst v0  }
0x427: {  	[tilespmem:$0x1B7C0] =	vst v0  }
0x428: {  	[tilespmem:$0x1B7D0] =	vst v0  }
0x429: {  	[tilespmem:$0x1B7E0] =	vst v0  }
0x42a: {  	[tilespmem:$0x1B7F0] =	vst v0  }
0x42b: {  	[tilespmem:$0x1B800] =	vst v0  }
0x42c: {  	[tilespmem:$0x1B810] =	vst v0  }
0x42d: {  	[tilespmem:$0x1B820] =	vst v0  }
0x42e: {  	[tilespmem:$0x1B830] =	vst v0  }
0x42f: {  	[tilespmem:$0x1B840] =	vst v0  }
0x430: {  	[tilespmem:$0x1B850] =	vst v0  }
0x431: {  	[tilespmem:$0x1B860] =	vst v0  }
0x432: {  	[tilespmem:$0x1B870] =	vst v0  }
0x433: {  	[tilespmem:$0x1B880] =	vst v0  }
0x434: {  	[tilespmem:$0x1B890] =	vst v0  }
0x435: {  	[tilespmem:$0x1B8A0] =	vst v0  }
0x436: {  	[tilespmem:$0x1B8B0] =	vst v0  }
0x437: {  	[tilespmem:$0x1B8C0] =	vst v0  }
0x438: {  	[tilespmem:$0x1B8D0] =	vst v0  }
0x439: {  	[tilespmem:$0x1B8E0] =	vst v0  }
0x43a: {  	[tilespmem:$0x1B8F0] =	vst v0  }
0x43b: {  	[tilespmem:$0x1B900] =	vst v0  }
0x43c: {  	[tilespmem:$0x1B910] =	vst v0  }
0x43d: {  	[tilespmem:$0x1B920] =	vst v0  }
0x43e: {  	[tilespmem:$0x1B930] =	vst v0  }
0x43f: {  	[tilespmem:$0x1B940] =	vst v0  }
0x440: {  	[tilespmem:$0x1B950] =	vst v0  }
0x441: {  	[tilespmem:$0x1B960] =	vst v0  }
0x442: {  	[tilespmem:$0x1B970] =	vst v0  }
0x443: {  	[tilespmem:$0x1B980] =	vst v0  }
0x444: {  	[tilespmem:$0x1B990] =	vst v0  }
0x445: {  	[tilespmem:$0x1B9A0] =	vst v0  }
0x446: {  	[tilespmem:$0x1B9B0] =	vst v0  }
0x447: {  	[tilespmem:$0x1B9C0] =	vst v0  }
0x448: {  	[tilespmem:$0x1B9D0] =	vst v0  }
0x449: {  	[tilespmem:$0x1B9E0] =	vst v0  }
0x44a: {  	[tilespmem:$0x1B9F0] =	vst v0  }
0x44b: {  	[tilespmem:$0x1BA00] =	vst v0  }
0x44c: {  	[tilespmem:$0x1BA10] =	vst v0  }
0x44d: {  	[tilespmem:$0x1BA20] =	vst v0  }
0x44e: {  	[tilespmem:$0x1BA30] =	vst v0  }
0x44f: {  	[tilespmem:$0x1BA40] =	vst v0  }
0x450: {  	[tilespmem:$0x1BA50] =	vst v0  }
0x451: {  	[tilespmem:$0x1BA60] =	vst v0  }
0x452: {  	[tilespmem:$0x1BA70] =	vst v0  }
0x453: {  	[tilespmem:$0x1BA80] =	vst v0  }
0x454: {  	[tilespmem:$0x1BA90] =	vst v0  }
0x455: {  	[tilespmem:$0x1BAA0] =	vst v0  }
0x456: {  	[tilespmem:$0x1BAB0] =	vst v0  }
0x457: {  	[tilespmem:$0x1BAC0] =	vst v0  }
0x458: {  	[tilespmem:$0x1BAD0] =	vst v0  }
0x459: {  	[tilespmem:$0x1BAE0] =	vst v0  }
0x45a: {  	[tilespmem:$0x1BAF0] =	vst v0  }
0x45b: {  	[tilespmem:$0x1BB00] =	vst v0  }
0x45c: {  	[tilespmem:$0x1BB10] =	vst v0  }
0x45d: {  	[tilespmem:$0x1BB20] =	vst v0  }
0x45e: {  	[tilespmem:$0x1BB30] =	vst v0  }
0x45f: {  	[tilespmem:$0x1BB40] =	vst v0  }
0x460: {  	[tilespmem:$0x1BB50] =	vst v0  }
0x461: {  	[tilespmem:$0x1BB60] =	vst v0  }
0x462: {  	[tilespmem:$0x1BB70] =	vst v0  }
0x463: {  	[tilespmem:$0x1BB80] =	vst v0  }
0x464: {  	[tilespmem:$0x1BB90] =	vst v0  }
0x465: {  	[tilespmem:$0x1BBA0] =	vst v0  }
0x466: {  	[tilespmem:$0x1BBB0] =	vst v0  }
0x467: {  	[tilespmem:$0x1BBC0] =	vst v0  }
0x468: {  	[tilespmem:$0x1BBD0] =	vst v0  }
0x469: {  	[tilespmem:$0x1BBE0] =	vst v0  }
0x46a: {  	[tilespmem:$0x1BBF0] =	vst v0  }
0x46b: {  	[tilespmem:$0x1BC00] =	vst v0  }
0x46c: {  	[tilespmem:$0x1BC10] =	vst v0  }
0x46d: {  	[tilespmem:$0x1BC20] =	vst v0  }
0x46e: {  	[tilespmem:$0x1BC30] =	vst v0  }
0x46f: {  	[tilespmem:$0x1BC40] =	vst v0  }
0x470: {  	[tilespmem:$0x1BC50] =	vst v0  }
0x471: {  	[tilespmem:$0x1BC60] =	vst v0  }
0x472: {  	[tilespmem:$0x1BC70] =	vst v0  }
0x473: {  	v2 =	vor.u32 $0x10, v1;
	[tilespmem:$0x1BC80] =	vst v1  }
0x474: {  	s19 =	simm.s32 @p0 $0x1AC80;
	[tilespmem:$0x1BC90] =	vst v2  }
0x475: {  	[spmem:s2] =	stream.linear.scatter @p0 [tilespmem:s19], [sflag:$0x4], $0x1000, $0x38;
	[tilespmem:$0x1BE00] =	vst v63  }
0x476: {  	s19 =	simm.s32 @p0 $0x4  }
0x477: {  	_ =	swait.ge @p0 [sflag:s19], $0x1000  }
0x478: {  	[sflag:s19] =	ssyncset.done @p0 $0x0  }
0x479: {  	[sflag:s19] =	ssyncadd.s32 @p0 $0xFFFFF000  }
0x47a: {  	[bflag:$0x0] =	sbarrier.arrive @p0 $0xFFFF  }
0x47b: {  	s20 =	sshrl.u32 @p0 s2, $0x3;
	s21 =	simm.s32 @p0 $0x1C04;
	[bflag:$0x0] =	sbarrier.arrive @p0 $0xFFFF  }
0x47c: {  	[hbm:s7], [sflag:s21] =	dma.local @p0 [spmem:s20], $0x200  }
0x47d: {  	_ =	swait.ge @p0 [sflag:s19], $0x200  }
0x47e: {  	[sflag:s19] =	ssyncset.done @p0 $0x0  }
0x47f: {  	s18 =	sadd.s32 $0x1, s18;
	s20 =	simm.s32 @!p0 $0x1BC80;
	[sflag:s19] =	ssyncadd.s32 @p0 $0xFFFFFE00  }
0x480: {  	s21 =	simm.s32 @!p0 $0x1AC80;
	s19 =	simm.s32 @!p0 $0x20;
	[bflag:$0x0] =	sbarrier.arrive @!p0 $0xFFFF  }
0x481: {  	[spmem:s2] =	stream.indirect.scatter.add.f32 @!p0 [tilespmem:s21], [sflag:$0x4], $0x80, s20, s19, $0xb8;
	[tilespmem:$0x1BE00] =	vst v63  }
0x482: {  	p1 =	sne.s32 s18, s8;
	s19 =	simm.s32 @!p0 $0x4  }
.Ltmp6:
0x483: {  	_ =	swait.ge @!p0 [sflag:s19], $0x1000;
	(pc) =	sbr.rel @p1 .LBB2_1-.Ltmp6, $3  }
0x484: {  	[sflag:s19] =	ssyncset.done @!p0 $0x0  }
0x485: {  	[sflag:s19] =	ssyncadd.s32 @!p0 $0xFFFFF000  }
0x486: {  	[bflag:$0x0] =	sbarrier.arrive @!p0 $0xFFFF;
	_ =	sdelay $0x1  }
0x487: {  	_ =	sfence.sel $0x180000  }
0x488: {  	[bflag:$0x0] =	sbarrier.arrive $0xFFFF  }
0x489: {  	p0 =	sne.s32 s0, $0x0;
	_ =	strace $0x90000047  }
0x48a: {  	s0 =	sadd.s32 @!p0 $0x100000, s1;
	[bflag:$0x2] =	sbarrier.arrive $0xFFFF  }
0x48b: {  	[sflag:s0] =	ssyncadd.tile.s32 @!p0 $0x1;
	_ =	shalt  }
.Lfunc_end2:
_tile_overlayer_lowered:
.L_overlay_start_2:
0x48c: {  	(tag) =	ssettag $0x2  }
0x48d: {  	s0 =	rddreg [dreg:$0x0];
	s2 =	stileid.u32  }
0x48e: {  	s1 =	rddreg [dreg:$0x1];
	p0 =	sne.s32 s2, $0x0  }
0x48f: {  	s3 =	rddreg [dreg:$0x2];
	[bflag:$0x3] =	sbarrier.arrive $0xFFFF;
	s2 =	simm.s32 @!p0 $0x1C04  }
0x490: {  	[timem:s3], [sflag:s2] =	dma.local @!p0 [hbm:s0], s1  }
0x491: {  	s0 =	simm.s32 @!p0 $0x4  }
0x492: {  	_ =	swait.ge @!p0 [sflag:s0], s1  }
0x493: {  	s1 =	ssub.s32 @!p0 $0x0, s1;
	[sflag:s0] =	ssyncset.done @!p0 $0x0  }
0x494: {  	[sflag:s0] =	ssyncadd.s32 @!p0 s1  }
0x495: {  	[bflag:$0x3] =	sbarrier.arrive $0xFFFF  }
0x496: {  	_ =	shalt  }

</sc_bundles>
